<compile_context>
chip_gen: v7x
topology: tpu7x:2x2x1
jax: 0.10.2.dev20260603
libtpu: 0.0.44.dev20260713+nightly
codegen_flags: <defaults>
</compile_context>

<pallas_src>
import jax
import jax.numpy as jnp
from jax import lax
from jax.experimental import pallas as pl
from jax.experimental.pallas import tpu as pltpu
from jax.experimental.pallas import tpu_sc as plsc

N_NODES = 50000
N_EDGES = 800000
N_FEAT = 128
N_EMB = 64
N_LAYERS = 3
ALPHA = 1.0 / (N_LAYERS + 1)

NC = 2
NS = 16
NW = NC * NS
CHUNK = 128
QW = 16

N_PAD = 50176
RPT = N_PAD // NS
BLK = 196
NBLK = RPT // BLK

PCH = 392
P_PAD = NS * PCH * CHUNK
JBLK = 14
NJB = PCH // JBLK
FCH = 196
F_PAD = NW * FCH * CHUNK

BN = 1024


def _mesh():
    return plsc.VectorSubcoreMesh(core_axis_name="c", subcore_axis_name="s")


_SC_PARAMS = pltpu.CompilerParams(use_tc_tiling_on_sc=False)



def _fill_rows(ref, n, value):
    val = jnp.full((QW,), value, jnp.float32)

    def row(i, carry):
        ref[i, :] = val
        return carry

    lax.fori_loop(0, n, row, 0)


def _rsqrt16(d):
    i = lax.bitcast_convert_type(d, jnp.int32)
    i = 0x5F3759DF - lax.shift_right_logical(i, 1)
    y = lax.bitcast_convert_type(i, jnp.float32)
    for _ in range(3):
        y = y * (1.5 - 0.5 * d * y * y)
    return y


def _mega_body(x0q, src_idx, dst_idx,
               deg_out, u_out, zb, w2,
               sidxA, sidxB, didxA, didxB, rowsA, rowsB,
               ones_v, zero_v, degbuf, xbuf, wblk,
               semG, semS, acc):
    c = lax.axis_index("c")
    s = lax.axis_index("s")
    base = s * RPT

    _fill_rows(ones_v, CHUNK, 1.0)
    _fill_rows(zero_v, BLK, 0.0)

    def zero_acc():
        zs = [pltpu.async_copy(zero_v, acc.at[pl.ds(base + b * BLK, BLK)],
                               semG)
              for b in range(NBLK)]
        for d in zs:
            d.wait()

    zero_acc()
    plsc.subcore_barrier()

    def deg_blk(jb, carry):
        pltpu.sync_copy(dst_idx.at[s, pl.ds(jb * JBLK, JBLK)], didxA)
        ds_ = [pltpu.async_copy(ones_v, acc.at[didxA.at[i]], semS, add=True)
               for i in range(JBLK)]
        for d in ds_:
            d.wait()
        return carry

    lax.fori_loop(0, NJB, deg_blk, 0)
    plsc.subcore_barrier()

    sl = pl.ds(base, RPT)

    @pl.when(c == 0)
    def _():
        pltpu.sync_copy(acc.at[sl], deg_out.at[sl])

    def scale_p(p, carry):
        q = c + 2 * p

        def blk(b, carry2):
            r0 = b * BLK
            pltpu.sync_copy(acc.at[pl.ds(base + r0, BLK)], degbuf)
            pltpu.sync_copy(x0q.at[q, pl.ds(base + r0, BLK)], xbuf)

            def row(i, carry3):
                d = degbuf[i, :]
                dis = jnp.where(d > 0, _rsqrt16(jnp.maximum(d, 1.0)), 0.0)
                wblk[i, :] = dis * dis
                xbuf[i, :] = dis * xbuf[i, :]
                return carry3

            lax.fori_loop(0, BLK, row, 0)

            @pl.when(p == 0)
            def _():
                pltpu.sync_copy(wblk, w2.at[c, pl.ds(base + r0, BLK)])

            pltpu.sync_copy(xbuf, zb.at[q, pl.ds(base + r0, BLK)])
            return carry2

        lax.fori_loop(0, NBLK, blk, 0)
        return carry

    lax.fori_loop(0, 2, scale_p, 0)

    def pass_m(m, carry):
        p = m % 2
        q = c + 2 * p
        kq = (m // 2) * 4 + 2 * p + c

        zero_acc()
        plsc.subcore_barrier()

        def load_idx(jb, sidx_b, didx_b):
            pltpu.sync_copy(src_idx.at[s, pl.ds(jb * JBLK, JBLK)], sidx_b)
            pltpu.sync_copy(dst_idx.at[s, pl.ds(jb * JBLK, JBLK)], didx_b)

        def fire_g(sidx_b, rows_b):
            return [pltpu.async_copy(zb.at[q].at[sidx_b.at[i]],
                                     rows_b.at[pl.ds(i * CHUNK, CHUNK)],
                                     semG)
                    for i in range(JBLK)]

        def fire_s(didx_b, rows_b):
            return [pltpu.async_copy(rows_b.at[pl.ds(i * CHUNK, CHUNK)],
                                     acc.at[didx_b.at[i]], semS, add=True)
                    for i in range(JBLK)]

        def jpair(t, carry2):
            load_idx(2 * t, sidxA, didxA)
            gA = fire_g(sidxA, rowsA)
            load_idx(2 * t + 1, sidxB, didxB)
            for d in gA:
                d.wait()
            sA = fire_s(didxA, rowsA)
            gB = fire_g(sidxB, rowsB)
            for d in sA:
                d.wait()
            for d in gB:
                d.wait()
            sB = fire_s(didxB, rowsB)
            for d in sB:
                d.wait()
            return carry2

        lax.fori_loop(0, NJB // 2, jpair, 0)
        plsc.subcore_barrier()

        def blk(b, carry2):
            r0 = b * BLK
            pltpu.sync_copy(acc.at[pl.ds(base + r0, BLK)], xbuf)
            pltpu.sync_copy(xbuf, u_out.at[kq, pl.ds(base + r0, BLK)])

            @pl.when(m < 2 * (N_LAYERS - 1))
            def _():
                pltpu.sync_copy(w2.at[c, pl.ds(base + r0, BLK)], wblk)

                def row(i, carry3):
                    xbuf[i, :] = wblk[i, :] * xbuf[i, :]
                    return carry3

                lax.fori_loop(0, BLK, row, 0)
                pltpu.sync_copy(xbuf, zb.at[q, pl.ds(base + r0, BLK)])

            return carry2

        lax.fori_loop(0, NBLK, blk, 0)
        return carry

    lax.fori_loop(0, 2 * N_LAYERS, pass_m, 0)



def _run_mega(x0q, srcP, dstP):
    return pl.kernel(
        _mega_body,
        out_type=(
            jax.ShapeDtypeStruct((N_PAD, QW), jnp.float32),
            jax.ShapeDtypeStruct((N_LAYERS * 4, N_PAD, QW), jnp.float32),
            jax.ShapeDtypeStruct((4, N_PAD, QW), jnp.float32),
            jax.ShapeDtypeStruct((NC, N_PAD, QW), jnp.float32),
        ),
        mesh=_mesh(),
        compiler_params=_SC_PARAMS,
        scratch_types=[
            pltpu.VMEM((JBLK, CHUNK), jnp.int32),
            pltpu.VMEM((JBLK, CHUNK), jnp.int32),
            pltpu.VMEM((JBLK, CHUNK), jnp.int32),
            pltpu.VMEM((JBLK, CHUNK), jnp.int32),
            pltpu.VMEM((JBLK * CHUNK, QW), jnp.float32),
            pltpu.VMEM((JBLK * CHUNK, QW), jnp.float32),
            pltpu.VMEM((CHUNK, QW), jnp.float32),
            pltpu.VMEM((BLK, QW), jnp.float32),
            pltpu.VMEM((BLK, QW), jnp.float32),
            pltpu.VMEM((BLK, QW), jnp.float32),
            pltpu.VMEM((BLK, QW), jnp.float32),
            pltpu.SemaphoreType.DMA,
            pltpu.SemaphoreType.DMA,
            pltpu.VMEM_SHARED((N_PAD, QW), jnp.float32),
        ],
    )(x0q, srcP, dstP)



KF = 4


def _final_body(table, src_idx, dst_idx, outf,
                sidx_b, didx_b, bufs, bufd, semG, semW):
    c = lax.axis_index("c")
    s = lax.axis_index("s")
    wid = c * NS + s
    base = wid * FCH * CHUNK

    def blk(jb, carry):
        pltpu.sync_copy(src_idx.at[wid, pl.ds(jb * KF, KF)], sidx_b)
        pltpu.sync_copy(dst_idx.at[wid, pl.ds(jb * KF, KF)], didx_b)
        gs = [pltpu.async_copy(table.at[sidx_b.at[i]],
                               bufs.at[pl.ds(i * CHUNK, CHUNK)], semG)
              for i in range(KF)]
        gd = [pltpu.async_copy(table.at[didx_b.at[i]],
                               bufd.at[pl.ds(i * CHUNK, CHUNK)], semG)
              for i in range(KF)]
        for d in gs + gd:
            d.wait()
        row0 = base + jb * KF * CHUNK
        ws = [pltpu.async_copy(bufs.at[pl.ds(i * CHUNK, CHUNK)],
                               outf.at[pl.ds(row0 + i * CHUNK, CHUNK),
                                       pl.ds(0, N_EMB)], semW)
              for i in range(KF)]
        wd = [pltpu.async_copy(bufd.at[pl.ds(i * CHUNK, CHUNK)],
                               outf.at[pl.ds(row0 + i * CHUNK, CHUNK),
                                       pl.ds(N_EMB, N_EMB)], semW)
              for i in range(KF)]
        for d in ws + wd:
            d.wait()
        return carry

    lax.fori_loop(0, FCH // KF, blk, 0)


def _run_final(out_acc, srcF, dstF):
    return pl.kernel(
        _final_body,
        out_type=jax.ShapeDtypeStruct((F_PAD, 2 * N_EMB), jnp.float32),
        mesh=_mesh(),
        compiler_params=_SC_PARAMS,
        scratch_types=[
            pltpu.VMEM((KF, CHUNK), jnp.int32),
            pltpu.VMEM((KF, CHUNK), jnp.int32),
            pltpu.VMEM((KF * CHUNK, N_EMB), jnp.float32),
            pltpu.VMEM((KF * CHUNK, N_EMB), jnp.float32),
            pltpu.SemaphoreType.DMA,
            pltpu.SemaphoreType.DMA,
        ],
    )(out_acc, srcF, dstF)



def _prep_body(x_ref, wt_ref, b_ref, q_ref, acc_ref):
    x = jnp.dot(x_ref[...], wt_ref[...],
                preferred_element_type=jnp.float32) + b_ref[...]
    acc_ref[...] = ALPHA * x
    for q in range(4):
        q_ref[q] = x[:, q * QW:(q + 1) * QW]


def _run_prep(Xp, WT, b2):
    return pl.pallas_call(
        _prep_body,
        grid=(N_PAD // BN,),
        in_specs=[
            pl.BlockSpec((BN, N_FEAT), lambda i: (i, 0)),
            pl.BlockSpec((N_FEAT, N_EMB), lambda i: (0, 0)),
            pl.BlockSpec((1, N_EMB), lambda i: (0, 0)),
        ],
        out_specs=[
            pl.BlockSpec((4, BN, QW), lambda i: (0, i, 0)),
            pl.BlockSpec((BN, N_EMB), lambda i: (i, 0)),
        ],
        out_shape=[
            jax.ShapeDtypeStruct((4, N_PAD, QW), jnp.float32),
            jax.ShapeDtypeStruct((N_PAD, N_EMB), jnp.float32),
        ],
    )(Xp, WT, b2)


def _post_body(acc0_ref, deg_ref, u_ref, out_ref):
    deg = deg_ref[:, 0:1]
    dis = jnp.where(deg > 0, lax.rsqrt(jnp.maximum(deg, 1e-12)), 0.0)
    cols = []
    for q in range(4):
        usum = u_ref[q] + u_ref[4 + q] + u_ref[8 + q]
        cols.append(ALPHA * dis * usum)
    out_ref[...] = acc0_ref[...] + jnp.concatenate(cols, axis=1)


def _run_post(acc0, deg, u_all):
    return pl.pallas_call(
        _post_body,
        grid=(N_PAD // BN,),
        in_specs=[
            pl.BlockSpec((BN, N_EMB), lambda i: (i, 0)),
            pl.BlockSpec((BN, QW), lambda i: (i, 0)),
            pl.BlockSpec((N_LAYERS * 4, BN, QW), lambda i: (0, i, 0)),
        ],
        out_specs=pl.BlockSpec((BN, N_EMB), lambda i: (i, 0)),
        out_shape=jax.ShapeDtypeStruct((N_PAD, N_EMB), jnp.float32),
    )(acc0, deg, u_all)



def _pad_to(a, n, val):
    return jnp.concatenate([a, jnp.full((n - a.shape[0],), val, a.dtype)])


def kernel(edge_index, X, W, b):
    src = edge_index[0]
    dst = edge_index[1]

    srcP = _pad_to(src, P_PAD, 0).reshape(NS, PCH, CHUNK)
    dstP = _pad_to(dst, P_PAD, N_NODES).reshape(NS, PCH, CHUNK)
    srcF = _pad_to(src, F_PAD, 0).reshape(NW, FCH, CHUNK)
    dstF = _pad_to(dst, F_PAD, 0).reshape(NW, FCH, CHUNK)
    Xp = jnp.pad(X, ((0, N_PAD - N_NODES), (0, 0)))
    WT = W.T
    b2 = b.reshape(1, N_EMB)

    x0q, acc0 = _run_prep(Xp, WT, b2)
    deg, u_all = _run_mega(x0q, srcP, dstP)[:2]
    out_acc = _run_post(acc0, deg, u_all)
    outf = _run_final(out_acc, srcF, dstF)
    return outf[:N_EDGES]

# --- scband reference (transcript-rebuilt; emitter-appended) ---
"""Pipeline reference for scband-light-gcn-35253091565751 (READ-ONLY COPY).

The authoritative reference and input builder live on the scoring server;
editing this copy changes nothing except your own understanding.
"""

import jax, jax.numpy as jnp
import numpy as np

NUM_NODES = 50000
NUM_EDGES = 800000
NUM_FEAT = 128
EMB = 64
NUM_LAYERS = 3


def setup_inputs(seed: int = 0) -> dict:
    key = jax.random.key(seed)
    k1, k2, k3 = jax.random.split(key, 3)
    X = jax.random.normal(k1, (NUM_NODES, NUM_FEAT), dtype=jnp.float32)
    edge_index = jax.random.randint(k2, (2, NUM_EDGES), 0, NUM_NODES, dtype=jnp.int32)
    # Linear(num_feat, embedding_dim): weight [EMB, NUM_FEAT], xavier_uniform init
    lim = float(np.sqrt(6.0 / (NUM_FEAT + EMB)))
    W = jax.random.uniform(k3, (EMB, NUM_FEAT), dtype=jnp.float32, minval=-lim, maxval=lim)
    b = jnp.zeros((EMB,), dtype=jnp.float32)
    return {"edge_index": edge_index, "X": X, "W": W, "b": b}


def reference(edge_index, X, W, b):
    src = edge_index[0]
    dst = edge_index[1]
    # symmetric gcn normalization without self loops (LGConv default)
    deg = jax.ops.segment_sum(jnp.ones((NUM_EDGES,), dtype=jnp.float32), dst,
                              num_segments=NUM_NODES)
    deg_inv_sqrt = jnp.where(deg > 0, 1.0 / jnp.sqrt(jnp.maximum(deg, 1.0)) * jnp.where(deg > 0, jnp.sqrt(jnp.maximum(deg, 1.0)) / jnp.sqrt(jnp.maximum(deg, 1e-12)), 0.0), 0.0)
    deg_inv_sqrt = jnp.where(deg > 0, jax.lax.rsqrt(jnp.maximum(deg, 1e-12)), 0.0)
    norm = deg_inv_sqrt[src] * deg_inv_sqrt[dst]
    alpha = 1.0 / (NUM_LAYERS + 1)
    # embedding = Linear(num_feat, embedding_dim)
    x = X @ W.T + b
    out = x * alpha
    for _ in range(NUM_LAYERS):
        msg = norm[:, None] * jnp.take(x, src, axis=0)
        x = jax.ops.segment_sum(msg, dst, num_segments=NUM_NODES)
        out = out + x * alpha
    # edge_label_index defaults to edge_index
    out_src = jnp.take(out, src, axis=0)
    out_dst = jnp.take(out, dst, axis=0)
    return jnp.concatenate([out_src, out_dst], axis=1)

if __name__ == "__main__":
    import jax
    _d = setup_inputs()
    print(jax.jit(kernel)(*tuple(_d.values())))

</pallas_src>

<mosaic_0001>
#map = affine_map<(d0, d1) -> (0, 0)>
#map1 = affine_map<(d0, d1) -> (0, 0, 0)>
module attributes {stable_mosaic.version = 14 : i64} {
  func.func @_final_body(%arg0: i32, %arg1: i32, %arg2: memref<50176x64xf32, #tpu.memory_space<hbm>>, %arg3: memref<32x196x128xi32, #tpu.memory_space<hbm>>, %arg4: memref<32x196x128xi32, #tpu.memory_space<hbm>>, %arg5: memref<802816x128xf32, #tpu.memory_space<hbm>>, %arg6: memref<4x128xi32, #tpu.memory_space<vmem>>, %arg7: memref<4x128xi32, #tpu.memory_space<vmem>>, %arg8: memref<512x64xf32, #tpu.memory_space<vmem>>, %arg9: memref<512x64xf32, #tpu.memory_space<vmem>>, %arg10: memref<!tpu.dma_semaphore, #tpu.memory_space<semaphore_mem>>, %arg11: memref<!tpu.dma_semaphore, #tpu.memory_space<semaphore_mem>>) attributes {dimension_semantics = [#tpu.dimension_semantics<core_parallel>, #tpu.dimension_semantics<subcore_parallel>], iteration_bounds = array<i64: 2, 16>, scalar_prefetch = 0 : i64, scratch_operands = 6 : i64, tpu.core_type = #tpu.core_type<sc_vector_subcore>, window_params = [{transform_indices = #map}, {transform_indices = #map1}, {transform_indices = #map1}, {transform_indices = #map}]} {
    %mul3A = arith.constant 16 : i32
    %mul3A_0 = arith.muli %arg0, %mul3A : i32
    %add3A = arith.addi %mul3A_0, %arg1 : i32
    %mul3A_1 = arith.constant 196 : i32
    %mul3A_2 = arith.muli %add3A, %mul3A_1 : i32
    %mul3A_3 = arith.constant 128 : i32
    %mul3A_4 = arith.muli %mul3A_2, %mul3A_3 : i32
    %scan3A = arith.constant 0 : i32
    %scan3A_5 = arith.constant 0 : i32
    %scan3A_6 = arith.constant 49 : i32
    %scan3A_7 = arith.addi %scan3A_5, %scan3A_6 : i32
    %scan3A_8 = arith.constant 1 : i32
    scf.for %scan3A_10 = %scan3A_5 to %scan3A_7 step %scan3A_8  : i32 {
      %mul3A_11 = arith.constant 4 : i32
      %mul3A_12 = arith.muli %scan3A_10, %mul3A_11 : i32
      "tpu.region"() ({
        %run_scoped3A = tpu.sem_alloc : memref<!tpu.dma_semaphore, #tpu.memory_space<semaphore_mem>>
        %dma_start3A_354 = arith.constant 0 : i32
        %dma_start3A_355 = tpu.memref_slice %arg3[%add3A, %mul3A_12, %dma_start3A_354] : memref<32x196x128xi32, #tpu.memory_space<hbm>> -> memref<1x4x128xi32, #tpu.memory_space<hbm>>
        %dma_start3A_356 = tpu.memref_squeeze %dma_start3A_355 : memref<1x4x128xi32, #tpu.memory_space<hbm>> -> memref<4x128xi32, #tpu.memory_space<hbm>>
        %dma_start3A_357 = arith.constant 0 : i32
        %dma_start3A_358 = tpu.memref_slice %arg3[%add3A, %mul3A_12, %dma_start3A_357] : memref<32x196x128xi32, #tpu.memory_space<hbm>> -> memref<1x4x128xi32, #tpu.memory_space<hbm>>
        %dma_start3A_359 = tpu.memref_squeeze %dma_start3A_358 : memref<1x4x128xi32, #tpu.memory_space<hbm>> -> memref<4x128xi32, #tpu.memory_space<hbm>>
        tpu.enqueue_dma source(%dma_start3A_359 : memref<4x128xi32, #tpu.memory_space<hbm>>) target(%arg6 : memref<4x128xi32, #tpu.memory_space<vmem>>) target_semaphore(%run_scoped3A : memref<!tpu.dma_semaphore, #tpu.memory_space<semaphore_mem>>)
        %dma_wait3A_360 = arith.constant 0 : i32
        %dma_wait3A_361 = tpu.memref_slice %arg3[%add3A, %mul3A_12, %dma_wait3A_360] : memref<32x196x128xi32, #tpu.memory_space<hbm>> -> memref<1x4x128xi32, #tpu.memory_space<hbm>>
        %dma_wait3A_362 = tpu.memref_squeeze %dma_wait3A_361 : memref<1x4x128xi32, #tpu.memory_space<hbm>> -> memref<4x128xi32, #tpu.memory_space<hbm>>
        %dma_wait3A_363 = arith.constant 0 : i32
        %dma_wait3A_364 = tpu.memref_slice %arg3[%add3A, %mul3A_12, %dma_wait3A_363] : memref<32x196x128xi32, #tpu.memory_space<hbm>> -> memref<1x4x128xi32, #tpu.memory_space<hbm>>
        %dma_wait3A_365 = tpu.memref_squeeze %dma_wait3A_364 : memref<1x4x128xi32, #tpu.memory_space<hbm>> -> memref<4x128xi32, #tpu.memory_space<hbm>>
        tpu.wait_dma2 semaphore(%run_scoped3A : memref<!tpu.dma_semaphore, #tpu.memory_space<semaphore_mem>>) src(%dma_wait3A_365 : memref<4x128xi32, #tpu.memory_space<hbm>>) dst(%arg6 : memref<4x128xi32, #tpu.memory_space<vmem>>)
        tpu.yield
      }) : () -> ()
      %mul3A_13 = arith.constant 4 : i32
      %mul3A_14 = arith.muli %scan3A_10, %mul3A_13 : i32
      "tpu.region"() ({
        %run_scoped3A = tpu.sem_alloc : memref<!tpu.dma_semaphore, #tpu.memory_space<semaphore_mem>>
        %dma_start3A_354 = arith.constant 0 : i32
        %dma_start3A_355 = tpu.memref_slice %arg4[%add3A, %mul3A_14, %dma_start3A_354] : memref<32x196x128xi32, #tpu.memory_space<hbm>> -> memref<1x4x128xi32, #tpu.memory_space<hbm>>
        %dma_start3A_356 = tpu.memref_squeeze %dma_start3A_355 : memref<1x4x128xi32, #tpu.memory_space<hbm>> -> memref<4x128xi32, #tpu.memory_space<hbm>>
        %dma_start3A_357 = arith.constant 0 : i32
        %dma_start3A_358 = tpu.memref_slice %arg4[%add3A, %mul3A_14, %dma_start3A_357] : memref<32x196x128xi32, #tpu.memory_space<hbm>> -> memref<1x4x128xi32, #tpu.memory_space<hbm>>
        %dma_start3A_359 = tpu.memref_squeeze %dma_start3A_358 : memref<1x4x128xi32, #tpu.memory_space<hbm>> -> memref<4x128xi32, #tpu.memory_space<hbm>>
        tpu.enqueue_dma source(%dma_start3A_359 : memref<4x128xi32, #tpu.memory_space<hbm>>) target(%arg7 : memref<4x128xi32, #tpu.memory_space<vmem>>) target_semaphore(%run_scoped3A : memref<!tpu.dma_semaphore, #tpu.memory_space<semaphore_mem>>)
        %dma_wait3A_360 = arith.constant 0 : i32
        %dma_wait3A_361 = tpu.memref_slice %arg4[%add3A, %mul3A_14, %dma_wait3A_360] : memref<32x196x128xi32, #tpu.memory_space<hbm>> -> memref<1x4x128xi32, #tpu.memory_space<hbm>>
        %dma_wait3A_362 = tpu.memref_squeeze %dma_wait3A_361 : memref<1x4x128xi32, #tpu.memory_space<hbm>> -> memref<4x128xi32, #tpu.memory_space<hbm>>
        %dma_wait3A_363 = arith.constant 0 : i32
        %dma_wait3A_364 = tpu.memref_slice %arg4[%add3A, %mul3A_14, %dma_wait3A_363] : memref<32x196x128xi32, #tpu.memory_space<hbm>> -> memref<1x4x128xi32, #tpu.memory_space<hbm>>
        %dma_wait3A_365 = tpu.memref_squeeze %dma_wait3A_364 : memref<1x4x128xi32, #tpu.memory_space<hbm>> -> memref<4x128xi32, #tpu.memory_space<hbm>>
        tpu.wait_dma2 semaphore(%run_scoped3A : memref<!tpu.dma_semaphore, #tpu.memory_space<semaphore_mem>>) src(%dma_wait3A_365 : memref<4x128xi32, #tpu.memory_space<hbm>>) dst(%arg7 : memref<4x128xi32, #tpu.memory_space<vmem>>)
        tpu.yield
      }) : () -> ()
      %dma_start3A = arith.constant 0 : i32
      %dma_start3A_15 = arith.constant 0 : i32
      %dma_start3A_16 = arith.constant 0 : i32
      %dma_start3A_17 = tpu.memref_slice %arg8[%dma_start3A_15, %dma_start3A_16] : memref<512x64xf32, #tpu.memory_space<vmem>> -> memref<128x64xf32, #tpu.memory_space<vmem>>
      %dma_start3A_18 = arith.constant 0 : i32
      %dma_start3A_19 = tpu.memref_slice %arg6[%dma_start3A, %dma_start3A_18] : memref<4x128xi32, #tpu.memory_space<vmem>> -> memref<1x128xi32, #tpu.memory_space<vmem>>
      %dma_start3A_20 = tpu.memref_squeeze %dma_start3A_19 : memref<1x128xi32, #tpu.memory_space<vmem>> -> memref<128xi32, #tpu.memory_space<vmem>>
      %dma_start3A_21 = arith.constant 0 : i32
      %dma_start3A_22 = arith.constant 0 : i32
      %dma_start3A_23 = tpu.memref_slice %arg2[%dma_start3A_21, %dma_start3A_22] : memref<50176x64xf32, #tpu.memory_space<hbm>> -> memref<50176x64xf32, #tpu.memory_space<hbm>>
      tpu.enqueue_indirect_dma source(%dma_start3A_23 : memref<50176x64xf32, #tpu.memory_space<hbm>>) target(%dma_start3A_17 : memref<128x64xf32, #tpu.memory_space<vmem>>) offsets(%dma_start3A_20 : memref<128xi32, #tpu.memory_space<vmem>>) semaphore(%arg10 : memref<!tpu.dma_semaphore, #tpu.memory_space<semaphore_mem>>)
      %dma_start3A_24 = arith.constant 1 : i32
      %dma_start3A_25 = arith.constant 128 : i32
      %dma_start3A_26 = arith.constant 0 : i32
      %dma_start3A_27 = tpu.memref_slice %arg8[%dma_start3A_25, %dma_start3A_26] : memref<512x64xf32, #tpu.memory_space<vmem>> -> memref<128x64xf32, #tpu.memory_space<vmem>>
      %dma_start3A_28 = arith.constant 0 : i32
      %dma_start3A_29 = tpu.memref_slice %arg6[%dma_start3A_24, %dma_start3A_28] : memref<4x128xi32, #tpu.memory_space<vmem>> -> memref<1x128xi32, #tpu.memory_space<vmem>>
      %dma_start3A_30 = tpu.memref_squeeze %dma_start3A_29 : memref<1x128xi32, #tpu.memory_space<vmem>> -> memref<128xi32, #tpu.memory_space<vmem>>
      %dma_start3A_31 = arith.constant 0 : i32
      %dma_start3A_32 = arith.constant 0 : i32
      %dma_start3A_33 = tpu.memref_slice %arg2[%dma_start3A_31, %dma_start3A_32] : memref<50176x64xf32, #tpu.memory_space<hbm>> -> memref<50176x64xf32, #tpu.memory_space<hbm>>
      tpu.enqueue_indirect_dma source(%dma_start3A_33 : memref<50176x64xf32, #tpu.memory_space<hbm>>) target(%dma_start3A_27 : memref<128x64xf32, #tpu.memory_space<vmem>>) offsets(%dma_start3A_30 : memref<128xi32, #tpu.memory_space<vmem>>) semaphore(%arg10 : memref<!tpu.dma_semaphore, #tpu.memory_space<semaphore_mem>>)
      %dma_start3A_34 = arith.constant 2 : i32
      %dma_start3A_35 = arith.constant 256 : i32
      %dma_start3A_36 = arith.constant 0 : i32
      %dma_start3A_37 = tpu.memref_slice %arg8[%dma_start3A_35, %dma_start3A_36] : memref<512x64xf32, #tpu.memory_space<vmem>> -> memref<128x64xf32, #tpu.memory_space<vmem>>
      %dma_start3A_38 = arith.constant 0 : i32
      %dma_start3A_39 = tpu.memref_slice %arg6[%dma_start3A_34, %dma_start3A_38] : memref<4x128xi32, #tpu.memory_space<vmem>> -> memref<1x128xi32, #tpu.memory_space<vmem>>
      %dma_start3A_40 = tpu.memref_squeeze %dma_start3A_39 : memref<1x128xi32, #tpu.memory_space<vmem>> -> memref<128xi32, #tpu.memory_space<vmem>>
      %dma_start3A_41 = arith.constant 0 : i32
      %dma_start3A_42 = arith.constant 0 : i32
      %dma_start3A_43 = tpu.memref_slice %arg2[%dma_start3A_41, %dma_start3A_42] : memref<50176x64xf32, #tpu.memory_space<hbm>> -> memref<50176x64xf32, #tpu.memory_space<hbm>>
      tpu.enqueue_indirect_dma source(%dma_start3A_43 : memref<50176x64xf32, #tpu.memory_space<hbm>>) target(%dma_start3A_37 : memref<128x64xf32, #tpu.memory_space<vmem>>) offsets(%dma_start3A_40 : memref<128xi32, #tpu.memory_space<vmem>>) semaphore(%arg10 : memref<!tpu.dma_semaphore, #tpu.memory_space<semaphore_mem>>)
      %dma_start3A_44 = arith.constant 3 : i32
      %dma_start3A_45 = arith.constant 384 : i32
      %dma_start3A_46 = arith.constant 0 : i32
      %dma_start3A_47 = tpu.memref_slice %arg8[%dma_start3A_45, %dma_start3A_46] : memref<512x64xf32, #tpu.memory_space<vmem>> -> memref<128x64xf32, #tpu.memory_space<vmem>>
      %dma_start3A_48 = arith.constant 0 : i32
      %dma_start3A_49 = tpu.memref_slice %arg6[%dma_start3A_44, %dma_start3A_48] : memref<4x128xi32, #tpu.memory_space<vmem>> -> memref<1x128xi32, #tpu.memory_space<vmem>>
      %dma_start3A_50 = tpu.memref_squeeze %dma_start3A_49 : memref<1x128xi32, #tpu.memory_space<vmem>> -> memref<128xi32, #tpu.memory_space<vmem>>
      %dma_start3A_51 = arith.constant 0 : i32
      %dma_start3A_52 = arith.constant 0 : i32
      %dma_start3A_53 = tpu.memref_slice %arg2[%dma_start3A_51, %dma_start3A_52] : memref<50176x64xf32, #tpu.memory_space<hbm>> -> memref<50176x64xf32, #tpu.memory_space<hbm>>
      tpu.enqueue_indirect_dma source(%dma_start3A_53 : memref<50176x64xf32, #tpu.memory_space<hbm>>) target(%dma_start3A_47 : memref<128x64xf32, #tpu.memory_space<vmem>>) offsets(%dma_start3A_50 : memref<128xi32, #tpu.memory_space<vmem>>) semaphore(%arg10 : memref<!tpu.dma_semaphore, #tpu.memory_space<semaphore_mem>>)
      %dma_start3A_54 = arith.constant 0 : i32
      %dma_start3A_55 = arith.constant 0 : i32
      %dma_start3A_56 = arith.constant 0 : i32
      %dma_start3A_57 = tpu.memref_slice %arg9[%dma_start3A_55, %dma_start3A_56] : memref<512x64xf32, #tpu.memory_space<vmem>> -> memref<128x64xf32, #tpu.memory_space<vmem>>
      %dma_start3A_58 = arith.constant 0 : i32
      %dma_start3A_59 = tpu.memref_slice %arg7[%dma_start3A_54, %dma_start3A_58] : memref<4x128xi32, #tpu.memory_space<vmem>> -> memref<1x128xi32, #tpu.memory_space<vmem>>
      %dma_start3A_60 = tpu.memref_squeeze %dma_start3A_59 : memref<1x128xi32, #tpu.memory_space<vmem>> -> memref<128xi32, #tpu.memory_space<vmem>>
      %dma_start3A_61 = arith.constant 0 : i32
      %dma_start3A_62 = arith.constant 0 : i32
      %dma_start3A_63 = tpu.memref_slice %arg2[%dma_start3A_61, %dma_start3A_62] : memref<50176x64xf32, #tpu.memory_space<hbm>> -> memref<50176x64xf32, #tpu.memory_space<hbm>>
      tpu.enqueue_indirect_dma source(%dma_start3A_63 : memref<50176x64xf32, #tpu.memory_space<hbm>>) target(%dma_start3A_57 : memref<128x64xf32, #tpu.memory_space<vmem>>) offsets(%dma_start3A_60 : memref<128xi32, #tpu.memory_space<vmem>>) semaphore(%arg10 : memref<!tpu.dma_semaphore, #tpu.memory_space<semaphore_mem>>)
      %dma_start3A_64 = arith.constant 1 : i32
      %dma_start3A_65 = arith.constant 128 : i32
      %dma_start3A_66 = arith.constant 0 : i32
      %dma_start3A_67 = tpu.memref_slice %arg9[%dma_start3A_65, %dma_start3A_66] : memref<512x64xf32, #tpu.memory_space<vmem>> -> memref<128x64xf32, #tpu.memory_space<vmem>>
      %dma_start3A_68 = arith.constant 0 : i32
      %dma_start3A_69 = tpu.memref_slice %arg7[%dma_start3A_64, %dma_start3A_68] : memref<4x128xi32, #tpu.memory_space<vmem>> -> memref<1x128xi32, #tpu.memory_space<vmem>>
      %dma_start3A_70 = tpu.memref_squeeze %dma_start3A_69 : memref<1x128xi32, #tpu.memory_space<vmem>> -> memref<128xi32, #tpu.memory_space<vmem>>
      %dma_start3A_71 = arith.constant 0 : i32
      %dma_start3A_72 = arith.constant 0 : i32
      %dma_start3A_73 = tpu.memref_slice %arg2[%dma_start3A_71, %dma_start3A_72] : memref<50176x64xf32, #tpu.memory_space<hbm>> -> memref<50176x64xf32, #tpu.memory_space<hbm>>
      tpu.enqueue_indirect_dma source(%dma_start3A_73 : memref<50176x64xf32, #tpu.memory_space<hbm>>) target(%dma_start3A_67 : memref<128x64xf32, #tpu.memory_space<vmem>>) offsets(%dma_start3A_70 : memref<128xi32, #tpu.memory_space<vmem>>) semaphore(%arg10 : memref<!tpu.dma_semaphore, #tpu.memory_space<semaphore_mem>>)
      %dma_start3A_74 = arith.constant 2 : i32
      %dma_start3A_75 = arith.constant 256 : i32
      %dma_start3A_76 = arith.constant 0 : i32
      %dma_start3A_77 = tpu.memref_slice %arg9[%dma_start3A_75, %dma_start3A_76] : memref<512x64xf32, #tpu.memory_space<vmem>> -> memref<128x64xf32, #tpu.memory_space<vmem>>
      %dma_start3A_78 = arith.constant 0 : i32
      %dma_start3A_79 = tpu.memref_slice %arg7[%dma_start3A_74, %dma_start3A_78] : memref<4x128xi32, #tpu.memory_space<vmem>> -> memref<1x128xi32, #tpu.memory_space<vmem>>
      %dma_start3A_80 = tpu.memref_squeeze %dma_start3A_79 : memref<1x128xi32, #tpu.memory_space<vmem>> -> memref<128xi32, #tpu.memory_space<vmem>>
      %dma_start3A_81 = arith.constant 0 : i32
      %dma_start3A_82 = arith.constant 0 : i32
      %dma_start3A_83 = tpu.memref_slice %arg2[%dma_start3A_81, %dma_start3A_82] : memref<50176x64xf32, #tpu.memory_space<hbm>> -> memref<50176x64xf32, #tpu.memory_space<hbm>>
      tpu.enqueue_indirect_dma source(%dma_start3A_83 : memref<50176x64xf32, #tpu.memory_space<hbm>>) target(%dma_start3A_77 : memref<128x64xf32, #tpu.memory_space<vmem>>) offsets(%dma_start3A_80 : memref<128xi32, #tpu.memory_space<vmem>>) semaphore(%arg10 : memref<!tpu.dma_semaphore, #tpu.memory_space<semaphore_mem>>)
      %dma_start3A_84 = arith.constant 3 : i32
      %dma_start3A_85 = arith.constant 384 : i32
      %dma_start3A_86 = arith.constant 0 : i32
      %dma_start3A_87 = tpu.memref_slice %arg9[%dma_start3A_85, %dma_start3A_86] : memref<512x64xf32, #tpu.memory_space<vmem>> -> memref<128x64xf32, #tpu.memory_space<vmem>>
      %dma_start3A_88 = arith.constant 0 : i32
      %dma_start3A_89 = tpu.memref_slice %arg7[%dma_start3A_84, %dma_start3A_88] : memref<4x128xi32, #tpu.memory_space<vmem>> -> memref<1x128xi32, #tpu.memory_space<vmem>>
      %dma_start3A_90 = tpu.memref_squeeze %dma_start3A_89 : memref<1x128xi32, #tpu.memory_space<vmem>> -> memref<128xi32, #tpu.memory_space<vmem>>
      %dma_start3A_91 = arith.constant 0 : i32
      %dma_start3A_92 = arith.constant 0 : i32
      %dma_start3A_93 = tpu.memref_slice %arg2[%dma_start3A_91, %dma_start3A_92] : memref<50176x64xf32, #tpu.memory_space<hbm>> -> memref<50176x64xf32, #tpu.memory_space<hbm>>
      tpu.enqueue_indirect_dma source(%dma_start3A_93 : memref<50176x64xf32, #tpu.memory_space<hbm>>) target(%dma_start3A_87 : memref<128x64xf32, #tpu.memory_space<vmem>>) offsets(%dma_start3A_90 : memref<128xi32, #tpu.memory_space<vmem>>) semaphore(%arg10 : memref<!tpu.dma_semaphore, #tpu.memory_space<semaphore_mem>>)
      %dma_wait3A = arith.constant 0 : i32
      %dma_wait3A_94 = arith.constant 0 : i32
      %dma_wait3A_95 = arith.constant 0 : i32
      %dma_wait3A_96 = tpu.memref_slice %arg8[%dma_wait3A_94, %dma_wait3A_95] : memref<512x64xf32, #tpu.memory_space<vmem>> -> memref<128x64xf32, #tpu.memory_space<vmem>>
      %dma_wait3A_97 = arith.constant 0 : i32
      %dma_wait3A_98 = tpu.memref_slice %arg6[%dma_wait3A, %dma_wait3A_97] : memref<4x128xi32, #tpu.memory_space<vmem>> -> memref<1x128xi32, #tpu.memory_space<vmem>>
      %dma_wait3A_99 = tpu.memref_squeeze %dma_wait3A_98 : memref<1x128xi32, #tpu.memory_space<vmem>> -> memref<128xi32, #tpu.memory_space<vmem>>
      %dma_wait3A_100 = arith.constant 0 : i32
      %dma_wait3A_101 = arith.constant 0 : i32
      %dma_wait3A_102 = tpu.memref_slice %arg2[%dma_wait3A_100, %dma_wait3A_101] : memref<50176x64xf32, #tpu.memory_space<hbm>> -> memref<50176x64xf32, #tpu.memory_space<hbm>>
      tpu.wait_indirect_dma semaphore(%arg10 : memref<!tpu.dma_semaphore, #tpu.memory_space<semaphore_mem>>) src(%dma_wait3A_102 : memref<50176x64xf32, #tpu.memory_space<hbm>>) dst(%dma_wait3A_96 : memref<128x64xf32, #tpu.memory_space<vmem>>)
      %dma_wait3A_103 = arith.constant 1 : i32
      %dma_wait3A_104 = arith.constant 128 : i32
      %dma_wait3A_105 = arith.constant 0 : i32
      %dma_wait3A_106 = tpu.memref_slice %arg8[%dma_wait3A_104, %dma_wait3A_105] : memref<512x64xf32, #tpu.memory_space<vmem>> -> memref<128x64xf32, #tpu.memory_space<vmem>>
      %dma_wait3A_107 = arith.constant 0 : i32
      %dma_wait3A_108 = tpu.memref_slice %arg6[%dma_wait3A_103, %dma_wait3A_107] : memref<4x128xi32, #tpu.memory_space<vmem>> -> memref<1x128xi32, #tpu.memory_space<vmem>>
      %dma_wait3A_109 = tpu.memref_squeeze %dma_wait3A_108 : memref<1x128xi32, #tpu.memory_space<vmem>> -> memref<128xi32, #tpu.memory_space<vmem>>
      %dma_wait3A_110 = arith.constant 0 : i32
      %dma_wait3A_111 = arith.constant 0 : i32
      %dma_wait3A_112 = tpu.memref_slice %arg2[%dma_wait3A_110, %dma_wait3A_111] : memref<50176x64xf32, #tpu.memory_space<hbm>> -> memref<50176x64xf32, #tpu.memory_space<hbm>>
      tpu.wait_indirect_dma semaphore(%arg10 : memref<!tpu.dma_semaphore, #tpu.memory_space<semaphore_mem>>) src(%dma_wait3A_112 : memref<50176x64xf32, #tpu.memory_space<hbm>>) dst(%dma_wait3A_106 : memref<128x64xf32, #tpu.memory_space<vmem>>)
      %dma_wait3A_113 = arith.constant 2 : i32
      %dma_wait3A_114 = arith.constant 256 : i32
      %dma_wait3A_115 = arith.constant 0 : i32
      %dma_wait3A_116 = tpu.memref_slice %arg8[%dma_wait3A_114, %dma_wait3A_115] : memref<512x64xf32, #tpu.memory_space<vmem>> -> memref<128x64xf32, #tpu.memory_space<vmem>>
      %dma_wait3A_117 = arith.constant 0 : i32
      %dma_wait3A_118 = tpu.memref_slice %arg6[%dma_wait3A_113, %dma_wait3A_117] : memref<4x128xi32, #tpu.memory_space<vmem>> -> memref<1x128xi32, #tpu.memory_space<vmem>>
      %dma_wait3A_119 = tpu.memref_squeeze %dma_wait3A_118 : memref<1x128xi32, #tpu.memory_space<vmem>> -> memref<128xi32, #tpu.memory_space<vmem>>
      %dma_wait3A_120 = arith.constant 0 : i32
      %dma_wait3A_121 = arith.constant 0 : i32
      %dma_wait3A_122 = tpu.memref_slice %arg2[%dma_wait3A_120, %dma_wait3A_121] : memref<50176x64xf32, #tpu.memory_space<hbm>> -> memref<50176x64xf32, #tpu.memory_space<hbm>>
      tpu.wait_indirect_dma semaphore(%arg10 : memref<!tpu.dma_semaphore, #tpu.memory_space<semaphore_mem>>) src(%dma_wait3A_122 : memref<50176x64xf32, #tpu.memory_space<hbm>>) dst(%dma_wait3A_116 : memref<128x64xf32, #tpu.memory_space<vmem>>)
      %dma_wait3A_123 = arith.constant 3 : i32
      %dma_wait3A_124 = arith.constant 384 : i32
      %dma_wait3A_125 = arith.constant 0 : i32
      %dma_wait3A_126 = tpu.memref_slice %arg8[%dma_wait3A_124, %dma_wait3A_125] : memref<512x64xf32, #tpu.memory_space<vmem>> -> memref<128x64xf32, #tpu.memory_space<vmem>>
      %dma_wait3A_127 = arith.constant 0 : i32
      %dma_wait3A_128 = tpu.memref_slice %arg6[%dma_wait3A_123, %dma_wait3A_127] : memref<4x128xi32, #tpu.memory_space<vmem>> -> memref<1x128xi32, #tpu.memory_space<vmem>>
      %dma_wait3A_129 = tpu.memref_squeeze %dma_wait3A_128 : memref<1x128xi32, #tpu.memory_space<vmem>> -> memref<128xi32, #tpu.memory_space<vmem>>
      %dma_wait3A_130 = arith.constant 0 : i32
      %dma_wait3A_131 = arith.constant 0 : i32
      %dma_wait3A_132 = tpu.memref_slice %arg2[%dma_wait3A_130, %dma_wait3A_131] : memref<50176x64xf32, #tpu.memory_space<hbm>> -> memref<50176x64xf32, #tpu.memory_space<hbm>>
      tpu.wait_indirect_dma semaphore(%arg10 : memref<!tpu.dma_semaphore, #tpu.memory_space<semaphore_mem>>) src(%dma_wait3A_132 : memref<50176x64xf32, #tpu.memory_space<hbm>>) dst(%dma_wait3A_126 : memref<128x64xf32, #tpu.memory_space<vmem>>)
      %dma_wait3A_133 = arith.constant 0 : i32
      %dma_wait3A_134 = arith.constant 0 : i32
      %dma_wait3A_135 = arith.constant 0 : i32
      %dma_wait3A_136 = tpu.memref_slice %arg9[%dma_wait3A_134, %dma_wait3A_135] : memref<512x64xf32, #tpu.memory_space<vmem>> -> memref<128x64xf32, #tpu.memory_space<vmem>>
      %dma_wait3A_137 = arith.constant 0 : i32
      %dma_wait3A_138 = tpu.memref_slice %arg7[%dma_wait3A_133, %dma_wait3A_137] : memref<4x128xi32, #tpu.memory_space<vmem>> -> memref<1x128xi32, #tpu.memory_space<vmem>>
      %dma_wait3A_139 = tpu.memref_squeeze %dma_wait3A_138 : memref<1x128xi32, #tpu.memory_space<vmem>> -> memref<128xi32, #tpu.memory_space<vmem>>
      %dma_wait3A_140 = arith.constant 0 : i32
      %dma_wait3A_141 = arith.constant 0 : i32
      %dma_wait3A_142 = tpu.memref_slice %arg2[%dma_wait3A_140, %dma_wait3A_141] : memref<50176x64xf32, #tpu.memory_space<hbm>> -> memref<50176x64xf32, #tpu.memory_space<hbm>>
      tpu.wait_indirect_dma semaphore(%arg10 : memref<!tpu.dma_semaphore, #tpu.memory_space<semaphore_mem>>) src(%dma_wait3A_142 : memref<50176x64xf32, #tpu.memory_space<hbm>>) dst(%dma_wait3A_136 : memref<128x64xf32, #tpu.memory_space<vmem>>)
      %dma_wait3A_143 = arith.constant 1 : i32
      %dma_wait3A_144 = arith.constant 128 : i32
      %dma_wait3A_145 = arith.constant 0 : i32
      %dma_wait3A_146 = tpu.memref_slice %arg9[%dma_wait3A_144, %dma_wait3A_145] : memref<512x64xf32, #tpu.memory_space<vmem>> -> memref<128x64xf32, #tpu.memory_space<vmem>>
      %dma_wait3A_147 = arith.constant 0 : i32
      %dma_wait3A_148 = tpu.memref_slice %arg7[%dma_wait3A_143, %dma_wait3A_147] : memref<4x128xi32, #tpu.memory_space<vmem>> -> memref<1x128xi32, #tpu.memory_space<vmem>>
      %dma_wait3A_149 = tpu.memref_squeeze %dma_wait3A_148 : memref<1x128xi32, #tpu.memory_space<vmem>> -> memref<128xi32, #tpu.memory_space<vmem>>
      %dma_wait3A_150 = arith.constant 0 : i32
      %dma_wait3A_151 = arith.constant 0 : i32
      %dma_wait3A_152 = tpu.memref_slice %arg2[%dma_wait3A_150, %dma_wait3A_151] : memref<50176x64xf32, #tpu.memory_space<hbm>> -> memref<50176x64xf32, #tpu.memory_space<hbm>>
      tpu.wait_indirect_dma semaphore(%arg10 : memref<!tpu.dma_semaphore, #tpu.memory_space<semaphore_mem>>) src(%dma_wait3A_152 : memref<50176x64xf32, #tpu.memory_space<hbm>>) dst(%dma_wait3A_146 : memref<128x64xf32, #tpu.memory_space<vmem>>)
      %dma_wait3A_153 = arith.constant 2 : i32
      %dma_wait3A_154 = arith.constant 256 : i32
      %dma_wait3A_155 = arith.constant 0 : i32
      %dma_wait3A_156 = tpu.memref_slice %arg9[%dma_wait3A_154, %dma_wait3A_155] : memref<512x64xf32, #tpu.memory_space<vmem>> -> memref<128x64xf32, #tpu.memory_space<vmem>>
      %dma_wait3A_157 = arith.constant 0 : i32
      %dma_wait3A_158 = tpu.memref_slice %arg7[%dma_wait3A_153, %dma_wait3A_157] : memref<4x128xi32, #tpu.memory_space<vmem>> -> memref<1x128xi32, #tpu.memory_space<vmem>>
      %dma_wait3A_159 = tpu.memref_squeeze %dma_wait3A_158 : memref<1x128xi32, #tpu.memory_space<vmem>> -> memref<128xi32, #tpu.memory_space<vmem>>
      %dma_wait3A_160 = arith.constant 0 : i32
      %dma_wait3A_161 = arith.constant 0 : i32
      %dma_wait3A_162 = tpu.memref_slice %arg2[%dma_wait3A_160, %dma_wait3A_161] : memref<50176x64xf32, #tpu.memory_space<hbm>> -> memref<50176x64xf32, #tpu.memory_space<hbm>>
      tpu.wait_indirect_dma semaphore(%arg10 : memref<!tpu.dma_semaphore, #tpu.memory_space<semaphore_mem>>) src(%dma_wait3A_162 : memref<50176x64xf32, #tpu.memory_space<hbm>>) dst(%dma_wait3A_156 : memref<128x64xf32, #tpu.memory_space<vmem>>)
      %dma_wait3A_163 = arith.constant 3 : i32
      %dma_wait3A_164 = arith.constant 384 : i32
      %dma_wait3A_165 = arith.constant 0 : i32
      %dma_wait3A_166 = tpu.memref_slice %arg9[%dma_wait3A_164, %dma_wait3A_165] : memref<512x64xf32, #tpu.memory_space<vmem>> -> memref<128x64xf32, #tpu.memory_space<vmem>>
      %dma_wait3A_167 = arith.constant 0 : i32
      %dma_wait3A_168 = tpu.memref_slice %arg7[%dma_wait3A_163, %dma_wait3A_167] : memref<4x128xi32, #tpu.memory_space<vmem>> -> memref<1x128xi32, #tpu.memory_space<vmem>>
      %dma_wait3A_169 = tpu.memref_squeeze %dma_wait3A_168 : memref<1x128xi32, #tpu.memory_space<vmem>> -> memref<128xi32, #tpu.memory_space<vmem>>
      %dma_wait3A_170 = arith.constant 0 : i32
      %dma_wait3A_171 = arith.constant 0 : i32
      %dma_wait3A_172 = tpu.memref_slice %arg2[%dma_wait3A_170, %dma_wait3A_171] : memref<50176x64xf32, #tpu.memory_space<hbm>> -> memref<50176x64xf32, #tpu.memory_space<hbm>>
      tpu.wait_indirect_dma semaphore(%arg10 : memref<!tpu.dma_semaphore, #tpu.memory_space<semaphore_mem>>) src(%dma_wait3A_172 : memref<50176x64xf32, #tpu.memory_space<hbm>>) dst(%dma_wait3A_166 : memref<128x64xf32, #tpu.memory_space<vmem>>)
      %mul3A_173 = arith.constant 4 : i32
      %mul3A_174 = arith.muli %scan3A_10, %mul3A_173 : i32
      %mul3A_175 = arith.constant 128 : i32
      %mul3A_176 = arith.muli %mul3A_174, %mul3A_175 : i32
      %add3A_177 = arith.addi %mul3A_4, %mul3A_176 : i32
      %add3A_178 = arith.constant 0 : i32
      %add3A_179 = arith.addi %add3A_177, %add3A_178 : i32
      %dma_start3A_180 = arith.constant 0 : i32
      %dma_start3A_181 = arith.constant 0 : i32
      %dma_start3A_182 = tpu.memref_slice %arg8[%dma_start3A_180, %dma_start3A_181] : memref<512x64xf32, #tpu.memory_space<vmem>> -> memref<128x64xf32, #tpu.memory_space<vmem>>
      %dma_start3A_183 = arith.constant 0 : i32
      %dma_start3A_184 = tpu.memref_slice %arg5[%add3A_179, %dma_start3A_183] : memref<802816x128xf32, #tpu.memory_space<hbm>> -> memref<128x64xf32, #tpu.memory_space<hbm>>
      %dma_start3A_185 = arith.constant 0 : i32
      %dma_start3A_186 = tpu.memref_slice %arg5[%add3A_179, %dma_start3A_185] : memref<802816x128xf32, #tpu.memory_space<hbm>> -> memref<128x64xf32, #tpu.memory_space<hbm>>
      %dma_start3A_187 = arith.constant 0 : i32
      %dma_start3A_188 = arith.constant 0 : i32
      %dma_start3A_189 = tpu.memref_slice %arg8[%dma_start3A_187, %dma_start3A_188] : memref<512x64xf32, #tpu.memory_space<vmem>> -> memref<128x64xf32, #tpu.memory_space<vmem>>
      tpu.enqueue_dma source(%dma_start3A_189 : memref<128x64xf32, #tpu.memory_space<vmem>>) target(%dma_start3A_186 : memref<128x64xf32, #tpu.memory_space<hbm>>) target_semaphore(%arg11 : memref<!tpu.dma_semaphore, #tpu.memory_space<semaphore_mem>>)
      %add3A_190 = arith.constant 128 : i32
      %add3A_191 = arith.addi %add3A_177, %add3A_190 : i32
      %dma_start3A_192 = arith.constant 128 : i32
      %dma_start3A_193 = arith.constant 0 : i32
      %dma_start3A_194 = tpu.memref_slice %arg8[%dma_start3A_192, %dma_start3A_193] : memref<512x64xf32, #tpu.memory_space<vmem>> -> memref<128x64xf32, #tpu.memory_space<vmem>>
      %dma_start3A_195 = arith.constant 0 : i32
      %dma_start3A_196 = tpu.memref_slice %arg5[%add3A_191, %dma_start3A_195] : memref<802816x128xf32, #tpu.memory_space<hbm>> -> memref<128x64xf32, #tpu.memory_space<hbm>>
      %dma_start3A_197 = arith.constant 0 : i32
      %dma_start3A_198 = tpu.memref_slice %arg5[%add3A_191, %dma_start3A_197] : memref<802816x128xf32, #tpu.memory_space<hbm>> -> memref<128x64xf32, #tpu.memory_space<hbm>>
      %dma_start3A_199 = arith.constant 128 : i32
      %dma_start3A_200 = arith.constant 0 : i32
      %dma_start3A_201 = tpu.memref_slice %arg8[%dma_start3A_199, %dma_start3A_200] : memref<512x64xf32, #tpu.memory_space<vmem>> -> memref<128x64xf32, #tpu.memory_space<vmem>>
      tpu.enqueue_dma source(%dma_start3A_201 : memref<128x64xf32, #tpu.memory_space<vmem>>) target(%dma_start3A_198 : memref<128x64xf32, #tpu.memory_space<hbm>>) target_semaphore(%arg11 : memref<!tpu.dma_semaphore, #tpu.memory_space<semaphore_mem>>)
      %add3A_202 = arith.constant 256 : i32
      %add3A_203 = arith.addi %add3A_177, %add3A_202 : i32
      %dma_start3A_204 = arith.constant 256 : i32
      %dma_start3A_205 = arith.constant 0 : i32
      %dma_start3A_206 = tpu.memref_slice %arg8[%dma_start3A_204, %dma_start3A_205] : memref<512x64xf32, #tpu.memory_space<vmem>> -> memref<128x64xf32, #tpu.memory_space<vmem>>
      %dma_start3A_207 = arith.constant 0 : i32
      %dma_start3A_208 = tpu.memref_slice %arg5[%add3A_203, %dma_start3A_207] : memref<802816x128xf32, #tpu.memory_space<hbm>> -> memref<128x64xf32, #tpu.memory_space<hbm>>
      %dma_start3A_209 = arith.constant 0 : i32
      %dma_start3A_210 = tpu.memref_slice %arg5[%add3A_203, %dma_start3A_209] : memref<802816x128xf32, #tpu.memory_space<hbm>> -> memref<128x64xf32, #tpu.memory_space<hbm>>
      %dma_start3A_211 = arith.constant 256 : i32
      %dma_start3A_212 = arith.constant 0 : i32
      %dma_start3A_213 = tpu.memref_slice %arg8[%dma_start3A_211, %dma_start3A_212] : memref<512x64xf32, #tpu.memory_space<vmem>> -> memref<128x64xf32, #tpu.memory_space<vmem>>
      tpu.enqueue_dma source(%dma_start3A_213 : memref<128x64xf32, #tpu.memory_space<vmem>>) target(%dma_start3A_210 : memref<128x64xf32, #tpu.memory_space<hbm>>) target_semaphore(%arg11 : memref<!tpu.dma_semaphore, #tpu.memory_space<semaphore_mem>>)
      %add3A_214 = arith.constant 384 : i32
      %add3A_215 = arith.addi %add3A_177, %add3A_214 : i32
      %dma_start3A_216 = arith.constant 384 : i32
      %dma_start3A_217 = arith.constant 0 : i32
      %dma_start3A_218 = tpu.memref_slice %arg8[%dma_start3A_216, %dma_start3A_217] : memref<512x64xf32, #tpu.memory_space<vmem>> -> memref<128x64xf32, #tpu.memory_space<vmem>>
      %dma_start3A_219 = arith.constant 0 : i32
      %dma_start3A_220 = tpu.memref_slice %arg5[%add3A_215, %dma_start3A_219] : memref<802816x128xf32, #tpu.memory_space<hbm>> -> memref<128x64xf32, #tpu.memory_space<hbm>>
      %dma_start3A_221 = arith.constant 0 : i32
      %dma_start3A_222 = tpu.memref_slice %arg5[%add3A_215, %dma_start3A_221] : memref<802816x128xf32, #tpu.memory_space<hbm>> -> memref<128x64xf32, #tpu.memory_space<hbm>>
      %dma_start3A_223 = arith.constant 384 : i32
      %dma_start3A_224 = arith.constant 0 : i32
      %dma_start3A_225 = tpu.memref_slice %arg8[%dma_start3A_223, %dma_start3A_224] : memref<512x64xf32, #tpu.memory_space<vmem>> -> memref<128x64xf32, #tpu.memory_space<vmem>>
      tpu.enqueue_dma source(%dma_start3A_225 : memref<128x64xf32, #tpu.memory_space<vmem>>) target(%dma_start3A_222 : memref<128x64xf32, #tpu.memory_space<hbm>>) target_semaphore(%arg11 : memref<!tpu.dma_semaphore, #tpu.memory_space<semaphore_mem>>)
      %add3A_226 = arith.constant 0 : i32
      %add3A_227 = arith.addi %add3A_177, %add3A_226 : i32
      %dma_start3A_228 = arith.constant 0 : i32
      %dma_start3A_229 = arith.constant 0 : i32
      %dma_start3A_230 = tpu.memref_slice %arg9[%dma_start3A_228, %dma_start3A_229] : memref<512x64xf32, #tpu.memory_space<vmem>> -> memref<128x64xf32, #tpu.memory_space<vmem>>
      %dma_start3A_231 = arith.constant 64 : i32
      %dma_start3A_232 = tpu.memref_slice %arg5[%add3A_227, %dma_start3A_231] : memref<802816x128xf32, #tpu.memory_space<hbm>> -> memref<128x64xf32, #tpu.memory_space<hbm>>
      %dma_start3A_233 = arith.constant 64 : i32
      %dma_start3A_234 = tpu.memref_slice %arg5[%add3A_227, %dma_start3A_233] : memref<802816x128xf32, #tpu.memory_space<hbm>> -> memref<128x64xf32, #tpu.memory_space<hbm>>
      %dma_start3A_235 = arith.constant 0 : i32
      %dma_start3A_236 = arith.constant 0 : i32
      %dma_start3A_237 = tpu.memref_slice %arg9[%dma_start3A_235, %dma_start3A_236] : memref<512x64xf32, #tpu.memory_space<vmem>> -> memref<128x64xf32, #tpu.memory_space<vmem>>
      tpu.enqueue_dma source(%dma_start3A_237 : memref<128x64xf32, #tpu.memory_space<vmem>>) target(%dma_start3A_234 : memref<128x64xf32, #tpu.memory_space<hbm>>) target_semaphore(%arg11 : memref<!tpu.dma_semaphore, #tpu.memory_space<semaphore_mem>>)
      %add3A_238 = arith.constant 128 : i32
      %add3A_239 = arith.addi %add3A_177, %add3A_238 : i32
      %dma_start3A_240 = arith.constant 128 : i32
      %dma_start3A_241 = arith.constant 0 : i32
      %dma_start3A_242 = tpu.memref_slice %arg9[%dma_start3A_240, %dma_start3A_241] : memref<512x64xf32, #tpu.memory_space<vmem>> -> memref<128x64xf32, #tpu.memory_space<vmem>>
      %dma_start3A_243 = arith.constant 64 : i32
      %dma_start3A_244 = tpu.memref_slice %arg5[%add3A_239, %dma_start3A_243] : memref<802816x128xf32, #tpu.memory_space<hbm>> -> memref<128x64xf32, #tpu.memory_space<hbm>>
      %dma_start3A_245 = arith.constant 64 : i32
      %dma_start3A_246 = tpu.memref_slice %arg5[%add3A_239, %dma_start3A_245] : memref<802816x128xf32, #tpu.memory_space<hbm>> -> memref<128x64xf32, #tpu.memory_space<hbm>>
      %dma_start3A_247 = arith.constant 128 : i32
      %dma_start3A_248 = arith.constant 0 : i32
      %dma_start3A_249 = tpu.memref_slice %arg9[%dma_start3A_247, %dma_start3A_248] : memref<512x64xf32, #tpu.memory_space<vmem>> -> memref<128x64xf32, #tpu.memory_space<vmem>>
      tpu.enqueue_dma source(%dma_start3A_249 : memref<128x64xf32, #tpu.memory_space<vmem>>) target(%dma_start3A_246 : memref<128x64xf32, #tpu.memory_space<hbm>>) target_semaphore(%arg11 : memref<!tpu.dma_semaphore, #tpu.memory_space<semaphore_mem>>)
      %add3A_250 = arith.constant 256 : i32
      %add3A_251 = arith.addi %add3A_177, %add3A_250 : i32
      %dma_start3A_252 = arith.constant 256 : i32
      %dma_start3A_253 = arith.constant 0 : i32
      %dma_start3A_254 = tpu.memref_slice %arg9[%dma_start3A_252, %dma_start3A_253] : memref<512x64xf32, #tpu.memory_space<vmem>> -> memref<128x64xf32, #tpu.memory_space<vmem>>
      %dma_start3A_255 = arith.constant 64 : i32
      %dma_start3A_256 = tpu.memref_slice %arg5[%add3A_251, %dma_start3A_255] : memref<802816x128xf32, #tpu.memory_space<hbm>> -> memref<128x64xf32, #tpu.memory_space<hbm>>
      %dma_start3A_257 = arith.constant 64 : i32
      %dma_start3A_258 = tpu.memref_slice %arg5[%add3A_251, %dma_start3A_257] : memref<802816x128xf32, #tpu.memory_space<hbm>> -> memref<128x64xf32, #tpu.memory_space<hbm>>
      %dma_start3A_259 = arith.constant 256 : i32
      %dma_start3A_260 = arith.constant 0 : i32
      %dma_start3A_261 = tpu.memref_slice %arg9[%dma_start3A_259, %dma_start3A_260] : memref<512x64xf32, #tpu.memory_space<vmem>> -> memref<128x64xf32, #tpu.memory_space<vmem>>
      tpu.enqueue_dma source(%dma_start3A_261 : memref<128x64xf32, #tpu.memory_space<vmem>>) target(%dma_start3A_258 : memref<128x64xf32, #tpu.memory_space<hbm>>) target_semaphore(%arg11 : memref<!tpu.dma_semaphore, #tpu.memory_space<semaphore_mem>>)
      %add3A_262 = arith.constant 384 : i32
      %add3A_263 = arith.addi %add3A_177, %add3A_262 : i32
      %dma_start3A_264 = arith.constant 384 : i32
      %dma_start3A_265 = arith.constant 0 : i32
      %dma_start3A_266 = tpu.memref_slice %arg9[%dma_start3A_264, %dma_start3A_265] : memref<512x64xf32, #tpu.memory_space<vmem>> -> memref<128x64xf32, #tpu.memory_space<vmem>>
      %dma_start3A_267 = arith.constant 64 : i32
      %dma_start3A_268 = tpu.memref_slice %arg5[%add3A_263, %dma_start3A_267] : memref<802816x128xf32, #tpu.memory_space<hbm>> -> memref<128x64xf32, #tpu.memory_space<hbm>>
      %dma_start3A_269 = arith.constant 64 : i32
      %dma_start3A_270 = tpu.memref_slice %arg5[%add3A_263, %dma_start3A_269] : memref<802816x128xf32, #tpu.memory_space<hbm>> -> memref<128x64xf32, #tpu.memory_space<hbm>>
      %dma_start3A_271 = arith.constant 384 : i32
      %dma_start3A_272 = arith.constant 0 : i32
      %dma_start3A_273 = tpu.memref_slice %arg9[%dma_start3A_271, %dma_start3A_272] : memref<512x64xf32, #tpu.memory_space<vmem>> -> memref<128x64xf32, #tpu.memory_space<vmem>>
      tpu.enqueue_dma source(%dma_start3A_273 : memref<128x64xf32, #tpu.memory_space<vmem>>) target(%dma_start3A_270 : memref<128x64xf32, #tpu.memory_space<hbm>>) target_semaphore(%arg11 : memref<!tpu.dma_semaphore, #tpu.memory_space<semaphore_mem>>)
      %dma_wait3A_274 = arith.constant 0 : i32
      %dma_wait3A_275 = arith.constant 0 : i32
      %dma_wait3A_276 = tpu.memref_slice %arg8[%dma_wait3A_274, %dma_wait3A_275] : memref<512x64xf32, #tpu.memory_space<vmem>> -> memref<128x64xf32, #tpu.memory_space<vmem>>
      %dma_wait3A_277 = arith.constant 0 : i32
      %dma_wait3A_278 = tpu.memref_slice %arg5[%add3A_179, %dma_wait3A_277] : memref<802816x128xf32, #tpu.memory_space<hbm>> -> memref<128x64xf32, #tpu.memory_space<hbm>>
      %dma_wait3A_279 = arith.constant 0 : i32
      %dma_wait3A_280 = tpu.memref_slice %arg5[%add3A_179, %dma_wait3A_279] : memref<802816x128xf32, #tpu.memory_space<hbm>> -> memref<128x64xf32, #tpu.memory_space<hbm>>
      %dma_wait3A_281 = arith.constant 0 : i32
      %dma_wait3A_282 = arith.constant 0 : i32
      %dma_wait3A_283 = tpu.memref_slice %arg8[%dma_wait3A_281, %dma_wait3A_282] : memref<512x64xf32, #tpu.memory_space<vmem>> -> memref<128x64xf32, #tpu.memory_space<vmem>>
      tpu.wait_dma2 semaphore(%arg11 : memref<!tpu.dma_semaphore, #tpu.memory_space<semaphore_mem>>) src(%dma_wait3A_283 : memref<128x64xf32, #tpu.memory_space<vmem>>) dst(%dma_wait3A_280 : memref<128x64xf32, #tpu.memory_space<hbm>>)
      %dma_wait3A_284 = arith.constant 128 : i32
      %dma_wait3A_285 = arith.constant 0 : i32
      %dma_wait3A_286 = tpu.memref_slice %arg8[%dma_wait3A_284, %dma_wait3A_285] : memref<512x64xf32, #tpu.memory_space<vmem>> -> memref<128x64xf32, #tpu.memory_space<vmem>>
      %dma_wait3A_287 = arith.constant 0 : i32
      %dma_wait3A_288 = tpu.memref_slice %arg5[%add3A_191, %dma_wait3A_287] : memref<802816x128xf32, #tpu.memory_space<hbm>> -> memref<128x64xf32, #tpu.memory_space<hbm>>
      %dma_wait3A_289 = arith.constant 0 : i32
      %dma_wait3A_290 = tpu.memref_slice %arg5[%add3A_191, %dma_wait3A_289] : memref<802816x128xf32, #tpu.memory_space<hbm>> -> memref<128x64xf32, #tpu.memory_space<hbm>>
      %dma_wait3A_291 = arith.constant 128 : i32
      %dma_wait3A_292 = arith.constant 0 : i32
      %dma_wait3A_293 = tpu.memref_slice %arg8[%dma_wait3A_291, %dma_wait3A_292] : memref<512x64xf32, #tpu.memory_space<vmem>> -> memref<128x64xf32, #tpu.memory_space<vmem>>
      tpu.wait_dma2 semaphore(%arg11 : memref<!tpu.dma_semaphore, #tpu.memory_space<semaphore_mem>>) src(%dma_wait3A_293 : memref<128x64xf32, #tpu.memory_space<vmem>>) dst(%dma_wait3A_290 : memref<128x64xf32, #tpu.memory_space<hbm>>)
      %dma_wait3A_294 = arith.constant 256 : i32
      %dma_wait3A_295 = arith.constant 0 : i32
      %dma_wait3A_296 = tpu.memref_slice %arg8[%dma_wait3A_294, %dma_wait3A_295] : memref<512x64xf32, #tpu.memory_space<vmem>> -> memref<128x64xf32, #tpu.memory_space<vmem>>
      %dma_wait3A_297 = arith.constant 0 : i32
      %dma_wait3A_298 = tpu.memref_slice %arg5[%add3A_203, %dma_wait3A_297] : memref<802816x128xf32, #tpu.memory_space<hbm>> -> memref<128x64xf32, #tpu.memory_space<hbm>>
      %dma_wait3A_299 = arith.constant 0 : i32
      %dma_wait3A_300 = tpu.memref_slice %arg5[%add3A_203, %dma_wait3A_299] : memref<802816x128xf32, #tpu.memory_space<hbm>> -> memref<128x64xf32, #tpu.memory_space<hbm>>
      %dma_wait3A_301 = arith.constant 256 : i32
      %dma_wait3A_302 = arith.constant 0 : i32
      %dma_wait3A_303 = tpu.memref_slice %arg8[%dma_wait3A_301, %dma_wait3A_302] : memref<512x64xf32, #tpu.memory_space<vmem>> -> memref<128x64xf32, #tpu.memory_space<vmem>>
      tpu.wait_dma2 semaphore(%arg11 : memref<!tpu.dma_semaphore, #tpu.memory_space<semaphore_mem>>) src(%dma_wait3A_303 : memref<128x64xf32, #tpu.memory_space<vmem>>) dst(%dma_wait3A_300 : memref<128x64xf32, #tpu.memory_space<hbm>>)
      %dma_wait3A_304 = arith.constant 384 : i32
      %dma_wait3A_305 = arith.constant 0 : i32
      %dma_wait3A_306 = tpu.memref_slice %arg8[%dma_wait3A_304, %dma_wait3A_305] : memref<512x64xf32, #tpu.memory_space<vmem>> -> memref<128x64xf32, #tpu.memory_space<vmem>>
      %dma_wait3A_307 = arith.constant 0 : i32
      %dma_wait3A_308 = tpu.memref_slice %arg5[%add3A_215, %dma_wait3A_307] : memref<802816x128xf32, #tpu.memory_space<hbm>> -> memref<128x64xf32, #tpu.memory_space<hbm>>
      %dma_wait3A_309 = arith.constant 0 : i32
      %dma_wait3A_310 = tpu.memref_slice %arg5[%add3A_215, %dma_wait3A_309] : memref<802816x128xf32, #tpu.memory_space<hbm>> -> memref<128x64xf32, #tpu.memory_space<hbm>>
      %dma_wait3A_311 = arith.constant 384 : i32
      %dma_wait3A_312 = arith.constant 0 : i32
      %dma_wait3A_313 = tpu.memref_slice %arg8[%dma_wait3A_311, %dma_wait3A_312] : memref<512x64xf32, #tpu.memory_space<vmem>> -> memref<128x64xf32, #tpu.memory_space<vmem>>
      tpu.wait_dma2 semaphore(%arg11 : memref<!tpu.dma_semaphore, #tpu.memory_space<semaphore_mem>>) src(%dma_wait3A_313 : memref<128x64xf32, #tpu.memory_space<vmem>>) dst(%dma_wait3A_310 : memref<128x64xf32, #tpu.memory_space<hbm>>)
      %dma_wait3A_314 = arith.constant 0 : i32
      %dma_wait3A_315 = arith.constant 0 : i32
      %dma_wait3A_316 = tpu.memref_slice %arg9[%dma_wait3A_314, %dma_wait3A_315] : memref<512x64xf32, #tpu.memory_space<vmem>> -> memref<128x64xf32, #tpu.memory_space<vmem>>
      %dma_wait3A_317 = arith.constant 64 : i32
      %dma_wait3A_318 = tpu.memref_slice %arg5[%add3A_227, %dma_wait3A_317] : memref<802816x128xf32, #tpu.memory_space<hbm>> -> memref<128x64xf32, #tpu.memory_space<hbm>>
      %dma_wait3A_319 = arith.constant 64 : i32
      %dma_wait3A_320 = tpu.memref_slice %arg5[%add3A_227, %dma_wait3A_319] : memref<802816x128xf32, #tpu.memory_space<hbm>> -> memref<128x64xf32, #tpu.memory_space<hbm>>
      %dma_wait3A_321 = arith.constant 0 : i32
      %dma_wait3A_322 = arith.constant 0 : i32
      %dma_wait3A_323 = tpu.memref_slice %arg9[%dma_wait3A_321, %dma_wait3A_322] : memref<512x64xf32, #tpu.memory_space<vmem>> -> memref<128x64xf32, #tpu.memory_space<vmem>>
      tpu.wait_dma2 semaphore(%arg11 : memref<!tpu.dma_semaphore, #tpu.memory_space<semaphore_mem>>) src(%dma_wait3A_323 : memref<128x64xf32, #tpu.memory_space<vmem>>) dst(%dma_wait3A_320 : memref<128x64xf32, #tpu.memory_space<hbm>>)
      %dma_wait3A_324 = arith.constant 128 : i32
      %dma_wait3A_325 = arith.constant 0 : i32
      %dma_wait3A_326 = tpu.memref_slice %arg9[%dma_wait3A_324, %dma_wait3A_325] : memref<512x64xf32, #tpu.memory_space<vmem>> -> memref<128x64xf32, #tpu.memory_space<vmem>>
      %dma_wait3A_327 = arith.constant 64 : i32
      %dma_wait3A_328 = tpu.memref_slice %arg5[%add3A_239, %dma_wait3A_327] : memref<802816x128xf32, #tpu.memory_space<hbm>> -> memref<128x64xf32, #tpu.memory_space<hbm>>
      %dma_wait3A_329 = arith.constant 64 : i32
      %dma_wait3A_330 = tpu.memref_slice %arg5[%add3A_239, %dma_wait3A_329] : memref<802816x128xf32, #tpu.memory_space<hbm>> -> memref<128x64xf32, #tpu.memory_space<hbm>>
      %dma_wait3A_331 = arith.constant 128 : i32
      %dma_wait3A_332 = arith.constant 0 : i32
      %dma_wait3A_333 = tpu.memref_slice %arg9[%dma_wait3A_331, %dma_wait3A_332] : memref<512x64xf32, #tpu.memory_space<vmem>> -> memref<128x64xf32, #tpu.memory_space<vmem>>
      tpu.wait_dma2 semaphore(%arg11 : memref<!tpu.dma_semaphore, #tpu.memory_space<semaphore_mem>>) src(%dma_wait3A_333 : memref<128x64xf32, #tpu.memory_space<vmem>>) dst(%dma_wait3A_330 : memref<128x64xf32, #tpu.memory_space<hbm>>)
      %dma_wait3A_334 = arith.constant 256 : i32
      %dma_wait3A_335 = arith.constant 0 : i32
      %dma_wait3A_336 = tpu.memref_slice %arg9[%dma_wait3A_334, %dma_wait3A_335] : memref<512x64xf32, #tpu.memory_space<vmem>> -> memref<128x64xf32, #tpu.memory_space<vmem>>
      %dma_wait3A_337 = arith.constant 64 : i32
      %dma_wait3A_338 = tpu.memref_slice %arg5[%add3A_251, %dma_wait3A_337] : memref<802816x128xf32, #tpu.memory_space<hbm>> -> memref<128x64xf32, #tpu.memory_space<hbm>>
      %dma_wait3A_339 = arith.constant 64 : i32
      %dma_wait3A_340 = tpu.memref_slice %arg5[%add3A_251, %dma_wait3A_339] : memref<802816x128xf32, #tpu.memory_space<hbm>> -> memref<128x64xf32, #tpu.memory_space<hbm>>
      %dma_wait3A_341 = arith.constant 256 : i32
      %dma_wait3A_342 = arith.constant 0 : i32
      %dma_wait3A_343 = tpu.memref_slice %arg9[%dma_wait3A_341, %dma_wait3A_342] : memref<512x64xf32, #tpu.memory_space<vmem>> -> memref<128x64xf32, #tpu.memory_space<vmem>>
      tpu.wait_dma2 semaphore(%arg11 : memref<!tpu.dma_semaphore, #tpu.memory_space<semaphore_mem>>) src(%dma_wait3A_343 : memref<128x64xf32, #tpu.memory_space<vmem>>) dst(%dma_wait3A_340 : memref<128x64xf32, #tpu.memory_space<hbm>>)
      %dma_wait3A_344 = arith.constant 384 : i32
      %dma_wait3A_345 = arith.constant 0 : i32
      %dma_wait3A_346 = tpu.memref_slice %arg9[%dma_wait3A_344, %dma_wait3A_345] : memref<512x64xf32, #tpu.memory_space<vmem>> -> memref<128x64xf32, #tpu.memory_space<vmem>>
      %dma_wait3A_347 = arith.constant 64 : i32
      %dma_wait3A_348 = tpu.memref_slice %arg5[%add3A_263, %dma_wait3A_347] : memref<802816x128xf32, #tpu.memory_space<hbm>> -> memref<128x64xf32, #tpu.memory_space<hbm>>
      %dma_wait3A_349 = arith.constant 64 : i32
      %dma_wait3A_350 = tpu.memref_slice %arg5[%add3A_263, %dma_wait3A_349] : memref<802816x128xf32, #tpu.memory_space<hbm>> -> memref<128x64xf32, #tpu.memory_space<hbm>>
      %dma_wait3A_351 = arith.constant 384 : i32
      %dma_wait3A_352 = arith.constant 0 : i32
      %dma_wait3A_353 = tpu.memref_slice %arg9[%dma_wait3A_351, %dma_wait3A_352] : memref<512x64xf32, #tpu.memory_space<vmem>> -> memref<128x64xf32, #tpu.memory_space<vmem>>
      tpu.wait_dma2 semaphore(%arg11 : memref<!tpu.dma_semaphore, #tpu.memory_space<semaphore_mem>>) src(%dma_wait3A_353 : memref<128x64xf32, #tpu.memory_space<vmem>>) dst(%dma_wait3A_350 : memref<128x64xf32, #tpu.memory_space<hbm>>)
    }
    %scan3A_9 = arith.constant 49 : i32
    return
  }
}

#map = affine_map<(d0, d1) -> (0, 0, 0)>
#map1 = affine_map<(d0, d1) -> (0, 0)>
module attributes {stable_mosaic.version = 14 : i64} {
  func.func @_mega_body(%arg0: i32, %arg1: i32, %arg2: memref<4x50176x16xf32, #tpu.memory_space<hbm>>, %arg3: memref<16x392x128xi32, #tpu.memory_space<hbm>>, %arg4: memref<16x392x128xi32, #tpu.memory_space<hbm>>, %arg5: memref<50176x16xf32, #tpu.memory_space<hbm>>, %arg6: memref<12x50176x16xf32, #tpu.memory_space<hbm>>, %arg7: memref<4x50176x16xf32, #tpu.memory_space<hbm>>, %arg8: memref<2x50176x16xf32, #tpu.memory_space<hbm>>, %arg9: memref<14x128xi32, #tpu.memory_space<vmem>>, %arg10: memref<14x128xi32, #tpu.memory_space<vmem>>, %arg11: memref<14x128xi32, #tpu.memory_space<vmem>>, %arg12: memref<14x128xi32, #tpu.memory_space<vmem>>, %arg13: memref<1792x16xf32, #tpu.memory_space<vmem>>, %arg14: memref<1792x16xf32, #tpu.memory_space<vmem>>, %arg15: memref<128x16xf32, #tpu.memory_space<vmem>>, %arg16: memref<196x16xf32, #tpu.memory_space<vmem>>, %arg17: memref<196x16xf32, #tpu.memory_space<vmem>>, %arg18: memref<196x16xf32, #tpu.memory_space<vmem>>, %arg19: memref<196x16xf32, #tpu.memory_space<vmem>>, %arg20: memref<!tpu.dma_semaphore, #tpu.memory_space<semaphore_mem>>, %arg21: memref<!tpu.dma_semaphore, #tpu.memory_space<semaphore_mem>>, %arg22: memref<50176x16xf32, #tpu.memory_space<vmem_shared>>) attributes {dimension_semantics = [#tpu.dimension_semantics<core_parallel>, #tpu.dimension_semantics<subcore_parallel>], iteration_bounds = array<i64: 2, 16>, scalar_prefetch = 0 : i64, scratch_operands = 14 : i64, tpu.core_type = #tpu.core_type<sc_vector_subcore>, window_params = [{transform_indices = #map}, {transform_indices = #map}, {transform_indices = #map}, {transform_indices = #map1}, {transform_indices = #map}, {transform_indices = #map}, {transform_indices = #map}]} {
    %mul3A = arith.constant 3136 : i32
    %mul3A_0 = arith.muli %arg1, %mul3A : i32
    %broadcast_in_dim3A = arith.constant 1.000000e+00 : f32
    %broadcast_in_dim3A_1 = vector.broadcast %broadcast_in_dim3A : f32 to vector<16xf32>
    %scan3A = arith.constant 0 : i32
    %scan3A_2 = arith.constant 0 : i32
    %scan3A_3 = arith.constant 128 : i32
    %scan3A_4 = arith.addi %scan3A_2, %scan3A_3 : i32
    %scan3A_5 = arith.constant 1 : i32
    scf.for %scan3A_193 = %scan3A_2 to %scan3A_4 step %scan3A_5  : i32 {
      %swap3A = arith.index_cast %scan3A_193 : i32 to index
      %swap3A_194 = arith.constant 0 : index
      %swap3A_195 = tpu.vector_load %arg15[%swap3A, %swap3A_194] {strides = array<i32>} : memref<128x16xf32, #tpu.memory_space<vmem>>, vector<1x16xf32>,
      %swap3A_196 = vector.shape_cast %swap3A_195 : vector<1x16xf32> to vector<16xf32>
      %swap3A_197 = vector.shape_cast %broadcast_in_dim3A_1 : vector<16xf32> to vector<1x16xf32>
      tpu.vector_store %arg15[%swap3A, %swap3A_194], %swap3A_197 {strides = array<i32>} : memref<128x16xf32, #tpu.memory_space<vmem>>, vector<1x16xf32>,
    }
    %scan3A_6 = arith.constant 128 : i32
    %broadcast_in_dim3A_7 = arith.constant 0.000000e+00 : f32
    %broadcast_in_dim3A_8 = vector.broadcast %broadcast_in_dim3A_7 : f32 to vector<16xf32>
    %scan3A_9 = arith.constant 0 : i32
    %scan3A_10 = arith.constant 0 : i32
    %scan3A_11 = arith.constant 196 : i32
    %scan3A_12 = arith.addi %scan3A_10, %scan3A_11 : i32
    %scan3A_13 = arith.constant 1 : i32
    scf.for %scan3A_193 = %scan3A_10 to %scan3A_12 step %scan3A_13  : i32 {
      %swap3A = arith.index_cast %scan3A_193 : i32 to index
      %swap3A_194 = arith.constant 0 : index
      %swap3A_195 = tpu.vector_load %arg16[%swap3A, %swap3A_194] {strides = array<i32>} : memref<196x16xf32, #tpu.memory_space<vmem>>, vector<1x16xf32>,
      %swap3A_196 = vector.shape_cast %swap3A_195 : vector<1x16xf32> to vector<16xf32>
      %swap3A_197 = vector.shape_cast %broadcast_in_dim3A_8 : vector<16xf32> to vector<1x16xf32>
      tpu.vector_store %arg16[%swap3A, %swap3A_194], %swap3A_197 {strides = array<i32>} : memref<196x16xf32, #tpu.memory_space<vmem>>, vector<1x16xf32>,
    }
    %scan3A_14 = arith.constant 196 : i32
    %add3A = arith.constant 0 : i32
    %add3A_15 = arith.addi %mul3A_0, %add3A : i32
    %dma_start3A = arith.constant 0 : i32
    %dma_start3A_16 = tpu.memref_slice %arg22[%add3A_15, %dma_start3A] : memref<50176x16xf32, #tpu.memory_space<vmem_shared>> -> memref<196x16xf32, #tpu.memory_space<vmem_shared>>
    %dma_start3A_17 = arith.constant 0 : i32
    %dma_start3A_18 = tpu.memref_slice %arg22[%add3A_15, %dma_start3A_17] : memref<50176x16xf32, #tpu.memory_space<vmem_shared>> -> memref<196x16xf32, #tpu.memory_space<vmem_shared>>
    tpu.enqueue_dma source(%arg16 : memref<196x16xf32, #tpu.memory_space<vmem>>) target(%dma_start3A_18 : memref<196x16xf32, #tpu.memory_space<vmem_shared>>) target_semaphore(%arg20 : memref<!tpu.dma_semaphore, #tpu.memory_space<semaphore_mem>>)
    %add3A_19 = arith.constant 196 : i32
    %add3A_20 = arith.addi %mul3A_0, %add3A_19 : i32
    %dma_start3A_21 = arith.constant 0 : i32
    %dma_start3A_22 = tpu.memref_slice %arg22[%add3A_20, %dma_start3A_21] : memref<50176x16xf32, #tpu.memory_space<vmem_shared>> -> memref<196x16xf32, #tpu.memory_space<vmem_shared>>
    %dma_start3A_23 = arith.constant 0 : i32
    %dma_start3A_24 = tpu.memref_slice %arg22[%add3A_20, %dma_start3A_23] : memref<50176x16xf32, #tpu.memory_space<vmem_shared>> -> memref<196x16xf32, #tpu.memory_space<vmem_shared>>
    tpu.enqueue_dma source(%arg16 : memref<196x16xf32, #tpu.memory_space<vmem>>) target(%dma_start3A_24 : memref<196x16xf32, #tpu.memory_space<vmem_shared>>) target_semaphore(%arg20 : memref<!tpu.dma_semaphore, #tpu.memory_space<semaphore_mem>>)
    %add3A_25 = arith.constant 392 : i32
    %add3A_26 = arith.addi %mul3A_0, %add3A_25 : i32
    %dma_start3A_27 = arith.constant 0 : i32
    %dma_start3A_28 = tpu.memref_slice %arg22[%add3A_26, %dma_start3A_27] : memref<50176x16xf32, #tpu.memory_space<vmem_shared>> -> memref<196x16xf32, #tpu.memory_space<vmem_shared>>
    %dma_start3A_29 = arith.constant 0 : i32
    %dma_start3A_30 = tpu.memref_slice %arg22[%add3A_26, %dma_start3A_29] : memref<50176x16xf32, #tpu.memory_space<vmem_shared>> -> memref<196x16xf32, #tpu.memory_space<vmem_shared>>
    tpu.enqueue_dma source(%arg16 : memref<196x16xf32, #tpu.memory_space<vmem>>) target(%dma_start3A_30 : memref<196x16xf32, #tpu.memory_space<vmem_shared>>) target_semaphore(%arg20 : memref<!tpu.dma_semaphore, #tpu.memory_space<semaphore_mem>>)
    %add3A_31 = arith.constant 588 : i32
    %add3A_32 = arith.addi %mul3A_0, %add3A_31 : i32
    %dma_start3A_33 = arith.constant 0 : i32
    %dma_start3A_34 = tpu.memref_slice %arg22[%add3A_32, %dma_start3A_33] : memref<50176x16xf32, #tpu.memory_space<vmem_shared>> -> memref<196x16xf32, #tpu.memory_space<vmem_shared>>
    %dma_start3A_35 = arith.constant 0 : i32
    %dma_start3A_36 = tpu.memref_slice %arg22[%add3A_32, %dma_start3A_35] : memref<50176x16xf32, #tpu.memory_space<vmem_shared>> -> memref<196x16xf32, #tpu.memory_space<vmem_shared>>
    tpu.enqueue_dma source(%arg16 : memref<196x16xf32, #tpu.memory_space<vmem>>) target(%dma_start3A_36 : memref<196x16xf32, #tpu.memory_space<vmem_shared>>) target_semaphore(%arg20 : memref<!tpu.dma_semaphore, #tpu.memory_space<semaphore_mem>>)
    %add3A_37 = arith.constant 784 : i32
    %add3A_38 = arith.addi %mul3A_0, %add3A_37 : i32
    %dma_start3A_39 = arith.constant 0 : i32
    %dma_start3A_40 = tpu.memref_slice %arg22[%add3A_38, %dma_start3A_39] : memref<50176x16xf32, #tpu.memory_space<vmem_shared>> -> memref<196x16xf32, #tpu.memory_space<vmem_shared>>
    %dma_start3A_41 = arith.constant 0 : i32
    %dma_start3A_42 = tpu.memref_slice %arg22[%add3A_38, %dma_start3A_41] : memref<50176x16xf32, #tpu.memory_space<vmem_shared>> -> memref<196x16xf32, #tpu.memory_space<vmem_shared>>
    tpu.enqueue_dma source(%arg16 : memref<196x16xf32, #tpu.memory_space<vmem>>) target(%dma_start3A_42 : memref<196x16xf32, #tpu.memory_space<vmem_shared>>) target_semaphore(%arg20 : memref<!tpu.dma_semaphore, #tpu.memory_space<semaphore_mem>>)
    %add3A_43 = arith.constant 980 : i32
    %add3A_44 = arith.addi %mul3A_0, %add3A_43 : i32
    %dma_start3A_45 = arith.constant 0 : i32
    %dma_start3A_46 = tpu.memref_slice %arg22[%add3A_44, %dma_start3A_45] : memref<50176x16xf32, #tpu.memory_space<vmem_shared>> -> memref<196x16xf32, #tpu.memory_space<vmem_shared>>
    %dma_start3A_47 = arith.constant 0 : i32
    %dma_start3A_48 = tpu.memref_slice %arg22[%add3A_44, %dma_start3A_47] : memref<50176x16xf32, #tpu.memory_space<vmem_shared>> -> memref<196x16xf32, #tpu.memory_space<vmem_shared>>
    tpu.enqueue_dma source(%arg16 : memref<196x16xf32, #tpu.memory_space<vmem>>) target(%dma_start3A_48 : memref<196x16xf32, #tpu.memory_space<vmem_shared>>) target_semaphore(%arg20 : memref<!tpu.dma_semaphore, #tpu.memory_space<semaphore_mem>>)
    %add3A_49 = arith.constant 1176 : i32
    %add3A_50 = arith.addi %mul3A_0, %add3A_49 : i32
    %dma_start3A_51 = arith.constant 0 : i32
    %dma_start3A_52 = tpu.memref_slice %arg22[%add3A_50, %dma_start3A_51] : memref<50176x16xf32, #tpu.memory_space<vmem_shared>> -> memref<196x16xf32, #tpu.memory_space<vmem_shared>>
    %dma_start3A_53 = arith.constant 0 : i32
    %dma_start3A_54 = tpu.memref_slice %arg22[%add3A_50, %dma_start3A_53] : memref<50176x16xf32, #tpu.memory_space<vmem_shared>> -> memref<196x16xf32, #tpu.memory_space<vmem_shared>>
    tpu.enqueue_dma source(%arg16 : memref<196x16xf32, #tpu.memory_space<vmem>>) target(%dma_start3A_54 : memref<196x16xf32, #tpu.memory_space<vmem_shared>>) target_semaphore(%arg20 : memref<!tpu.dma_semaphore, #tpu.memory_space<semaphore_mem>>)
    %add3A_55 = arith.constant 1372 : i32
    %add3A_56 = arith.addi %mul3A_0, %add3A_55 : i32
    %dma_start3A_57 = arith.constant 0 : i32
    %dma_start3A_58 = tpu.memref_slice %arg22[%add3A_56, %dma_start3A_57] : memref<50176x16xf32, #tpu.memory_space<vmem_shared>> -> memref<196x16xf32, #tpu.memory_space<vmem_shared>>
    %dma_start3A_59 = arith.constant 0 : i32
    %dma_start3A_60 = tpu.memref_slice %arg22[%add3A_56, %dma_start3A_59] : memref<50176x16xf32, #tpu.memory_space<vmem_shared>> -> memref<196x16xf32, #tpu.memory_space<vmem_shared>>
    tpu.enqueue_dma source(%arg16 : memref<196x16xf32, #tpu.memory_space<vmem>>) target(%dma_start3A_60 : memref<196x16xf32, #tpu.memory_space<vmem_shared>>) target_semaphore(%arg20 : memref<!tpu.dma_semaphore, #tpu.memory_space<semaphore_mem>>)
    %add3A_61 = arith.constant 1568 : i32
    %add3A_62 = arith.addi %mul3A_0, %add3A_61 : i32
    %dma_start3A_63 = arith.constant 0 : i32
    %dma_start3A_64 = tpu.memref_slice %arg22[%add3A_62, %dma_start3A_63] : memref<50176x16xf32, #tpu.memory_space<vmem_shared>> -> memref<196x16xf32, #tpu.memory_space<vmem_shared>>
    %dma_start3A_65 = arith.constant 0 : i32
    %dma_start3A_66 = tpu.memref_slice %arg22[%add3A_62, %dma_start3A_65] : memref<50176x16xf32, #tpu.memory_space<vmem_shared>> -> memref<196x16xf32, #tpu.memory_space<vmem_shared>>
    tpu.enqueue_dma source(%arg16 : memref<196x16xf32, #tpu.memory_space<vmem>>) target(%dma_start3A_66 : memref<196x16xf32, #tpu.memory_space<vmem_shared>>) target_semaphore(%arg20 : memref<!tpu.dma_semaphore, #tpu.memory_space<semaphore_mem>>)
    %add3A_67 = arith.constant 1764 : i32
    %add3A_68 = arith.addi %mul3A_0, %add3A_67 : i32
    %dma_start3A_69 = arith.constant 0 : i32
    %dma_start3A_70 = tpu.memref_slice %arg22[%add3A_68, %dma_start3A_69] : memref<50176x16xf32, #tpu.memory_space<vmem_shared>> -> memref<196x16xf32, #tpu.memory_space<vmem_shared>>
    %dma_start3A_71 = arith.constant 0 : i32
    %dma_start3A_72 = tpu.memref_slice %arg22[%add3A_68, %dma_start3A_71] : memref<50176x16xf32, #tpu.memory_space<vmem_shared>> -> memref<196x16xf32, #tpu.memory_space<vmem_shared>>
    tpu.enqueue_dma source(%arg16 : memref<196x16xf32, #tpu.memory_space<vmem>>) target(%dma_start3A_72 : memref<196x16xf32, #tpu.memory_space<vmem_shared>>) target_semaphore(%arg20 : memref<!tpu.dma_semaphore, #tpu.memory_space<semaphore_mem>>)
    %add3A_73 = arith.constant 1960 : i32
    %add3A_74 = arith.addi %mul3A_0, %add3A_73 : i32
    %dma_start3A_75 = arith.constant 0 : i32
    %dma_start3A_76 = tpu.memref_slice %arg22[%add3A_74, %dma_start3A_75] : memref<50176x16xf32, #tpu.memory_space<vmem_shared>> -> memref<196x16xf32, #tpu.memory_space<vmem_shared>>
    %dma_start3A_77 = arith.constant 0 : i32
    %dma_start3A_78 = tpu.memref_slice %arg22[%add3A_74, %dma_start3A_77] : memref<50176x16xf32, #tpu.memory_space<vmem_shared>> -> memref<196x16xf32, #tpu.memory_space<vmem_shared>>
    tpu.enqueue_dma source(%arg16 : memref<196x16xf32, #tpu.memory_space<vmem>>) target(%dma_start3A_78 : memref<196x16xf32, #tpu.memory_space<vmem_shared>>) target_semaphore(%arg20 : memref<!tpu.dma_semaphore, #tpu.memory_space<semaphore_mem>>)
    %add3A_79 = arith.constant 2156 : i32
    %add3A_80 = arith.addi %mul3A_0, %add3A_79 : i32
    %dma_start3A_81 = arith.constant 0 : i32
    %dma_start3A_82 = tpu.memref_slice %arg22[%add3A_80, %dma_start3A_81] : memref<50176x16xf32, #tpu.memory_space<vmem_shared>> -> memref<196x16xf32, #tpu.memory_space<vmem_shared>>
    %dma_start3A_83 = arith.constant 0 : i32
    %dma_start3A_84 = tpu.memref_slice %arg22[%add3A_80, %dma_start3A_83] : memref<50176x16xf32, #tpu.memory_space<vmem_shared>> -> memref<196x16xf32, #tpu.memory_space<vmem_shared>>
    tpu.enqueue_dma source(%arg16 : memref<196x16xf32, #tpu.memory_space<vmem>>) target(%dma_start3A_84 : memref<196x16xf32, #tpu.memory_space<vmem_shared>>) target_semaphore(%arg20 : memref<!tpu.dma_semaphore, #tpu.memory_space<semaphore_mem>>)
    %add3A_85 = arith.constant 2352 : i32
    %add3A_86 = arith.addi %mul3A_0, %add3A_85 : i32
    %dma_start3A_87 = arith.constant 0 : i32
    %dma_start3A_88 = tpu.memref_slice %arg22[%add3A_86, %dma_start3A_87] : memref<50176x16xf32, #tpu.memory_space<vmem_shared>> -> memref<196x16xf32, #tpu.memory_space<vmem_shared>>
    %dma_start3A_89 = arith.constant 0 : i32
    %dma_start3A_90 = tpu.memref_slice %arg22[%add3A_86, %dma_start3A_89] : memref<50176x16xf32, #tpu.memory_space<vmem_shared>> -> memref<196x16xf32, #tpu.memory_space<vmem_shared>>
    tpu.enqueue_dma source(%arg16 : memref<196x16xf32, #tpu.memory_space<vmem>>) target(%dma_start3A_90 : memref<196x16xf32, #tpu.memory_space<vmem_shared>>) target_semaphore(%arg20 : memref<!tpu.dma_semaphore, #tpu.memory_space<semaphore_mem>>)
    %add3A_91 = arith.constant 2548 : i32
    %add3A_92 = arith.addi %mul3A_0, %add3A_91 : i32
    %dma_start3A_93 = arith.constant 0 : i32
    %dma_start3A_94 = tpu.memref_slice %arg22[%add3A_92, %dma_start3A_93] : memref<50176x16xf32, #tpu.memory_space<vmem_shared>> -> memref<196x16xf32, #tpu.memory_space<vmem_shared>>
    %dma_start3A_95 = arith.constant 0 : i32
    %dma_start3A_96 = tpu.memref_slice %arg22[%add3A_92, %dma_start3A_95] : memref<50176x16xf32, #tpu.memory_space<vmem_shared>> -> memref<196x16xf32, #tpu.memory_space<vmem_shared>>
    tpu.enqueue_dma source(%arg16 : memref<196x16xf32, #tpu.memory_space<vmem>>) target(%dma_start3A_96 : memref<196x16xf32, #tpu.memory_space<vmem_shared>>) target_semaphore(%arg20 : memref<!tpu.dma_semaphore, #tpu.memory_space<semaphore_mem>>)
    %add3A_97 = arith.constant 2744 : i32
    %add3A_98 = arith.addi %mul3A_0, %add3A_97 : i32
    %dma_start3A_99 = arith.constant 0 : i32
    %dma_start3A_100 = tpu.memref_slice %arg22[%add3A_98, %dma_start3A_99] : memref<50176x16xf32, #tpu.memory_space<vmem_shared>> -> memref<196x16xf32, #tpu.memory_space<vmem_shared>>
    %dma_start3A_101 = arith.constant 0 : i32
    %dma_start3A_102 = tpu.memref_slice %arg22[%add3A_98, %dma_start3A_101] : memref<50176x16xf32, #tpu.memory_space<vmem_shared>> -> memref<196x16xf32, #tpu.memory_space<vmem_shared>>
    tpu.enqueue_dma source(%arg16 : memref<196x16xf32, #tpu.memory_space<vmem>>) target(%dma_start3A_102 : memref<196x16xf32, #tpu.memory_space<vmem_shared>>) target_semaphore(%arg20 : memref<!tpu.dma_semaphore, #tpu.memory_space<semaphore_mem>>)
    %add3A_103 = arith.constant 2940 : i32
    %add3A_104 = arith.addi %mul3A_0, %add3A_103 : i32
    %dma_start3A_105 = arith.constant 0 : i32
    %dma_start3A_106 = tpu.memref_slice %arg22[%add3A_104, %dma_start3A_105] : memref<50176x16xf32, #tpu.memory_space<vmem_shared>> -> memref<196x16xf32, #tpu.memory_space<vmem_shared>>
    %dma_start3A_107 = arith.constant 0 : i32
    %dma_start3A_108 = tpu.memref_slice %arg22[%add3A_104, %dma_start3A_107] : memref<50176x16xf32, #tpu.memory_space<vmem_shared>> -> memref<196x16xf32, #tpu.memory_space<vmem_shared>>
    tpu.enqueue_dma source(%arg16 : memref<196x16xf32, #tpu.memory_space<vmem>>) target(%dma_start3A_108 : memref<196x16xf32, #tpu.memory_space<vmem_shared>>) target_semaphore(%arg20 : memref<!tpu.dma_semaphore, #tpu.memory_space<semaphore_mem>>)
    %dma_wait3A = arith.constant 0 : i32
    %dma_wait3A_109 = tpu.memref_slice %arg22[%add3A_15, %dma_wait3A] : memref<50176x16xf32, #tpu.memory_space<vmem_shared>> -> memref<196x16xf32, #tpu.memory_space<vmem_shared>>
    %dma_wait3A_110 = arith.constant 0 : i32
    %dma_wait3A_111 = tpu.memref_slice %arg22[%add3A_15, %dma_wait3A_110] : memref<50176x16xf32, #tpu.memory_space<vmem_shared>> -> memref<196x16xf32, #tpu.memory_space<vmem_shared>>
    tpu.wait_dma2 semaphore(%arg20 : memref<!tpu.dma_semaphore, #tpu.memory_space<semaphore_mem>>) src(%arg16 : memref<196x16xf32, #tpu.memory_space<vmem>>) dst(%dma_wait3A_111 : memref<196x16xf32, #tpu.memory_space<vmem_shared>>)
    %dma_wait3A_112 = arith.constant 0 : i32
    %dma_wait3A_113 = tpu.memref_slice %arg22[%add3A_20, %dma_wait3A_112] : memref<50176x16xf32, #tpu.memory_space<vmem_shared>> -> memref<196x16xf32, #tpu.memory_space<vmem_shared>>
    %dma_wait3A_114 = arith.constant 0 : i32
    %dma_wait3A_115 = tpu.memref_slice %arg22[%add3A_20, %dma_wait3A_114] : memref<50176x16xf32, #tpu.memory_space<vmem_shared>> -> memref<196x16xf32, #tpu.memory_space<vmem_shared>>
    tpu.wait_dma2 semaphore(%arg20 : memref<!tpu.dma_semaphore, #tpu.memory_space<semaphore_mem>>) src(%arg16 : memref<196x16xf32, #tpu.memory_space<vmem>>) dst(%dma_wait3A_115 : memref<196x16xf32, #tpu.memory_space<vmem_shared>>)
    %dma_wait3A_116 = arith.constant 0 : i32
    %dma_wait3A_117 = tpu.memref_slice %arg22[%add3A_26, %dma_wait3A_116] : memref<50176x16xf32, #tpu.memory_space<vmem_shared>> -> memref<196x16xf32, #tpu.memory_space<vmem_shared>>
    %dma_wait3A_118 = arith.constant 0 : i32
    %dma_wait3A_119 = tpu.memref_slice %arg22[%add3A_26, %dma_wait3A_118] : memref<50176x16xf32, #tpu.memory_space<vmem_shared>> -> memref<196x16xf32, #tpu.memory_space<vmem_shared>>
    tpu.wait_dma2 semaphore(%arg20 : memref<!tpu.dma_semaphore, #tpu.memory_space<semaphore_mem>>) src(%arg16 : memref<196x16xf32, #tpu.memory_space<vmem>>) dst(%dma_wait3A_119 : memref<196x16xf32, #tpu.memory_space<vmem_shared>>)
    %dma_wait3A_120 = arith.constant 0 : i32
    %dma_wait3A_121 = tpu.memref_slice %arg22[%add3A_32, %dma_wait3A_120] : memref<50176x16xf32, #tpu.memory_space<vmem_shared>> -> memref<196x16xf32, #tpu.memory_space<vmem_shared>>
    %dma_wait3A_122 = arith.constant 0 : i32
    %dma_wait3A_123 = tpu.memref_slice %arg22[%add3A_32, %dma_wait3A_122] : memref<50176x16xf32, #tpu.memory_space<vmem_shared>> -> memref<196x16xf32, #tpu.memory_space<vmem_shared>>
    tpu.wait_dma2 semaphore(%arg20 : memref<!tpu.dma_semaphore, #tpu.memory_space<semaphore_mem>>) src(%arg16 : memref<196x16xf32, #tpu.memory_space<vmem>>) dst(%dma_wait3A_123 : memref<196x16xf32, #tpu.memory_space<vmem_shared>>)
    %dma_wait3A_124 = arith.constant 0 : i32
    %dma_wait3A_125 = tpu.memref_slice %arg22[%add3A_38, %dma_wait3A_124] : memref<50176x16xf32, #tpu.memory_space<vmem_shared>> -> memref<196x16xf32, #tpu.memory_space<vmem_shared>>
    %dma_wait3A_126 = arith.constant 0 : i32
    %dma_wait3A_127 = tpu.memref_slice %arg22[%add3A_38, %dma_wait3A_126] : memref<50176x16xf32, #tpu.memory_space<vmem_shared>> -> memref<196x16xf32, #tpu.memory_space<vmem_shared>>
    tpu.wait_dma2 semaphore(%arg20 : memref<!tpu.dma_semaphore, #tpu.memory_space<semaphore_mem>>) src(%arg16 : memref<196x16xf32, #tpu.memory_space<vmem>>) dst(%dma_wait3A_127 : memref<196x16xf32, #tpu.memory_space<vmem_shared>>)
    %dma_wait3A_128 = arith.constant 0 : i32
    %dma_wait3A_129 = tpu.memref_slice %arg22[%add3A_44, %dma_wait3A_128] : memref<50176x16xf32, #tpu.memory_space<vmem_shared>> -> memref<196x16xf32, #tpu.memory_space<vmem_shared>>
    %dma_wait3A_130 = arith.constant 0 : i32
    %dma_wait3A_131 = tpu.memref_slice %arg22[%add3A_44, %dma_wait3A_130] : memref<50176x16xf32, #tpu.memory_space<vmem_shared>> -> memref<196x16xf32, #tpu.memory_space<vmem_shared>>
    tpu.wait_dma2 semaphore(%arg20 : memref<!tpu.dma_semaphore, #tpu.memory_space<semaphore_mem>>) src(%arg16 : memref<196x16xf32, #tpu.memory_space<vmem>>) dst(%dma_wait3A_131 : memref<196x16xf32, #tpu.memory_space<vmem_shared>>)
    %dma_wait3A_132 = arith.constant 0 : i32
    %dma_wait3A_133 = tpu.memref_slice %arg22[%add3A_50, %dma_wait3A_132] : memref<50176x16xf32, #tpu.memory_space<vmem_shared>> -> memref<196x16xf32, #tpu.memory_space<vmem_shared>>
    %dma_wait3A_134 = arith.constant 0 : i32
    %dma_wait3A_135 = tpu.memref_slice %arg22[%add3A_50, %dma_wait3A_134] : memref<50176x16xf32, #tpu.memory_space<vmem_shared>> -> memref<196x16xf32, #tpu.memory_space<vmem_shared>>
    tpu.wait_dma2 semaphore(%arg20 : memref<!tpu.dma_semaphore, #tpu.memory_space<semaphore_mem>>) src(%arg16 : memref<196x16xf32, #tpu.memory_space<vmem>>) dst(%dma_wait3A_135 : memref<196x16xf32, #tpu.memory_space<vmem_shared>>)
    %dma_wait3A_136 = arith.constant 0 : i32
    %dma_wait3A_137 = tpu.memref_slice %arg22[%add3A_56, %dma_wait3A_136] : memref<50176x16xf32, #tpu.memory_space<vmem_shared>> -> memref<196x16xf32, #tpu.memory_space<vmem_shared>>
    %dma_wait3A_138 = arith.constant 0 : i32
    %dma_wait3A_139 = tpu.memref_slice %arg22[%add3A_56, %dma_wait3A_138] : memref<50176x16xf32, #tpu.memory_space<vmem_shared>> -> memref<196x16xf32, #tpu.memory_space<vmem_shared>>
    tpu.wait_dma2 semaphore(%arg20 : memref<!tpu.dma_semaphore, #tpu.memory_space<semaphore_mem>>) src(%arg16 : memref<196x16xf32, #tpu.memory_space<vmem>>) dst(%dma_wait3A_139 : memref<196x16xf32, #tpu.memory_space<vmem_shared>>)
    %dma_wait3A_140 = arith.constant 0 : i32
    %dma_wait3A_141 = tpu.memref_slice %arg22[%add3A_62, %dma_wait3A_140] : memref<50176x16xf32, #tpu.memory_space<vmem_shared>> -> memref<196x16xf32, #tpu.memory_space<vmem_shared>>
    %dma_wait3A_142 = arith.constant 0 : i32
    %dma_wait3A_143 = tpu.memref_slice %arg22[%add3A_62, %dma_wait3A_142] : memref<50176x16xf32, #tpu.memory_space<vmem_shared>> -> memref<196x16xf32, #tpu.memory_space<vmem_shared>>
    tpu.wait_dma2 semaphore(%arg20 : memref<!tpu.dma_semaphore, #tpu.memory_space<semaphore_mem>>) src(%arg16 : memref<196x16xf32, #tpu.memory_space<vmem>>) dst(%dma_wait3A_143 : memref<196x16xf32, #tpu.memory_space<vmem_shared>>)
    %dma_wait3A_144 = arith.constant 0 : i32
    %dma_wait3A_145 = tpu.memref_slice %arg22[%add3A_68, %dma_wait3A_144] : memref<50176x16xf32, #tpu.memory_space<vmem_shared>> -> memref<196x16xf32, #tpu.memory_space<vmem_shared>>
    %dma_wait3A_146 = arith.constant 0 : i32
    %dma_wait3A_147 = tpu.memref_slice %arg22[%add3A_68, %dma_wait3A_146] : memref<50176x16xf32, #tpu.memory_space<vmem_shared>> -> memref<196x16xf32, #tpu.memory_space<vmem_shared>>
    tpu.wait_dma2 semaphore(%arg20 : memref<!tpu.dma_semaphore, #tpu.memory_space<semaphore_mem>>) src(%arg16 : memref<196x16xf32, #tpu.memory_space<vmem>>) dst(%dma_wait3A_147 : memref<196x16xf32, #tpu.memory_space<vmem_shared>>)
    %dma_wait3A_148 = arith.constant 0 : i32
    %dma_wait3A_149 = tpu.memref_slice %arg22[%add3A_74, %dma_wait3A_148] : memref<50176x16xf32, #tpu.memory_space<vmem_shared>> -> memref<196x16xf32, #tpu.memory_space<vmem_shared>>
    %dma_wait3A_150 = arith.constant 0 : i32
    %dma_wait3A_151 = tpu.memref_slice %arg22[%add3A_74, %dma_wait3A_150] : memref<50176x16xf32, #tpu.memory_space<vmem_shared>> -> memref<196x16xf32, #tpu.memory_space<vmem_shared>>
    tpu.wait_dma2 semaphore(%arg20 : memref<!tpu.dma_semaphore, #tpu.memory_space<semaphore_mem>>) src(%arg16 : memref<196x16xf32, #tpu.memory_space<vmem>>) dst(%dma_wait3A_151 : memref<196x16xf32, #tpu.memory_space<vmem_shared>>)
    %dma_wait3A_152 = arith.constant 0 : i32
    %dma_wait3A_153 = tpu.memref_slice %arg22[%add3A_80, %dma_wait3A_152] : memref<50176x16xf32, #tpu.memory_space<vmem_shared>> -> memref<196x16xf32, #tpu.memory_space<vmem_shared>>
    %dma_wait3A_154 = arith.constant 0 : i32
    %dma_wait3A_155 = tpu.memref_slice %arg22[%add3A_80, %dma_wait3A_154] : memref<50176x16xf32, #tpu.memory_space<vmem_shared>> -> memref<196x16xf32, #tpu.memory_space<vmem_shared>>
    tpu.wait_dma2 semaphore(%arg20 : memref<!tpu.dma_semaphore, #tpu.memory_space<semaphore_mem>>) src(%arg16 : memref<196x16xf32, #tpu.memory_space<vmem>>) dst(%dma_wait3A_155 : memref<196x16xf32, #tpu.memory_space<vmem_shared>>)
    %dma_wait3A_156 = arith.constant 0 : i32
    %dma_wait3A_157 = tpu.memref_slice %arg22[%add3A_86, %dma_wait3A_156] : memref<50176x16xf32, #tpu.memory_space<vmem_shared>> -> memref<196x16xf32, #tpu.memory_space<vmem_shared>>
    %dma_wait3A_158 = arith.constant 0 : i32
    %dma_wait3A_159 = tpu.memref_slice %arg22[%add3A_86, %dma_wait3A_158] : memref<50176x16xf32, #tpu.memory_space<vmem_shared>> -> memref<196x16xf32, #tpu.memory_space<vmem_shared>>
    tpu.wait_dma2 semaphore(%arg20 : memref<!tpu.dma_semaphore, #tpu.memory_space<semaphore_mem>>) src(%arg16 : memref<196x16xf32, #tpu.memory_space<vmem>>) dst(%dma_wait3A_159 : memref<196x16xf32, #tpu.memory_space<vmem_shared>>)
    %dma_wait3A_160 = arith.constant 0 : i32
    %dma_wait3A_161 = tpu.memref_slice %arg22[%add3A_92, %dma_wait3A_160] : memref<50176x16xf32, #tpu.memory_space<vmem_shared>> -> memref<196x16xf32, #tpu.memory_space<vmem_shared>>
    %dma_wait3A_162 = arith.constant 0 : i32
    %dma_wait3A_163 = tpu.memref_slice %arg22[%add3A_92, %dma_wait3A_162] : memref<50176x16xf32, #tpu.memory_space<vmem_shared>> -> memref<196x16xf32, #tpu.memory_space<vmem_shared>>
    tpu.wait_dma2 semaphore(%arg20 : memref<!tpu.dma_semaphore, #tpu.memory_space<semaphore_mem>>) src(%arg16 : memref<196x16xf32, #tpu.memory_space<vmem>>) dst(%dma_wait3A_163 : memref<196x16xf32, #tpu.memory_space<vmem_shared>>)
    %dma_wait3A_164 = arith.constant 0 : i32
    %dma_wait3A_165 = tpu.memref_slice %arg22[%add3A_98, %dma_wait3A_164] : memref<50176x16xf32, #tpu.memory_space<vmem_shared>> -> memref<196x16xf32, #tpu.memory_space<vmem_shared>>
    %dma_wait3A_166 = arith.constant 0 : i32
    %dma_wait3A_167 = tpu.memref_slice %arg22[%add3A_98, %dma_wait3A_166] : memref<50176x16xf32, #tpu.memory_space<vmem_shared>> -> memref<196x16xf32, #tpu.memory_space<vmem_shared>>
    tpu.wait_dma2 semaphore(%arg20 : memref<!tpu.dma_semaphore, #tpu.memory_space<semaphore_mem>>) src(%arg16 : memref<196x16xf32, #tpu.memory_space<vmem>>) dst(%dma_wait3A_167 : memref<196x16xf32, #tpu.memory_space<vmem_shared>>)
    %dma_wait3A_168 = arith.constant 0 : i32
    %dma_wait3A_169 = tpu.memref_slice %arg22[%add3A_104, %dma_wait3A_168] : memref<50176x16xf32, #tpu.memory_space<vmem_shared>> -> memref<196x16xf32, #tpu.memory_space<vmem_shared>>
    %dma_wait3A_170 = arith.constant 0 : i32
    %dma_wait3A_171 = tpu.memref_slice %arg22[%add3A_104, %dma_wait3A_170] : memref<50176x16xf32, #tpu.memory_space<vmem_shared>> -> memref<196x16xf32, #tpu.memory_space<vmem_shared>>
    tpu.wait_dma2 semaphore(%arg20 : memref<!tpu.dma_semaphore, #tpu.memory_space<semaphore_mem>>) src(%arg16 : memref<196x16xf32, #tpu.memory_space<vmem>>) dst(%dma_wait3A_171 : memref<196x16xf32, #tpu.memory_space<vmem_shared>>)
    %barrier3A = arith.constant 0 : index
    tpu.barrier barrier_id(%barrier3A)
    %scan3A_172 = arith.constant 0 : i32
    %scan3A_173 = arith.constant 0 : i32
    %scan3A_174 = arith.constant 28 : i32
    %scan3A_175 = arith.addi %scan3A_173, %scan3A_174 : i32
    %scan3A_176 = arith.constant 1 : i32
    scf.for %scan3A_193 = %scan3A_173 to %scan3A_175 step %scan3A_176  : i32 {
      %mul3A_194 = arith.constant 14 : i32
      %mul3A_195 = arith.muli %scan3A_193, %mul3A_194 : i32
      "tpu.region"() ({
        %run_scoped3A = tpu.sem_alloc : memref<!tpu.dma_semaphore, #tpu.memory_space<semaphore_mem>>
        %dma_start3A_392 = arith.constant 0 : i32
        %dma_start3A_393 = tpu.memref_slice %arg4[%arg1, %mul3A_195, %dma_start3A_392] : memref<16x392x128xi32, #tpu.memory_space<hbm>> -> memref<1x14x128xi32, #tpu.memory_space<hbm>>
        %dma_start3A_394 = tpu.memref_squeeze %dma_start3A_393 : memref<1x14x128xi32, #tpu.memory_space<hbm>> -> memref<14x128xi32, #tpu.memory_space<hbm>>
        %dma_start3A_395 = arith.constant 0 : i32
        %dma_start3A_396 = tpu.memref_slice %arg4[%arg1, %mul3A_195, %dma_start3A_395] : memref<16x392x128xi32, #tpu.memory_space<hbm>> -> memref<1x14x128xi32, #tpu.memory_space<hbm>>
        %dma_start3A_397 = tpu.memref_squeeze %dma_start3A_396 : memref<1x14x128xi32, #tpu.memory_space<hbm>> -> memref<14x128xi32, #tpu.memory_space<hbm>>
        tpu.enqueue_dma source(%dma_start3A_397 : memref<14x128xi32, #tpu.memory_space<hbm>>) target(%arg11 : memref<14x128xi32, #tpu.memory_space<vmem>>) target_semaphore(%run_scoped3A : memref<!tpu.dma_semaphore, #tpu.memory_space<semaphore_mem>>)
        %dma_wait3A_398 = arith.constant 0 : i32
        %dma_wait3A_399 = tpu.memref_slice %arg4[%arg1, %mul3A_195, %dma_wait3A_398] : memref<16x392x128xi32, #tpu.memory_space<hbm>> -> memref<1x14x128xi32, #tpu.memory_space<hbm>>
        %dma_wait3A_400 = tpu.memref_squeeze %dma_wait3A_399 : memref<1x14x128xi32, #tpu.memory_space<hbm>> -> memref<14x128xi32, #tpu.memory_space<hbm>>
        %dma_wait3A_401 = arith.constant 0 : i32
        %dma_wait3A_402 = tpu.memref_slice %arg4[%arg1, %mul3A_195, %dma_wait3A_401] : memref<16x392x128xi32, #tpu.memory_space<hbm>> -> memref<1x14x128xi32, #tpu.memory_space<hbm>>
        %dma_wait3A_403 = tpu.memref_squeeze %dma_wait3A_402 : memref<1x14x128xi32, #tpu.memory_space<hbm>> -> memref<14x128xi32, #tpu.memory_space<hbm>>
        tpu.wait_dma2 semaphore(%run_scoped3A : memref<!tpu.dma_semaphore, #tpu.memory_space<semaphore_mem>>) src(%dma_wait3A_403 : memref<14x128xi32, #tpu.memory_space<hbm>>) dst(%arg11 : memref<14x128xi32, #tpu.memory_space<vmem>>)
        tpu.yield
      }) : () -> ()
      %dma_start3A_196 = arith.constant 0 : i32
      %dma_start3A_197 = arith.constant 0 : i32
      %dma_start3A_198 = tpu.memref_slice %arg11[%dma_start3A_196, %dma_start3A_197] : memref<14x128xi32, #tpu.memory_space<vmem>> -> memref<1x128xi32, #tpu.memory_space<vmem>>
      %dma_start3A_199 = tpu.memref_squeeze %dma_start3A_198 : memref<1x128xi32, #tpu.memory_space<vmem>> -> memref<128xi32, #tpu.memory_space<vmem>>
      %dma_start3A_200 = arith.constant 0 : i32
      %dma_start3A_201 = arith.constant 0 : i32
      %dma_start3A_202 = tpu.memref_slice %arg22[%dma_start3A_200, %dma_start3A_201] : memref<50176x16xf32, #tpu.memory_space<vmem_shared>> -> memref<50176x16xf32, #tpu.memory_space<vmem_shared>>
      tpu.enqueue_indirect_dma source(%arg15 : memref<128x16xf32, #tpu.memory_space<vmem>>) target(%dma_start3A_202 : memref<50176x16xf32, #tpu.memory_space<vmem_shared>>) offsets(%dma_start3A_199 : memref<128xi32, #tpu.memory_space<vmem>>) semaphore(%arg21 : memref<!tpu.dma_semaphore, #tpu.memory_space<semaphore_mem>>) {add = true}
      %dma_start3A_203 = arith.constant 1 : i32
      %dma_start3A_204 = arith.constant 0 : i32
      %dma_start3A_205 = tpu.memref_slice %arg11[%dma_start3A_203, %dma_start3A_204] : memref<14x128xi32, #tpu.memory_space<vmem>> -> memref<1x128xi32, #tpu.memory_space<vmem>>
      %dma_start3A_206 = tpu.memref_squeeze %dma_start3A_205 : memref<1x128xi32, #tpu.memory_space<vmem>> -> memref<128xi32, #tpu.memory_space<vmem>>
      %dma_start3A_207 = arith.constant 0 : i32
      %dma_start3A_208 = arith.constant 0 : i32
      %dma_start3A_209 = tpu.memref_slice %arg22[%dma_start3A_207, %dma_start3A_208] : memref<50176x16xf32, #tpu.memory_space<vmem_shared>> -> memref<50176x16xf32, #tpu.memory_space<vmem_shared>>
      tpu.enqueue_indirect_dma source(%arg15 : memref<128x16xf32, #tpu.memory_space<vmem>>) target(%dma_start3A_209 : memref<50176x16xf32, #tpu.memory_space<vmem_shared>>) offsets(%dma_start3A_206 : memref<128xi32, #tpu.memory_space<vmem>>) semaphore(%arg21 : memref<!tpu.dma_semaphore, #tpu.memory_space<semaphore_mem>>) {add = true}
      %dma_start3A_210 = arith.constant 2 : i32
      %dma_start3A_211 = arith.constant 0 : i32
      %dma_start3A_212 = tpu.memref_slice %arg11[%dma_start3A_210, %dma_start3A_211] : memref<14x128xi32, #tpu.memory_space<vmem>> -> memref<1x128xi32, #tpu.memory_space<vmem>>
      %dma_start3A_213 = tpu.memref_squeeze %dma_start3A_212 : memref<1x128xi32, #tpu.memory_space<vmem>> -> memref<128xi32, #tpu.memory_space<vmem>>
      %dma_start3A_214 = arith.constant 0 : i32
      %dma_start3A_215 = arith.constant 0 : i32
      %dma_start3A_216 = tpu.memref_slice %arg22[%dma_start3A_214, %dma_start3A_215] : memref<50176x16xf32, #tpu.memory_space<vmem_shared>> -> memref<50176x16xf32, #tpu.memory_space<vmem_shared>>
      tpu.enqueue_indirect_dma source(%arg15 : memref<128x16xf32, #tpu.memory_space<vmem>>) target(%dma_start3A_216 : memref<50176x16xf32, #tpu.memory_space<vmem_shared>>) offsets(%dma_start3A_213 : memref<128xi32, #tpu.memory_space<vmem>>) semaphore(%arg21 : memref<!tpu.dma_semaphore, #tpu.memory_space<semaphore_mem>>) {add = true}
      %dma_start3A_217 = arith.constant 3 : i32
      %dma_start3A_218 = arith.constant 0 : i32
      %dma_start3A_219 = tpu.memref_slice %arg11[%dma_start3A_217, %dma_start3A_218] : memref<14x128xi32, #tpu.memory_space<vmem>> -> memref<1x128xi32, #tpu.memory_space<vmem>>
      %dma_start3A_220 = tpu.memref_squeeze %dma_start3A_219 : memref<1x128xi32, #tpu.memory_space<vmem>> -> memref<128xi32, #tpu.memory_space<vmem>>
      %dma_start3A_221 = arith.constant 0 : i32
      %dma_start3A_222 = arith.constant 0 : i32
      %dma_start3A_223 = tpu.memref_slice %arg22[%dma_start3A_221, %dma_start3A_222] : memref<50176x16xf32, #tpu.memory_space<vmem_shared>> -> memref<50176x16xf32, #tpu.memory_space<vmem_shared>>
      tpu.enqueue_indirect_dma source(%arg15 : memref<128x16xf32, #tpu.memory_space<vmem>>) target(%dma_start3A_223 : memref<50176x16xf32, #tpu.memory_space<vmem_shared>>) offsets(%dma_start3A_220 : memref<128xi32, #tpu.memory_space<vmem>>) semaphore(%arg21 : memref<!tpu.dma_semaphore, #tpu.memory_space<semaphore_mem>>) {add = true}
      %dma_start3A_224 = arith.constant 4 : i32
      %dma_start3A_225 = arith.constant 0 : i32
      %dma_start3A_226 = tpu.memref_slice %arg11[%dma_start3A_224, %dma_start3A_225] : memref<14x128xi32, #tpu.memory_space<vmem>> -> memref<1x128xi32, #tpu.memory_space<vmem>>
      %dma_start3A_227 = tpu.memref_squeeze %dma_start3A_226 : memref<1x128xi32, #tpu.memory_space<vmem>> -> memref<128xi32, #tpu.memory_space<vmem>>
      %dma_start3A_228 = arith.constant 0 : i32
      %dma_start3A_229 = arith.constant 0 : i32
      %dma_start3A_230 = tpu.memref_slice %arg22[%dma_start3A_228, %dma_start3A_229] : memref<50176x16xf32, #tpu.memory_space<vmem_shared>> -> memref<50176x16xf32, #tpu.memory_space<vmem_shared>>
      tpu.enqueue_indirect_dma source(%arg15 : memref<128x16xf32, #tpu.memory_space<vmem>>) target(%dma_start3A_230 : memref<50176x16xf32, #tpu.memory_space<vmem_shared>>) offsets(%dma_start3A_227 : memref<128xi32, #tpu.memory_space<vmem>>) semaphore(%arg21 : memref<!tpu.dma_semaphore, #tpu.memory_space<semaphore_mem>>) {add = true}
      %dma_start3A_231 = arith.constant 5 : i32
      %dma_start3A_232 = arith.constant 0 : i32
      %dma_start3A_233 = tpu.memref_slice %arg11[%dma_start3A_231, %dma_start3A_232] : memref<14x128xi32, #tpu.memory_space<vmem>> -> memref<1x128xi32, #tpu.memory_space<vmem>>
      %dma_start3A_234 = tpu.memref_squeeze %dma_start3A_233 : memref<1x128xi32, #tpu.memory_space<vmem>> -> memref<128xi32, #tpu.memory_space<vmem>>
      %dma_start3A_235 = arith.constant 0 : i32
      %dma_start3A_236 = arith.constant 0 : i32
      %dma_start3A_237 = tpu.memref_slice %arg22[%dma_start3A_235, %dma_start3A_236] : memref<50176x16xf32, #tpu.memory_space<vmem_shared>> -> memref<50176x16xf32, #tpu.memory_space<vmem_shared>>
      tpu.enqueue_indirect_dma source(%arg15 : memref<128x16xf32, #tpu.memory_space<vmem>>) target(%dma_start3A_237 : memref<50176x16xf32, #tpu.memory_space<vmem_shared>>) offsets(%dma_start3A_234 : memref<128xi32, #tpu.memory_space<vmem>>) semaphore(%arg21 : memref<!tpu.dma_semaphore, #tpu.memory_space<semaphore_mem>>) {add = true}
      %dma_start3A_238 = arith.constant 6 : i32
      %dma_start3A_239 = arith.constant 0 : i32
      %dma_start3A_240 = tpu.memref_slice %arg11[%dma_start3A_238, %dma_start3A_239] : memref<14x128xi32, #tpu.memory_space<vmem>> -> memref<1x128xi32, #tpu.memory_space<vmem>>
      %dma_start3A_241 = tpu.memref_squeeze %dma_start3A_240 : memref<1x128xi32, #tpu.memory_space<vmem>> -> memref<128xi32, #tpu.memory_space<vmem>>
      %dma_start3A_242 = arith.constant 0 : i32
      %dma_start3A_243 = arith.constant 0 : i32
      %dma_start3A_244 = tpu.memref_slice %arg22[%dma_start3A_242, %dma_start3A_243] : memref<50176x16xf32, #tpu.memory_space<vmem_shared>> -> memref<50176x16xf32, #tpu.memory_space<vmem_shared>>
      tpu.enqueue_indirect_dma source(%arg15 : memref<128x16xf32, #tpu.memory_space<vmem>>) target(%dma_start3A_244 : memref<50176x16xf32, #tpu.memory_space<vmem_shared>>) offsets(%dma_start3A_241 : memref<128xi32, #tpu.memory_space<vmem>>) semaphore(%arg21 : memref<!tpu.dma_semaphore, #tpu.memory_space<semaphore_mem>>) {add = true}
      %dma_start3A_245 = arith.constant 7 : i32
      %dma_start3A_246 = arith.constant 0 : i32
      %dma_start3A_247 = tpu.memref_slice %arg11[%dma_start3A_245, %dma_start3A_246] : memref<14x128xi32, #tpu.memory_space<vmem>> -> memref<1x128xi32, #tpu.memory_space<vmem>>
      %dma_start3A_248 = tpu.memref_squeeze %dma_start3A_247 : memref<1x128xi32, #tpu.memory_space<vmem>> -> memref<128xi32, #tpu.memory_space<vmem>>
      %dma_start3A_249 = arith.constant 0 : i32
      %dma_start3A_250 = arith.constant 0 : i32
      %dma_start3A_251 = tpu.memref_slice %arg22[%dma_start3A_249, %dma_start3A_250] : memref<50176x16xf32, #tpu.memory_space<vmem_shared>> -> memref<50176x16xf32, #tpu.memory_space<vmem_shared>>
      tpu.enqueue_indirect_dma source(%arg15 : memref<128x16xf32, #tpu.memory_space<vmem>>) target(%dma_start3A_251 : memref<50176x16xf32, #tpu.memory_space<vmem_shared>>) offsets(%dma_start3A_248 : memref<128xi32, #tpu.memory_space<vmem>>) semaphore(%arg21 : memref<!tpu.dma_semaphore, #tpu.memory_space<semaphore_mem>>) {add = true}
      %dma_start3A_252 = arith.constant 8 : i32
      %dma_start3A_253 = arith.constant 0 : i32
      %dma_start3A_254 = tpu.memref_slice %arg11[%dma_start3A_252, %dma_start3A_253] : memref<14x128xi32, #tpu.memory_space<vmem>> -> memref<1x128xi32, #tpu.memory_space<vmem>>
      %dma_start3A_255 = tpu.memref_squeeze %dma_start3A_254 : memref<1x128xi32, #tpu.memory_space<vmem>> -> memref<128xi32, #tpu.memory_space<vmem>>
      %dma_start3A_256 = arith.constant 0 : i32
      %dma_start3A_257 = arith.constant 0 : i32
      %dma_start3A_258 = tpu.memref_slice %arg22[%dma_start3A_256, %dma_start3A_257] : memref<50176x16xf32, #tpu.memory_space<vmem_shared>> -> memref<50176x16xf32, #tpu.memory_space<vmem_shared>>
      tpu.enqueue_indirect_dma source(%arg15 : memref<128x16xf32, #tpu.memory_space<vmem>>) target(%dma_start3A_258 : memref<50176x16xf32, #tpu.memory_space<vmem_shared>>) offsets(%dma_start3A_255 : memref<128xi32, #tpu.memory_space<vmem>>) semaphore(%arg21 : memref<!tpu.dma_semaphore, #tpu.memory_space<semaphore_mem>>) {add = true}
      %dma_start3A_259 = arith.constant 9 : i32
      %dma_start3A_260 = arith.constant 0 : i32
      %dma_start3A_261 = tpu.memref_slice %arg11[%dma_start3A_259, %dma_start3A_260] : memref<14x128xi32, #tpu.memory_space<vmem>> -> memref<1x128xi32, #tpu.memory_space<vmem>>
      %dma_start3A_262 = tpu.memref_squeeze %dma_start3A_261 : memref<1x128xi32, #tpu.memory_space<vmem>> -> memref<128xi32, #tpu.memory_space<vmem>>
      %dma_start3A_263 = arith.constant 0 : i32
      %dma_start3A_264 = arith.constant 0 : i32
      %dma_start3A_265 = tpu.memref_slice %arg22[%dma_start3A_263, %dma_start3A_264] : memref<50176x16xf32, #tpu.memory_space<vmem_shared>> -> memref<50176x16xf32, #tpu.memory_space<vmem_shared>>
      tpu.enqueue_indirect_dma source(%arg15 : memref<128x16xf32, #tpu.memory_space<vmem>>) target(%dma_start3A_265 : memref<50176x16xf32, #tpu.memory_space<vmem_shared>>) offsets(%dma_start3A_262 : memref<128xi32, #tpu.memory_space<vmem>>) semaphore(%arg21 : memref<!tpu.dma_semaphore, #tpu.memory_space<semaphore_mem>>) {add = true}
      %dma_start3A_266 = arith.constant 10 : i32
      %dma_start3A_267 = arith.constant 0 : i32
      %dma_start3A_268 = tpu.memref_slice %arg11[%dma_start3A_266, %dma_start3A_267] : memref<14x128xi32, #tpu.memory_space<vmem>> -> memref<1x128xi32, #tpu.memory_space<vmem>>
      %dma_start3A_269 = tpu.memref_squeeze %dma_start3A_268 : memref<1x128xi32, #tpu.memory_space<vmem>> -> memref<128xi32, #tpu.memory_space<vmem>>
      %dma_start3A_270 = arith.constant 0 : i32
      %dma_start3A_271 = arith.constant 0 : i32
      %dma_start3A_272 = tpu.memref_slice %arg22[%dma_start3A_270, %dma_start3A_271] : memref<50176x16xf32, #tpu.memory_space<vmem_shared>> -> memref<50176x16xf32, #tpu.memory_space<vmem_shared>>
      tpu.enqueue_indirect_dma source(%arg15 : memref<128x16xf32, #tpu.memory_space<vmem>>) target(%dma_start3A_272 : memref<50176x16xf32, #tpu.memory_space<vmem_shared>>) offsets(%dma_start3A_269 : memref<128xi32, #tpu.memory_space<vmem>>) semaphore(%arg21 : memref<!tpu.dma_semaphore, #tpu.memory_space<semaphore_mem>>) {add = true}
      %dma_start3A_273 = arith.constant 11 : i32
      %dma_start3A_274 = arith.constant 0 : i32
      %dma_start3A_275 = tpu.memref_slice %arg11[%dma_start3A_273, %dma_start3A_274] : memref<14x128xi32, #tpu.memory_space<vmem>> -> memref<1x128xi32, #tpu.memory_space<vmem>>
      %dma_start3A_276 = tpu.memref_squeeze %dma_start3A_275 : memref<1x128xi32, #tpu.memory_space<vmem>> -> memref<128xi32, #tpu.memory_space<vmem>>
      %dma_start3A_277 = arith.constant 0 : i32
      %dma_start3A_278 = arith.constant 0 : i32
      %dma_start3A_279 = tpu.memref_slice %arg22[%dma_start3A_277, %dma_start3A_278] : memref<50176x16xf32, #tpu.memory_space<vmem_shared>> -> memref<50176x16xf32, #tpu.memory_space<vmem_shared>>
      tpu.enqueue_indirect_dma source(%arg15 : memref<128x16xf32, #tpu.memory_space<vmem>>) target(%dma_start3A_279 : memref<50176x16xf32, #tpu.memory_space<vmem_shared>>) offsets(%dma_start3A_276 : memref<128xi32, #tpu.memory_space<vmem>>) semaphore(%arg21 : memref<!tpu.dma_semaphore, #tpu.memory_space<semaphore_mem>>) {add = true}
      %dma_start3A_280 = arith.constant 12 : i32
      %dma_start3A_281 = arith.constant 0 : i32
      %dma_start3A_282 = tpu.memref_slice %arg11[%dma_start3A_280, %dma_start3A_281] : memref<14x128xi32, #tpu.memory_space<vmem>> -> memref<1x128xi32, #tpu.memory_space<vmem>>
      %dma_start3A_283 = tpu.memref_squeeze %dma_start3A_282 : memref<1x128xi32, #tpu.memory_space<vmem>> -> memref<128xi32, #tpu.memory_space<vmem>>
      %dma_start3A_284 = arith.constant 0 : i32
      %dma_start3A_285 = arith.constant 0 : i32
      %dma_start3A_286 = tpu.memref_slice %arg22[%dma_start3A_284, %dma_start3A_285] : memref<50176x16xf32, #tpu.memory_space<vmem_shared>> -> memref<50176x16xf32, #tpu.memory_space<vmem_shared>>
      tpu.enqueue_indirect_dma source(%arg15 : memref<128x16xf32, #tpu.memory_space<vmem>>) target(%dma_start3A_286 : memref<50176x16xf32, #tpu.memory_space<vmem_shared>>) offsets(%dma_start3A_283 : memref<128xi32, #tpu.memory_space<vmem>>) semaphore(%arg21 : memref<!tpu.dma_semaphore, #tpu.memory_space<semaphore_mem>>) {add = true}
      %dma_start3A_287 = arith.constant 13 : i32
      %dma_start3A_288 = arith.constant 0 : i32
      %dma_start3A_289 = tpu.memref_slice %arg11[%dma_start3A_287, %dma_start3A_288] : memref<14x128xi32, #tpu.memory_space<vmem>> -> memref<1x128xi32, #tpu.memory_space<vmem>>
      %dma_start3A_290 = tpu.memref_squeeze %dma_start3A_289 : memref<1x128xi32, #tpu.memory_space<vmem>> -> memref<128xi32, #tpu.memory_space<vmem>>
      %dma_start3A_291 = arith.constant 0 : i32
      %dma_start3A_292 = arith.constant 0 : i32
      %dma_start3A_293 = tpu.memref_slice %arg22[%dma_start3A_291, %dma_start3A_292] : memref<50176x16xf32, #tpu.memory_space<vmem_shared>> -> memref<50176x16xf32, #tpu.memory_space<vmem_shared>>
      tpu.enqueue_indirect_dma source(%arg15 : memref<128x16xf32, #tpu.memory_space<vmem>>) target(%dma_start3A_293 : memref<50176x16xf32, #tpu.memory_space<vmem_shared>>) offsets(%dma_start3A_290 : memref<128xi32, #tpu.memory_space<vmem>>) semaphore(%arg21 : memref<!tpu.dma_semaphore, #tpu.memory_space<semaphore_mem>>) {add = true}
      %dma_wait3A_294 = arith.constant 0 : i32
      %dma_wait3A_295 = arith.constant 0 : i32
      %dma_wait3A_296 = tpu.memref_slice %arg11[%dma_wait3A_294, %dma_wait3A_295] : memref<14x128xi32, #tpu.memory_space<vmem>> -> memref<1x128xi32, #tpu.memory_space<vmem>>
      %dma_wait3A_297 = tpu.memref_squeeze %dma_wait3A_296 : memref<1x128xi32, #tpu.memory_space<vmem>> -> memref<128xi32, #tpu.memory_space<vmem>>
      %dma_wait3A_298 = arith.constant 0 : i32
      %dma_wait3A_299 = arith.constant 0 : i32
      %dma_wait3A_300 = tpu.memref_slice %arg22[%dma_wait3A_298, %dma_wait3A_299] : memref<50176x16xf32, #tpu.memory_space<vmem_shared>> -> memref<50176x16xf32, #tpu.memory_space<vmem_shared>>
      tpu.wait_indirect_dma semaphore(%arg21 : memref<!tpu.dma_semaphore, #tpu.memory_space<semaphore_mem>>) src(%arg15 : memref<128x16xf32, #tpu.memory_space<vmem>>) dst(%dma_wait3A_300 : memref<50176x16xf32, #tpu.memory_space<vmem_shared>>)
      %dma_wait3A_301 = arith.constant 1 : i32
      %dma_wait3A_302 = arith.constant 0 : i32
      %dma_wait3A_303 = tpu.memref_slice %arg11[%dma_wait3A_301, %dma_wait3A_302] : memref<14x128xi32, #tpu.memory_space<vmem>> -> memref<1x128xi32, #tpu.memory_space<vmem>>
      %dma_wait3A_304 = tpu.memref_squeeze %dma_wait3A_303 : memref<1x128xi32, #tpu.memory_space<vmem>> -> memref<128xi32, #tpu.memory_space<vmem>>
      %dma_wait3A_305 = arith.constant 0 : i32
      %dma_wait3A_306 = arith.constant 0 : i32
      %dma_wait3A_307 = tpu.memref_slice %arg22[%dma_wait3A_305, %dma_wait3A_306] : memref<50176x16xf32, #tpu.memory_space<vmem_shared>> -> memref<50176x16xf32, #tpu.memory_space<vmem_shared>>
      tpu.wait_indirect_dma semaphore(%arg21 : memref<!tpu.dma_semaphore, #tpu.memory_space<semaphore_mem>>) src(%arg15 : memref<128x16xf32, #tpu.memory_space<vmem>>) dst(%dma_wait3A_307 : memref<50176x16xf32, #tpu.memory_space<vmem_shared>>)
      %dma_wait3A_308 = arith.constant 2 : i32
      %dma_wait3A_309 = arith.constant 0 : i32
      %dma_wait3A_310 = tpu.memref_slice %arg11[%dma_wait3A_308, %dma_wait3A_309] : memref<14x128xi32, #tpu.memory_space<vmem>> -> memref<1x128xi32, #tpu.memory_space<vmem>>
      %dma_wait3A_311 = tpu.memref_squeeze %dma_wait3A_310 : memref<1x128xi32, #tpu.memory_space<vmem>> -> memref<128xi32, #tpu.memory_space<vmem>>
      %dma_wait3A_312 = arith.constant 0 : i32
      %dma_wait3A_313 = arith.constant 0 : i32
      %dma_wait3A_314 = tpu.memref_slice %arg22[%dma_wait3A_312, %dma_wait3A_313] : memref<50176x16xf32, #tpu.memory_space<vmem_shared>> -> memref<50176x16xf32, #tpu.memory_space<vmem_shared>>
      tpu.wait_indirect_dma semaphore(%arg21 : memref<!tpu.dma_semaphore, #tpu.memory_space<semaphore_mem>>) src(%arg15 : memref<128x16xf32, #tpu.memory_space<vmem>>) dst(%dma_wait3A_314 : memref<50176x16xf32, #tpu.memory_space<vmem_shared>>)
      %dma_wait3A_315 = arith.constant 3 : i32
      %dma_wait3A_316 = arith.constant 0 : i32
      %dma_wait3A_317 = tpu.memref_slice %arg11[%dma_wait3A_315, %dma_wait3A_316] : memref<14x128xi32, #tpu.memory_space<vmem>> -> memref<1x128xi32, #tpu.memory_space<vmem>>
      %dma_wait3A_318 = tpu.memref_squeeze %dma_wait3A_317 : memref<1x128xi32, #tpu.memory_space<vmem>> -> memref<128xi32, #tpu.memory_space<vmem>>
      %dma_wait3A_319 = arith.constant 0 : i32
      %dma_wait3A_320 = arith.constant 0 : i32
      %dma_wait3A_321 = tpu.memref_slice %arg22[%dma_wait3A_319, %dma_wait3A_320] : memref<50176x16xf32, #tpu.memory_space<vmem_shared>> -> memref<50176x16xf32, #tpu.memory_space<vmem_shared>>
      tpu.wait_indirect_dma semaphore(%arg21 : memref<!tpu.dma_semaphore, #tpu.memory_space<semaphore_mem>>) src(%arg15 : memref<128x16xf32, #tpu.memory_space<vmem>>) dst(%dma_wait3A_321 : memref<50176x16xf32, #tpu.memory_space<vmem_shared>>)
      %dma_wait3A_322 = arith.constant 4 : i32
      %dma_wait3A_323 = arith.constant 0 : i32
      %dma_wait3A_324 = tpu.memref_slice %arg11[%dma_wait3A_322, %dma_wait3A_323] : memref<14x128xi32, #tpu.memory_space<vmem>> -> memref<1x128xi32, #tpu.memory_space<vmem>>
      %dma_wait3A_325 = tpu.memref_squeeze %dma_wait3A_324 : memref<1x128xi32, #tpu.memory_space<vmem>> -> memref<128xi32, #tpu.memory_space<vmem>>
      %dma_wait3A_326 = arith.constant 0 : i32
      %dma_wait3A_327 = arith.constant 0 : i32
      %dma_wait3A_328 = tpu.memref_slice %arg22[%dma_wait3A_326, %dma_wait3A_327] : memref<50176x16xf32, #tpu.memory_space<vmem_shared>> -> memref<50176x16xf32, #tpu.memory_space<vmem_shared>>
      tpu.wait_indirect_dma semaphore(%arg21 : memref<!tpu.dma_semaphore, #tpu.memory_space<semaphore_mem>>) src(%arg15 : memref<128x16xf32, #tpu.memory_space<vmem>>) dst(%dma_wait3A_328 : memref<50176x16xf32, #tpu.memory_space<vmem_shared>>)
      %dma_wait3A_329 = arith.constant 5 : i32
      %dma_wait3A_330 = arith.constant 0 : i32
      %dma_wait3A_331 = tpu.memref_slice %arg11[%dma_wait3A_329, %dma_wait3A_330] : memref<14x128xi32, #tpu.memory_space<vmem>> -> memref<1x128xi32, #tpu.memory_space<vmem>>
      %dma_wait3A_332 = tpu.memref_squeeze %dma_wait3A_331 : memref<1x128xi32, #tpu.memory_space<vmem>> -> memref<128xi32, #tpu.memory_space<vmem>>
      %dma_wait3A_333 = arith.constant 0 : i32
      %dma_wait3A_334 = arith.constant 0 : i32
      %dma_wait3A_335 = tpu.memref_slice %arg22[%dma_wait3A_333, %dma_wait3A_334] : memref<50176x16xf32, #tpu.memory_space<vmem_shared>> -> memref<50176x16xf32, #tpu.memory_space<vmem_shared>>
      tpu.wait_indirect_dma semaphore(%arg21 : memref<!tpu.dma_semaphore, #tpu.memory_space<semaphore_mem>>) src(%arg15 : memref<128x16xf32, #tpu.memory_space<vmem>>) dst(%dma_wait3A_335 : memref<50176x16xf32, #tpu.memory_space<vmem_shared>>)
      %dma_wait3A_336 = arith.constant 6 : i32
      %dma_wait3A_337 = arith.constant 0 : i32
      %dma_wait3A_338 = tpu.memref_slice %arg11[%dma_wait3A_336, %dma_wait3A_337] : memref<14x128xi32, #tpu.memory_space<vmem>> -> memref<1x128xi32, #tpu.memory_space<vmem>>
      %dma_wait3A_339 = tpu.memref_squeeze %dma_wait3A_338 : memref<1x128xi32, #tpu.memory_space<vmem>> -> memref<128xi32, #tpu.memory_space<vmem>>
      %dma_wait3A_340 = arith.constant 0 : i32
      %dma_wait3A_341 = arith.constant 0 : i32
      %dma_wait3A_342 = tpu.memref_slice %arg22[%dma_wait3A_340, %dma_wait3A_341] : memref<50176x16xf32, #tpu.memory_space<vmem_shared>> -> memref<50176x16xf32, #tpu.memory_space<vmem_shared>>
      tpu.wait_indirect_dma semaphore(%arg21 : memref<!tpu.dma_semaphore, #tpu.memory_space<semaphore_mem>>) src(%arg15 : memref<128x16xf32, #tpu.memory_space<vmem>>) dst(%dma_wait3A_342 : memref<50176x16xf32, #tpu.memory_space<vmem_shared>>)
      %dma_wait3A_343 = arith.constant 7 : i32
      %dma_wait3A_344 = arith.constant 0 : i32
      %dma_wait3A_345 = tpu.memref_slice %arg11[%dma_wait3A_343, %dma_wait3A_344] : memref<14x128xi32, #tpu.memory_space<vmem>> -> memref<1x128xi32, #tpu.memory_space<vmem>>
      %dma_wait3A_346 = tpu.memref_squeeze %dma_wait3A_345 : memref<1x128xi32, #tpu.memory_space<vmem>> -> memref<128xi32, #tpu.memory_space<vmem>>
      %dma_wait3A_347 = arith.constant 0 : i32
      %dma_wait3A_348 = arith.constant 0 : i32
      %dma_wait3A_349 = tpu.memref_slice %arg22[%dma_wait3A_347, %dma_wait3A_348] : memref<50176x16xf32, #tpu.memory_space<vmem_shared>> -> memref<50176x16xf32, #tpu.memory_space<vmem_shared>>
      tpu.wait_indirect_dma semaphore(%arg21 : memref<!tpu.dma_semaphore, #tpu.memory_space<semaphore_mem>>) src(%arg15 : memref<128x16xf32, #tpu.memory_space<vmem>>) dst(%dma_wait3A_349 : memref<50176x16xf32, #tpu.memory_space<vmem_shared>>)
      %dma_wait3A_350 = arith.constant 8 : i32
      %dma_wait3A_351 = arith.constant 0 : i32
      %dma_wait3A_352 = tpu.memref_slice %arg11[%dma_wait3A_350, %dma_wait3A_351] : memref<14x128xi32, #tpu.memory_space<vmem>> -> memref<1x128xi32, #tpu.memory_space<vmem>>
      %dma_wait3A_353 = tpu.memref_squeeze %dma_wait3A_352 : memref<1x128xi32, #tpu.memory_space<vmem>> -> memref<128xi32, #tpu.memory_space<vmem>>
      %dma_wait3A_354 = arith.constant 0 : i32
      %dma_wait3A_355 = arith.constant 0 : i32
      %dma_wait3A_356 = tpu.memref_slice %arg22[%dma_wait3A_354, %dma_wait3A_355] : memref<50176x16xf32, #tpu.memory_space<vmem_shared>> -> memref<50176x16xf32, #tpu.memory_space<vmem_shared>>
      tpu.wait_indirect_dma semaphore(%arg21 : memref<!tpu.dma_semaphore, #tpu.memory_space<semaphore_mem>>) src(%arg15 : memref<128x16xf32, #tpu.memory_space<vmem>>) dst(%dma_wait3A_356 : memref<50176x16xf32, #tpu.memory_space<vmem_shared>>)
      %dma_wait3A_357 = arith.constant 9 : i32
      %dma_wait3A_358 = arith.constant 0 : i32
      %dma_wait3A_359 = tpu.memref_slice %arg11[%dma_wait3A_357, %dma_wait3A_358] : memref<14x128xi32, #tpu.memory_space<vmem>> -> memref<1x128xi32, #tpu.memory_space<vmem>>
      %dma_wait3A_360 = tpu.memref_squeeze %dma_wait3A_359 : memref<1x128xi32, #tpu.memory_space<vmem>> -> memref<128xi32, #tpu.memory_space<vmem>>
      %dma_wait3A_361 = arith.constant 0 : i32
      %dma_wait3A_362 = arith.constant 0 : i32
      %dma_wait3A_363 = tpu.memref_slice %arg22[%dma_wait3A_361, %dma_wait3A_362] : memref<50176x16xf32, #tpu.memory_space<vmem_shared>> -> memref<50176x16xf32, #tpu.memory_space<vmem_shared>>
      tpu.wait_indirect_dma semaphore(%arg21 : memref<!tpu.dma_semaphore, #tpu.memory_space<semaphore_mem>>) src(%arg15 : memref<128x16xf32, #tpu.memory_space<vmem>>) dst(%dma_wait3A_363 : memref<50176x16xf32, #tpu.memory_space<vmem_shared>>)
      %dma_wait3A_364 = arith.constant 10 : i32
      %dma_wait3A_365 = arith.constant 0 : i32
      %dma_wait3A_366 = tpu.memref_slice %arg11[%dma_wait3A_364, %dma_wait3A_365] : memref<14x128xi32, #tpu.memory_space<vmem>> -> memref<1x128xi32, #tpu.memory_space<vmem>>
      %dma_wait3A_367 = tpu.memref_squeeze %dma_wait3A_366 : memref<1x128xi32, #tpu.memory_space<vmem>> -> memref<128xi32, #tpu.memory_space<vmem>>
      %dma_wait3A_368 = arith.constant 0 : i32
      %dma_wait3A_369 = arith.constant 0 : i32
      %dma_wait3A_370 = tpu.memref_slice %arg22[%dma_wait3A_368, %dma_wait3A_369] : memref<50176x16xf32, #tpu.memory_space<vmem_shared>> -> memref<50176x16xf32, #tpu.memory_space<vmem_shared>>
      tpu.wait_indirect_dma semaphore(%arg21 : memref<!tpu.dma_semaphore, #tpu.memory_space<semaphore_mem>>) src(%arg15 : memref<128x16xf32, #tpu.memory_space<vmem>>) dst(%dma_wait3A_370 : memref<50176x16xf32, #tpu.memory_space<vmem_shared>>)
      %dma_wait3A_371 = arith.constant 11 : i32
      %dma_wait3A_372 = arith.constant 0 : i32
      %dma_wait3A_373 = tpu.memref_slice %arg11[%dma_wait3A_371, %dma_wait3A_372] : memref<14x128xi32, #tpu.memory_space<vmem>> -> memref<1x128xi32, #tpu.memory_space<vmem>>
      %dma_wait3A_374 = tpu.memref_squeeze %dma_wait3A_373 : memref<1x128xi32, #tpu.memory_space<vmem>> -> memref<128xi32, #tpu.memory_space<vmem>>
      %dma_wait3A_375 = arith.constant 0 : i32
      %dma_wait3A_376 = arith.constant 0 : i32
      %dma_wait3A_377 = tpu.memref_slice %arg22[%dma_wait3A_375, %dma_wait3A_376] : memref<50176x16xf32, #tpu.memory_space<vmem_shared>> -> memref<50176x16xf32, #tpu.memory_space<vmem_shared>>
      tpu.wait_indirect_dma semaphore(%arg21 : memref<!tpu.dma_semaphore, #tpu.memory_space<semaphore_mem>>) src(%arg15 : memref<128x16xf32, #tpu.memory_space<vmem>>) dst(%dma_wait3A_377 : memref<50176x16xf32, #tpu.memory_space<vmem_shared>>)
      %dma_wait3A_378 = arith.constant 12 : i32
      %dma_wait3A_379 = arith.constant 0 : i32
      %dma_wait3A_380 = tpu.memref_slice %arg11[%dma_wait3A_378, %dma_wait3A_379] : memref<14x128xi32, #tpu.memory_space<vmem>> -> memref<1x128xi32, #tpu.memory_space<vmem>>
      %dma_wait3A_381 = tpu.memref_squeeze %dma_wait3A_380 : memref<1x128xi32, #tpu.memory_space<vmem>> -> memref<128xi32, #tpu.memory_space<vmem>>
      %dma_wait3A_382 = arith.constant 0 : i32
      %dma_wait3A_383 = arith.constant 0 : i32
      %dma_wait3A_384 = tpu.memref_slice %arg22[%dma_wait3A_382, %dma_wait3A_383] : memref<50176x16xf32, #tpu.memory_space<vmem_shared>> -> memref<50176x16xf32, #tpu.memory_space<vmem_shared>>
      tpu.wait_indirect_dma semaphore(%arg21 : memref<!tpu.dma_semaphore, #tpu.memory_space<semaphore_mem>>) src(%arg15 : memref<128x16xf32, #tpu.memory_space<vmem>>) dst(%dma_wait3A_384 : memref<50176x16xf32, #tpu.memory_space<vmem_shared>>)
      %dma_wait3A_385 = arith.constant 13 : i32
      %dma_wait3A_386 = arith.constant 0 : i32
      %dma_wait3A_387 = tpu.memref_slice %arg11[%dma_wait3A_385, %dma_wait3A_386] : memref<14x128xi32, #tpu.memory_space<vmem>> -> memref<1x128xi32, #tpu.memory_space<vmem>>
      %dma_wait3A_388 = tpu.memref_squeeze %dma_wait3A_387 : memref<1x128xi32, #tpu.memory_space<vmem>> -> memref<128xi32, #tpu.memory_space<vmem>>
      %dma_wait3A_389 = arith.constant 0 : i32
      %dma_wait3A_390 = arith.constant 0 : i32
      %dma_wait3A_391 = tpu.memref_slice %arg22[%dma_wait3A_389, %dma_wait3A_390] : memref<50176x16xf32, #tpu.memory_space<vmem_shared>> -> memref<50176x16xf32, #tpu.memory_space<vmem_shared>>
      tpu.wait_indirect_dma semaphore(%arg21 : memref<!tpu.dma_semaphore, #tpu.memory_space<semaphore_mem>>) src(%arg15 : memref<128x16xf32, #tpu.memory_space<vmem>>) dst(%dma_wait3A_391 : memref<50176x16xf32, #tpu.memory_space<vmem_shared>>)
    }
    %scan3A_177 = arith.constant 28 : i32
    %barrier3A_178 = arith.constant 0 : index
    tpu.barrier barrier_id(%barrier3A_178)
    %eq3A = arith.constant 0 : i32
    %eq3A_179 = arith.cmpi eq, %arg0, %eq3A : i32
    %convert_element_type3A = arith.extui %eq3A_179 : i1 to i32
    %cond3A = arith.constant 0 : i32
    %cond3A_180 = arith.cmpi ne, %convert_element_type3A, %cond3A : i32
    scf.if %cond3A_180 {
      "tpu.region"() ({
        %run_scoped3A = tpu.sem_alloc : memref<!tpu.dma_semaphore, #tpu.memory_space<semaphore_mem>>
        %dma_start3A_193 = arith.constant 0 : i32
        %dma_start3A_194 = tpu.memref_slice %arg5[%mul3A_0, %dma_start3A_193] : memref<50176x16xf32, #tpu.memory_space<hbm>> -> memref<3136x16xf32, #tpu.memory_space<hbm>>
        %dma_start3A_195 = arith.constant 0 : i32
        %dma_start3A_196 = tpu.memref_slice %arg22[%mul3A_0, %dma_start3A_195] : memref<50176x16xf32, #tpu.memory_space<vmem_shared>> -> memref<3136x16xf32, #tpu.memory_space<vmem_shared>>
        tpu.enqueue_dma source(%dma_start3A_196 : memref<3136x16xf32, #tpu.memory_space<vmem_shared>>) target(%dma_start3A_194 : memref<3136x16xf32, #tpu.memory_space<hbm>>) target_semaphore(%run_scoped3A : memref<!tpu.dma_semaphore, #tpu.memory_space<semaphore_mem>>)
        %dma_wait3A_197 = arith.constant 0 : i32
        %dma_wait3A_198 = tpu.memref_slice %arg5[%mul3A_0, %dma_wait3A_197] : memref<50176x16xf32, #tpu.memory_space<hbm>> -> memref<3136x16xf32, #tpu.memory_space<hbm>>
        %dma_wait3A_199 = arith.constant 0 : i32
        %dma_wait3A_200 = tpu.memref_slice %arg22[%mul3A_0, %dma_wait3A_199] : memref<50176x16xf32, #tpu.memory_space<vmem_shared>> -> memref<3136x16xf32, #tpu.memory_space<vmem_shared>>
        tpu.wait_dma2 semaphore(%run_scoped3A : memref<!tpu.dma_semaphore, #tpu.memory_space<semaphore_mem>>) src(%dma_wait3A_200 : memref<3136x16xf32, #tpu.memory_space<vmem_shared>>) dst(%dma_wait3A_198 : memref<3136x16xf32, #tpu.memory_space<hbm>>)
        tpu.yield
      }) : () -> ()
    } else {
    }
    %scan3A_181 = arith.constant 0 : i32
    %scan3A_182 = arith.constant 0 : i32
    %scan3A_183 = arith.constant 2 : i32
    %scan3A_184 = arith.addi %scan3A_182, %scan3A_183 : i32
    %scan3A_185 = arith.constant 1 : i32
    scf.for %scan3A_193 = %scan3A_182 to %scan3A_184 step %scan3A_185  : i32 {
      %mul3A_194 = arith.constant 2 : i32
      %mul3A_195 = arith.muli %mul3A_194, %scan3A_193 : i32
      %add3A_196 = arith.addi %arg0, %mul3A_195 : i32
      %scan3A_197 = arith.constant 0 : i32
      %scan3A_198 = arith.constant 0 : i32
      %scan3A_199 = arith.constant 16 : i32
      %scan3A_200 = arith.addi %scan3A_198, %scan3A_199 : i32
      %scan3A_201 = arith.constant 1 : i32
      scf.for %scan3A_203 = %scan3A_198 to %scan3A_200 step %scan3A_201  : i32 {
        %mul3A_204 = arith.constant 196 : i32
        %mul3A_205 = arith.muli %scan3A_203, %mul3A_204 : i32
        %add3A_206 = arith.addi %mul3A_0, %mul3A_205 : i32
        "tpu.region"() ({
          %run_scoped3A = tpu.sem_alloc : memref<!tpu.dma_semaphore, #tpu.memory_space<semaphore_mem>>
          %dma_start3A_220 = arith.constant 0 : i32
          %dma_start3A_221 = tpu.memref_slice %arg22[%add3A_206, %dma_start3A_220] : memref<50176x16xf32, #tpu.memory_space<vmem_shared>> -> memref<196x16xf32, #tpu.memory_space<vmem_shared>>
          %dma_start3A_222 = arith.constant 0 : i32
          %dma_start3A_223 = tpu.memref_slice %arg22[%add3A_206, %dma_start3A_222] : memref<50176x16xf32, #tpu.memory_space<vmem_shared>> -> memref<196x16xf32, #tpu.memory_space<vmem_shared>>
          tpu.enqueue_dma source(%dma_start3A_223 : memref<196x16xf32, #tpu.memory_space<vmem_shared>>) target(%arg17 : memref<196x16xf32, #tpu.memory_space<vmem>>) target_semaphore(%run_scoped3A : memref<!tpu.dma_semaphore, #tpu.memory_space<semaphore_mem>>)
          %dma_wait3A_224 = arith.constant 0 : i32
          %dma_wait3A_225 = tpu.memref_slice %arg22[%add3A_206, %dma_wait3A_224] : memref<50176x16xf32, #tpu.memory_space<vmem_shared>> -> memref<196x16xf32, #tpu.memory_space<vmem_shared>>
          %dma_wait3A_226 = arith.constant 0 : i32
          %dma_wait3A_227 = tpu.memref_slice %arg22[%add3A_206, %dma_wait3A_226] : memref<50176x16xf32, #tpu.memory_space<vmem_shared>> -> memref<196x16xf32, #tpu.memory_space<vmem_shared>>
          tpu.wait_dma2 semaphore(%run_scoped3A : memref<!tpu.dma_semaphore, #tpu.memory_space<semaphore_mem>>) src(%dma_wait3A_227 : memref<196x16xf32, #tpu.memory_space<vmem_shared>>) dst(%arg17 : memref<196x16xf32, #tpu.memory_space<vmem>>)
          tpu.yield
        }) : () -> ()
        %add3A_207 = arith.addi %mul3A_0, %mul3A_205 : i32
        "tpu.region"() ({
          %run_scoped3A = tpu.sem_alloc : memref<!tpu.dma_semaphore, #tpu.memory_space<semaphore_mem>>
          %dma_start3A_220 = arith.constant 0 : i32
          %dma_start3A_221 = tpu.memref_slice %arg2[%add3A_196, %add3A_207, %dma_start3A_220] : memref<4x50176x16xf32, #tpu.memory_space<hbm>> -> memref<1x196x16xf32, #tpu.memory_space<hbm>>
          %dma_start3A_222 = tpu.memref_squeeze %dma_start3A_221 : memref<1x196x16xf32, #tpu.memory_space<hbm>> -> memref<196x16xf32, #tpu.memory_space<hbm>>
          %dma_start3A_223 = arith.constant 0 : i32
          %dma_start3A_224 = tpu.memref_slice %arg2[%add3A_196, %add3A_207, %dma_start3A_223] : memref<4x50176x16xf32, #tpu.memory_space<hbm>> -> memref<1x196x16xf32, #tpu.memory_space<hbm>>
          %dma_start3A_225 = tpu.memref_squeeze %dma_start3A_224 : memref<1x196x16xf32, #tpu.memory_space<hbm>> -> memref<196x16xf32, #tpu.memory_space<hbm>>
          tpu.enqueue_dma source(%dma_start3A_225 : memref<196x16xf32, #tpu.memory_space<hbm>>) target(%arg18 : memref<196x16xf32, #tpu.memory_space<vmem>>) target_semaphore(%run_scoped3A : memref<!tpu.dma_semaphore, #tpu.memory_space<semaphore_mem>>)
          %dma_wait3A_226 = arith.constant 0 : i32
          %dma_wait3A_227 = tpu.memref_slice %arg2[%add3A_196, %add3A_207, %dma_wait3A_226] : memref<4x50176x16xf32, #tpu.memory_space<hbm>> -> memref<1x196x16xf32, #tpu.memory_space<hbm>>
          %dma_wait3A_228 = tpu.memref_squeeze %dma_wait3A_227 : memref<1x196x16xf32, #tpu.memory_space<hbm>> -> memref<196x16xf32, #tpu.memory_space<hbm>>
          %dma_wait3A_229 = arith.constant 0 : i32
          %dma_wait3A_230 = tpu.memref_slice %arg2[%add3A_196, %add3A_207, %dma_wait3A_229] : memref<4x50176x16xf32, #tpu.memory_space<hbm>> -> memref<1x196x16xf32, #tpu.memory_space<hbm>>
          %dma_wait3A_231 = tpu.memref_squeeze %dma_wait3A_230 : memref<1x196x16xf32, #tpu.memory_space<hbm>> -> memref<196x16xf32, #tpu.memory_space<hbm>>
          tpu.wait_dma2 semaphore(%run_scoped3A : memref<!tpu.dma_semaphore, #tpu.memory_space<semaphore_mem>>) src(%dma_wait3A_231 : memref<196x16xf32, #tpu.memory_space<hbm>>) dst(%arg18 : memref<196x16xf32, #tpu.memory_space<vmem>>)
          tpu.yield
        }) : () -> ()
        %scan3A_208 = arith.constant 0 : i32
        %scan3A_209 = arith.constant 0 : i32
        %scan3A_210 = arith.constant 196 : i32
        %scan3A_211 = arith.addi %scan3A_209, %scan3A_210 : i32
        %scan3A_212 = arith.constant 1 : i32
        scf.for %scan3A_220 = %scan3A_209 to %scan3A_211 step %scan3A_212  : i32 {
          %get3A = arith.index_cast %scan3A_220 : i32 to index
          %get3A_221 = arith.constant 0 : index
          %get3A_222 = tpu.vector_load %arg17[%get3A, %get3A_221] {strides = array<i32>} : memref<196x16xf32, #tpu.memory_space<vmem>>, vector<1x16xf32>,
          %get3A_223 = vector.shape_cast %get3A_222 : vector<1x16xf32> to vector<16xf32>
          %gt3A = arith.constant 0.000000e+00 : f32
          %gt3A_224 = vector.broadcast %gt3A : f32 to vector<16xf32>
          %gt3A_225 = arith.cmpf ogt, %get3A_223, %gt3A_224 : vector<16xf32>
          %max3A = arith.constant 1.000000e+00 : f32
          %max3A_226 = vector.broadcast %max3A : f32 to vector<16xf32>
          %max3A_227 = arith.maximumf %get3A_223, %max3A_226 : vector<16xf32>
          %bitcast_convert_type3A = tpu.bitcast %max3A_227 : vector<16xf32> -> vector<16xi32>
          %shift_right_logical3A = arith.constant 1 : i32
          %shift_right_logical3A_228 = vector.broadcast %shift_right_logical3A : i32 to vector<16xi32>
          %shift_right_logical3A_229 = arith.shrui %bitcast_convert_type3A, %shift_right_logical3A_228 : vector<16xi32>
          %sub3A = arith.constant 1597463007 : i32
          %sub3A_230 = vector.broadcast %sub3A : i32 to vector<16xi32>
          %sub3A_231 = arith.subi %sub3A_230, %shift_right_logical3A_229 : vector<16xi32>
          %bitcast_convert_type3A_232 = tpu.bitcast %sub3A_231 : vector<16xi32> -> vector<16xf32>
          %mul3A_233 = arith.constant 5.000000e-01 : f32
          %mul3A_234 = vector.broadcast %mul3A_233 : f32 to vector<16xf32>
          %mul3A_235 = arith.mulf %mul3A_234, %max3A_227 : vector<16xf32>
          %mul3A_236 = arith.mulf %mul3A_235, %bitcast_convert_type3A_232 : vector<16xf32>
          %mul3A_237 = arith.mulf %mul3A_236, %bitcast_convert_type3A_232 : vector<16xf32>
          %sub3A_238 = arith.constant 1.500000e+00 : f32
          %sub3A_239 = vector.broadcast %sub3A_238 : f32 to vector<16xf32>
          %sub3A_240 = arith.subf %sub3A_239, %mul3A_237 : vector<16xf32>
          %mul3A_241 = arith.mulf %bitcast_convert_type3A_232, %sub3A_240 : vector<16xf32>
          %mul3A_242 = arith.constant 5.000000e-01 : f32
          %mul3A_243 = vector.broadcast %mul3A_242 : f32 to vector<16xf32>
          %mul3A_244 = arith.mulf %mul3A_243, %max3A_227 : vector<16xf32>
          %mul3A_245 = arith.mulf %mul3A_244, %mul3A_241 : vector<16xf32>
          %mul3A_246 = arith.mulf %mul3A_245, %mul3A_241 : vector<16xf32>
          %sub3A_247 = arith.constant 1.500000e+00 : f32
          %sub3A_248 = vector.broadcast %sub3A_247 : f32 to vector<16xf32>
          %sub3A_249 = arith.subf %sub3A_248, %mul3A_246 : vector<16xf32>
          %mul3A_250 = arith.mulf %mul3A_241, %sub3A_249 : vector<16xf32>
          %mul3A_251 = arith.constant 5.000000e-01 : f32
          %mul3A_252 = vector.broadcast %mul3A_251 : f32 to vector<16xf32>
          %mul3A_253 = arith.mulf %mul3A_252, %max3A_227 : vector<16xf32>
          %mul3A_254 = arith.mulf %mul3A_253, %mul3A_250 : vector<16xf32>
          %mul3A_255 = arith.mulf %mul3A_254, %mul3A_250 : vector<16xf32>
          %sub3A_256 = arith.constant 1.500000e+00 : f32
          %sub3A_257 = vector.broadcast %sub3A_256 : f32 to vector<16xf32>
          %sub3A_258 = arith.subf %sub3A_257, %mul3A_255 : vector<16xf32>
          %mul3A_259 = arith.mulf %mul3A_250, %sub3A_258 : vector<16xf32>
          %jit3A = arith.constant 0.000000e+00 : f32
          %broadcast_in_dim3A_260 = vector.broadcast %jit3A : f32 to vector<16xf32>
          %select_n3A = arith.select %gt3A_225, %mul3A_259, %broadcast_in_dim3A_260 : vector<16xi1>, vector<16xf32>
          %mul3A_261 = arith.mulf %select_n3A, %select_n3A : vector<16xf32>
          %swap3A = arith.index_cast %scan3A_220 : i32 to index
          %swap3A_262 = arith.constant 0 : index
          %swap3A_263 = tpu.vector_load %arg19[%swap3A, %swap3A_262] {strides = array<i32>} : memref<196x16xf32, #tpu.memory_space<vmem>>, vector<1x16xf32>,
          %swap3A_264 = vector.shape_cast %swap3A_263 : vector<1x16xf32> to vector<16xf32>
          %swap3A_265 = vector.shape_cast %mul3A_261 : vector<16xf32> to vector<1x16xf32>
          tpu.vector_store %arg19[%swap3A, %swap3A_262], %swap3A_265 {strides = array<i32>} : memref<196x16xf32, #tpu.memory_space<vmem>>, vector<1x16xf32>,
          %get3A_266 = arith.index_cast %scan3A_220 : i32 to index
          %get3A_267 = arith.constant 0 : index
          %get3A_268 = tpu.vector_load %arg18[%get3A_266, %get3A_267] {strides = array<i32>} : memref<196x16xf32, #tpu.memory_space<vmem>>, vector<1x16xf32>,
          %get3A_269 = vector.shape_cast %get3A_268 : vector<1x16xf32> to vector<16xf32>
          %mul3A_270 = arith.mulf %select_n3A, %get3A_269 : vector<16xf32>
          %swap3A_271 = arith.index_cast %scan3A_220 : i32 to index
          %swap3A_272 = arith.constant 0 : index
          %swap3A_273 = tpu.vector_load %arg18[%swap3A_271, %swap3A_272] {strides = array<i32>} : memref<196x16xf32, #tpu.memory_space<vmem>>, vector<1x16xf32>,
          %swap3A_274 = vector.shape_cast %swap3A_273 : vector<1x16xf32> to vector<16xf32>
          %swap3A_275 = vector.shape_cast %mul3A_270 : vector<16xf32> to vector<1x16xf32>
          tpu.vector_store %arg18[%swap3A_271, %swap3A_272], %swap3A_275 {strides = array<i32>} : memref<196x16xf32, #tpu.memory_space<vmem>>, vector<1x16xf32>,
        }
        %scan3A_213 = arith.constant 196 : i32
        %eq3A_214 = arith.constant 0 : i32
        %eq3A_215 = arith.cmpi eq, %scan3A_193, %eq3A_214 : i32
        %convert_element_type3A_216 = arith.extui %eq3A_215 : i1 to i32
        %cond3A_217 = arith.constant 0 : i32
        %cond3A_218 = arith.cmpi ne, %convert_element_type3A_216, %cond3A_217 : i32
        scf.if %cond3A_218 {
          %add3A_220 = arith.addi %mul3A_0, %mul3A_205 : i32
          "tpu.region"() ({
            %run_scoped3A = tpu.sem_alloc : memref<!tpu.dma_semaphore, #tpu.memory_space<semaphore_mem>>
            %dma_start3A_221 = arith.constant 0 : i32
            %dma_start3A_222 = tpu.memref_slice %arg8[%arg0, %add3A_220, %dma_start3A_221] : memref<2x50176x16xf32, #tpu.memory_space<hbm>> -> memref<1x196x16xf32, #tpu.memory_space<hbm>>
            %dma_start3A_223 = tpu.memref_squeeze %dma_start3A_222 : memref<1x196x16xf32, #tpu.memory_space<hbm>> -> memref<196x16xf32, #tpu.memory_space<hbm>>
            %dma_start3A_224 = arith.constant 0 : i32
            %dma_start3A_225 = tpu.memref_slice %arg8[%arg0, %add3A_220, %dma_start3A_224] : memref<2x50176x16xf32, #tpu.memory_space<hbm>> -> memref<1x196x16xf32, #tpu.memory_space<hbm>>
            %dma_start3A_226 = tpu.memref_squeeze %dma_start3A_225 : memref<1x196x16xf32, #tpu.memory_space<hbm>> -> memref<196x16xf32, #tpu.memory_space<hbm>>
            tpu.enqueue_dma source(%arg19 : memref<196x16xf32, #tpu.memory_space<vmem>>) target(%dma_start3A_226 : memref<196x16xf32, #tpu.memory_space<hbm>>) target_semaphore(%run_scoped3A : memref<!tpu.dma_semaphore, #tpu.memory_space<semaphore_mem>>)
            %dma_wait3A_227 = arith.constant 0 : i32
            %dma_wait3A_228 = tpu.memref_slice %arg8[%arg0, %add3A_220, %dma_wait3A_227] : memref<2x50176x16xf32, #tpu.memory_space<hbm>> -> memref<1x196x16xf32, #tpu.memory_space<hbm>>
            %dma_wait3A_229 = tpu.memref_squeeze %dma_wait3A_228 : memref<1x196x16xf32, #tpu.memory_space<hbm>> -> memref<196x16xf32, #tpu.memory_space<hbm>>
            %dma_wait3A_230 = arith.constant 0 : i32
            %dma_wait3A_231 = tpu.memref_slice %arg8[%arg0, %add3A_220, %dma_wait3A_230] : memref<2x50176x16xf32, #tpu.memory_space<hbm>> -> memref<1x196x16xf32, #tpu.memory_space<hbm>>
            %dma_wait3A_232 = tpu.memref_squeeze %dma_wait3A_231 : memref<1x196x16xf32, #tpu.memory_space<hbm>> -> memref<196x16xf32, #tpu.memory_space<hbm>>
            tpu.wait_dma2 semaphore(%run_scoped3A : memref<!tpu.dma_semaphore, #tpu.memory_space<semaphore_mem>>) src(%arg19 : memref<196x16xf32, #tpu.memory_space<vmem>>) dst(%dma_wait3A_232 : memref<196x16xf32, #tpu.memory_space<hbm>>)
            tpu.yield
          }) : () -> ()
        } else {
        }
        %add3A_219 = arith.addi %mul3A_0, %mul3A_205 : i32
        "tpu.region"() ({
          %run_scoped3A = tpu.sem_alloc : memref<!tpu.dma_semaphore, #tpu.memory_space<semaphore_mem>>
          %dma_start3A_220 = arith.constant 0 : i32
          %dma_start3A_221 = tpu.memref_slice %arg7[%add3A_196, %add3A_219, %dma_start3A_220] : memref<4x50176x16xf32, #tpu.memory_space<hbm>> -> memref<1x196x16xf32, #tpu.memory_space<hbm>>
          %dma_start3A_222 = tpu.memref_squeeze %dma_start3A_221 : memref<1x196x16xf32, #tpu.memory_space<hbm>> -> memref<196x16xf32, #tpu.memory_space<hbm>>
          %dma_start3A_223 = arith.constant 0 : i32
          %dma_start3A_224 = tpu.memref_slice %arg7[%add3A_196, %add3A_219, %dma_start3A_223] : memref<4x50176x16xf32, #tpu.memory_space<hbm>> -> memref<1x196x16xf32, #tpu.memory_space<hbm>>
          %dma_start3A_225 = tpu.memref_squeeze %dma_start3A_224 : memref<1x196x16xf32, #tpu.memory_space<hbm>> -> memref<196x16xf32, #tpu.memory_space<hbm>>
          tpu.enqueue_dma source(%arg18 : memref<196x16xf32, #tpu.memory_space<vmem>>) target(%dma_start3A_225 : memref<196x16xf32, #tpu.memory_space<hbm>>) target_semaphore(%run_scoped3A : memref<!tpu.dma_semaphore, #tpu.memory_space<semaphore_mem>>)
          %dma_wait3A_226 = arith.constant 0 : i32
          %dma_wait3A_227 = tpu.memref_slice %arg7[%add3A_196, %add3A_219, %dma_wait3A_226] : memref<4x50176x16xf32, #tpu.memory_space<hbm>> -> memref<1x196x16xf32, #tpu.memory_space<hbm>>
          %dma_wait3A_228 = tpu.memref_squeeze %dma_wait3A_227 : memref<1x196x16xf32, #tpu.memory_space<hbm>> -> memref<196x16xf32, #tpu.memory_space<hbm>>
          %dma_wait3A_229 = arith.constant 0 : i32
          %dma_wait3A_230 = tpu.memref_slice %arg7[%add3A_196, %add3A_219, %dma_wait3A_229] : memref<4x50176x16xf32, #tpu.memory_space<hbm>> -> memref<1x196x16xf32, #tpu.memory_space<hbm>>
          %dma_wait3A_231 = tpu.memref_squeeze %dma_wait3A_230 : memref<1x196x16xf32, #tpu.memory_space<hbm>> -> memref<196x16xf32, #tpu.memory_space<hbm>>
          tpu.wait_dma2 semaphore(%run_scoped3A : memref<!tpu.dma_semaphore, #tpu.memory_space<semaphore_mem>>) src(%arg18 : memref<196x16xf32, #tpu.memory_space<vmem>>) dst(%dma_wait3A_231 : memref<196x16xf32, #tpu.memory_space<hbm>>)
          tpu.yield
        }) : () -> ()
      }
      %scan3A_202 = arith.constant 16 : i32
    }
    %scan3A_186 = arith.constant 2 : i32
    %scan3A_187 = arith.constant 0 : i32
    %scan3A_188 = arith.constant 0 : i32
    %scan3A_189 = arith.constant 6 : i32
    %scan3A_190 = arith.addi %scan3A_188, %scan3A_189 : i32
    %scan3A_191 = arith.constant 1 : i32
    scf.for %scan3A_193 = %scan3A_188 to %scan3A_190 step %scan3A_191  : i32 {
      %jit3A = arith.constant 2 : i32
      %eq3A_194 = arith.constant 0 : i32
      %eq3A_195 = arith.cmpi eq, %jit3A, %eq3A_194 : i32
      %jit3A_196 = arith.constant 1 : i32
      %select_n3A = arith.select %eq3A_195, %jit3A_196, %jit3A : i32
      %rem3A = arith.remsi %scan3A_193, %select_n3A : i32
      %ne3A = arith.constant 0 : i32
      %ne3A_197 = arith.cmpi ne, %rem3A, %ne3A : i32
      %lt3A = arith.constant 0 : i32
      %lt3A_198 = arith.cmpi slt, %rem3A, %lt3A : i32
      %lt3A_199 = arith.constant 0 : i32
      %lt3A_200 = arith.cmpi slt, %select_n3A, %lt3A_199 : i32
      %ne3A_201 = arith.xori %lt3A_198, %lt3A_200 : i1
      %and3A = arith.andi %ne3A_201, %ne3A_197 : i1
      %add3A_202 = arith.addi %rem3A, %select_n3A : i32
      %select_n3A_203 = arith.select %and3A, %add3A_202, %rem3A : i32
      %mul3A_204 = arith.constant 2 : i32
      %mul3A_205 = arith.muli %mul3A_204, %select_n3A_203 : i32
      %add3A_206 = arith.addi %arg0, %mul3A_205 : i32
      %jit3A_207 = arith.constant 2 : i32
      %div3A = arith.divsi %scan3A_193, %jit3A_207 : i32
      %sign3A = arith.constant 0 : i32
      %sign3A_208 = arith.cmpi sgt, %scan3A_193, %sign3A : i32
      %sign3A_209 = arith.extui %sign3A_208 : i1 to i32
      %sign3A_210 = arith.constant 0 : i32
      %sign3A_211 = arith.cmpi slt, %scan3A_193, %sign3A_210 : i32
      %sign3A_212 = arith.extui %sign3A_211 : i1 to i32
      %sign3A_213 = arith.subi %sign3A_209, %sign3A_212 : i32
      %sign3A_214 = arith.constant 0 : i32
      %sign3A_215 = arith.cmpi sgt, %jit3A_207, %sign3A_214 : i32
      %sign3A_216 = arith.extui %sign3A_215 : i1 to i32
      %sign3A_217 = arith.constant 0 : i32
      %sign3A_218 = arith.cmpi slt, %jit3A_207, %sign3A_217 : i32
      %sign3A_219 = arith.extui %sign3A_218 : i1 to i32
      %sign3A_220 = arith.subi %sign3A_216, %sign3A_219 : i32
      %ne3A_221 = arith.cmpi ne, %sign3A_213, %sign3A_220 : i32
      %rem3A_222 = arith.remsi %scan3A_193, %jit3A_207 : i32
      %ne3A_223 = arith.constant 0 : i32
      %ne3A_224 = arith.cmpi ne, %rem3A_222, %ne3A_223 : i32
      %and3A_225 = arith.andi %ne3A_221, %ne3A_224 : i1
      %sub3A = arith.constant 1 : i32
      %sub3A_226 = arith.subi %div3A, %sub3A : i32
      %select_n3A_227 = arith.select %and3A_225, %sub3A_226, %div3A : i32
      %mul3A_228 = arith.constant 4 : i32
      %mul3A_229 = arith.muli %select_n3A_227, %mul3A_228 : i32
      %mul3A_230 = arith.constant 2 : i32
      %mul3A_231 = arith.muli %mul3A_230, %select_n3A_203 : i32
      %add3A_232 = arith.addi %mul3A_229, %mul3A_231 : i32
      %add3A_233 = arith.addi %add3A_232, %arg0 : i32
      %add3A_234 = arith.constant 0 : i32
      %add3A_235 = arith.addi %mul3A_0, %add3A_234 : i32
      %dma_start3A_236 = arith.constant 0 : i32
      %dma_start3A_237 = tpu.memref_slice %arg22[%add3A_235, %dma_start3A_236] : memref<50176x16xf32, #tpu.memory_space<vmem_shared>> -> memref<196x16xf32, #tpu.memory_space<vmem_shared>>
      %dma_start3A_238 = arith.constant 0 : i32
      %dma_start3A_239 = tpu.memref_slice %arg22[%add3A_235, %dma_start3A_238] : memref<50176x16xf32, #tpu.memory_space<vmem_shared>> -> memref<196x16xf32, #tpu.memory_space<vmem_shared>>
      tpu.enqueue_dma source(%arg16 : memref<196x16xf32, #tpu.memory_space<vmem>>) target(%dma_start3A_239 : memref<196x16xf32, #tpu.memory_space<vmem_shared>>) target_semaphore(%arg20 : memref<!tpu.dma_semaphore, #tpu.memory_space<semaphore_mem>>)
      %add3A_240 = arith.constant 196 : i32
      %add3A_241 = arith.addi %mul3A_0, %add3A_240 : i32
      %dma_start3A_242 = arith.constant 0 : i32
      %dma_start3A_243 = tpu.memref_slice %arg22[%add3A_241, %dma_start3A_242] : memref<50176x16xf32, #tpu.memory_space<vmem_shared>> -> memref<196x16xf32, #tpu.memory_space<vmem_shared>>
      %dma_start3A_244 = arith.constant 0 : i32
      %dma_start3A_245 = tpu.memref_slice %arg22[%add3A_241, %dma_start3A_244] : memref<50176x16xf32, #tpu.memory_space<vmem_shared>> -> memref<196x16xf32, #tpu.memory_space<vmem_shared>>
      tpu.enqueue_dma source(%arg16 : memref<196x16xf32, #tpu.memory_space<vmem>>) target(%dma_start3A_245 : memref<196x16xf32, #tpu.memory_space<vmem_shared>>) target_semaphore(%arg20 : memref<!tpu.dma_semaphore, #tpu.memory_space<semaphore_mem>>)
      %add3A_246 = arith.constant 392 : i32
      %add3A_247 = arith.addi %mul3A_0, %add3A_246 : i32
      %dma_start3A_248 = arith.constant 0 : i32
      %dma_start3A_249 = tpu.memref_slice %arg22[%add3A_247, %dma_start3A_248] : memref<50176x16xf32, #tpu.memory_space<vmem_shared>> -> memref<196x16xf32, #tpu.memory_space<vmem_shared>>
      %dma_start3A_250 = arith.constant 0 : i32
      %dma_start3A_251 = tpu.memref_slice %arg22[%add3A_247, %dma_start3A_250] : memref<50176x16xf32, #tpu.memory_space<vmem_shared>> -> memref<196x16xf32, #tpu.memory_space<vmem_shared>>
      tpu.enqueue_dma source(%arg16 : memref<196x16xf32, #tpu.memory_space<vmem>>) target(%dma_start3A_251 : memref<196x16xf32, #tpu.memory_space<vmem_shared>>) target_semaphore(%arg20 : memref<!tpu.dma_semaphore, #tpu.memory_space<semaphore_mem>>)
      %add3A_252 = arith.constant 588 : i32
      %add3A_253 = arith.addi %mul3A_0, %add3A_252 : i32
      %dma_start3A_254 = arith.constant 0 : i32
      %dma_start3A_255 = tpu.memref_slice %arg22[%add3A_253, %dma_start3A_254] : memref<50176x16xf32, #tpu.memory_space<vmem_shared>> -> memref<196x16xf32, #tpu.memory_space<vmem_shared>>
      %dma_start3A_256 = arith.constant 0 : i32
      %dma_start3A_257 = tpu.memref_slice %arg22[%add3A_253, %dma_start3A_256] : memref<50176x16xf32, #tpu.memory_space<vmem_shared>> -> memref<196x16xf32, #tpu.memory_space<vmem_shared>>
      tpu.enqueue_dma source(%arg16 : memref<196x16xf32, #tpu.memory_space<vmem>>) target(%dma_start3A_257 : memref<196x16xf32, #tpu.memory_space<vmem_shared>>) target_semaphore(%arg20 : memref<!tpu.dma_semaphore, #tpu.memory_space<semaphore_mem>>)
      %add3A_258 = arith.constant 784 : i32
      %add3A_259 = arith.addi %mul3A_0, %add3A_258 : i32
      %dma_start3A_260 = arith.constant 0 : i32
      %dma_start3A_261 = tpu.memref_slice %arg22[%add3A_259, %dma_start3A_260] : memref<50176x16xf32, #tpu.memory_space<vmem_shared>> -> memref<196x16xf32, #tpu.memory_space<vmem_shared>>
      %dma_start3A_262 = arith.constant 0 : i32
      %dma_start3A_263 = tpu.memref_slice %arg22[%add3A_259, %dma_start3A_262] : memref<50176x16xf32, #tpu.memory_space<vmem_shared>> -> memref<196x16xf32, #tpu.memory_space<vmem_shared>>
      tpu.enqueue_dma source(%arg16 : memref<196x16xf32, #tpu.memory_space<vmem>>) target(%dma_start3A_263 : memref<196x16xf32, #tpu.memory_space<vmem_shared>>) target_semaphore(%arg20 : memref<!tpu.dma_semaphore, #tpu.memory_space<semaphore_mem>>)
      %add3A_264 = arith.constant 980 : i32
      %add3A_265 = arith.addi %mul3A_0, %add3A_264 : i32
      %dma_start3A_266 = arith.constant 0 : i32
      %dma_start3A_267 = tpu.memref_slice %arg22[%add3A_265, %dma_start3A_266] : memref<50176x16xf32, #tpu.memory_space<vmem_shared>> -> memref<196x16xf32, #tpu.memory_space<vmem_shared>>
      %dma_start3A_268 = arith.constant 0 : i32
      %dma_start3A_269 = tpu.memref_slice %arg22[%add3A_265, %dma_start3A_268] : memref<50176x16xf32, #tpu.memory_space<vmem_shared>> -> memref<196x16xf32, #tpu.memory_space<vmem_shared>>
      tpu.enqueue_dma source(%arg16 : memref<196x16xf32, #tpu.memory_space<vmem>>) target(%dma_start3A_269 : memref<196x16xf32, #tpu.memory_space<vmem_shared>>) target_semaphore(%arg20 : memref<!tpu.dma_semaphore, #tpu.memory_space<semaphore_mem>>)
      %add3A_270 = arith.constant 1176 : i32
      %add3A_271 = arith.addi %mul3A_0, %add3A_270 : i32
      %dma_start3A_272 = arith.constant 0 : i32
      %dma_start3A_273 = tpu.memref_slice %arg22[%add3A_271, %dma_start3A_272] : memref<50176x16xf32, #tpu.memory_space<vmem_shared>> -> memref<196x16xf32, #tpu.memory_space<vmem_shared>>
      %dma_start3A_274 = arith.constant 0 : i32
      %dma_start3A_275 = tpu.memref_slice %arg22[%add3A_271, %dma_start3A_274] : memref<50176x16xf32, #tpu.memory_space<vmem_shared>> -> memref<196x16xf32, #tpu.memory_space<vmem_shared>>
      tpu.enqueue_dma source(%arg16 : memref<196x16xf32, #tpu.memory_space<vmem>>) target(%dma_start3A_275 : memref<196x16xf32, #tpu.memory_space<vmem_shared>>) target_semaphore(%arg20 : memref<!tpu.dma_semaphore, #tpu.memory_space<semaphore_mem>>)
      %add3A_276 = arith.constant 1372 : i32
      %add3A_277 = arith.addi %mul3A_0, %add3A_276 : i32
      %dma_start3A_278 = arith.constant 0 : i32
      %dma_start3A_279 = tpu.memref_slice %arg22[%add3A_277, %dma_start3A_278] : memref<50176x16xf32, #tpu.memory_space<vmem_shared>> -> memref<196x16xf32, #tpu.memory_space<vmem_shared>>
      %dma_start3A_280 = arith.constant 0 : i32
      %dma_start3A_281 = tpu.memref_slice %arg22[%add3A_277, %dma_start3A_280] : memref<50176x16xf32, #tpu.memory_space<vmem_shared>> -> memref<196x16xf32, #tpu.memory_space<vmem_shared>>
      tpu.enqueue_dma source(%arg16 : memref<196x16xf32, #tpu.memory_space<vmem>>) target(%dma_start3A_281 : memref<196x16xf32, #tpu.memory_space<vmem_shared>>) target_semaphore(%arg20 : memref<!tpu.dma_semaphore, #tpu.memory_space<semaphore_mem>>)
      %add3A_282 = arith.constant 1568 : i32
      %add3A_283 = arith.addi %mul3A_0, %add3A_282 : i32
      %dma_start3A_284 = arith.constant 0 : i32
      %dma_start3A_285 = tpu.memref_slice %arg22[%add3A_283, %dma_start3A_284] : memref<50176x16xf32, #tpu.memory_space<vmem_shared>> -> memref<196x16xf32, #tpu.memory_space<vmem_shared>>
      %dma_start3A_286 = arith.constant 0 : i32
      %dma_start3A_287 = tpu.memref_slice %arg22[%add3A_283, %dma_start3A_286] : memref<50176x16xf32, #tpu.memory_space<vmem_shared>> -> memref<196x16xf32, #tpu.memory_space<vmem_shared>>
      tpu.enqueue_dma source(%arg16 : memref<196x16xf32, #tpu.memory_space<vmem>>) target(%dma_start3A_287 : memref<196x16xf32, #tpu.memory_space<vmem_shared>>) target_semaphore(%arg20 : memref<!tpu.dma_semaphore, #tpu.memory_space<semaphore_mem>>)
      %add3A_288 = arith.constant 1764 : i32
      %add3A_289 = arith.addi %mul3A_0, %add3A_288 : i32
      %dma_start3A_290 = arith.constant 0 : i32
      %dma_start3A_291 = tpu.memref_slice %arg22[%add3A_289, %dma_start3A_290] : memref<50176x16xf32, #tpu.memory_space<vmem_shared>> -> memref<196x16xf32, #tpu.memory_space<vmem_shared>>
      %dma_start3A_292 = arith.constant 0 : i32
      %dma_start3A_293 = tpu.memref_slice %arg22[%add3A_289, %dma_start3A_292] : memref<50176x16xf32, #tpu.memory_space<vmem_shared>> -> memref<196x16xf32, #tpu.memory_space<vmem_shared>>
      tpu.enqueue_dma source(%arg16 : memref<196x16xf32, #tpu.memory_space<vmem>>) target(%dma_start3A_293 : memref<196x16xf32, #tpu.memory_space<vmem_shared>>) target_semaphore(%arg20 : memref<!tpu.dma_semaphore, #tpu.memory_space<semaphore_mem>>)
      %add3A_294 = arith.constant 1960 : i32
      %add3A_295 = arith.addi %mul3A_0, %add3A_294 : i32
      %dma_start3A_296 = arith.constant 0 : i32
      %dma_start3A_297 = tpu.memref_slice %arg22[%add3A_295, %dma_start3A_296] : memref<50176x16xf32, #tpu.memory_space<vmem_shared>> -> memref<196x16xf32, #tpu.memory_space<vmem_shared>>
      %dma_start3A_298 = arith.constant 0 : i32
      %dma_start3A_299 = tpu.memref_slice %arg22[%add3A_295, %dma_start3A_298] : memref<50176x16xf32, #tpu.memory_space<vmem_shared>> -> memref<196x16xf32, #tpu.memory_space<vmem_shared>>
      tpu.enqueue_dma source(%arg16 : memref<196x16xf32, #tpu.memory_space<vmem>>) target(%dma_start3A_299 : memref<196x16xf32, #tpu.memory_space<vmem_shared>>) target_semaphore(%arg20 : memref<!tpu.dma_semaphore, #tpu.memory_space<semaphore_mem>>)
      %add3A_300 = arith.constant 2156 : i32
      %add3A_301 = arith.addi %mul3A_0, %add3A_300 : i32
      %dma_start3A_302 = arith.constant 0 : i32
      %dma_start3A_303 = tpu.memref_slice %arg22[%add3A_301, %dma_start3A_302] : memref<50176x16xf32, #tpu.memory_space<vmem_shared>> -> memref<196x16xf32, #tpu.memory_space<vmem_shared>>
      %dma_start3A_304 = arith.constant 0 : i32
      %dma_start3A_305 = tpu.memref_slice %arg22[%add3A_301, %dma_start3A_304] : memref<50176x16xf32, #tpu.memory_space<vmem_shared>> -> memref<196x16xf32, #tpu.memory_space<vmem_shared>>
      tpu.enqueue_dma source(%arg16 : memref<196x16xf32, #tpu.memory_space<vmem>>) target(%dma_start3A_305 : memref<196x16xf32, #tpu.memory_space<vmem_shared>>) target_semaphore(%arg20 : memref<!tpu.dma_semaphore, #tpu.memory_space<semaphore_mem>>)
      %add3A_306 = arith.constant 2352 : i32
      %add3A_307 = arith.addi %mul3A_0, %add3A_306 : i32
      %dma_start3A_308 = arith.constant 0 : i32
      %dma_start3A_309 = tpu.memref_slice %arg22[%add3A_307, %dma_start3A_308] : memref<50176x16xf32, #tpu.memory_space<vmem_shared>> -> memref<196x16xf32, #tpu.memory_space<vmem_shared>>
      %dma_start3A_310 = arith.constant 0 : i32
      %dma_start3A_311 = tpu.memref_slice %arg22[%add3A_307, %dma_start3A_310] : memref<50176x16xf32, #tpu.memory_space<vmem_shared>> -> memref<196x16xf32, #tpu.memory_space<vmem_shared>>
      tpu.enqueue_dma source(%arg16 : memref<196x16xf32, #tpu.memory_space<vmem>>) target(%dma_start3A_311 : memref<196x16xf32, #tpu.memory_space<vmem_shared>>) target_semaphore(%arg20 : memref<!tpu.dma_semaphore, #tpu.memory_space<semaphore_mem>>)
      %add3A_312 = arith.constant 2548 : i32
      %add3A_313 = arith.addi %mul3A_0, %add3A_312 : i32
      %dma_start3A_314 = arith.constant 0 : i32
      %dma_start3A_315 = tpu.memref_slice %arg22[%add3A_313, %dma_start3A_314] : memref<50176x16xf32, #tpu.memory_space<vmem_shared>> -> memref<196x16xf32, #tpu.memory_space<vmem_shared>>
      %dma_start3A_316 = arith.constant 0 : i32
      %dma_start3A_317 = tpu.memref_slice %arg22[%add3A_313, %dma_start3A_316] : memref<50176x16xf32, #tpu.memory_space<vmem_shared>> -> memref<196x16xf32, #tpu.memory_space<vmem_shared>>
      tpu.enqueue_dma source(%arg16 : memref<196x16xf32, #tpu.memory_space<vmem>>) target(%dma_start3A_317 : memref<196x16xf32, #tpu.memory_space<vmem_shared>>) target_semaphore(%arg20 : memref<!tpu.dma_semaphore, #tpu.memory_space<semaphore_mem>>)
      %add3A_318 = arith.constant 2744 : i32
      %add3A_319 = arith.addi %mul3A_0, %add3A_318 : i32
      %dma_start3A_320 = arith.constant 0 : i32
      %dma_start3A_321 = tpu.memref_slice %arg22[%add3A_319, %dma_start3A_320] : memref<50176x16xf32, #tpu.memory_space<vmem_shared>> -> memref<196x16xf32, #tpu.memory_space<vmem_shared>>
      %dma_start3A_322 = arith.constant 0 : i32
      %dma_start3A_323 = tpu.memref_slice %arg22[%add3A_319, %dma_start3A_322] : memref<50176x16xf32, #tpu.memory_space<vmem_shared>> -> memref<196x16xf32, #tpu.memory_space<vmem_shared>>
      tpu.enqueue_dma source(%arg16 : memref<196x16xf32, #tpu.memory_space<vmem>>) target(%dma_start3A_323 : memref<196x16xf32, #tpu.memory_space<vmem_shared>>) target_semaphore(%arg20 : memref<!tpu.dma_semaphore, #tpu.memory_space<semaphore_mem>>)
      %add3A_324 = arith.constant 2940 : i32
      %add3A_325 = arith.addi %mul3A_0, %add3A_324 : i32
      %dma_start3A_326 = arith.constant 0 : i32
      %dma_start3A_327 = tpu.memref_slice %arg22[%add3A_325, %dma_start3A_326] : memref<50176x16xf32, #tpu.memory_space<vmem_shared>> -> memref<196x16xf32, #tpu.memory_space<vmem_shared>>
      %dma_start3A_328 = arith.constant 0 : i32
      %dma_start3A_329 = tpu.memref_slice %arg22[%add3A_325, %dma_start3A_328] : memref<50176x16xf32, #tpu.memory_space<vmem_shared>> -> memref<196x16xf32, #tpu.memory_space<vmem_shared>>
      tpu.enqueue_dma source(%arg16 : memref<196x16xf32, #tpu.memory_space<vmem>>) target(%dma_start3A_329 : memref<196x16xf32, #tpu.memory_space<vmem_shared>>) target_semaphore(%arg20 : memref<!tpu.dma_semaphore, #tpu.memory_space<semaphore_mem>>)
      %dma_wait3A_330 = arith.constant 0 : i32
      %dma_wait3A_331 = tpu.memref_slice %arg22[%add3A_235, %dma_wait3A_330] : memref<50176x16xf32, #tpu.memory_space<vmem_shared>> -> memref<196x16xf32, #tpu.memory_space<vmem_shared>>
      %dma_wait3A_332 = arith.constant 0 : i32
      %dma_wait3A_333 = tpu.memref_slice %arg22[%add3A_235, %dma_wait3A_332] : memref<50176x16xf32, #tpu.memory_space<vmem_shared>> -> memref<196x16xf32, #tpu.memory_space<vmem_shared>>
      tpu.wait_dma2 semaphore(%arg20 : memref<!tpu.dma_semaphore, #tpu.memory_space<semaphore_mem>>) src(%arg16 : memref<196x16xf32, #tpu.memory_space<vmem>>) dst(%dma_wait3A_333 : memref<196x16xf32, #tpu.memory_space<vmem_shared>>)
      %dma_wait3A_334 = arith.constant 0 : i32
      %dma_wait3A_335 = tpu.memref_slice %arg22[%add3A_241, %dma_wait3A_334] : memref<50176x16xf32, #tpu.memory_space<vmem_shared>> -> memref<196x16xf32, #tpu.memory_space<vmem_shared>>
      %dma_wait3A_336 = arith.constant 0 : i32
      %dma_wait3A_337 = tpu.memref_slice %arg22[%add3A_241, %dma_wait3A_336] : memref<50176x16xf32, #tpu.memory_space<vmem_shared>> -> memref<196x16xf32, #tpu.memory_space<vmem_shared>>
      tpu.wait_dma2 semaphore(%arg20 : memref<!tpu.dma_semaphore, #tpu.memory_space<semaphore_mem>>) src(%arg16 : memref<196x16xf32, #tpu.memory_space<vmem>>) dst(%dma_wait3A_337 : memref<196x16xf32, #tpu.memory_space<vmem_shared>>)
      %dma_wait3A_338 = arith.constant 0 : i32
      %dma_wait3A_339 = tpu.memref_slice %arg22[%add3A_247, %dma_wait3A_338] : memref<50176x16xf32, #tpu.memory_space<vmem_shared>> -> memref<196x16xf32, #tpu.memory_space<vmem_shared>>
      %dma_wait3A_340 = arith.constant 0 : i32
      %dma_wait3A_341 = tpu.memref_slice %arg22[%add3A_247, %dma_wait3A_340] : memref<50176x16xf32, #tpu.memory_space<vmem_shared>> -> memref<196x16xf32, #tpu.memory_space<vmem_shared>>
      tpu.wait_dma2 semaphore(%arg20 : memref<!tpu.dma_semaphore, #tpu.memory_space<semaphore_mem>>) src(%arg16 : memref<196x16xf32, #tpu.memory_space<vmem>>) dst(%dma_wait3A_341 : memref<196x16xf32, #tpu.memory_space<vmem_shared>>)
      %dma_wait3A_342 = arith.constant 0 : i32
      %dma_wait3A_343 = tpu.memref_slice %arg22[%add3A_253, %dma_wait3A_342] : memref<50176x16xf32, #tpu.memory_space<vmem_shared>> -> memref<196x16xf32, #tpu.memory_space<vmem_shared>>
      %dma_wait3A_344 = arith.constant 0 : i32
      %dma_wait3A_345 = tpu.memref_slice %arg22[%add3A_253, %dma_wait3A_344] : memref<50176x16xf32, #tpu.memory_space<vmem_shared>> -> memref<196x16xf32, #tpu.memory_space<vmem_shared>>
      tpu.wait_dma2 semaphore(%arg20 : memref<!tpu.dma_semaphore, #tpu.memory_space<semaphore_mem>>) src(%arg16 : memref<196x16xf32, #tpu.memory_space<vmem>>) dst(%dma_wait3A_345 : memref<196x16xf32, #tpu.memory_space<vmem_shared>>)
      %dma_wait3A_346 = arith.constant 0 : i32
      %dma_wait3A_347 = tpu.memref_slice %arg22[%add3A_259, %dma_wait3A_346] : memref<50176x16xf32, #tpu.memory_space<vmem_shared>> -> memref<196x16xf32, #tpu.memory_space<vmem_shared>>
      %dma_wait3A_348 = arith.constant 0 : i32
      %dma_wait3A_349 = tpu.memref_slice %arg22[%add3A_259, %dma_wait3A_348] : memref<50176x16xf32, #tpu.memory_space<vmem_shared>> -> memref<196x16xf32, #tpu.memory_space<vmem_shared>>
      tpu.wait_dma2 semaphore(%arg20 : memref<!tpu.dma_semaphore, #tpu.memory_space<semaphore_mem>>) src(%arg16 : memref<196x16xf32, #tpu.memory_space<vmem>>) dst(%dma_wait3A_349 : memref<196x16xf32, #tpu.memory_space<vmem_shared>>)
      %dma_wait3A_350 = arith.constant 0 : i32
      %dma_wait3A_351 = tpu.memref_slice %arg22[%add3A_265, %dma_wait3A_350] : memref<50176x16xf32, #tpu.memory_space<vmem_shared>> -> memref<196x16xf32, #tpu.memory_space<vmem_shared>>
      %dma_wait3A_352 = arith.constant 0 : i32
      %dma_wait3A_353 = tpu.memref_slice %arg22[%add3A_265, %dma_wait3A_352] : memref<50176x16xf32, #tpu.memory_space<vmem_shared>> -> memref<196x16xf32, #tpu.memory_space<vmem_shared>>
      tpu.wait_dma2 semaphore(%arg20 : memref<!tpu.dma_semaphore, #tpu.memory_space<semaphore_mem>>) src(%arg16 : memref<196x16xf32, #tpu.memory_space<vmem>>) dst(%dma_wait3A_353 : memref<196x16xf32, #tpu.memory_space<vmem_shared>>)
      %dma_wait3A_354 = arith.constant 0 : i32
      %dma_wait3A_355 = tpu.memref_slice %arg22[%add3A_271, %dma_wait3A_354] : memref<50176x16xf32, #tpu.memory_space<vmem_shared>> -> memref<196x16xf32, #tpu.memory_space<vmem_shared>>
      %dma_wait3A_356 = arith.constant 0 : i32
      %dma_wait3A_357 = tpu.memref_slice %arg22[%add3A_271, %dma_wait3A_356] : memref<50176x16xf32, #tpu.memory_space<vmem_shared>> -> memref<196x16xf32, #tpu.memory_space<vmem_shared>>
      tpu.wait_dma2 semaphore(%arg20 : memref<!tpu.dma_semaphore, #tpu.memory_space<semaphore_mem>>) src(%arg16 : memref<196x16xf32, #tpu.memory_space<vmem>>) dst(%dma_wait3A_357 : memref<196x16xf32, #tpu.memory_space<vmem_shared>>)
      %dma_wait3A_358 = arith.constant 0 : i32
      %dma_wait3A_359 = tpu.memref_slice %arg22[%add3A_277, %dma_wait3A_358] : memref<50176x16xf32, #tpu.memory_space<vmem_shared>> -> memref<196x16xf32, #tpu.memory_space<vmem_shared>>
      %dma_wait3A_360 = arith.constant 0 : i32
      %dma_wait3A_361 = tpu.memref_slice %arg22[%add3A_277, %dma_wait3A_360] : memref<50176x16xf32, #tpu.memory_space<vmem_shared>> -> memref<196x16xf32, #tpu.memory_space<vmem_shared>>
      tpu.wait_dma2 semaphore(%arg20 : memref<!tpu.dma_semaphore, #tpu.memory_space<semaphore_mem>>) src(%arg16 : memref<196x16xf32, #tpu.memory_space<vmem>>) dst(%dma_wait3A_361 : memref<196x16xf32, #tpu.memory_space<vmem_shared>>)
      %dma_wait3A_362 = arith.constant 0 : i32
      %dma_wait3A_363 = tpu.memref_slice %arg22[%add3A_283, %dma_wait3A_362] : memref<50176x16xf32, #tpu.memory_space<vmem_shared>> -> memref<196x16xf32, #tpu.memory_space<vmem_shared>>
      %dma_wait3A_364 = arith.constant 0 : i32
      %dma_wait3A_365 = tpu.memref_slice %arg22[%add3A_283, %dma_wait3A_364] : memref<50176x16xf32, #tpu.memory_space<vmem_shared>> -> memref<196x16xf32, #tpu.memory_space<vmem_shared>>
      tpu.wait_dma2 semaphore(%arg20 : memref<!tpu.dma_semaphore, #tpu.memory_space<semaphore_mem>>) src(%arg16 : memref<196x16xf32, #tpu.memory_space<vmem>>) dst(%dma_wait3A_365 : memref<196x16xf32, #tpu.memory_space<vmem_shared>>)
      %dma_wait3A_366 = arith.constant 0 : i32
      %dma_wait3A_367 = tpu.memref_slice %arg22[%add3A_289, %dma_wait3A_366] : memref<50176x16xf32, #tpu.memory_space<vmem_shared>> -> memref<196x16xf32, #tpu.memory_space<vmem_shared>>
      %dma_wait3A_368 = arith.constant 0 : i32
      %dma_wait3A_369 = tpu.memref_slice %arg22[%add3A_289, %dma_wait3A_368] : memref<50176x16xf32, #tpu.memory_space<vmem_shared>> -> memref<196x16xf32, #tpu.memory_space<vmem_shared>>
      tpu.wait_dma2 semaphore(%arg20 : memref<!tpu.dma_semaphore, #tpu.memory_space<semaphore_mem>>) src(%arg16 : memref<196x16xf32, #tpu.memory_space<vmem>>) dst(%dma_wait3A_369 : memref<196x16xf32, #tpu.memory_space<vmem_shared>>)
      %dma_wait3A_370 = arith.constant 0 : i32
      %dma_wait3A_371 = tpu.memref_slice %arg22[%add3A_295, %dma_wait3A_370] : memref<50176x16xf32, #tpu.memory_space<vmem_shared>> -> memref<196x16xf32, #tpu.memory_space<vmem_shared>>
      %dma_wait3A_372 = arith.constant 0 : i32
      %dma_wait3A_373 = tpu.memref_slice %arg22[%add3A_295, %dma_wait3A_372] : memref<50176x16xf32, #tpu.memory_space<vmem_shared>> -> memref<196x16xf32, #tpu.memory_space<vmem_shared>>
      tpu.wait_dma2 semaphore(%arg20 : memref<!tpu.dma_semaphore, #tpu.memory_space<semaphore_mem>>) src(%arg16 : memref<196x16xf32, #tpu.memory_space<vmem>>) dst(%dma_wait3A_373 : memref<196x16xf32, #tpu.memory_space<vmem_shared>>)
      %dma_wait3A_374 = arith.constant 0 : i32
      %dma_wait3A_375 = tpu.memref_slice %arg22[%add3A_301, %dma_wait3A_374] : memref<50176x16xf32, #tpu.memory_space<vmem_shared>> -> memref<196x16xf32, #tpu.memory_space<vmem_shared>>
      %dma_wait3A_376 = arith.constant 0 : i32
      %dma_wait3A_377 = tpu.memref_slice %arg22[%add3A_301, %dma_wait3A_376] : memref<50176x16xf32, #tpu.memory_space<vmem_shared>> -> memref<196x16xf32, #tpu.memory_space<vmem_shared>>
      tpu.wait_dma2 semaphore(%arg20 : memref<!tpu.dma_semaphore, #tpu.memory_space<semaphore_mem>>) src(%arg16 : memref<196x16xf32, #tpu.memory_space<vmem>>) dst(%dma_wait3A_377 : memref<196x16xf32, #tpu.memory_space<vmem_shared>>)
      %dma_wait3A_378 = arith.constant 0 : i32
      %dma_wait3A_379 = tpu.memref_slice %arg22[%add3A_307, %dma_wait3A_378] : memref<50176x16xf32, #tpu.memory_space<vmem_shared>> -> memref<196x16xf32, #tpu.memory_space<vmem_shared>>
      %dma_wait3A_380 = arith.constant 0 : i32
      %dma_wait3A_381 = tpu.memref_slice %arg22[%add3A_307, %dma_wait3A_380] : memref<50176x16xf32, #tpu.memory_space<vmem_shared>> -> memref<196x16xf32, #tpu.memory_space<vmem_shared>>
      tpu.wait_dma2 semaphore(%arg20 : memref<!tpu.dma_semaphore, #tpu.memory_space<semaphore_mem>>) src(%arg16 : memref<196x16xf32, #tpu.memory_space<vmem>>) dst(%dma_wait3A_381 : memref<196x16xf32, #tpu.memory_space<vmem_shared>>)
      %dma_wait3A_382 = arith.constant 0 : i32
      %dma_wait3A_383 = tpu.memref_slice %arg22[%add3A_313, %dma_wait3A_382] : memref<50176x16xf32, #tpu.memory_space<vmem_shared>> -> memref<196x16xf32, #tpu.memory_space<vmem_shared>>
      %dma_wait3A_384 = arith.constant 0 : i32
      %dma_wait3A_385 = tpu.memref_slice %arg22[%add3A_313, %dma_wait3A_384] : memref<50176x16xf32, #tpu.memory_space<vmem_shared>> -> memref<196x16xf32, #tpu.memory_space<vmem_shared>>
      tpu.wait_dma2 semaphore(%arg20 : memref<!tpu.dma_semaphore, #tpu.memory_space<semaphore_mem>>) src(%arg16 : memref<196x16xf32, #tpu.memory_space<vmem>>) dst(%dma_wait3A_385 : memref<196x16xf32, #tpu.memory_space<vmem_shared>>)
      %dma_wait3A_386 = arith.constant 0 : i32
      %dma_wait3A_387 = tpu.memref_slice %arg22[%add3A_319, %dma_wait3A_386] : memref<50176x16xf32, #tpu.memory_space<vmem_shared>> -> memref<196x16xf32, #tpu.memory_space<vmem_shared>>
      %dma_wait3A_388 = arith.constant 0 : i32
      %dma_wait3A_389 = tpu.memref_slice %arg22[%add3A_319, %dma_wait3A_388] : memref<50176x16xf32, #tpu.memory_space<vmem_shared>> -> memref<196x16xf32, #tpu.memory_space<vmem_shared>>
      tpu.wait_dma2 semaphore(%arg20 : memref<!tpu.dma_semaphore, #tpu.memory_space<semaphore_mem>>) src(%arg16 : memref<196x16xf32, #tpu.memory_space<vmem>>) dst(%dma_wait3A_389 : memref<196x16xf32, #tpu.memory_space<vmem_shared>>)
      %dma_wait3A_390 = arith.constant 0 : i32
      %dma_wait3A_391 = tpu.memref_slice %arg22[%add3A_325, %dma_wait3A_390] : memref<50176x16xf32, #tpu.memory_space<vmem_shared>> -> memref<196x16xf32, #tpu.memory_space<vmem_shared>>
      %dma_wait3A_392 = arith.constant 0 : i32
      %dma_wait3A_393 = tpu.memref_slice %arg22[%add3A_325, %dma_wait3A_392] : memref<50176x16xf32, #tpu.memory_space<vmem_shared>> -> memref<196x16xf32, #tpu.memory_space<vmem_shared>>
      tpu.wait_dma2 semaphore(%arg20 : memref<!tpu.dma_semaphore, #tpu.memory_space<semaphore_mem>>) src(%arg16 : memref<196x16xf32, #tpu.memory_space<vmem>>) dst(%dma_wait3A_393 : memref<196x16xf32, #tpu.memory_space<vmem_shared>>)
      %barrier3A_394 = arith.constant 0 : index
      tpu.barrier barrier_id(%barrier3A_394)
      %scan3A_395 = arith.constant 0 : i32
      %scan3A_396 = arith.constant 0 : i32
      %scan3A_397 = arith.constant 14 : i32
      %scan3A_398 = arith.addi %scan3A_396, %scan3A_397 : i32
      %scan3A_399 = arith.constant 1 : i32
      scf.for %scan3A_408 = %scan3A_396 to %scan3A_398 step %scan3A_399  : i32 {
        %mul3A_409 = arith.constant 2 : i32
        %mul3A_410 = arith.muli %mul3A_409, %scan3A_408 : i32
        %mul3A_411 = arith.constant 14 : i32
        %mul3A_412 = arith.muli %mul3A_410, %mul3A_411 : i32
        "tpu.region"() ({
          %run_scoped3A = tpu.sem_alloc : memref<!tpu.dma_semaphore, #tpu.memory_space<semaphore_mem>>
          %dma_start3A_1767 = arith.constant 0 : i32
          %dma_start3A_1768 = tpu.memref_slice %arg3[%arg1, %mul3A_412, %dma_start3A_1767] : memref<16x392x128xi32, #tpu.memory_space<hbm>> -> memref<1x14x128xi32, #tpu.memory_space<hbm>>
          %dma_start3A_1769 = tpu.memref_squeeze %dma_start3A_1768 : memref<1x14x128xi32, #tpu.memory_space<hbm>> -> memref<14x128xi32, #tpu.memory_space<hbm>>
          %dma_start3A_1770 = arith.constant 0 : i32
          %dma_start3A_1771 = tpu.memref_slice %arg3[%arg1, %mul3A_412, %dma_start3A_1770] : memref<16x392x128xi32, #tpu.memory_space<hbm>> -> memref<1x14x128xi32, #tpu.memory_space<hbm>>
          %dma_start3A_1772 = tpu.memref_squeeze %dma_start3A_1771 : memref<1x14x128xi32, #tpu.memory_space<hbm>> -> memref<14x128xi32, #tpu.memory_space<hbm>>
          tpu.enqueue_dma source(%dma_start3A_1772 : memref<14x128xi32, #tpu.memory_space<hbm>>) target(%arg9 : memref<14x128xi32, #tpu.memory_space<vmem>>) target_semaphore(%run_scoped3A : memref<!tpu.dma_semaphore, #tpu.memory_space<semaphore_mem>>)
          %dma_wait3A_1773 = arith.constant 0 : i32
          %dma_wait3A_1774 = tpu.memref_slice %arg3[%arg1, %mul3A_412, %dma_wait3A_1773] : memref<16x392x128xi32, #tpu.memory_space<hbm>> -> memref<1x14x128xi32, #tpu.memory_space<hbm>>
          %dma_wait3A_1775 = tpu.memref_squeeze %dma_wait3A_1774 : memref<1x14x128xi32, #tpu.memory_space<hbm>> -> memref<14x128xi32, #tpu.memory_space<hbm>>
          %dma_wait3A_1776 = arith.constant 0 : i32
          %dma_wait3A_1777 = tpu.memref_slice %arg3[%arg1, %mul3A_412, %dma_wait3A_1776] : memref<16x392x128xi32, #tpu.memory_space<hbm>> -> memref<1x14x128xi32, #tpu.memory_space<hbm>>
          %dma_wait3A_1778 = tpu.memref_squeeze %dma_wait3A_1777 : memref<1x14x128xi32, #tpu.memory_space<hbm>> -> memref<14x128xi32, #tpu.memory_space<hbm>>
          tpu.wait_dma2 semaphore(%run_scoped3A : memref<!tpu.dma_semaphore, #tpu.memory_space<semaphore_mem>>) src(%dma_wait3A_1778 : memref<14x128xi32, #tpu.memory_space<hbm>>) dst(%arg9 : memref<14x128xi32, #tpu.memory_space<vmem>>)
          tpu.yield
        }) : () -> ()
        %mul3A_413 = arith.constant 14 : i32
        %mul3A_414 = arith.muli %mul3A_410, %mul3A_413 : i32
        "tpu.region"() ({
          %run_scoped3A = tpu.sem_alloc : memref<!tpu.dma_semaphore, #tpu.memory_space<semaphore_mem>>
          %dma_start3A_1767 = arith.constant 0 : i32
          %dma_start3A_1768 = tpu.memref_slice %arg4[%arg1, %mul3A_414, %dma_start3A_1767] : memref<16x392x128xi32, #tpu.memory_space<hbm>> -> memref<1x14x128xi32, #tpu.memory_space<hbm>>
          %dma_start3A_1769 = tpu.memref_squeeze %dma_start3A_1768 : memref<1x14x128xi32, #tpu.memory_space<hbm>> -> memref<14x128xi32, #tpu.memory_space<hbm>>
          %dma_start3A_1770 = arith.constant 0 : i32
          %dma_start3A_1771 = tpu.memref_slice %arg4[%arg1, %mul3A_414, %dma_start3A_1770] : memref<16x392x128xi32, #tpu.memory_space<hbm>> -> memref<1x14x128xi32, #tpu.memory_space<hbm>>
          %dma_start3A_1772 = tpu.memref_squeeze %dma_start3A_1771 : memref<1x14x128xi32, #tpu.memory_space<hbm>> -> memref<14x128xi32, #tpu.memory_space<hbm>>
          tpu.enqueue_dma source(%dma_start3A_1772 : memref<14x128xi32, #tpu.memory_space<hbm>>) target(%arg11 : memref<14x128xi32, #tpu.memory_space<vmem>>) target_semaphore(%run_scoped3A : memref<!tpu.dma_semaphore, #tpu.memory_space<semaphore_mem>>)
          %dma_wait3A_1773 = arith.constant 0 : i32
          %dma_wait3A_1774 = tpu.memref_slice %arg4[%arg1, %mul3A_414, %dma_wait3A_1773] : memref<16x392x128xi32, #tpu.memory_space<hbm>> -> memref<1x14x128xi32, #tpu.memory_space<hbm>>
          %dma_wait3A_1775 = tpu.memref_squeeze %dma_wait3A_1774 : memref<1x14x128xi32, #tpu.memory_space<hbm>> -> memref<14x128xi32, #tpu.memory_space<hbm>>
          %dma_wait3A_1776 = arith.constant 0 : i32
          %dma_wait3A_1777 = tpu.memref_slice %arg4[%arg1, %mul3A_414, %dma_wait3A_1776] : memref<16x392x128xi32, #tpu.memory_space<hbm>> -> memref<1x14x128xi32, #tpu.memory_space<hbm>>
          %dma_wait3A_1778 = tpu.memref_squeeze %dma_wait3A_1777 : memref<1x14x128xi32, #tpu.memory_space<hbm>> -> memref<14x128xi32, #tpu.memory_space<hbm>>
          tpu.wait_dma2 semaphore(%run_scoped3A : memref<!tpu.dma_semaphore, #tpu.memory_space<semaphore_mem>>) src(%dma_wait3A_1778 : memref<14x128xi32, #tpu.memory_space<hbm>>) dst(%arg11 : memref<14x128xi32, #tpu.memory_space<vmem>>)
          tpu.yield
        }) : () -> ()
        %dma_start3A_415 = arith.constant 0 : i32
        %dma_start3A_416 = arith.constant 0 : i32
        %dma_start3A_417 = arith.constant 0 : i32
        %dma_start3A_418 = tpu.memref_slice %arg13[%dma_start3A_416, %dma_start3A_417] : memref<1792x16xf32, #tpu.memory_space<vmem>> -> memref<128x16xf32, #tpu.memory_space<vmem>>
        %dma_start3A_419 = arith.constant 0 : i32
        %dma_start3A_420 = tpu.memref_slice %arg9[%dma_start3A_415, %dma_start3A_419] : memref<14x128xi32, #tpu.memory_space<vmem>> -> memref<1x128xi32, #tpu.memory_space<vmem>>
        %dma_start3A_421 = tpu.memref_squeeze %dma_start3A_420 : memref<1x128xi32, #tpu.memory_space<vmem>> -> memref<128xi32, #tpu.memory_space<vmem>>
        %dma_start3A_422 = arith.constant 0 : i32
        %dma_start3A_423 = arith.constant 0 : i32
        %dma_start3A_424 = tpu.memref_slice %arg7[%add3A_206, %dma_start3A_422, %dma_start3A_423] : memref<4x50176x16xf32, #tpu.memory_space<hbm>> -> memref<1x50176x16xf32, #tpu.memory_space<hbm>>
        %dma_start3A_425 = tpu.memref_squeeze %dma_start3A_424 : memref<1x50176x16xf32, #tpu.memory_space<hbm>> -> memref<50176x16xf32, #tpu.memory_space<hbm>>
        %dma_start3A_426 = arith.constant 0 : i32
        %dma_start3A_427 = arith.constant 0 : i32
        %dma_start3A_428 = tpu.memref_slice %dma_start3A_425[%dma_start3A_426, %dma_start3A_427] : memref<50176x16xf32, #tpu.memory_space<hbm>> -> memref<50176x16xf32, #tpu.memory_space<hbm>>
        tpu.enqueue_indirect_dma source(%dma_start3A_428 : memref<50176x16xf32, #tpu.memory_space<hbm>>) target(%dma_start3A_418 : memref<128x16xf32, #tpu.memory_space<vmem>>) offsets(%dma_start3A_421 : memref<128xi32, #tpu.memory_space<vmem>>) semaphore(%arg20 : memref<!tpu.dma_semaphore, #tpu.memory_space<semaphore_mem>>)
        %dma_start3A_429 = arith.constant 1 : i32
        %dma_start3A_430 = arith.constant 128 : i32
        %dma_start3A_431 = arith.constant 0 : i32
        %dma_start3A_432 = tpu.memref_slice %arg13[%dma_start3A_430, %dma_start3A_431] : memref<1792x16xf32, #tpu.memory_space<vmem>> -> memref<128x16xf32, #tpu.memory_space<vmem>>
        %dma_start3A_433 = arith.constant 0 : i32
        %dma_start3A_434 = tpu.memref_slice %arg9[%dma_start3A_429, %dma_start3A_433] : memref<14x128xi32, #tpu.memory_space<vmem>> -> memref<1x128xi32, #tpu.memory_space<vmem>>
        %dma_start3A_435 = tpu.memref_squeeze %dma_start3A_434 : memref<1x128xi32, #tpu.memory_space<vmem>> -> memref<128xi32, #tpu.memory_space<vmem>>
        %dma_start3A_436 = arith.constant 0 : i32
        %dma_start3A_437 = arith.constant 0 : i32
        %dma_start3A_438 = tpu.memref_slice %arg7[%add3A_206, %dma_start3A_436, %dma_start3A_437] : memref<4x50176x16xf32, #tpu.memory_space<hbm>> -> memref<1x50176x16xf32, #tpu.memory_space<hbm>>
        %dma_start3A_439 = tpu.memref_squeeze %dma_start3A_438 : memref<1x50176x16xf32, #tpu.memory_space<hbm>> -> memref<50176x16xf32, #tpu.memory_space<hbm>>
        %dma_start3A_440 = arith.constant 0 : i32
        %dma_start3A_441 = arith.constant 0 : i32
        %dma_start3A_442 = tpu.memref_slice %dma_start3A_439[%dma_start3A_440, %dma_start3A_441] : memref<50176x16xf32, #tpu.memory_space<hbm>> -> memref<50176x16xf32, #tpu.memory_space<hbm>>
        tpu.enqueue_indirect_dma source(%dma_start3A_442 : memref<50176x16xf32, #tpu.memory_space<hbm>>) target(%dma_start3A_432 : memref<128x16xf32, #tpu.memory_space<vmem>>) offsets(%dma_start3A_435 : memref<128xi32, #tpu.memory_space<vmem>>) semaphore(%arg20 : memref<!tpu.dma_semaphore, #tpu.memory_space<semaphore_mem>>)
        %dma_start3A_443 = arith.constant 2 : i32
        %dma_start3A_444 = arith.constant 256 : i32
        %dma_start3A_445 = arith.constant 0 : i32
        %dma_start3A_446 = tpu.memref_slice %arg13[%dma_start3A_444, %dma_start3A_445] : memref<1792x16xf32, #tpu.memory_space<vmem>> -> memref<128x16xf32, #tpu.memory_space<vmem>>
        %dma_start3A_447 = arith.constant 0 : i32
        %dma_start3A_448 = tpu.memref_slice %arg9[%dma_start3A_443, %dma_start3A_447] : memref<14x128xi32, #tpu.memory_space<vmem>> -> memref<1x128xi32, #tpu.memory_space<vmem>>
        %dma_start3A_449 = tpu.memref_squeeze %dma_start3A_448 : memref<1x128xi32, #tpu.memory_space<vmem>> -> memref<128xi32, #tpu.memory_space<vmem>>
        %dma_start3A_450 = arith.constant 0 : i32
        %dma_start3A_451 = arith.constant 0 : i32
        %dma_start3A_452 = tpu.memref_slice %arg7[%add3A_206, %dma_start3A_450, %dma_start3A_451] : memref<4x50176x16xf32, #tpu.memory_space<hbm>> -> memref<1x50176x16xf32, #tpu.memory_space<hbm>>
        %dma_start3A_453 = tpu.memref_squeeze %dma_start3A_452 : memref<1x50176x16xf32, #tpu.memory_space<hbm>> -> memref<50176x16xf32, #tpu.memory_space<hbm>>
        %dma_start3A_454 = arith.constant 0 : i32
        %dma_start3A_455 = arith.constant 0 : i32
        %dma_start3A_456 = tpu.memref_slice %dma_start3A_453[%dma_start3A_454, %dma_start3A_455] : memref<50176x16xf32, #tpu.memory_space<hbm>> -> memref<50176x16xf32, #tpu.memory_space<hbm>>
        tpu.enqueue_indirect_dma source(%dma_start3A_456 : memref<50176x16xf32, #tpu.memory_space<hbm>>) target(%dma_start3A_446 : memref<128x16xf32, #tpu.memory_space<vmem>>) offsets(%dma_start3A_449 : memref<128xi32, #tpu.memory_space<vmem>>) semaphore(%arg20 : memref<!tpu.dma_semaphore, #tpu.memory_space<semaphore_mem>>)
        %dma_start3A_457 = arith.constant 3 : i32
        %dma_start3A_458 = arith.constant 384 : i32
        %dma_start3A_459 = arith.constant 0 : i32
        %dma_start3A_460 = tpu.memref_slice %arg13[%dma_start3A_458, %dma_start3A_459] : memref<1792x16xf32, #tpu.memory_space<vmem>> -> memref<128x16xf32, #tpu.memory_space<vmem>>
        %dma_start3A_461 = arith.constant 0 : i32
        %dma_start3A_462 = tpu.memref_slice %arg9[%dma_start3A_457, %dma_start3A_461] : memref<14x128xi32, #tpu.memory_space<vmem>> -> memref<1x128xi32, #tpu.memory_space<vmem>>
        %dma_start3A_463 = tpu.memref_squeeze %dma_start3A_462 : memref<1x128xi32, #tpu.memory_space<vmem>> -> memref<128xi32, #tpu.memory_space<vmem>>
        %dma_start3A_464 = arith.constant 0 : i32
        %dma_start3A_465 = arith.constant 0 : i32
        %dma_start3A_466 = tpu.memref_slice %arg7[%add3A_206, %dma_start3A_464, %dma_start3A_465] : memref<4x50176x16xf32, #tpu.memory_space<hbm>> -> memref<1x50176x16xf32, #tpu.memory_space<hbm>>
        %dma_start3A_467 = tpu.memref_squeeze %dma_start3A_466 : memref<1x50176x16xf32, #tpu.memory_space<hbm>> -> memref<50176x16xf32, #tpu.memory_space<hbm>>
        %dma_start3A_468 = arith.constant 0 : i32
        %dma_start3A_469 = arith.constant 0 : i32
        %dma_start3A_470 = tpu.memref_slice %dma_start3A_467[%dma_start3A_468, %dma_start3A_469] : memref<50176x16xf32, #tpu.memory_space<hbm>> -> memref<50176x16xf32, #tpu.memory_space<hbm>>
        tpu.enqueue_indirect_dma source(%dma_start3A_470 : memref<50176x16xf32, #tpu.memory_space<hbm>>) target(%dma_start3A_460 : memref<128x16xf32, #tpu.memory_space<vmem>>) offsets(%dma_start3A_463 : memref<128xi32, #tpu.memory_space<vmem>>) semaphore(%arg20 : memref<!tpu.dma_semaphore, #tpu.memory_space<semaphore_mem>>)
        %dma_start3A_471 = arith.constant 4 : i32
        %dma_start3A_472 = arith.constant 512 : i32
        %dma_start3A_473 = arith.constant 0 : i32
        %dma_start3A_474 = tpu.memref_slice %arg13[%dma_start3A_472, %dma_start3A_473] : memref<1792x16xf32, #tpu.memory_space<vmem>> -> memref<128x16xf32, #tpu.memory_space<vmem>>
        %dma_start3A_475 = arith.constant 0 : i32
        %dma_start3A_476 = tpu.memref_slice %arg9[%dma_start3A_471, %dma_start3A_475] : memref<14x128xi32, #tpu.memory_space<vmem>> -> memref<1x128xi32, #tpu.memory_space<vmem>>
        %dma_start3A_477 = tpu.memref_squeeze %dma_start3A_476 : memref<1x128xi32, #tpu.memory_space<vmem>> -> memref<128xi32, #tpu.memory_space<vmem>>
        %dma_start3A_478 = arith.constant 0 : i32
        %dma_start3A_479 = arith.constant 0 : i32
        %dma_start3A_480 = tpu.memref_slice %arg7[%add3A_206, %dma_start3A_478, %dma_start3A_479] : memref<4x50176x16xf32, #tpu.memory_space<hbm>> -> memref<1x50176x16xf32, #tpu.memory_space<hbm>>
        %dma_start3A_481 = tpu.memref_squeeze %dma_start3A_480 : memref<1x50176x16xf32, #tpu.memory_space<hbm>> -> memref<50176x16xf32, #tpu.memory_space<hbm>>
        %dma_start3A_482 = arith.constant 0 : i32
        %dma_start3A_483 = arith.constant 0 : i32
        %dma_start3A_484 = tpu.memref_slice %dma_start3A_481[%dma_start3A_482, %dma_start3A_483] : memref<50176x16xf32, #tpu.memory_space<hbm>> -> memref<50176x16xf32, #tpu.memory_space<hbm>>
        tpu.enqueue_indirect_dma source(%dma_start3A_484 : memref<50176x16xf32, #tpu.memory_space<hbm>>) target(%dma_start3A_474 : memref<128x16xf32, #tpu.memory_space<vmem>>) offsets(%dma_start3A_477 : memref<128xi32, #tpu.memory_space<vmem>>) semaphore(%arg20 : memref<!tpu.dma_semaphore, #tpu.memory_space<semaphore_mem>>)
        %dma_start3A_485 = arith.constant 5 : i32
        %dma_start3A_486 = arith.constant 640 : i32
        %dma_start3A_487 = arith.constant 0 : i32
        %dma_start3A_488 = tpu.memref_slice %arg13[%dma_start3A_486, %dma_start3A_487] : memref<1792x16xf32, #tpu.memory_space<vmem>> -> memref<128x16xf32, #tpu.memory_space<vmem>>
        %dma_start3A_489 = arith.constant 0 : i32
        %dma_start3A_490 = tpu.memref_slice %arg9[%dma_start3A_485, %dma_start3A_489] : memref<14x128xi32, #tpu.memory_space<vmem>> -> memref<1x128xi32, #tpu.memory_space<vmem>>
        %dma_start3A_491 = tpu.memref_squeeze %dma_start3A_490 : memref<1x128xi32, #tpu.memory_space<vmem>> -> memref<128xi32, #tpu.memory_space<vmem>>
        %dma_start3A_492 = arith.constant 0 : i32
        %dma_start3A_493 = arith.constant 0 : i32
        %dma_start3A_494 = tpu.memref_slice %arg7[%add3A_206, %dma_start3A_492, %dma_start3A_493] : memref<4x50176x16xf32, #tpu.memory_space<hbm>> -> memref<1x50176x16xf32, #tpu.memory_space<hbm>>
        %dma_start3A_495 = tpu.memref_squeeze %dma_start3A_494 : memref<1x50176x16xf32, #tpu.memory_space<hbm>> -> memref<50176x16xf32, #tpu.memory_space<hbm>>
        %dma_start3A_496 = arith.constant 0 : i32
        %dma_start3A_497 = arith.constant 0 : i32
        %dma_start3A_498 = tpu.memref_slice %dma_start3A_495[%dma_start3A_496, %dma_start3A_497] : memref<50176x16xf32, #tpu.memory_space<hbm>> -> memref<50176x16xf32, #tpu.memory_space<hbm>>
        tpu.enqueue_indirect_dma source(%dma_start3A_498 : memref<50176x16xf32, #tpu.memory_space<hbm>>) target(%dma_start3A_488 : memref<128x16xf32, #tpu.memory_space<vmem>>) offsets(%dma_start3A_491 : memref<128xi32, #tpu.memory_space<vmem>>) semaphore(%arg20 : memref<!tpu.dma_semaphore, #tpu.memory_space<semaphore_mem>>)
        %dma_start3A_499 = arith.constant 6 : i32
        %dma_start3A_500 = arith.constant 768 : i32
        %dma_start3A_501 = arith.constant 0 : i32
        %dma_start3A_502 = tpu.memref_slice %arg13[%dma_start3A_500, %dma_start3A_501] : memref<1792x16xf32, #tpu.memory_space<vmem>> -> memref<128x16xf32, #tpu.memory_space<vmem>>
        %dma_start3A_503 = arith.constant 0 : i32
        %dma_start3A_504 = tpu.memref_slice %arg9[%dma_start3A_499, %dma_start3A_503] : memref<14x128xi32, #tpu.memory_space<vmem>> -> memref<1x128xi32, #tpu.memory_space<vmem>>
        %dma_start3A_505 = tpu.memref_squeeze %dma_start3A_504 : memref<1x128xi32, #tpu.memory_space<vmem>> -> memref<128xi32, #tpu.memory_space<vmem>>
        %dma_start3A_506 = arith.constant 0 : i32
        %dma_start3A_507 = arith.constant 0 : i32
        %dma_start3A_508 = tpu.memref_slice %arg7[%add3A_206, %dma_start3A_506, %dma_start3A_507] : memref<4x50176x16xf32, #tpu.memory_space<hbm>> -> memref<1x50176x16xf32, #tpu.memory_space<hbm>>
        %dma_start3A_509 = tpu.memref_squeeze %dma_start3A_508 : memref<1x50176x16xf32, #tpu.memory_space<hbm>> -> memref<50176x16xf32, #tpu.memory_space<hbm>>
        %dma_start3A_510 = arith.constant 0 : i32
        %dma_start3A_511 = arith.constant 0 : i32
        %dma_start3A_512 = tpu.memref_slice %dma_start3A_509[%dma_start3A_510, %dma_start3A_511] : memref<50176x16xf32, #tpu.memory_space<hbm>> -> memref<50176x16xf32, #tpu.memory_space<hbm>>
        tpu.enqueue_indirect_dma source(%dma_start3A_512 : memref<50176x16xf32, #tpu.memory_space<hbm>>) target(%dma_start3A_502 : memref<128x16xf32, #tpu.memory_space<vmem>>) offsets(%dma_start3A_505 : memref<128xi32, #tpu.memory_space<vmem>>) semaphore(%arg20 : memref<!tpu.dma_semaphore, #tpu.memory_space<semaphore_mem>>)
        %dma_start3A_513 = arith.constant 7 : i32
        %dma_start3A_514 = arith.constant 896 : i32
        %dma_start3A_515 = arith.constant 0 : i32
        %dma_start3A_516 = tpu.memref_slice %arg13[%dma_start3A_514, %dma_start3A_515] : memref<1792x16xf32, #tpu.memory_space<vmem>> -> memref<128x16xf32, #tpu.memory_space<vmem>>
        %dma_start3A_517 = arith.constant 0 : i32
        %dma_start3A_518 = tpu.memref_slice %arg9[%dma_start3A_513, %dma_start3A_517] : memref<14x128xi32, #tpu.memory_space<vmem>> -> memref<1x128xi32, #tpu.memory_space<vmem>>
        %dma_start3A_519 = tpu.memref_squeeze %dma_start3A_518 : memref<1x128xi32, #tpu.memory_space<vmem>> -> memref<128xi32, #tpu.memory_space<vmem>>
        %dma_start3A_520 = arith.constant 0 : i32
        %dma_start3A_521 = arith.constant 0 : i32
        %dma_start3A_522 = tpu.memref_slice %arg7[%add3A_206, %dma_start3A_520, %dma_start3A_521] : memref<4x50176x16xf32, #tpu.memory_space<hbm>> -> memref<1x50176x16xf32, #tpu.memory_space<hbm>>
        %dma_start3A_523 = tpu.memref_squeeze %dma_start3A_522 : memref<1x50176x16xf32, #tpu.memory_space<hbm>> -> memref<50176x16xf32, #tpu.memory_space<hbm>>
        %dma_start3A_524 = arith.constant 0 : i32
        %dma_start3A_525 = arith.constant 0 : i32
        %dma_start3A_526 = tpu.memref_slice %dma_start3A_523[%dma_start3A_524, %dma_start3A_525] : memref<50176x16xf32, #tpu.memory_space<hbm>> -> memref<50176x16xf32, #tpu.memory_space<hbm>>
        tpu.enqueue_indirect_dma source(%dma_start3A_526 : memref<50176x16xf32, #tpu.memory_space<hbm>>) target(%dma_start3A_516 : memref<128x16xf32, #tpu.memory_space<vmem>>) offsets(%dma_start3A_519 : memref<128xi32, #tpu.memory_space<vmem>>) semaphore(%arg20 : memref<!tpu.dma_semaphore, #tpu.memory_space<semaphore_mem>>)
        %dma_start3A_527 = arith.constant 8 : i32
        %dma_start3A_528 = arith.constant 1024 : i32
        %dma_start3A_529 = arith.constant 0 : i32
        %dma_start3A_530 = tpu.memref_slice %arg13[%dma_start3A_528, %dma_start3A_529] : memref<1792x16xf32, #tpu.memory_space<vmem>> -> memref<128x16xf32, #tpu.memory_space<vmem>>
        %dma_start3A_531 = arith.constant 0 : i32
        %dma_start3A_532 = tpu.memref_slice %arg9[%dma_start3A_527, %dma_start3A_531] : memref<14x128xi32, #tpu.memory_space<vmem>> -> memref<1x128xi32, #tpu.memory_space<vmem>>
        %dma_start3A_533 = tpu.memref_squeeze %dma_start3A_532 : memref<1x128xi32, #tpu.memory_space<vmem>> -> memref<128xi32, #tpu.memory_space<vmem>>
        %dma_start3A_534 = arith.constant 0 : i32
        %dma_start3A_535 = arith.constant 0 : i32
        %dma_start3A_536 = tpu.memref_slice %arg7[%add3A_206, %dma_start3A_534, %dma_start3A_535] : memref<4x50176x16xf32, #tpu.memory_space<hbm>> -> memref<1x50176x16xf32, #tpu.memory_space<hbm>>
        %dma_start3A_537 = tpu.memref_squeeze %dma_start3A_536 : memref<1x50176x16xf32, #tpu.memory_space<hbm>> -> memref<50176x16xf32, #tpu.memory_space<hbm>>
        %dma_start3A_538 = arith.constant 0 : i32
        %dma_start3A_539 = arith.constant 0 : i32
        %dma_start3A_540 = tpu.memref_slice %dma_start3A_537[%dma_start3A_538, %dma_start3A_539] : memref<50176x16xf32, #tpu.memory_space<hbm>> -> memref<50176x16xf32, #tpu.memory_space<hbm>>
        tpu.enqueue_indirect_dma source(%dma_start3A_540 : memref<50176x16xf32, #tpu.memory_space<hbm>>) target(%dma_start3A_530 : memref<128x16xf32, #tpu.memory_space<vmem>>) offsets(%dma_start3A_533 : memref<128xi32, #tpu.memory_space<vmem>>) semaphore(%arg20 : memref<!tpu.dma_semaphore, #tpu.memory_space<semaphore_mem>>)
        %dma_start3A_541 = arith.constant 9 : i32
        %dma_start3A_542 = arith.constant 1152 : i32
        %dma_start3A_543 = arith.constant 0 : i32
        %dma_start3A_544 = tpu.memref_slice %arg13[%dma_start3A_542, %dma_start3A_543] : memref<1792x16xf32, #tpu.memory_space<vmem>> -> memref<128x16xf32, #tpu.memory_space<vmem>>
        %dma_start3A_545 = arith.constant 0 : i32
        %dma_start3A_546 = tpu.memref_slice %arg9[%dma_start3A_541, %dma_start3A_545] : memref<14x128xi32, #tpu.memory_space<vmem>> -> memref<1x128xi32, #tpu.memory_space<vmem>>
        %dma_start3A_547 = tpu.memref_squeeze %dma_start3A_546 : memref<1x128xi32, #tpu.memory_space<vmem>> -> memref<128xi32, #tpu.memory_space<vmem>>
        %dma_start3A_548 = arith.constant 0 : i32
        %dma_start3A_549 = arith.constant 0 : i32
        %dma_start3A_550 = tpu.memref_slice %arg7[%add3A_206, %dma_start3A_548, %dma_start3A_549] : memref<4x50176x16xf32, #tpu.memory_space<hbm>> -> memref<1x50176x16xf32, #tpu.memory_space<hbm>>
        %dma_start3A_551 = tpu.memref_squeeze %dma_start3A_550 : memref<1x50176x16xf32, #tpu.memory_space<hbm>> -> memref<50176x16xf32, #tpu.memory_space<hbm>>
        %dma_start3A_552 = arith.constant 0 : i32
        %dma_start3A_553 = arith.constant 0 : i32
        %dma_start3A_554 = tpu.memref_slice %dma_start3A_551[%dma_start3A_552, %dma_start3A_553] : memref<50176x16xf32, #tpu.memory_space<hbm>> -> memref<50176x16xf32, #tpu.memory_space<hbm>>
        tpu.enqueue_indirect_dma source(%dma_start3A_554 : memref<50176x16xf32, #tpu.memory_space<hbm>>) target(%dma_start3A_544 : memref<128x16xf32, #tpu.memory_space<vmem>>) offsets(%dma_start3A_547 : memref<128xi32, #tpu.memory_space<vmem>>) semaphore(%arg20 : memref<!tpu.dma_semaphore, #tpu.memory_space<semaphore_mem>>)
        %dma_start3A_555 = arith.constant 10 : i32
        %dma_start3A_556 = arith.constant 1280 : i32
        %dma_start3A_557 = arith.constant 0 : i32
        %dma_start3A_558 = tpu.memref_slice %arg13[%dma_start3A_556, %dma_start3A_557] : memref<1792x16xf32, #tpu.memory_space<vmem>> -> memref<128x16xf32, #tpu.memory_space<vmem>>
        %dma_start3A_559 = arith.constant 0 : i32
        %dma_start3A_560 = tpu.memref_slice %arg9[%dma_start3A_555, %dma_start3A_559] : memref<14x128xi32, #tpu.memory_space<vmem>> -> memref<1x128xi32, #tpu.memory_space<vmem>>
        %dma_start3A_561 = tpu.memref_squeeze %dma_start3A_560 : memref<1x128xi32, #tpu.memory_space<vmem>> -> memref<128xi32, #tpu.memory_space<vmem>>
        %dma_start3A_562 = arith.constant 0 : i32
        %dma_start3A_563 = arith.constant 0 : i32
        %dma_start3A_564 = tpu.memref_slice %arg7[%add3A_206, %dma_start3A_562, %dma_start3A_563] : memref<4x50176x16xf32, #tpu.memory_space<hbm>> -> memref<1x50176x16xf32, #tpu.memory_space<hbm>>
        %dma_start3A_565 = tpu.memref_squeeze %dma_start3A_564 : memref<1x50176x16xf32, #tpu.memory_space<hbm>> -> memref<50176x16xf32, #tpu.memory_space<hbm>>
        %dma_start3A_566 = arith.constant 0 : i32
        %dma_start3A_567 = arith.constant 0 : i32
        %dma_start3A_568 = tpu.memref_slice %dma_start3A_565[%dma_start3A_566, %dma_start3A_567] : memref<50176x16xf32, #tpu.memory_space<hbm>> -> memref<50176x16xf32, #tpu.memory_space<hbm>>
        tpu.enqueue_indirect_dma source(%dma_start3A_568 : memref<50176x16xf32, #tpu.memory_space<hbm>>) target(%dma_start3A_558 : memref<128x16xf32, #tpu.memory_space<vmem>>) offsets(%dma_start3A_561 : memref<128xi32, #tpu.memory_space<vmem>>) semaphore(%arg20 : memref<!tpu.dma_semaphore, #tpu.memory_space<semaphore_mem>>)
        %dma_start3A_569 = arith.constant 11 : i32
        %dma_start3A_570 = arith.constant 1408 : i32
        %dma_start3A_571 = arith.constant 0 : i32
        %dma_start3A_572 = tpu.memref_slice %arg13[%dma_start3A_570, %dma_start3A_571] : memref<1792x16xf32, #tpu.memory_space<vmem>> -> memref<128x16xf32, #tpu.memory_space<vmem>>
        %dma_start3A_573 = arith.constant 0 : i32
        %dma_start3A_574 = tpu.memref_slice %arg9[%dma_start3A_569, %dma_start3A_573] : memref<14x128xi32, #tpu.memory_space<vmem>> -> memref<1x128xi32, #tpu.memory_space<vmem>>
        %dma_start3A_575 = tpu.memref_squeeze %dma_start3A_574 : memref<1x128xi32, #tpu.memory_space<vmem>> -> memref<128xi32, #tpu.memory_space<vmem>>
        %dma_start3A_576 = arith.constant 0 : i32
        %dma_start3A_577 = arith.constant 0 : i32
        %dma_start3A_578 = tpu.memref_slice %arg7[%add3A_206, %dma_start3A_576, %dma_start3A_577] : memref<4x50176x16xf32, #tpu.memory_space<hbm>> -> memref<1x50176x16xf32, #tpu.memory_space<hbm>>
        %dma_start3A_579 = tpu.memref_squeeze %dma_start3A_578 : memref<1x50176x16xf32, #tpu.memory_space<hbm>> -> memref<50176x16xf32, #tpu.memory_space<hbm>>
        %dma_start3A_580 = arith.constant 0 : i32
        %dma_start3A_581 = arith.constant 0 : i32
        %dma_start3A_582 = tpu.memref_slice %dma_start3A_579[%dma_start3A_580, %dma_start3A_581] : memref<50176x16xf32, #tpu.memory_space<hbm>> -> memref<50176x16xf32, #tpu.memory_space<hbm>>
        tpu.enqueue_indirect_dma source(%dma_start3A_582 : memref<50176x16xf32, #tpu.memory_space<hbm>>) target(%dma_start3A_572 : memref<128x16xf32, #tpu.memory_space<vmem>>) offsets(%dma_start3A_575 : memref<128xi32, #tpu.memory_space<vmem>>) semaphore(%arg20 : memref<!tpu.dma_semaphore, #tpu.memory_space<semaphore_mem>>)
        %dma_start3A_583 = arith.constant 12 : i32
        %dma_start3A_584 = arith.constant 1536 : i32
        %dma_start3A_585 = arith.constant 0 : i32
        %dma_start3A_586 = tpu.memref_slice %arg13[%dma_start3A_584, %dma_start3A_585] : memref<1792x16xf32, #tpu.memory_space<vmem>> -> memref<128x16xf32, #tpu.memory_space<vmem>>
        %dma_start3A_587 = arith.constant 0 : i32
        %dma_start3A_588 = tpu.memref_slice %arg9[%dma_start3A_583, %dma_start3A_587] : memref<14x128xi32, #tpu.memory_space<vmem>> -> memref<1x128xi32, #tpu.memory_space<vmem>>
        %dma_start3A_589 = tpu.memref_squeeze %dma_start3A_588 : memref<1x128xi32, #tpu.memory_space<vmem>> -> memref<128xi32, #tpu.memory_space<vmem>>
        %dma_start3A_590 = arith.constant 0 : i32
        %dma_start3A_591 = arith.constant 0 : i32
        %dma_start3A_592 = tpu.memref_slice %arg7[%add3A_206, %dma_start3A_590, %dma_start3A_591] : memref<4x50176x16xf32, #tpu.memory_space<hbm>> -> memref<1x50176x16xf32, #tpu.memory_space<hbm>>
        %dma_start3A_593 = tpu.memref_squeeze %dma_start3A_592 : memref<1x50176x16xf32, #tpu.memory_space<hbm>> -> memref<50176x16xf32, #tpu.memory_space<hbm>>
        %dma_start3A_594 = arith.constant 0 : i32
        %dma_start3A_595 = arith.constant 0 : i32
        %dma_start3A_596 = tpu.memref_slice %dma_start3A_593[%dma_start3A_594, %dma_start3A_595] : memref<50176x16xf32, #tpu.memory_space<hbm>> -> memref<50176x16xf32, #tpu.memory_space<hbm>>
        tpu.enqueue_indirect_dma source(%dma_start3A_596 : memref<50176x16xf32, #tpu.memory_space<hbm>>) target(%dma_start3A_586 : memref<128x16xf32, #tpu.memory_space<vmem>>) offsets(%dma_start3A_589 : memref<128xi32, #tpu.memory_space<vmem>>) semaphore(%arg20 : memref<!tpu.dma_semaphore, #tpu.memory_space<semaphore_mem>>)
        %dma_start3A_597 = arith.constant 13 : i32
        %dma_start3A_598 = arith.constant 1664 : i32
        %dma_start3A_599 = arith.constant 0 : i32
        %dma_start3A_600 = tpu.memref_slice %arg13[%dma_start3A_598, %dma_start3A_599] : memref<1792x16xf32, #tpu.memory_space<vmem>> -> memref<128x16xf32, #tpu.memory_space<vmem>>
        %dma_start3A_601 = arith.constant 0 : i32
        %dma_start3A_602 = tpu.memref_slice %arg9[%dma_start3A_597, %dma_start3A_601] : memref<14x128xi32, #tpu.memory_space<vmem>> -> memref<1x128xi32, #tpu.memory_space<vmem>>
        %dma_start3A_603 = tpu.memref_squeeze %dma_start3A_602 : memref<1x128xi32, #tpu.memory_space<vmem>> -> memref<128xi32, #tpu.memory_space<vmem>>
        %dma_start3A_604 = arith.constant 0 : i32
        %dma_start3A_605 = arith.constant 0 : i32
        %dma_start3A_606 = tpu.memref_slice %arg7[%add3A_206, %dma_start3A_604, %dma_start3A_605] : memref<4x50176x16xf32, #tpu.memory_space<hbm>> -> memref<1x50176x16xf32, #tpu.memory_space<hbm>>
        %dma_start3A_607 = tpu.memref_squeeze %dma_start3A_606 : memref<1x50176x16xf32, #tpu.memory_space<hbm>> -> memref<50176x16xf32, #tpu.memory_space<hbm>>
        %dma_start3A_608 = arith.constant 0 : i32
        %dma_start3A_609 = arith.constant 0 : i32
        %dma_start3A_610 = tpu.memref_slice %dma_start3A_607[%dma_start3A_608, %dma_start3A_609] : memref<50176x16xf32, #tpu.memory_space<hbm>> -> memref<50176x16xf32, #tpu.memory_space<hbm>>
        tpu.enqueue_indirect_dma source(%dma_start3A_610 : memref<50176x16xf32, #tpu.memory_space<hbm>>) target(%dma_start3A_600 : memref<128x16xf32, #tpu.memory_space<vmem>>) offsets(%dma_start3A_603 : memref<128xi32, #tpu.memory_space<vmem>>) semaphore(%arg20 : memref<!tpu.dma_semaphore, #tpu.memory_space<semaphore_mem>>)
        %mul3A_611 = arith.constant 2 : i32
        %mul3A_612 = arith.muli %mul3A_611, %scan3A_408 : i32
        %add3A_613 = arith.constant 1 : i32
        %add3A_614 = arith.addi %mul3A_612, %add3A_613 : i32
        %mul3A_615 = arith.constant 14 : i32
        %mul3A_616 = arith.muli %add3A_614, %mul3A_615 : i32
        "tpu.region"() ({
          %run_scoped3A = tpu.sem_alloc : memref<!tpu.dma_semaphore, #tpu.memory_space<semaphore_mem>>
          %dma_start3A_1767 = arith.constant 0 : i32
          %dma_start3A_1768 = tpu.memref_slice %arg3[%arg1, %mul3A_616, %dma_start3A_1767] : memref<16x392x128xi32, #tpu.memory_space<hbm>> -> memref<1x14x128xi32, #tpu.memory_space<hbm>>
          %dma_start3A_1769 = tpu.memref_squeeze %dma_start3A_1768 : memref<1x14x128xi32, #tpu.memory_space<hbm>> -> memref<14x128xi32, #tpu.memory_space<hbm>>
          %dma_start3A_1770 = arith.constant 0 : i32
          %dma_start3A_1771 = tpu.memref_slice %arg3[%arg1, %mul3A_616, %dma_start3A_1770] : memref<16x392x128xi32, #tpu.memory_space<hbm>> -> memref<1x14x128xi32, #tpu.memory_space<hbm>>
          %dma_start3A_1772 = tpu.memref_squeeze %dma_start3A_1771 : memref<1x14x128xi32, #tpu.memory_space<hbm>> -> memref<14x128xi32, #tpu.memory_space<hbm>>
          tpu.enqueue_dma source(%dma_start3A_1772 : memref<14x128xi32, #tpu.memory_space<hbm>>) target(%arg10 : memref<14x128xi32, #tpu.memory_space<vmem>>) target_semaphore(%run_scoped3A : memref<!tpu.dma_semaphore, #tpu.memory_space<semaphore_mem>>)
          %dma_wait3A_1773 = arith.constant 0 : i32
          %dma_wait3A_1774 = tpu.memref_slice %arg3[%arg1, %mul3A_616, %dma_wait3A_1773] : memref<16x392x128xi32, #tpu.memory_space<hbm>> -> memref<1x14x128xi32, #tpu.memory_space<hbm>>
          %dma_wait3A_1775 = tpu.memref_squeeze %dma_wait3A_1774 : memref<1x14x128xi32, #tpu.memory_space<hbm>> -> memref<14x128xi32, #tpu.memory_space<hbm>>
          %dma_wait3A_1776 = arith.constant 0 : i32
          %dma_wait3A_1777 = tpu.memref_slice %arg3[%arg1, %mul3A_616, %dma_wait3A_1776] : memref<16x392x128xi32, #tpu.memory_space<hbm>> -> memref<1x14x128xi32, #tpu.memory_space<hbm>>
          %dma_wait3A_1778 = tpu.memref_squeeze %dma_wait3A_1777 : memref<1x14x128xi32, #tpu.memory_space<hbm>> -> memref<14x128xi32, #tpu.memory_space<hbm>>
          tpu.wait_dma2 semaphore(%run_scoped3A : memref<!tpu.dma_semaphore, #tpu.memory_space<semaphore_mem>>) src(%dma_wait3A_1778 : memref<14x128xi32, #tpu.memory_space<hbm>>) dst(%arg10 : memref<14x128xi32, #tpu.memory_space<vmem>>)
          tpu.yield
        }) : () -> ()
        %mul3A_617 = arith.constant 14 : i32
        %mul3A_618 = arith.muli %add3A_614, %mul3A_617 : i32
        "tpu.region"() ({
          %run_scoped3A = tpu.sem_alloc : memref<!tpu.dma_semaphore, #tpu.memory_space<semaphore_mem>>
          %dma_start3A_1767 = arith.constant 0 : i32
          %dma_start3A_1768 = tpu.memref_slice %arg4[%arg1, %mul3A_618, %dma_start3A_1767] : memref<16x392x128xi32, #tpu.memory_space<hbm>> -> memref<1x14x128xi32, #tpu.memory_space<hbm>>
          %dma_start3A_1769 = tpu.memref_squeeze %dma_start3A_1768 : memref<1x14x128xi32, #tpu.memory_space<hbm>> -> memref<14x128xi32, #tpu.memory_space<hbm>>
          %dma_start3A_1770 = arith.constant 0 : i32
          %dma_start3A_1771 = tpu.memref_slice %arg4[%arg1, %mul3A_618, %dma_start3A_1770] : memref<16x392x128xi32, #tpu.memory_space<hbm>> -> memref<1x14x128xi32, #tpu.memory_space<hbm>>
          %dma_start3A_1772 = tpu.memref_squeeze %dma_start3A_1771 : memref<1x14x128xi32, #tpu.memory_space<hbm>> -> memref<14x128xi32, #tpu.memory_space<hbm>>
          tpu.enqueue_dma source(%dma_start3A_1772 : memref<14x128xi32, #tpu.memory_space<hbm>>) target(%arg12 : memref<14x128xi32, #tpu.memory_space<vmem>>) target_semaphore(%run_scoped3A : memref<!tpu.dma_semaphore, #tpu.memory_space<semaphore_mem>>)
          %dma_wait3A_1773 = arith.constant 0 : i32
          %dma_wait3A_1774 = tpu.memref_slice %arg4[%arg1, %mul3A_618, %dma_wait3A_1773] : memref<16x392x128xi32, #tpu.memory_space<hbm>> -> memref<1x14x128xi32, #tpu.memory_space<hbm>>
          %dma_wait3A_1775 = tpu.memref_squeeze %dma_wait3A_1774 : memref<1x14x128xi32, #tpu.memory_space<hbm>> -> memref<14x128xi32, #tpu.memory_space<hbm>>
          %dma_wait3A_1776 = arith.constant 0 : i32
          %dma_wait3A_1777 = tpu.memref_slice %arg4[%arg1, %mul3A_618, %dma_wait3A_1776] : memref<16x392x128xi32, #tpu.memory_space<hbm>> -> memref<1x14x128xi32, #tpu.memory_space<hbm>>
          %dma_wait3A_1778 = tpu.memref_squeeze %dma_wait3A_1777 : memref<1x14x128xi32, #tpu.memory_space<hbm>> -> memref<14x128xi32, #tpu.memory_space<hbm>>
          tpu.wait_dma2 semaphore(%run_scoped3A : memref<!tpu.dma_semaphore, #tpu.memory_space<semaphore_mem>>) src(%dma_wait3A_1778 : memref<14x128xi32, #tpu.memory_space<hbm>>) dst(%arg12 : memref<14x128xi32, #tpu.memory_space<vmem>>)
          tpu.yield
        }) : () -> ()
        %dma_wait3A_619 = arith.constant 0 : i32
        %dma_wait3A_620 = arith.constant 0 : i32
        %dma_wait3A_621 = arith.constant 0 : i32
        %dma_wait3A_622 = tpu.memref_slice %arg13[%dma_wait3A_620, %dma_wait3A_621] : memref<1792x16xf32, #tpu.memory_space<vmem>> -> memref<128x16xf32, #tpu.memory_space<vmem>>
        %dma_wait3A_623 = arith.constant 0 : i32
        %dma_wait3A_624 = tpu.memref_slice %arg9[%dma_wait3A_619, %dma_wait3A_623] : memref<14x128xi32, #tpu.memory_space<vmem>> -> memref<1x128xi32, #tpu.memory_space<vmem>>
        %dma_wait3A_625 = tpu.memref_squeeze %dma_wait3A_624 : memref<1x128xi32, #tpu.memory_space<vmem>> -> memref<128xi32, #tpu.memory_space<vmem>>
        %dma_wait3A_626 = arith.constant 0 : i32
        %dma_wait3A_627 = arith.constant 0 : i32
        %dma_wait3A_628 = tpu.memref_slice %arg7[%add3A_206, %dma_wait3A_626, %dma_wait3A_627] : memref<4x50176x16xf32, #tpu.memory_space<hbm>> -> memref<1x50176x16xf32, #tpu.memory_space<hbm>>
        %dma_wait3A_629 = tpu.memref_squeeze %dma_wait3A_628 : memref<1x50176x16xf32, #tpu.memory_space<hbm>> -> memref<50176x16xf32, #tpu.memory_space<hbm>>
        %dma_wait3A_630 = arith.constant 0 : i32
        %dma_wait3A_631 = arith.constant 0 : i32
        %dma_wait3A_632 = tpu.memref_slice %dma_wait3A_629[%dma_wait3A_630, %dma_wait3A_631] : memref<50176x16xf32, #tpu.memory_space<hbm>> -> memref<50176x16xf32, #tpu.memory_space<hbm>>
        tpu.wait_indirect_dma semaphore(%arg20 : memref<!tpu.dma_semaphore, #tpu.memory_space<semaphore_mem>>) src(%dma_wait3A_632 : memref<50176x16xf32, #tpu.memory_space<hbm>>) dst(%dma_wait3A_622 : memref<128x16xf32, #tpu.memory_space<vmem>>)
        %dma_wait3A_633 = arith.constant 1 : i32
        %dma_wait3A_634 = arith.constant 128 : i32
        %dma_wait3A_635 = arith.constant 0 : i32
        %dma_wait3A_636 = tpu.memref_slice %arg13[%dma_wait3A_634, %dma_wait3A_635] : memref<1792x16xf32, #tpu.memory_space<vmem>> -> memref<128x16xf32, #tpu.memory_space<vmem>>
        %dma_wait3A_637 = arith.constant 0 : i32
        %dma_wait3A_638 = tpu.memref_slice %arg9[%dma_wait3A_633, %dma_wait3A_637] : memref<14x128xi32, #tpu.memory_space<vmem>> -> memref<1x128xi32, #tpu.memory_space<vmem>>
        %dma_wait3A_639 = tpu.memref_squeeze %dma_wait3A_638 : memref<1x128xi32, #tpu.memory_space<vmem>> -> memref<128xi32, #tpu.memory_space<vmem>>
        %dma_wait3A_640 = arith.constant 0 : i32
        %dma_wait3A_641 = arith.constant 0 : i32
        %dma_wait3A_642 = tpu.memref_slice %arg7[%add3A_206, %dma_wait3A_640, %dma_wait3A_641] : memref<4x50176x16xf32, #tpu.memory_space<hbm>> -> memref<1x50176x16xf32, #tpu.memory_space<hbm>>
        %dma_wait3A_643 = tpu.memref_squeeze %dma_wait3A_642 : memref<1x50176x16xf32, #tpu.memory_space<hbm>> -> memref<50176x16xf32, #tpu.memory_space<hbm>>
        %dma_wait3A_644 = arith.constant 0 : i32
        %dma_wait3A_645 = arith.constant 0 : i32
        %dma_wait3A_646 = tpu.memref_slice %dma_wait3A_643[%dma_wait3A_644, %dma_wait3A_645] : memref<50176x16xf32, #tpu.memory_space<hbm>> -> memref<50176x16xf32, #tpu.memory_space<hbm>>
        tpu.wait_indirect_dma semaphore(%arg20 : memref<!tpu.dma_semaphore, #tpu.memory_space<semaphore_mem>>) src(%dma_wait3A_646 : memref<50176x16xf32, #tpu.memory_space<hbm>>) dst(%dma_wait3A_636 : memref<128x16xf32, #tpu.memory_space<vmem>>)
        %dma_wait3A_647 = arith.constant 2 : i32
        %dma_wait3A_648 = arith.constant 256 : i32
        %dma_wait3A_649 = arith.constant 0 : i32
        %dma_wait3A_650 = tpu.memref_slice %arg13[%dma_wait3A_648, %dma_wait3A_649] : memref<1792x16xf32, #tpu.memory_space<vmem>> -> memref<128x16xf32, #tpu.memory_space<vmem>>
        %dma_wait3A_651 = arith.constant 0 : i32
        %dma_wait3A_652 = tpu.memref_slice %arg9[%dma_wait3A_647, %dma_wait3A_651] : memref<14x128xi32, #tpu.memory_space<vmem>> -> memref<1x128xi32, #tpu.memory_space<vmem>>
        %dma_wait3A_653 = tpu.memref_squeeze %dma_wait3A_652 : memref<1x128xi32, #tpu.memory_space<vmem>> -> memref<128xi32, #tpu.memory_space<vmem>>
        %dma_wait3A_654 = arith.constant 0 : i32
        %dma_wait3A_655 = arith.constant 0 : i32
        %dma_wait3A_656 = tpu.memref_slice %arg7[%add3A_206, %dma_wait3A_654, %dma_wait3A_655] : memref<4x50176x16xf32, #tpu.memory_space<hbm>> -> memref<1x50176x16xf32, #tpu.memory_space<hbm>>
        %dma_wait3A_657 = tpu.memref_squeeze %dma_wait3A_656 : memref<1x50176x16xf32, #tpu.memory_space<hbm>> -> memref<50176x16xf32, #tpu.memory_space<hbm>>
        %dma_wait3A_658 = arith.constant 0 : i32
        %dma_wait3A_659 = arith.constant 0 : i32
        %dma_wait3A_660 = tpu.memref_slice %dma_wait3A_657[%dma_wait3A_658, %dma_wait3A_659] : memref<50176x16xf32, #tpu.memory_space<hbm>> -> memref<50176x16xf32, #tpu.memory_space<hbm>>
        tpu.wait_indirect_dma semaphore(%arg20 : memref<!tpu.dma_semaphore, #tpu.memory_space<semaphore_mem>>) src(%dma_wait3A_660 : memref<50176x16xf32, #tpu.memory_space<hbm>>) dst(%dma_wait3A_650 : memref<128x16xf32, #tpu.memory_space<vmem>>)
        %dma_wait3A_661 = arith.constant 3 : i32
        %dma_wait3A_662 = arith.constant 384 : i32
        %dma_wait3A_663 = arith.constant 0 : i32
        %dma_wait3A_664 = tpu.memref_slice %arg13[%dma_wait3A_662, %dma_wait3A_663] : memref<1792x16xf32, #tpu.memory_space<vmem>> -> memref<128x16xf32, #tpu.memory_space<vmem>>
        %dma_wait3A_665 = arith.constant 0 : i32
        %dma_wait3A_666 = tpu.memref_slice %arg9[%dma_wait3A_661, %dma_wait3A_665] : memref<14x128xi32, #tpu.memory_space<vmem>> -> memref<1x128xi32, #tpu.memory_space<vmem>>
        %dma_wait3A_667 = tpu.memref_squeeze %dma_wait3A_666 : memref<1x128xi32, #tpu.memory_space<vmem>> -> memref<128xi32, #tpu.memory_space<vmem>>
        %dma_wait3A_668 = arith.constant 0 : i32
        %dma_wait3A_669 = arith.constant 0 : i32
        %dma_wait3A_670 = tpu.memref_slice %arg7[%add3A_206, %dma_wait3A_668, %dma_wait3A_669] : memref<4x50176x16xf32, #tpu.memory_space<hbm>> -> memref<1x50176x16xf32, #tpu.memory_space<hbm>>
        %dma_wait3A_671 = tpu.memref_squeeze %dma_wait3A_670 : memref<1x50176x16xf32, #tpu.memory_space<hbm>> -> memref<50176x16xf32, #tpu.memory_space<hbm>>
        %dma_wait3A_672 = arith.constant 0 : i32
        %dma_wait3A_673 = arith.constant 0 : i32
        %dma_wait3A_674 = tpu.memref_slice %dma_wait3A_671[%dma_wait3A_672, %dma_wait3A_673] : memref<50176x16xf32, #tpu.memory_space<hbm>> -> memref<50176x16xf32, #tpu.memory_space<hbm>>
        tpu.wait_indirect_dma semaphore(%arg20 : memref<!tpu.dma_semaphore, #tpu.memory_space<semaphore_mem>>) src(%dma_wait3A_674 : memref<50176x16xf32, #tpu.memory_space<hbm>>) dst(%dma_wait3A_664 : memref<128x16xf32, #tpu.memory_space<vmem>>)
        %dma_wait3A_675 = arith.constant 4 : i32
        %dma_wait3A_676 = arith.constant 512 : i32
        %dma_wait3A_677 = arith.constant 0 : i32
        %dma_wait3A_678 = tpu.memref_slice %arg13[%dma_wait3A_676, %dma_wait3A_677] : memref<1792x16xf32, #tpu.memory_space<vmem>> -> memref<128x16xf32, #tpu.memory_space<vmem>>
        %dma_wait3A_679 = arith.constant 0 : i32
        %dma_wait3A_680 = tpu.memref_slice %arg9[%dma_wait3A_675, %dma_wait3A_679] : memref<14x128xi32, #tpu.memory_space<vmem>> -> memref<1x128xi32, #tpu.memory_space<vmem>>
        %dma_wait3A_681 = tpu.memref_squeeze %dma_wait3A_680 : memref<1x128xi32, #tpu.memory_space<vmem>> -> memref<128xi32, #tpu.memory_space<vmem>>
        %dma_wait3A_682 = arith.constant 0 : i32
        %dma_wait3A_683 = arith.constant 0 : i32
        %dma_wait3A_684 = tpu.memref_slice %arg7[%add3A_206, %dma_wait3A_682, %dma_wait3A_683] : memref<4x50176x16xf32, #tpu.memory_space<hbm>> -> memref<1x50176x16xf32, #tpu.memory_space<hbm>>
        %dma_wait3A_685 = tpu.memref_squeeze %dma_wait3A_684 : memref<1x50176x16xf32, #tpu.memory_space<hbm>> -> memref<50176x16xf32, #tpu.memory_space<hbm>>
        %dma_wait3A_686 = arith.constant 0 : i32
        %dma_wait3A_687 = arith.constant 0 : i32
        %dma_wait3A_688 = tpu.memref_slice %dma_wait3A_685[%dma_wait3A_686, %dma_wait3A_687] : memref<50176x16xf32, #tpu.memory_space<hbm>> -> memref<50176x16xf32, #tpu.memory_space<hbm>>
        tpu.wait_indirect_dma semaphore(%arg20 : memref<!tpu.dma_semaphore, #tpu.memory_space<semaphore_mem>>) src(%dma_wait3A_688 : memref<50176x16xf32, #tpu.memory_space<hbm>>) dst(%dma_wait3A_678 : memref<128x16xf32, #tpu.memory_space<vmem>>)
        %dma_wait3A_689 = arith.constant 5 : i32
        %dma_wait3A_690 = arith.constant 640 : i32
        %dma_wait3A_691 = arith.constant 0 : i32
        %dma_wait3A_692 = tpu.memref_slice %arg13[%dma_wait3A_690, %dma_wait3A_691] : memref<1792x16xf32, #tpu.memory_space<vmem>> -> memref<128x16xf32, #tpu.memory_space<vmem>>
        %dma_wait3A_693 = arith.constant 0 : i32
        %dma_wait3A_694 = tpu.memref_slice %arg9[%dma_wait3A_689, %dma_wait3A_693] : memref<14x128xi32, #tpu.memory_space<vmem>> -> memref<1x128xi32, #tpu.memory_space<vmem>>
        %dma_wait3A_695 = tpu.memref_squeeze %dma_wait3A_694 : memref<1x128xi32, #tpu.memory_space<vmem>> -> memref<128xi32, #tpu.memory_space<vmem>>
        %dma_wait3A_696 = arith.constant 0 : i32
        %dma_wait3A_697 = arith.constant 0 : i32
        %dma_wait3A_698 = tpu.memref_slice %arg7[%add3A_206, %dma_wait3A_696, %dma_wait3A_697] : memref<4x50176x16xf32, #tpu.memory_space<hbm>> -> memref<1x50176x16xf32, #tpu.memory_space<hbm>>
        %dma_wait3A_699 = tpu.memref_squeeze %dma_wait3A_698 : memref<1x50176x16xf32, #tpu.memory_space<hbm>> -> memref<50176x16xf32, #tpu.memory_space<hbm>>
        %dma_wait3A_700 = arith.constant 0 : i32
        %dma_wait3A_701 = arith.constant 0 : i32
        %dma_wait3A_702 = tpu.memref_slice %dma_wait3A_699[%dma_wait3A_700, %dma_wait3A_701] : memref<50176x16xf32, #tpu.memory_space<hbm>> -> memref<50176x16xf32, #tpu.memory_space<hbm>>
        tpu.wait_indirect_dma semaphore(%arg20 : memref<!tpu.dma_semaphore, #tpu.memory_space<semaphore_mem>>) src(%dma_wait3A_702 : memref<50176x16xf32, #tpu.memory_space<hbm>>) dst(%dma_wait3A_692 : memref<128x16xf32, #tpu.memory_space<vmem>>)
        %dma_wait3A_703 = arith.constant 6 : i32
        %dma_wait3A_704 = arith.constant 768 : i32
        %dma_wait3A_705 = arith.constant 0 : i32
        %dma_wait3A_706 = tpu.memref_slice %arg13[%dma_wait3A_704, %dma_wait3A_705] : memref<1792x16xf32, #tpu.memory_space<vmem>> -> memref<128x16xf32, #tpu.memory_space<vmem>>
        %dma_wait3A_707 = arith.constant 0 : i32
        %dma_wait3A_708 = tpu.memref_slice %arg9[%dma_wait3A_703, %dma_wait3A_707] : memref<14x128xi32, #tpu.memory_space<vmem>> -> memref<1x128xi32, #tpu.memory_space<vmem>>
        %dma_wait3A_709 = tpu.memref_squeeze %dma_wait3A_708 : memref<1x128xi32, #tpu.memory_space<vmem>> -> memref<128xi32, #tpu.memory_space<vmem>>
        %dma_wait3A_710 = arith.constant 0 : i32
        %dma_wait3A_711 = arith.constant 0 : i32
        %dma_wait3A_712 = tpu.memref_slice %arg7[%add3A_206, %dma_wait3A_710, %dma_wait3A_711] : memref<4x50176x16xf32, #tpu.memory_space<hbm>> -> memref<1x50176x16xf32, #tpu.memory_space<hbm>>
        %dma_wait3A_713 = tpu.memref_squeeze %dma_wait3A_712 : memref<1x50176x16xf32, #tpu.memory_space<hbm>> -> memref<50176x16xf32, #tpu.memory_space<hbm>>
        %dma_wait3A_714 = arith.constant 0 : i32
        %dma_wait3A_715 = arith.constant 0 : i32
        %dma_wait3A_716 = tpu.memref_slice %dma_wait3A_713[%dma_wait3A_714, %dma_wait3A_715] : memref<50176x16xf32, #tpu.memory_space<hbm>> -> memref<50176x16xf32, #tpu.memory_space<hbm>>
        tpu.wait_indirect_dma semaphore(%arg20 : memref<!tpu.dma_semaphore, #tpu.memory_space<semaphore_mem>>) src(%dma_wait3A_716 : memref<50176x16xf32, #tpu.memory_space<hbm>>) dst(%dma_wait3A_706 : memref<128x16xf32, #tpu.memory_space<vmem>>)
        %dma_wait3A_717 = arith.constant 7 : i32
        %dma_wait3A_718 = arith.constant 896 : i32
        %dma_wait3A_719 = arith.constant 0 : i32
        %dma_wait3A_720 = tpu.memref_slice %arg13[%dma_wait3A_718, %dma_wait3A_719] : memref<1792x16xf32, #tpu.memory_space<vmem>> -> memref<128x16xf32, #tpu.memory_space<vmem>>
        %dma_wait3A_721 = arith.constant 0 : i32
        %dma_wait3A_722 = tpu.memref_slice %arg9[%dma_wait3A_717, %dma_wait3A_721] : memref<14x128xi32, #tpu.memory_space<vmem>> -> memref<1x128xi32, #tpu.memory_space<vmem>>
        %dma_wait3A_723 = tpu.memref_squeeze %dma_wait3A_722 : memref<1x128xi32, #tpu.memory_space<vmem>> -> memref<128xi32, #tpu.memory_space<vmem>>
        %dma_wait3A_724 = arith.constant 0 : i32
        %dma_wait3A_725 = arith.constant 0 : i32
        %dma_wait3A_726 = tpu.memref_slice %arg7[%add3A_206, %dma_wait3A_724, %dma_wait3A_725] : memref<4x50176x16xf32, #tpu.memory_space<hbm>> -> memref<1x50176x16xf32, #tpu.memory_space<hbm>>
        %dma_wait3A_727 = tpu.memref_squeeze %dma_wait3A_726 : memref<1x50176x16xf32, #tpu.memory_space<hbm>> -> memref<50176x16xf32, #tpu.memory_space<hbm>>
        %dma_wait3A_728 = arith.constant 0 : i32
        %dma_wait3A_729 = arith.constant 0 : i32
        %dma_wait3A_730 = tpu.memref_slice %dma_wait3A_727[%dma_wait3A_728, %dma_wait3A_729] : memref<50176x16xf32, #tpu.memory_space<hbm>> -> memref<50176x16xf32, #tpu.memory_space<hbm>>
        tpu.wait_indirect_dma semaphore(%arg20 : memref<!tpu.dma_semaphore, #tpu.memory_space<semaphore_mem>>) src(%dma_wait3A_730 : memref<50176x16xf32, #tpu.memory_space<hbm>>) dst(%dma_wait3A_720 : memref<128x16xf32, #tpu.memory_space<vmem>>)
        %dma_wait3A_731 = arith.constant 8 : i32
        %dma_wait3A_732 = arith.constant 1024 : i32
        %dma_wait3A_733 = arith.constant 0 : i32
        %dma_wait3A_734 = tpu.memref_slice %arg13[%dma_wait3A_732, %dma_wait3A_733] : memref<1792x16xf32, #tpu.memory_space<vmem>> -> memref<128x16xf32, #tpu.memory_space<vmem>>
        %dma_wait3A_735 = arith.constant 0 : i32
        %dma_wait3A_736 = tpu.memref_slice %arg9[%dma_wait3A_731, %dma_wait3A_735] : memref<14x128xi32, #tpu.memory_space<vmem>> -> memref<1x128xi32, #tpu.memory_space<vmem>>
        %dma_wait3A_737 = tpu.memref_squeeze %dma_wait3A_736 : memref<1x128xi32, #tpu.memory_space<vmem>> -> memref<128xi32, #tpu.memory_space<vmem>>
        %dma_wait3A_738 = arith.constant 0 : i32
        %dma_wait3A_739 = arith.constant 0 : i32
        %dma_wait3A_740 = tpu.memref_slice %arg7[%add3A_206, %dma_wait3A_738, %dma_wait3A_739] : memref<4x50176x16xf32, #tpu.memory_space<hbm>> -> memref<1x50176x16xf32, #tpu.memory_space<hbm>>
        %dma_wait3A_741 = tpu.memref_squeeze %dma_wait3A_740 : memref<1x50176x16xf32, #tpu.memory_space<hbm>> -> memref<50176x16xf32, #tpu.memory_space<hbm>>
        %dma_wait3A_742 = arith.constant 0 : i32
        %dma_wait3A_743 = arith.constant 0 : i32
        %dma_wait3A_744 = tpu.memref_slice %dma_wait3A_741[%dma_wait3A_742, %dma_wait3A_743] : memref<50176x16xf32, #tpu.memory_space<hbm>> -> memref<50176x16xf32, #tpu.memory_space<hbm>>
        tpu.wait_indirect_dma semaphore(%arg20 : memref<!tpu.dma_semaphore, #tpu.memory_space<semaphore_mem>>) src(%dma_wait3A_744 : memref<50176x16xf32, #tpu.memory_space<hbm>>) dst(%dma_wait3A_734 : memref<128x16xf32, #tpu.memory_space<vmem>>)
        %dma_wait3A_745 = arith.constant 9 : i32
        %dma_wait3A_746 = arith.constant 1152 : i32
        %dma_wait3A_747 = arith.constant 0 : i32
        %dma_wait3A_748 = tpu.memref_slice %arg13[%dma_wait3A_746, %dma_wait3A_747] : memref<1792x16xf32, #tpu.memory_space<vmem>> -> memref<128x16xf32, #tpu.memory_space<vmem>>
        %dma_wait3A_749 = arith.constant 0 : i32
        %dma_wait3A_750 = tpu.memref_slice %arg9[%dma_wait3A_745, %dma_wait3A_749] : memref<14x128xi32, #tpu.memory_space<vmem>> -> memref<1x128xi32, #tpu.memory_space<vmem>>
        %dma_wait3A_751 = tpu.memref_squeeze %dma_wait3A_750 : memref<1x128xi32, #tpu.memory_space<vmem>> -> memref<128xi32, #tpu.memory_space<vmem>>
        %dma_wait3A_752 = arith.constant 0 : i32
        %dma_wait3A_753 = arith.constant 0 : i32
        %dma_wait3A_754 = tpu.memref_slice %arg7[%add3A_206, %dma_wait3A_752, %dma_wait3A_753] : memref<4x50176x16xf32, #tpu.memory_space<hbm>> -> memref<1x50176x16xf32, #tpu.memory_space<hbm>>
        %dma_wait3A_755 = tpu.memref_squeeze %dma_wait3A_754 : memref<1x50176x16xf32, #tpu.memory_space<hbm>> -> memref<50176x16xf32, #tpu.memory_space<hbm>>
        %dma_wait3A_756 = arith.constant 0 : i32
        %dma_wait3A_757 = arith.constant 0 : i32
        %dma_wait3A_758 = tpu.memref_slice %dma_wait3A_755[%dma_wait3A_756, %dma_wait3A_757] : memref<50176x16xf32, #tpu.memory_space<hbm>> -> memref<50176x16xf32, #tpu.memory_space<hbm>>
        tpu.wait_indirect_dma semaphore(%arg20 : memref<!tpu.dma_semaphore, #tpu.memory_space<semaphore_mem>>) src(%dma_wait3A_758 : memref<50176x16xf32, #tpu.memory_space<hbm>>) dst(%dma_wait3A_748 : memref<128x16xf32, #tpu.memory_space<vmem>>)
        %dma_wait3A_759 = arith.constant 10 : i32
        %dma_wait3A_760 = arith.constant 1280 : i32
        %dma_wait3A_761 = arith.constant 0 : i32
        %dma_wait3A_762 = tpu.memref_slice %arg13[%dma_wait3A_760, %dma_wait3A_761] : memref<1792x16xf32, #tpu.memory_space<vmem>> -> memref<128x16xf32, #tpu.memory_space<vmem>>
        %dma_wait3A_763 = arith.constant 0 : i32
        %dma_wait3A_764 = tpu.memref_slice %arg9[%dma_wait3A_759, %dma_wait3A_763] : memref<14x128xi32, #tpu.memory_space<vmem>> -> memref<1x128xi32, #tpu.memory_space<vmem>>
        %dma_wait3A_765 = tpu.memref_squeeze %dma_wait3A_764 : memref<1x128xi32, #tpu.memory_space<vmem>> -> memref<128xi32, #tpu.memory_space<vmem>>
        %dma_wait3A_766 = arith.constant 0 : i32
        %dma_wait3A_767 = arith.constant 0 : i32
        %dma_wait3A_768 = tpu.memref_slice %arg7[%add3A_206, %dma_wait3A_766, %dma_wait3A_767] : memref<4x50176x16xf32, #tpu.memory_space<hbm>> -> memref<1x50176x16xf32, #tpu.memory_space<hbm>>
        %dma_wait3A_769 = tpu.memref_squeeze %dma_wait3A_768 : memref<1x50176x16xf32, #tpu.memory_space<hbm>> -> memref<50176x16xf32, #tpu.memory_space<hbm>>
        %dma_wait3A_770 = arith.constant 0 : i32
        %dma_wait3A_771 = arith.constant 0 : i32
        %dma_wait3A_772 = tpu.memref_slice %dma_wait3A_769[%dma_wait3A_770, %dma_wait3A_771] : memref<50176x16xf32, #tpu.memory_space<hbm>> -> memref<50176x16xf32, #tpu.memory_space<hbm>>
        tpu.wait_indirect_dma semaphore(%arg20 : memref<!tpu.dma_semaphore, #tpu.memory_space<semaphore_mem>>) src(%dma_wait3A_772 : memref<50176x16xf32, #tpu.memory_space<hbm>>) dst(%dma_wait3A_762 : memref<128x16xf32, #tpu.memory_space<vmem>>)
        %dma_wait3A_773 = arith.constant 11 : i32
        %dma_wait3A_774 = arith.constant 1408 : i32
        %dma_wait3A_775 = arith.constant 0 : i32
        %dma_wait3A_776 = tpu.memref_slice %arg13[%dma_wait3A_774, %dma_wait3A_775] : memref<1792x16xf32, #tpu.memory_space<vmem>> -> memref<128x16xf32, #tpu.memory_space<vmem>>
        %dma_wait3A_777 = arith.constant 0 : i32
        %dma_wait3A_778 = tpu.memref_slice %arg9[%dma_wait3A_773, %dma_wait3A_777] : memref<14x128xi32, #tpu.memory_space<vmem>> -> memref<1x128xi32, #tpu.memory_space<vmem>>
        %dma_wait3A_779 = tpu.memref_squeeze %dma_wait3A_778 : memref<1x128xi32, #tpu.memory_space<vmem>> -> memref<128xi32, #tpu.memory_space<vmem>>
        %dma_wait3A_780 = arith.constant 0 : i32
        %dma_wait3A_781 = arith.constant 0 : i32
        %dma_wait3A_782 = tpu.memref_slice %arg7[%add3A_206, %dma_wait3A_780, %dma_wait3A_781] : memref<4x50176x16xf32, #tpu.memory_space<hbm>> -> memref<1x50176x16xf32, #tpu.memory_space<hbm>>
        %dma_wait3A_783 = tpu.memref_squeeze %dma_wait3A_782 : memref<1x50176x16xf32, #tpu.memory_space<hbm>> -> memref<50176x16xf32, #tpu.memory_space<hbm>>
        %dma_wait3A_784 = arith.constant 0 : i32
        %dma_wait3A_785 = arith.constant 0 : i32
        %dma_wait3A_786 = tpu.memref_slice %dma_wait3A_783[%dma_wait3A_784, %dma_wait3A_785] : memref<50176x16xf32, #tpu.memory_space<hbm>> -> memref<50176x16xf32, #tpu.memory_space<hbm>>
        tpu.wait_indirect_dma semaphore(%arg20 : memref<!tpu.dma_semaphore, #tpu.memory_space<semaphore_mem>>) src(%dma_wait3A_786 : memref<50176x16xf32, #tpu.memory_space<hbm>>) dst(%dma_wait3A_776 : memref<128x16xf32, #tpu.memory_space<vmem>>)
        %dma_wait3A_787 = arith.constant 12 : i32
        %dma_wait3A_788 = arith.constant 1536 : i32
        %dma_wait3A_789 = arith.constant 0 : i32
        %dma_wait3A_790 = tpu.memref_slice %arg13[%dma_wait3A_788, %dma_wait3A_789] : memref<1792x16xf32, #tpu.memory_space<vmem>> -> memref<128x16xf32, #tpu.memory_space<vmem>>
        %dma_wait3A_791 = arith.constant 0 : i32
        %dma_wait3A_792 = tpu.memref_slice %arg9[%dma_wait3A_787, %dma_wait3A_791] : memref<14x128xi32, #tpu.memory_space<vmem>> -> memref<1x128xi32, #tpu.memory_space<vmem>>
        %dma_wait3A_793 = tpu.memref_squeeze %dma_wait3A_792 : memref<1x128xi32, #tpu.memory_space<vmem>> -> memref<128xi32, #tpu.memory_space<vmem>>
        %dma_wait3A_794 = arith.constant 0 : i32
        %dma_wait3A_795 = arith.constant 0 : i32
        %dma_wait3A_796 = tpu.memref_slice %arg7[%add3A_206, %dma_wait3A_794, %dma_wait3A_795] : memref<4x50176x16xf32, #tpu.memory_space<hbm>> -> memref<1x50176x16xf32, #tpu.memory_space<hbm>>
        %dma_wait3A_797 = tpu.memref_squeeze %dma_wait3A_796 : memref<1x50176x16xf32, #tpu.memory_space<hbm>> -> memref<50176x16xf32, #tpu.memory_space<hbm>>
        %dma_wait3A_798 = arith.constant 0 : i32
        %dma_wait3A_799 = arith.constant 0 : i32
        %dma_wait3A_800 = tpu.memref_slice %dma_wait3A_797[%dma_wait3A_798, %dma_wait3A_799] : memref<50176x16xf32, #tpu.memory_space<hbm>> -> memref<50176x16xf32, #tpu.memory_space<hbm>>
        tpu.wait_indirect_dma semaphore(%arg20 : memref<!tpu.dma_semaphore, #tpu.memory_space<semaphore_mem>>) src(%dma_wait3A_800 : memref<50176x16xf32, #tpu.memory_space<hbm>>) dst(%dma_wait3A_790 : memref<128x16xf32, #tpu.memory_space<vmem>>)
        %dma_wait3A_801 = arith.constant 13 : i32
        %dma_wait3A_802 = arith.constant 1664 : i32
        %dma_wait3A_803 = arith.constant 0 : i32
        %dma_wait3A_804 = tpu.memref_slice %arg13[%dma_wait3A_802, %dma_wait3A_803] : memref<1792x16xf32, #tpu.memory_space<vmem>> -> memref<128x16xf32, #tpu.memory_space<vmem>>
        %dma_wait3A_805 = arith.constant 0 : i32
        %dma_wait3A_806 = tpu.memref_slice %arg9[%dma_wait3A_801, %dma_wait3A_805] : memref<14x128xi32, #tpu.memory_space<vmem>> -> memref<1x128xi32, #tpu.memory_space<vmem>>
        %dma_wait3A_807 = tpu.memref_squeeze %dma_wait3A_806 : memref<1x128xi32, #tpu.memory_space<vmem>> -> memref<128xi32, #tpu.memory_space<vmem>>
        %dma_wait3A_808 = arith.constant 0 : i32
        %dma_wait3A_809 = arith.constant 0 : i32
        %dma_wait3A_810 = tpu.memref_slice %arg7[%add3A_206, %dma_wait3A_808, %dma_wait3A_809] : memref<4x50176x16xf32, #tpu.memory_space<hbm>> -> memref<1x50176x16xf32, #tpu.memory_space<hbm>>
        %dma_wait3A_811 = tpu.memref_squeeze %dma_wait3A_810 : memref<1x50176x16xf32, #tpu.memory_space<hbm>> -> memref<50176x16xf32, #tpu.memory_space<hbm>>
        %dma_wait3A_812 = arith.constant 0 : i32
        %dma_wait3A_813 = arith.constant 0 : i32
        %dma_wait3A_814 = tpu.memref_slice %dma_wait3A_811[%dma_wait3A_812, %dma_wait3A_813] : memref<50176x16xf32, #tpu.memory_space<hbm>> -> memref<50176x16xf32, #tpu.memory_space<hbm>>
        tpu.wait_indirect_dma semaphore(%arg20 : memref<!tpu.dma_semaphore, #tpu.memory_space<semaphore_mem>>) src(%dma_wait3A_814 : memref<50176x16xf32, #tpu.memory_space<hbm>>) dst(%dma_wait3A_804 : memref<128x16xf32, #tpu.memory_space<vmem>>)
        %dma_start3A_815 = arith.constant 0 : i32
        %dma_start3A_816 = arith.constant 0 : i32
        %dma_start3A_817 = arith.constant 0 : i32
        %dma_start3A_818 = tpu.memref_slice %arg13[%dma_start3A_816, %dma_start3A_817] : memref<1792x16xf32, #tpu.memory_space<vmem>> -> memref<128x16xf32, #tpu.memory_space<vmem>>
        %dma_start3A_819 = arith.constant 0 : i32
        %dma_start3A_820 = tpu.memref_slice %arg11[%dma_start3A_815, %dma_start3A_819] : memref<14x128xi32, #tpu.memory_space<vmem>> -> memref<1x128xi32, #tpu.memory_space<vmem>>
        %dma_start3A_821 = tpu.memref_squeeze %dma_start3A_820 : memref<1x128xi32, #tpu.memory_space<vmem>> -> memref<128xi32, #tpu.memory_space<vmem>>
        %dma_start3A_822 = arith.constant 0 : i32
        %dma_start3A_823 = arith.constant 0 : i32
        %dma_start3A_824 = tpu.memref_slice %arg22[%dma_start3A_822, %dma_start3A_823] : memref<50176x16xf32, #tpu.memory_space<vmem_shared>> -> memref<50176x16xf32, #tpu.memory_space<vmem_shared>>
        tpu.enqueue_indirect_dma source(%dma_start3A_818 : memref<128x16xf32, #tpu.memory_space<vmem>>) target(%dma_start3A_824 : memref<50176x16xf32, #tpu.memory_space<vmem_shared>>) offsets(%dma_start3A_821 : memref<128xi32, #tpu.memory_space<vmem>>) semaphore(%arg21 : memref<!tpu.dma_semaphore, #tpu.memory_space<semaphore_mem>>) {add = true}
        %dma_start3A_825 = arith.constant 1 : i32
        %dma_start3A_826 = arith.constant 128 : i32
        %dma_start3A_827 = arith.constant 0 : i32
        %dma_start3A_828 = tpu.memref_slice %arg13[%dma_start3A_826, %dma_start3A_827] : memref<1792x16xf32, #tpu.memory_space<vmem>> -> memref<128x16xf32, #tpu.memory_space<vmem>>
        %dma_start3A_829 = arith.constant 0 : i32
        %dma_start3A_830 = tpu.memref_slice %arg11[%dma_start3A_825, %dma_start3A_829] : memref<14x128xi32, #tpu.memory_space<vmem>> -> memref<1x128xi32, #tpu.memory_space<vmem>>
        %dma_start3A_831 = tpu.memref_squeeze %dma_start3A_830 : memref<1x128xi32, #tpu.memory_space<vmem>> -> memref<128xi32, #tpu.memory_space<vmem>>
        %dma_start3A_832 = arith.constant 0 : i32
        %dma_start3A_833 = arith.constant 0 : i32
        %dma_start3A_834 = tpu.memref_slice %arg22[%dma_start3A_832, %dma_start3A_833] : memref<50176x16xf32, #tpu.memory_space<vmem_shared>> -> memref<50176x16xf32, #tpu.memory_space<vmem_shared>>
        tpu.enqueue_indirect_dma source(%dma_start3A_828 : memref<128x16xf32, #tpu.memory_space<vmem>>) target(%dma_start3A_834 : memref<50176x16xf32, #tpu.memory_space<vmem_shared>>) offsets(%dma_start3A_831 : memref<128xi32, #tpu.memory_space<vmem>>) semaphore(%arg21 : memref<!tpu.dma_semaphore, #tpu.memory_space<semaphore_mem>>) {add = true}
        %dma_start3A_835 = arith.constant 2 : i32
        %dma_start3A_836 = arith.constant 256 : i32
        %dma_start3A_837 = arith.constant 0 : i32
        %dma_start3A_838 = tpu.memref_slice %arg13[%dma_start3A_836, %dma_start3A_837] : memref<1792x16xf32, #tpu.memory_space<vmem>> -> memref<128x16xf32, #tpu.memory_space<vmem>>
        %dma_start3A_839 = arith.constant 0 : i32
        %dma_start3A_840 = tpu.memref_slice %arg11[%dma_start3A_835, %dma_start3A_839] : memref<14x128xi32, #tpu.memory_space<vmem>> -> memref<1x128xi32, #tpu.memory_space<vmem>>
        %dma_start3A_841 = tpu.memref_squeeze %dma_start3A_840 : memref<1x128xi32, #tpu.memory_space<vmem>> -> memref<128xi32, #tpu.memory_space<vmem>>
        %dma_start3A_842 = arith.constant 0 : i32
        %dma_start3A_843 = arith.constant 0 : i32
        %dma_start3A_844 = tpu.memref_slice %arg22[%dma_start3A_842, %dma_start3A_843] : memref<50176x16xf32, #tpu.memory_space<vmem_shared>> -> memref<50176x16xf32, #tpu.memory_space<vmem_shared>>
        tpu.enqueue_indirect_dma source(%dma_start3A_838 : memref<128x16xf32, #tpu.memory_space<vmem>>) target(%dma_start3A_844 : memref<50176x16xf32, #tpu.memory_space<vmem_shared>>) offsets(%dma_start3A_841 : memref<128xi32, #tpu.memory_space<vmem>>) semaphore(%arg21 : memref<!tpu.dma_semaphore, #tpu.memory_space<semaphore_mem>>) {add = true}
        %dma_start3A_845 = arith.constant 3 : i32
        %dma_start3A_846 = arith.constant 384 : i32
        %dma_start3A_847 = arith.constant 0 : i32
        %dma_start3A_848 = tpu.memref_slice %arg13[%dma_start3A_846, %dma_start3A_847] : memref<1792x16xf32, #tpu.memory_space<vmem>> -> memref<128x16xf32, #tpu.memory_space<vmem>>
        %dma_start3A_849 = arith.constant 0 : i32
        %dma_start3A_850 = tpu.memref_slice %arg11[%dma_start3A_845, %dma_start3A_849] : memref<14x128xi32, #tpu.memory_space<vmem>> -> memref<1x128xi32, #tpu.memory_space<vmem>>
        %dma_start3A_851 = tpu.memref_squeeze %dma_start3A_850 : memref<1x128xi32, #tpu.memory_space<vmem>> -> memref<128xi32, #tpu.memory_space<vmem>>
        %dma_start3A_852 = arith.constant 0 : i32
        %dma_start3A_853 = arith.constant 0 : i32
        %dma_start3A_854 = tpu.memref_slice %arg22[%dma_start3A_852, %dma_start3A_853] : memref<50176x16xf32, #tpu.memory_space<vmem_shared>> -> memref<50176x16xf32, #tpu.memory_space<vmem_shared>>
        tpu.enqueue_indirect_dma source(%dma_start3A_848 : memref<128x16xf32, #tpu.memory_space<vmem>>) target(%dma_start3A_854 : memref<50176x16xf32, #tpu.memory_space<vmem_shared>>) offsets(%dma_start3A_851 : memref<128xi32, #tpu.memory_space<vmem>>) semaphore(%arg21 : memref<!tpu.dma_semaphore, #tpu.memory_space<semaphore_mem>>) {add = true}
        %dma_start3A_855 = arith.constant 4 : i32
        %dma_start3A_856 = arith.constant 512 : i32
        %dma_start3A_857 = arith.constant 0 : i32
        %dma_start3A_858 = tpu.memref_slice %arg13[%dma_start3A_856, %dma_start3A_857] : memref<1792x16xf32, #tpu.memory_space<vmem>> -> memref<128x16xf32, #tpu.memory_space<vmem>>
        %dma_start3A_859 = arith.constant 0 : i32
        %dma_start3A_860 = tpu.memref_slice %arg11[%dma_start3A_855, %dma_start3A_859] : memref<14x128xi32, #tpu.memory_space<vmem>> -> memref<1x128xi32, #tpu.memory_space<vmem>>
        %dma_start3A_861 = tpu.memref_squeeze %dma_start3A_860 : memref<1x128xi32, #tpu.memory_space<vmem>> -> memref<128xi32, #tpu.memory_space<vmem>>
        %dma_start3A_862 = arith.constant 0 : i32
        %dma_start3A_863 = arith.constant 0 : i32
        %dma_start3A_864 = tpu.memref_slice %arg22[%dma_start3A_862, %dma_start3A_863] : memref<50176x16xf32, #tpu.memory_space<vmem_shared>> -> memref<50176x16xf32, #tpu.memory_space<vmem_shared>>
        tpu.enqueue_indirect_dma source(%dma_start3A_858 : memref<128x16xf32, #tpu.memory_space<vmem>>) target(%dma_start3A_864 : memref<50176x16xf32, #tpu.memory_space<vmem_shared>>) offsets(%dma_start3A_861 : memref<128xi32, #tpu.memory_space<vmem>>) semaphore(%arg21 : memref<!tpu.dma_semaphore, #tpu.memory_space<semaphore_mem>>) {add = true}
        %dma_start3A_865 = arith.constant 5 : i32
        %dma_start3A_866 = arith.constant 640 : i32
        %dma_start3A_867 = arith.constant 0 : i32
        %dma_start3A_868 = tpu.memref_slice %arg13[%dma_start3A_866, %dma_start3A_867] : memref<1792x16xf32, #tpu.memory_space<vmem>> -> memref<128x16xf32, #tpu.memory_space<vmem>>
        %dma_start3A_869 = arith.constant 0 : i32
        %dma_start3A_870 = tpu.memref_slice %arg11[%dma_start3A_865, %dma_start3A_869] : memref<14x128xi32, #tpu.memory_space<vmem>> -> memref<1x128xi32, #tpu.memory_space<vmem>>
        %dma_start3A_871 = tpu.memref_squeeze %dma_start3A_870 : memref<1x128xi32, #tpu.memory_space<vmem>> -> memref<128xi32, #tpu.memory_space<vmem>>
        %dma_start3A_872 = arith.constant 0 : i32
        %dma_start3A_873 = arith.constant 0 : i32
        %dma_start3A_874 = tpu.memref_slice %arg22[%dma_start3A_872, %dma_start3A_873] : memref<50176x16xf32, #tpu.memory_space<vmem_shared>> -> memref<50176x16xf32, #tpu.memory_space<vmem_shared>>
        tpu.enqueue_indirect_dma source(%dma_start3A_868 : memref<128x16xf32, #tpu.memory_space<vmem>>) target(%dma_start3A_874 : memref<50176x16xf32, #tpu.memory_space<vmem_shared>>) offsets(%dma_start3A_871 : memref<128xi32, #tpu.memory_space<vmem>>) semaphore(%arg21 : memref<!tpu.dma_semaphore, #tpu.memory_space<semaphore_mem>>) {add = true}
        %dma_start3A_875 = arith.constant 6 : i32
        %dma_start3A_876 = arith.constant 768 : i32
        %dma_start3A_877 = arith.constant 0 : i32
        %dma_start3A_878 = tpu.memref_slice %arg13[%dma_start3A_876, %dma_start3A_877] : memref<1792x16xf32, #tpu.memory_space<vmem>> -> memref<128x16xf32, #tpu.memory_space<vmem>>
        %dma_start3A_879 = arith.constant 0 : i32
        %dma_start3A_880 = tpu.memref_slice %arg11[%dma_start3A_875, %dma_start3A_879] : memref<14x128xi32, #tpu.memory_space<vmem>> -> memref<1x128xi32, #tpu.memory_space<vmem>>
        %dma_start3A_881 = tpu.memref_squeeze %dma_start3A_880 : memref<1x128xi32, #tpu.memory_space<vmem>> -> memref<128xi32, #tpu.memory_space<vmem>>
        %dma_start3A_882 = arith.constant 0 : i32
        %dma_start3A_883 = arith.constant 0 : i32
        %dma_start3A_884 = tpu.memref_slice %arg22[%dma_start3A_882, %dma_start3A_883] : memref<50176x16xf32, #tpu.memory_space<vmem_shared>> -> memref<50176x16xf32, #tpu.memory_space<vmem_shared>>
        tpu.enqueue_indirect_dma source(%dma_start3A_878 : memref<128x16xf32, #tpu.memory_space<vmem>>) target(%dma_start3A_884 : memref<50176x16xf32, #tpu.memory_space<vmem_shared>>) offsets(%dma_start3A_881 : memref<128xi32, #tpu.memory_space<vmem>>) semaphore(%arg21 : memref<!tpu.dma_semaphore, #tpu.memory_space<semaphore_mem>>) {add = true}
        %dma_start3A_885 = arith.constant 7 : i32
        %dma_start3A_886 = arith.constant 896 : i32
        %dma_start3A_887 = arith.constant 0 : i32
        %dma_start3A_888 = tpu.memref_slice %arg13[%dma_start3A_886, %dma_start3A_887] : memref<1792x16xf32, #tpu.memory_space<vmem>> -> memref<128x16xf32, #tpu.memory_space<vmem>>
        %dma_start3A_889 = arith.constant 0 : i32
        %dma_start3A_890 = tpu.memref_slice %arg11[%dma_start3A_885, %dma_start3A_889] : memref<14x128xi32, #tpu.memory_space<vmem>> -> memref<1x128xi32, #tpu.memory_space<vmem>>
        %dma_start3A_891 = tpu.memref_squeeze %dma_start3A_890 : memref<1x128xi32, #tpu.memory_space<vmem>> -> memref<128xi32, #tpu.memory_space<vmem>>
        %dma_start3A_892 = arith.constant 0 : i32
        %dma_start3A_893 = arith.constant 0 : i32
        %dma_start3A_894 = tpu.memref_slice %arg22[%dma_start3A_892, %dma_start3A_893] : memref<50176x16xf32, #tpu.memory_space<vmem_shared>> -> memref<50176x16xf32, #tpu.memory_space<vmem_shared>>
        tpu.enqueue_indirect_dma source(%dma_start3A_888 : memref<128x16xf32, #tpu.memory_space<vmem>>) target(%dma_start3A_894 : memref<50176x16xf32, #tpu.memory_space<vmem_shared>>) offsets(%dma_start3A_891 : memref<128xi32, #tpu.memory_space<vmem>>) semaphore(%arg21 : memref<!tpu.dma_semaphore, #tpu.memory_space<semaphore_mem>>) {add = true}
        %dma_start3A_895 = arith.constant 8 : i32
        %dma_start3A_896 = arith.constant 1024 : i32
        %dma_start3A_897 = arith.constant 0 : i32
        %dma_start3A_898 = tpu.memref_slice %arg13[%dma_start3A_896, %dma_start3A_897] : memref<1792x16xf32, #tpu.memory_space<vmem>> -> memref<128x16xf32, #tpu.memory_space<vmem>>
        %dma_start3A_899 = arith.constant 0 : i32
        %dma_start3A_900 = tpu.memref_slice %arg11[%dma_start3A_895, %dma_start3A_899] : memref<14x128xi32, #tpu.memory_space<vmem>> -> memref<1x128xi32, #tpu.memory_space<vmem>>
        %dma_start3A_901 = tpu.memref_squeeze %dma_start3A_900 : memref<1x128xi32, #tpu.memory_space<vmem>> -> memref<128xi32, #tpu.memory_space<vmem>>
        %dma_start3A_902 = arith.constant 0 : i32
        %dma_start3A_903 = arith.constant 0 : i32
        %dma_start3A_904 = tpu.memref_slice %arg22[%dma_start3A_902, %dma_start3A_903] : memref<50176x16xf32, #tpu.memory_space<vmem_shared>> -> memref<50176x16xf32, #tpu.memory_space<vmem_shared>>
        tpu.enqueue_indirect_dma source(%dma_start3A_898 : memref<128x16xf32, #tpu.memory_space<vmem>>) target(%dma_start3A_904 : memref<50176x16xf32, #tpu.memory_space<vmem_shared>>) offsets(%dma_start3A_901 : memref<128xi32, #tpu.memory_space<vmem>>) semaphore(%arg21 : memref<!tpu.dma_semaphore, #tpu.memory_space<semaphore_mem>>) {add = true}
        %dma_start3A_905 = arith.constant 9 : i32
        %dma_start3A_906 = arith.constant 1152 : i32
        %dma_start3A_907 = arith.constant 0 : i32
        %dma_start3A_908 = tpu.memref_slice %arg13[%dma_start3A_906, %dma_start3A_907] : memref<1792x16xf32, #tpu.memory_space<vmem>> -> memref<128x16xf32, #tpu.memory_space<vmem>>
        %dma_start3A_909 = arith.constant 0 : i32
        %dma_start3A_910 = tpu.memref_slice %arg11[%dma_start3A_905, %dma_start3A_909] : memref<14x128xi32, #tpu.memory_space<vmem>> -> memref<1x128xi32, #tpu.memory_space<vmem>>
        %dma_start3A_911 = tpu.memref_squeeze %dma_start3A_910 : memref<1x128xi32, #tpu.memory_space<vmem>> -> memref<128xi32, #tpu.memory_space<vmem>>
        %dma_start3A_912 = arith.constant 0 : i32
        %dma_start3A_913 = arith.constant 0 : i32
        %dma_start3A_914 = tpu.memref_slice %arg22[%dma_start3A_912, %dma_start3A_913] : memref<50176x16xf32, #tpu.memory_space<vmem_shared>> -> memref<50176x16xf32, #tpu.memory_space<vmem_shared>>
        tpu.enqueue_indirect_dma source(%dma_start3A_908 : memref<128x16xf32, #tpu.memory_space<vmem>>) target(%dma_start3A_914 : memref<50176x16xf32, #tpu.memory_space<vmem_shared>>) offsets(%dma_start3A_911 : memref<128xi32, #tpu.memory_space<vmem>>) semaphore(%arg21 : memref<!tpu.dma_semaphore, #tpu.memory_space<semaphore_mem>>) {add = true}
        %dma_start3A_915 = arith.constant 10 : i32
        %dma_start3A_916 = arith.constant 1280 : i32
        %dma_start3A_917 = arith.constant 0 : i32
        %dma_start3A_918 = tpu.memref_slice %arg13[%dma_start3A_916, %dma_start3A_917] : memref<1792x16xf32, #tpu.memory_space<vmem>> -> memref<128x16xf32, #tpu.memory_space<vmem>>
        %dma_start3A_919 = arith.constant 0 : i32
        %dma_start3A_920 = tpu.memref_slice %arg11[%dma_start3A_915, %dma_start3A_919] : memref<14x128xi32, #tpu.memory_space<vmem>> -> memref<1x128xi32, #tpu.memory_space<vmem>>
        %dma_start3A_921 = tpu.memref_squeeze %dma_start3A_920 : memref<1x128xi32, #tpu.memory_space<vmem>> -> memref<128xi32, #tpu.memory_space<vmem>>
        %dma_start3A_922 = arith.constant 0 : i32
        %dma_start3A_923 = arith.constant 0 : i32
        %dma_start3A_924 = tpu.memref_slice %arg22[%dma_start3A_922, %dma_start3A_923] : memref<50176x16xf32, #tpu.memory_space<vmem_shared>> -> memref<50176x16xf32, #tpu.memory_space<vmem_shared>>
        tpu.enqueue_indirect_dma source(%dma_start3A_918 : memref<128x16xf32, #tpu.memory_space<vmem>>) target(%dma_start3A_924 : memref<50176x16xf32, #tpu.memory_space<vmem_shared>>) offsets(%dma_start3A_921 : memref<128xi32, #tpu.memory_space<vmem>>) semaphore(%arg21 : memref<!tpu.dma_semaphore, #tpu.memory_space<semaphore_mem>>) {add = true}
        %dma_start3A_925 = arith.constant 11 : i32
        %dma_start3A_926 = arith.constant 1408 : i32
        %dma_start3A_927 = arith.constant 0 : i32
        %dma_start3A_928 = tpu.memref_slice %arg13[%dma_start3A_926, %dma_start3A_927] : memref<1792x16xf32, #tpu.memory_space<vmem>> -> memref<128x16xf32, #tpu.memory_space<vmem>>
        %dma_start3A_929 = arith.constant 0 : i32
        %dma_start3A_930 = tpu.memref_slice %arg11[%dma_start3A_925, %dma_start3A_929] : memref<14x128xi32, #tpu.memory_space<vmem>> -> memref<1x128xi32, #tpu.memory_space<vmem>>
        %dma_start3A_931 = tpu.memref_squeeze %dma_start3A_930 : memref<1x128xi32, #tpu.memory_space<vmem>> -> memref<128xi32, #tpu.memory_space<vmem>>
        %dma_start3A_932 = arith.constant 0 : i32
        %dma_start3A_933 = arith.constant 0 : i32
        %dma_start3A_934 = tpu.memref_slice %arg22[%dma_start3A_932, %dma_start3A_933] : memref<50176x16xf32, #tpu.memory_space<vmem_shared>> -> memref<50176x16xf32, #tpu.memory_space<vmem_shared>>
        tpu.enqueue_indirect_dma source(%dma_start3A_928 : memref<128x16xf32, #tpu.memory_space<vmem>>) target(%dma_start3A_934 : memref<50176x16xf32, #tpu.memory_space<vmem_shared>>) offsets(%dma_start3A_931 : memref<128xi32, #tpu.memory_space<vmem>>) semaphore(%arg21 : memref<!tpu.dma_semaphore, #tpu.memory_space<semaphore_mem>>) {add = true}
        %dma_start3A_935 = arith.constant 12 : i32
        %dma_start3A_936 = arith.constant 1536 : i32
        %dma_start3A_937 = arith.constant 0 : i32
        %dma_start3A_938 = tpu.memref_slice %arg13[%dma_start3A_936, %dma_start3A_937] : memref<1792x16xf32, #tpu.memory_space<vmem>> -> memref<128x16xf32, #tpu.memory_space<vmem>>
        %dma_start3A_939 = arith.constant 0 : i32
        %dma_start3A_940 = tpu.memref_slice %arg11[%dma_start3A_935, %dma_start3A_939] : memref<14x128xi32, #tpu.memory_space<vmem>> -> memref<1x128xi32, #tpu.memory_space<vmem>>
        %dma_start3A_941 = tpu.memref_squeeze %dma_start3A_940 : memref<1x128xi32, #tpu.memory_space<vmem>> -> memref<128xi32, #tpu.memory_space<vmem>>
        %dma_start3A_942 = arith.constant 0 : i32
        %dma_start3A_943 = arith.constant 0 : i32
        %dma_start3A_944 = tpu.memref_slice %arg22[%dma_start3A_942, %dma_start3A_943] : memref<50176x16xf32, #tpu.memory_space<vmem_shared>> -> memref<50176x16xf32, #tpu.memory_space<vmem_shared>>
        tpu.enqueue_indirect_dma source(%dma_start3A_938 : memref<128x16xf32, #tpu.memory_space<vmem>>) target(%dma_start3A_944 : memref<50176x16xf32, #tpu.memory_space<vmem_shared>>) offsets(%dma_start3A_941 : memref<128xi32, #tpu.memory_space<vmem>>) semaphore(%arg21 : memref<!tpu.dma_semaphore, #tpu.memory_space<semaphore_mem>>) {add = true}
        %dma_start3A_945 = arith.constant 13 : i32
        %dma_start3A_946 = arith.constant 1664 : i32
        %dma_start3A_947 = arith.constant 0 : i32
        %dma_start3A_948 = tpu.memref_slice %arg13[%dma_start3A_946, %dma_start3A_947] : memref<1792x16xf32, #tpu.memory_space<vmem>> -> memref<128x16xf32, #tpu.memory_space<vmem>>
        %dma_start3A_949 = arith.constant 0 : i32
        %dma_start3A_950 = tpu.memref_slice %arg11[%dma_start3A_945, %dma_start3A_949] : memref<14x128xi32, #tpu.memory_space<vmem>> -> memref<1x128xi32, #tpu.memory_space<vmem>>
        %dma_start3A_951 = tpu.memref_squeeze %dma_start3A_950 : memref<1x128xi32, #tpu.memory_space<vmem>> -> memref<128xi32, #tpu.memory_space<vmem>>
        %dma_start3A_952 = arith.constant 0 : i32
        %dma_start3A_953 = arith.constant 0 : i32
        %dma_start3A_954 = tpu.memref_slice %arg22[%dma_start3A_952, %dma_start3A_953] : memref<50176x16xf32, #tpu.memory_space<vmem_shared>> -> memref<50176x16xf32, #tpu.memory_space<vmem_shared>>
        tpu.enqueue_indirect_dma source(%dma_start3A_948 : memref<128x16xf32, #tpu.memory_space<vmem>>) target(%dma_start3A_954 : memref<50176x16xf32, #tpu.memory_space<vmem_shared>>) offsets(%dma_start3A_951 : memref<128xi32, #tpu.memory_space<vmem>>) semaphore(%arg21 : memref<!tpu.dma_semaphore, #tpu.memory_space<semaphore_mem>>) {add = true}
        %dma_start3A_955 = arith.constant 0 : i32
        %dma_start3A_956 = arith.constant 0 : i32
        %dma_start3A_957 = arith.constant 0 : i32
        %dma_start3A_958 = tpu.memref_slice %arg14[%dma_start3A_956, %dma_start3A_957] : memref<1792x16xf32, #tpu.memory_space<vmem>> -> memref<128x16xf32, #tpu.memory_space<vmem>>
        %dma_start3A_959 = arith.constant 0 : i32
        %dma_start3A_960 = tpu.memref_slice %arg10[%dma_start3A_955, %dma_start3A_959] : memref<14x128xi32, #tpu.memory_space<vmem>> -> memref<1x128xi32, #tpu.memory_space<vmem>>
        %dma_start3A_961 = tpu.memref_squeeze %dma_start3A_960 : memref<1x128xi32, #tpu.memory_space<vmem>> -> memref<128xi32, #tpu.memory_space<vmem>>
        %dma_start3A_962 = arith.constant 0 : i32
        %dma_start3A_963 = arith.constant 0 : i32
        %dma_start3A_964 = tpu.memref_slice %arg7[%add3A_206, %dma_start3A_962, %dma_start3A_963] : memref<4x50176x16xf32, #tpu.memory_space<hbm>> -> memref<1x50176x16xf32, #tpu.memory_space<hbm>>
        %dma_start3A_965 = tpu.memref_squeeze %dma_start3A_964 : memref<1x50176x16xf32, #tpu.memory_space<hbm>> -> memref<50176x16xf32, #tpu.memory_space<hbm>>
        %dma_start3A_966 = arith.constant 0 : i32
        %dma_start3A_967 = arith.constant 0 : i32
        %dma_start3A_968 = tpu.memref_slice %dma_start3A_965[%dma_start3A_966, %dma_start3A_967] : memref<50176x16xf32, #tpu.memory_space<hbm>> -> memref<50176x16xf32, #tpu.memory_space<hbm>>
        tpu.enqueue_indirect_dma source(%dma_start3A_968 : memref<50176x16xf32, #tpu.memory_space<hbm>>) target(%dma_start3A_958 : memref<128x16xf32, #tpu.memory_space<vmem>>) offsets(%dma_start3A_961 : memref<128xi32, #tpu.memory_space<vmem>>) semaphore(%arg20 : memref<!tpu.dma_semaphore, #tpu.memory_space<semaphore_mem>>)
        %dma_start3A_969 = arith.constant 1 : i32
        %dma_start3A_970 = arith.constant 128 : i32
        %dma_start3A_971 = arith.constant 0 : i32
        %dma_start3A_972 = tpu.memref_slice %arg14[%dma_start3A_970, %dma_start3A_971] : memref<1792x16xf32, #tpu.memory_space<vmem>> -> memref<128x16xf32, #tpu.memory_space<vmem>>
        %dma_start3A_973 = arith.constant 0 : i32
        %dma_start3A_974 = tpu.memref_slice %arg10[%dma_start3A_969, %dma_start3A_973] : memref<14x128xi32, #tpu.memory_space<vmem>> -> memref<1x128xi32, #tpu.memory_space<vmem>>
        %dma_start3A_975 = tpu.memref_squeeze %dma_start3A_974 : memref<1x128xi32, #tpu.memory_space<vmem>> -> memref<128xi32, #tpu.memory_space<vmem>>
        %dma_start3A_976 = arith.constant 0 : i32
        %dma_start3A_977 = arith.constant 0 : i32
        %dma_start3A_978 = tpu.memref_slice %arg7[%add3A_206, %dma_start3A_976, %dma_start3A_977] : memref<4x50176x16xf32, #tpu.memory_space<hbm>> -> memref<1x50176x16xf32, #tpu.memory_space<hbm>>
        %dma_start3A_979 = tpu.memref_squeeze %dma_start3A_978 : memref<1x50176x16xf32, #tpu.memory_space<hbm>> -> memref<50176x16xf32, #tpu.memory_space<hbm>>
        %dma_start3A_980 = arith.constant 0 : i32
        %dma_start3A_981 = arith.constant 0 : i32
        %dma_start3A_982 = tpu.memref_slice %dma_start3A_979[%dma_start3A_980, %dma_start3A_981] : memref<50176x16xf32, #tpu.memory_space<hbm>> -> memref<50176x16xf32, #tpu.memory_space<hbm>>
        tpu.enqueue_indirect_dma source(%dma_start3A_982 : memref<50176x16xf32, #tpu.memory_space<hbm>>) target(%dma_start3A_972 : memref<128x16xf32, #tpu.memory_space<vmem>>) offsets(%dma_start3A_975 : memref<128xi32, #tpu.memory_space<vmem>>) semaphore(%arg20 : memref<!tpu.dma_semaphore, #tpu.memory_space<semaphore_mem>>)
        %dma_start3A_983 = arith.constant 2 : i32
        %dma_start3A_984 = arith.constant 256 : i32
        %dma_start3A_985 = arith.constant 0 : i32
        %dma_start3A_986 = tpu.memref_slice %arg14[%dma_start3A_984, %dma_start3A_985] : memref<1792x16xf32, #tpu.memory_space<vmem>> -> memref<128x16xf32, #tpu.memory_space<vmem>>
        %dma_start3A_987 = arith.constant 0 : i32
        %dma_start3A_988 = tpu.memref_slice %arg10[%dma_start3A_983, %dma_start3A_987] : memref<14x128xi32, #tpu.memory_space<vmem>> -> memref<1x128xi32, #tpu.memory_space<vmem>>
        %dma_start3A_989 = tpu.memref_squeeze %dma_start3A_988 : memref<1x128xi32, #tpu.memory_space<vmem>> -> memref<128xi32, #tpu.memory_space<vmem>>
        %dma_start3A_990 = arith.constant 0 : i32
        %dma_start3A_991 = arith.constant 0 : i32
        %dma_start3A_992 = tpu.memref_slice %arg7[%add3A_206, %dma_start3A_990, %dma_start3A_991] : memref<4x50176x16xf32, #tpu.memory_space<hbm>> -> memref<1x50176x16xf32, #tpu.memory_space<hbm>>
        %dma_start3A_993 = tpu.memref_squeeze %dma_start3A_992 : memref<1x50176x16xf32, #tpu.memory_space<hbm>> -> memref<50176x16xf32, #tpu.memory_space<hbm>>
        %dma_start3A_994 = arith.constant 0 : i32
        %dma_start3A_995 = arith.constant 0 : i32
        %dma_start3A_996 = tpu.memref_slice %dma_start3A_993[%dma_start3A_994, %dma_start3A_995] : memref<50176x16xf32, #tpu.memory_space<hbm>> -> memref<50176x16xf32, #tpu.memory_space<hbm>>
        tpu.enqueue_indirect_dma source(%dma_start3A_996 : memref<50176x16xf32, #tpu.memory_space<hbm>>) target(%dma_start3A_986 : memref<128x16xf32, #tpu.memory_space<vmem>>) offsets(%dma_start3A_989 : memref<128xi32, #tpu.memory_space<vmem>>) semaphore(%arg20 : memref<!tpu.dma_semaphore, #tpu.memory_space<semaphore_mem>>)
        %dma_start3A_997 = arith.constant 3 : i32
        %dma_start3A_998 = arith.constant 384 : i32
        %dma_start3A_999 = arith.constant 0 : i32
        %dma_start3A_1000 = tpu.memref_slice %arg14[%dma_start3A_998, %dma_start3A_999] : memref<1792x16xf32, #tpu.memory_space<vmem>> -> memref<128x16xf32, #tpu.memory_space<vmem>>
        %dma_start3A_1001 = arith.constant 0 : i32
        %dma_start3A_1002 = tpu.memref_slice %arg10[%dma_start3A_997, %dma_start3A_1001] : memref<14x128xi32, #tpu.memory_space<vmem>> -> memref<1x128xi32, #tpu.memory_space<vmem>>
        %dma_start3A_1003 = tpu.memref_squeeze %dma_start3A_1002 : memref<1x128xi32, #tpu.memory_space<vmem>> -> memref<128xi32, #tpu.memory_space<vmem>>
        %dma_start3A_1004 = arith.constant 0 : i32
        %dma_start3A_1005 = arith.constant 0 : i32
        %dma_start3A_1006 = tpu.memref_slice %arg7[%add3A_206, %dma_start3A_1004, %dma_start3A_1005] : memref<4x50176x16xf32, #tpu.memory_space<hbm>> -> memref<1x50176x16xf32, #tpu.memory_space<hbm>>
        %dma_start3A_1007 = tpu.memref_squeeze %dma_start3A_1006 : memref<1x50176x16xf32, #tpu.memory_space<hbm>> -> memref<50176x16xf32, #tpu.memory_space<hbm>>
        %dma_start3A_1008 = arith.constant 0 : i32
        %dma_start3A_1009 = arith.constant 0 : i32
        %dma_start3A_1010 = tpu.memref_slice %dma_start3A_1007[%dma_start3A_1008, %dma_start3A_1009] : memref<50176x16xf32, #tpu.memory_space<hbm>> -> memref<50176x16xf32, #tpu.memory_space<hbm>>
        tpu.enqueue_indirect_dma source(%dma_start3A_1010 : memref<50176x16xf32, #tpu.memory_space<hbm>>) target(%dma_start3A_1000 : memref<128x16xf32, #tpu.memory_space<vmem>>) offsets(%dma_start3A_1003 : memref<128xi32, #tpu.memory_space<vmem>>) semaphore(%arg20 : memref<!tpu.dma_semaphore, #tpu.memory_space<semaphore_mem>>)
        %dma_start3A_1011 = arith.constant 4 : i32
        %dma_start3A_1012 = arith.constant 512 : i32
        %dma_start3A_1013 = arith.constant 0 : i32
        %dma_start3A_1014 = tpu.memref_slice %arg14[%dma_start3A_1012, %dma_start3A_1013] : memref<1792x16xf32, #tpu.memory_space<vmem>> -> memref<128x16xf32, #tpu.memory_space<vmem>>
        %dma_start3A_1015 = arith.constant 0 : i32
        %dma_start3A_1016 = tpu.memref_slice %arg10[%dma_start3A_1011, %dma_start3A_1015] : memref<14x128xi32, #tpu.memory_space<vmem>> -> memref<1x128xi32, #tpu.memory_space<vmem>>
        %dma_start3A_1017 = tpu.memref_squeeze %dma_start3A_1016 : memref<1x128xi32, #tpu.memory_space<vmem>> -> memref<128xi32, #tpu.memory_space<vmem>>
        %dma_start3A_1018 = arith.constant 0 : i32
        %dma_start3A_1019 = arith.constant 0 : i32
        %dma_start3A_1020 = tpu.memref_slice %arg7[%add3A_206, %dma_start3A_1018, %dma_start3A_1019] : memref<4x50176x16xf32, #tpu.memory_space<hbm>> -> memref<1x50176x16xf32, #tpu.memory_space<hbm>>
        %dma_start3A_1021 = tpu.memref_squeeze %dma_start3A_1020 : memref<1x50176x16xf32, #tpu.memory_space<hbm>> -> memref<50176x16xf32, #tpu.memory_space<hbm>>
        %dma_start3A_1022 = arith.constant 0 : i32
        %dma_start3A_1023 = arith.constant 0 : i32
        %dma_start3A_1024 = tpu.memref_slice %dma_start3A_1021[%dma_start3A_1022, %dma_start3A_1023] : memref<50176x16xf32, #tpu.memory_space<hbm>> -> memref<50176x16xf32, #tpu.memory_space<hbm>>
        tpu.enqueue_indirect_dma source(%dma_start3A_1024 : memref<50176x16xf32, #tpu.memory_space<hbm>>) target(%dma_start3A_1014 : memref<128x16xf32, #tpu.memory_space<vmem>>) offsets(%dma_start3A_1017 : memref<128xi32, #tpu.memory_space<vmem>>) semaphore(%arg20 : memref<!tpu.dma_semaphore, #tpu.memory_space<semaphore_mem>>)
        %dma_start3A_1025 = arith.constant 5 : i32
        %dma_start3A_1026 = arith.constant 640 : i32
        %dma_start3A_1027 = arith.constant 0 : i32
        %dma_start3A_1028 = tpu.memref_slice %arg14[%dma_start3A_1026, %dma_start3A_1027] : memref<1792x16xf32, #tpu.memory_space<vmem>> -> memref<128x16xf32, #tpu.memory_space<vmem>>
        %dma_start3A_1029 = arith.constant 0 : i32
        %dma_start3A_1030 = tpu.memref_slice %arg10[%dma_start3A_1025, %dma_start3A_1029] : memref<14x128xi32, #tpu.memory_space<vmem>> -> memref<1x128xi32, #tpu.memory_space<vmem>>
        %dma_start3A_1031 = tpu.memref_squeeze %dma_start3A_1030 : memref<1x128xi32, #tpu.memory_space<vmem>> -> memref<128xi32, #tpu.memory_space<vmem>>
        %dma_start3A_1032 = arith.constant 0 : i32
        %dma_start3A_1033 = arith.constant 0 : i32
        %dma_start3A_1034 = tpu.memref_slice %arg7[%add3A_206, %dma_start3A_1032, %dma_start3A_1033] : memref<4x50176x16xf32, #tpu.memory_space<hbm>> -> memref<1x50176x16xf32, #tpu.memory_space<hbm>>
        %dma_start3A_1035 = tpu.memref_squeeze %dma_start3A_1034 : memref<1x50176x16xf32, #tpu.memory_space<hbm>> -> memref<50176x16xf32, #tpu.memory_space<hbm>>
        %dma_start3A_1036 = arith.constant 0 : i32
        %dma_start3A_1037 = arith.constant 0 : i32
        %dma_start3A_1038 = tpu.memref_slice %dma_start3A_1035[%dma_start3A_1036, %dma_start3A_1037] : memref<50176x16xf32, #tpu.memory_space<hbm>> -> memref<50176x16xf32, #tpu.memory_space<hbm>>
        tpu.enqueue_indirect_dma source(%dma_start3A_1038 : memref<50176x16xf32, #tpu.memory_space<hbm>>) target(%dma_start3A_1028 : memref<128x16xf32, #tpu.memory_space<vmem>>) offsets(%dma_start3A_1031 : memref<128xi32, #tpu.memory_space<vmem>>) semaphore(%arg20 : memref<!tpu.dma_semaphore, #tpu.memory_space<semaphore_mem>>)
        %dma_start3A_1039 = arith.constant 6 : i32
        %dma_start3A_1040 = arith.constant 768 : i32
        %dma_start3A_1041 = arith.constant 0 : i32
        %dma_start3A_1042 = tpu.memref_slice %arg14[%dma_start3A_1040, %dma_start3A_1041] : memref<1792x16xf32, #tpu.memory_space<vmem>> -> memref<128x16xf32, #tpu.memory_space<vmem>>
        %dma_start3A_1043 = arith.constant 0 : i32
        %dma_start3A_1044 = tpu.memref_slice %arg10[%dma_start3A_1039, %dma_start3A_1043] : memref<14x128xi32, #tpu.memory_space<vmem>> -> memref<1x128xi32, #tpu.memory_space<vmem>>
        %dma_start3A_1045 = tpu.memref_squeeze %dma_start3A_1044 : memref<1x128xi32, #tpu.memory_space<vmem>> -> memref<128xi32, #tpu.memory_space<vmem>>
        %dma_start3A_1046 = arith.constant 0 : i32
        %dma_start3A_1047 = arith.constant 0 : i32
        %dma_start3A_1048 = tpu.memref_slice %arg7[%add3A_206, %dma_start3A_1046, %dma_start3A_1047] : memref<4x50176x16xf32, #tpu.memory_space<hbm>> -> memref<1x50176x16xf32, #tpu.memory_space<hbm>>
        %dma_start3A_1049 = tpu.memref_squeeze %dma_start3A_1048 : memref<1x50176x16xf32, #tpu.memory_space<hbm>> -> memref<50176x16xf32, #tpu.memory_space<hbm>>
        %dma_start3A_1050 = arith.constant 0 : i32
        %dma_start3A_1051 = arith.constant 0 : i32
        %dma_start3A_1052 = tpu.memref_slice %dma_start3A_1049[%dma_start3A_1050, %dma_start3A_1051] : memref<50176x16xf32, #tpu.memory_space<hbm>> -> memref<50176x16xf32, #tpu.memory_space<hbm>>
        tpu.enqueue_indirect_dma source(%dma_start3A_1052 : memref<50176x16xf32, #tpu.memory_space<hbm>>) target(%dma_start3A_1042 : memref<128x16xf32, #tpu.memory_space<vmem>>) offsets(%dma_start3A_1045 : memref<128xi32, #tpu.memory_space<vmem>>) semaphore(%arg20 : memref<!tpu.dma_semaphore, #tpu.memory_space<semaphore_mem>>)
        %dma_start3A_1053 = arith.constant 7 : i32
        %dma_start3A_1054 = arith.constant 896 : i32
        %dma_start3A_1055 = arith.constant 0 : i32
        %dma_start3A_1056 = tpu.memref_slice %arg14[%dma_start3A_1054, %dma_start3A_1055] : memref<1792x16xf32, #tpu.memory_space<vmem>> -> memref<128x16xf32, #tpu.memory_space<vmem>>
        %dma_start3A_1057 = arith.constant 0 : i32
        %dma_start3A_1058 = tpu.memref_slice %arg10[%dma_start3A_1053, %dma_start3A_1057] : memref<14x128xi32, #tpu.memory_space<vmem>> -> memref<1x128xi32, #tpu.memory_space<vmem>>
        %dma_start3A_1059 = tpu.memref_squeeze %dma_start3A_1058 : memref<1x128xi32, #tpu.memory_space<vmem>> -> memref<128xi32, #tpu.memory_space<vmem>>
        %dma_start3A_1060 = arith.constant 0 : i32
        %dma_start3A_1061 = arith.constant 0 : i32
        %dma_start3A_1062 = tpu.memref_slice %arg7[%add3A_206, %dma_start3A_1060, %dma_start3A_1061] : memref<4x50176x16xf32, #tpu.memory_space<hbm>> -> memref<1x50176x16xf32, #tpu.memory_space<hbm>>
        %dma_start3A_1063 = tpu.memref_squeeze %dma_start3A_1062 : memref<1x50176x16xf32, #tpu.memory_space<hbm>> -> memref<50176x16xf32, #tpu.memory_space<hbm>>
        %dma_start3A_1064 = arith.constant 0 : i32
        %dma_start3A_1065 = arith.constant 0 : i32
        %dma_start3A_1066 = tpu.memref_slice %dma_start3A_1063[%dma_start3A_1064, %dma_start3A_1065] : memref<50176x16xf32, #tpu.memory_space<hbm>> -> memref<50176x16xf32, #tpu.memory_space<hbm>>
        tpu.enqueue_indirect_dma source(%dma_start3A_1066 : memref<50176x16xf32, #tpu.memory_space<hbm>>) target(%dma_start3A_1056 : memref<128x16xf32, #tpu.memory_space<vmem>>) offsets(%dma_start3A_1059 : memref<128xi32, #tpu.memory_space<vmem>>) semaphore(%arg20 : memref<!tpu.dma_semaphore, #tpu.memory_space<semaphore_mem>>)
        %dma_start3A_1067 = arith.constant 8 : i32
        %dma_start3A_1068 = arith.constant 1024 : i32
        %dma_start3A_1069 = arith.constant 0 : i32
        %dma_start3A_1070 = tpu.memref_slice %arg14[%dma_start3A_1068, %dma_start3A_1069] : memref<1792x16xf32, #tpu.memory_space<vmem>> -> memref<128x16xf32, #tpu.memory_space<vmem>>
        %dma_start3A_1071 = arith.constant 0 : i32
        %dma_start3A_1072 = tpu.memref_slice %arg10[%dma_start3A_1067, %dma_start3A_1071] : memref<14x128xi32, #tpu.memory_space<vmem>> -> memref<1x128xi32, #tpu.memory_space<vmem>>
        %dma_start3A_1073 = tpu.memref_squeeze %dma_start3A_1072 : memref<1x128xi32, #tpu.memory_space<vmem>> -> memref<128xi32, #tpu.memory_space<vmem>>
        %dma_start3A_1074 = arith.constant 0 : i32
        %dma_start3A_1075 = arith.constant 0 : i32
        %dma_start3A_1076 = tpu.memref_slice %arg7[%add3A_206, %dma_start3A_1074, %dma_start3A_1075] : memref<4x50176x16xf32, #tpu.memory_space<hbm>> -> memref<1x50176x16xf32, #tpu.memory_space<hbm>>
        %dma_start3A_1077 = tpu.memref_squeeze %dma_start3A_1076 : memref<1x50176x16xf32, #tpu.memory_space<hbm>> -> memref<50176x16xf32, #tpu.memory_space<hbm>>
        %dma_start3A_1078 = arith.constant 0 : i32
        %dma_start3A_1079 = arith.constant 0 : i32
        %dma_start3A_1080 = tpu.memref_slice %dma_start3A_1077[%dma_start3A_1078, %dma_start3A_1079] : memref<50176x16xf32, #tpu.memory_space<hbm>> -> memref<50176x16xf32, #tpu.memory_space<hbm>>
        tpu.enqueue_indirect_dma source(%dma_start3A_1080 : memref<50176x16xf32, #tpu.memory_space<hbm>>) target(%dma_start3A_1070 : memref<128x16xf32, #tpu.memory_space<vmem>>) offsets(%dma_start3A_1073 : memref<128xi32, #tpu.memory_space<vmem>>) semaphore(%arg20 : memref<!tpu.dma_semaphore, #tpu.memory_space<semaphore_mem>>)
        %dma_start3A_1081 = arith.constant 9 : i32
        %dma_start3A_1082 = arith.constant 1152 : i32
        %dma_start3A_1083 = arith.constant 0 : i32
        %dma_start3A_1084 = tpu.memref_slice %arg14[%dma_start3A_1082, %dma_start3A_1083] : memref<1792x16xf32, #tpu.memory_space<vmem>> -> memref<128x16xf32, #tpu.memory_space<vmem>>
        %dma_start3A_1085 = arith.constant 0 : i32
        %dma_start3A_1086 = tpu.memref_slice %arg10[%dma_start3A_1081, %dma_start3A_1085] : memref<14x128xi32, #tpu.memory_space<vmem>> -> memref<1x128xi32, #tpu.memory_space<vmem>>
        %dma_start3A_1087 = tpu.memref_squeeze %dma_start3A_1086 : memref<1x128xi32, #tpu.memory_space<vmem>> -> memref<128xi32, #tpu.memory_space<vmem>>
        %dma_start3A_1088 = arith.constant 0 : i32
        %dma_start3A_1089 = arith.constant 0 : i32
        %dma_start3A_1090 = tpu.memref_slice %arg7[%add3A_206, %dma_start3A_1088, %dma_start3A_1089] : memref<4x50176x16xf32, #tpu.memory_space<hbm>> -> memref<1x50176x16xf32, #tpu.memory_space<hbm>>
        %dma_start3A_1091 = tpu.memref_squeeze %dma_start3A_1090 : memref<1x50176x16xf32, #tpu.memory_space<hbm>> -> memref<50176x16xf32, #tpu.memory_space<hbm>>
        %dma_start3A_1092 = arith.constant 0 : i32
        %dma_start3A_1093 = arith.constant 0 : i32
        %dma_start3A_1094 = tpu.memref_slice %dma_start3A_1091[%dma_start3A_1092, %dma_start3A_1093] : memref<50176x16xf32, #tpu.memory_space<hbm>> -> memref<50176x16xf32, #tpu.memory_space<hbm>>
        tpu.enqueue_indirect_dma source(%dma_start3A_1094 : memref<50176x16xf32, #tpu.memory_space<hbm>>) target(%dma_start3A_1084 : memref<128x16xf32, #tpu.memory_space<vmem>>) offsets(%dma_start3A_1087 : memref<128xi32, #tpu.memory_space<vmem>>) semaphore(%arg20 : memref<!tpu.dma_semaphore, #tpu.memory_space<semaphore_mem>>)
        %dma_start3A_1095 = arith.constant 10 : i32
        %dma_start3A_1096 = arith.constant 1280 : i32
        %dma_start3A_1097 = arith.constant 0 : i32
        %dma_start3A_1098 = tpu.memref_slice %arg14[%dma_start3A_1096, %dma_start3A_1097] : memref<1792x16xf32, #tpu.memory_space<vmem>> -> memref<128x16xf32, #tpu.memory_space<vmem>>
        %dma_start3A_1099 = arith.constant 0 : i32
        %dma_start3A_1100 = tpu.memref_slice %arg10[%dma_start3A_1095, %dma_start3A_1099] : memref<14x128xi32, #tpu.memory_space<vmem>> -> memref<1x128xi32, #tpu.memory_space<vmem>>
        %dma_start3A_1101 = tpu.memref_squeeze %dma_start3A_1100 : memref<1x128xi32, #tpu.memory_space<vmem>> -> memref<128xi32, #tpu.memory_space<vmem>>
        %dma_start3A_1102 = arith.constant 0 : i32
        %dma_start3A_1103 = arith.constant 0 : i32
        %dma_start3A_1104 = tpu.memref_slice %arg7[%add3A_206, %dma_start3A_1102, %dma_start3A_1103] : memref<4x50176x16xf32, #tpu.memory_space<hbm>> -> memref<1x50176x16xf32, #tpu.memory_space<hbm>>
        %dma_start3A_1105 = tpu.memref_squeeze %dma_start3A_1104 : memref<1x50176x16xf32, #tpu.memory_space<hbm>> -> memref<50176x16xf32, #tpu.memory_space<hbm>>
        %dma_start3A_1106 = arith.constant 0 : i32
        %dma_start3A_1107 = arith.constant 0 : i32
        %dma_start3A_1108 = tpu.memref_slice %dma_start3A_1105[%dma_start3A_1106, %dma_start3A_1107] : memref<50176x16xf32, #tpu.memory_space<hbm>> -> memref<50176x16xf32, #tpu.memory_space<hbm>>
        tpu.enqueue_indirect_dma source(%dma_start3A_1108 : memref<50176x16xf32, #tpu.memory_space<hbm>>) target(%dma_start3A_1098 : memref<128x16xf32, #tpu.memory_space<vmem>>) offsets(%dma_start3A_1101 : memref<128xi32, #tpu.memory_space<vmem>>) semaphore(%arg20 : memref<!tpu.dma_semaphore, #tpu.memory_space<semaphore_mem>>)
        %dma_start3A_1109 = arith.constant 11 : i32
        %dma_start3A_1110 = arith.constant 1408 : i32
        %dma_start3A_1111 = arith.constant 0 : i32
        %dma_start3A_1112 = tpu.memref_slice %arg14[%dma_start3A_1110, %dma_start3A_1111] : memref<1792x16xf32, #tpu.memory_space<vmem>> -> memref<128x16xf32, #tpu.memory_space<vmem>>
        %dma_start3A_1113 = arith.constant 0 : i32
        %dma_start3A_1114 = tpu.memref_slice %arg10[%dma_start3A_1109, %dma_start3A_1113] : memref<14x128xi32, #tpu.memory_space<vmem>> -> memref<1x128xi32, #tpu.memory_space<vmem>>
        %dma_start3A_1115 = tpu.memref_squeeze %dma_start3A_1114 : memref<1x128xi32, #tpu.memory_space<vmem>> -> memref<128xi32, #tpu.memory_space<vmem>>
        %dma_start3A_1116 = arith.constant 0 : i32
        %dma_start3A_1117 = arith.constant 0 : i32
        %dma_start3A_1118 = tpu.memref_slice %arg7[%add3A_206, %dma_start3A_1116, %dma_start3A_1117] : memref<4x50176x16xf32, #tpu.memory_space<hbm>> -> memref<1x50176x16xf32, #tpu.memory_space<hbm>>
        %dma_start3A_1119 = tpu.memref_squeeze %dma_start3A_1118 : memref<1x50176x16xf32, #tpu.memory_space<hbm>> -> memref<50176x16xf32, #tpu.memory_space<hbm>>
        %dma_start3A_1120 = arith.constant 0 : i32
        %dma_start3A_1121 = arith.constant 0 : i32
        %dma_start3A_1122 = tpu.memref_slice %dma_start3A_1119[%dma_start3A_1120, %dma_start3A_1121] : memref<50176x16xf32, #tpu.memory_space<hbm>> -> memref<50176x16xf32, #tpu.memory_space<hbm>>
        tpu.enqueue_indirect_dma source(%dma_start3A_1122 : memref<50176x16xf32, #tpu.memory_space<hbm>>) target(%dma_start3A_1112 : memref<128x16xf32, #tpu.memory_space<vmem>>) offsets(%dma_start3A_1115 : memref<128xi32, #tpu.memory_space<vmem>>) semaphore(%arg20 : memref<!tpu.dma_semaphore, #tpu.memory_space<semaphore_mem>>)
        %dma_start3A_1123 = arith.constant 12 : i32
        %dma_start3A_1124 = arith.constant 1536 : i32
        %dma_start3A_1125 = arith.constant 0 : i32
        %dma_start3A_1126 = tpu.memref_slice %arg14[%dma_start3A_1124, %dma_start3A_1125] : memref<1792x16xf32, #tpu.memory_space<vmem>> -> memref<128x16xf32, #tpu.memory_space<vmem>>
        %dma_start3A_1127 = arith.constant 0 : i32
        %dma_start3A_1128 = tpu.memref_slice %arg10[%dma_start3A_1123, %dma_start3A_1127] : memref<14x128xi32, #tpu.memory_space<vmem>> -> memref<1x128xi32, #tpu.memory_space<vmem>>
        %dma_start3A_1129 = tpu.memref_squeeze %dma_start3A_1128 : memref<1x128xi32, #tpu.memory_space<vmem>> -> memref<128xi32, #tpu.memory_space<vmem>>
        %dma_start3A_1130 = arith.constant 0 : i32
        %dma_start3A_1131 = arith.constant 0 : i32
        %dma_start3A_1132 = tpu.memref_slice %arg7[%add3A_206, %dma_start3A_1130, %dma_start3A_1131] : memref<4x50176x16xf32, #tpu.memory_space<hbm>> -> memref<1x50176x16xf32, #tpu.memory_space<hbm>>
        %dma_start3A_1133 = tpu.memref_squeeze %dma_start3A_1132 : memref<1x50176x16xf32, #tpu.memory_space<hbm>> -> memref<50176x16xf32, #tpu.memory_space<hbm>>
        %dma_start3A_1134 = arith.constant 0 : i32
        %dma_start3A_1135 = arith.constant 0 : i32
        %dma_start3A_1136 = tpu.memref_slice %dma_start3A_1133[%dma_start3A_1134, %dma_start3A_1135] : memref<50176x16xf32, #tpu.memory_space<hbm>> -> memref<50176x16xf32, #tpu.memory_space<hbm>>
        tpu.enqueue_indirect_dma source(%dma_start3A_1136 : memref<50176x16xf32, #tpu.memory_space<hbm>>) target(%dma_start3A_1126 : memref<128x16xf32, #tpu.memory_space<vmem>>) offsets(%dma_start3A_1129 : memref<128xi32, #tpu.memory_space<vmem>>) semaphore(%arg20 : memref<!tpu.dma_semaphore, #tpu.memory_space<semaphore_mem>>)
        %dma_start3A_1137 = arith.constant 13 : i32
        %dma_start3A_1138 = arith.constant 1664 : i32
        %dma_start3A_1139 = arith.constant 0 : i32
        %dma_start3A_1140 = tpu.memref_slice %arg14[%dma_start3A_1138, %dma_start3A_1139] : memref<1792x16xf32, #tpu.memory_space<vmem>> -> memref<128x16xf32, #tpu.memory_space<vmem>>
        %dma_start3A_1141 = arith.constant 0 : i32
        %dma_start3A_1142 = tpu.memref_slice %arg10[%dma_start3A_1137, %dma_start3A_1141] : memref<14x128xi32, #tpu.memory_space<vmem>> -> memref<1x128xi32, #tpu.memory_space<vmem>>
        %dma_start3A_1143 = tpu.memref_squeeze %dma_start3A_1142 : memref<1x128xi32, #tpu.memory_space<vmem>> -> memref<128xi32, #tpu.memory_space<vmem>>
        %dma_start3A_1144 = arith.constant 0 : i32
        %dma_start3A_1145 = arith.constant 0 : i32
        %dma_start3A_1146 = tpu.memref_slice %arg7[%add3A_206, %dma_start3A_1144, %dma_start3A_1145] : memref<4x50176x16xf32, #tpu.memory_space<hbm>> -> memref<1x50176x16xf32, #tpu.memory_space<hbm>>
        %dma_start3A_1147 = tpu.memref_squeeze %dma_start3A_1146 : memref<1x50176x16xf32, #tpu.memory_space<hbm>> -> memref<50176x16xf32, #tpu.memory_space<hbm>>
        %dma_start3A_1148 = arith.constant 0 : i32
        %dma_start3A_1149 = arith.constant 0 : i32
        %dma_start3A_1150 = tpu.memref_slice %dma_start3A_1147[%dma_start3A_1148, %dma_start3A_1149] : memref<50176x16xf32, #tpu.memory_space<hbm>> -> memref<50176x16xf32, #tpu.memory_space<hbm>>
        tpu.enqueue_indirect_dma source(%dma_start3A_1150 : memref<50176x16xf32, #tpu.memory_space<hbm>>) target(%dma_start3A_1140 : memref<128x16xf32, #tpu.memory_space<vmem>>) offsets(%dma_start3A_1143 : memref<128xi32, #tpu.memory_space<vmem>>) semaphore(%arg20 : memref<!tpu.dma_semaphore, #tpu.memory_space<semaphore_mem>>)
        %dma_wait3A_1151 = arith.constant 0 : i32
        %dma_wait3A_1152 = arith.constant 0 : i32
        %dma_wait3A_1153 = arith.constant 0 : i32
        %dma_wait3A_1154 = tpu.memref_slice %arg13[%dma_wait3A_1152, %dma_wait3A_1153] : memref<1792x16xf32, #tpu.memory_space<vmem>> -> memref<128x16xf32, #tpu.memory_space<vmem>>
        %dma_wait3A_1155 = arith.constant 0 : i32
        %dma_wait3A_1156 = tpu.memref_slice %arg11[%dma_wait3A_1151, %dma_wait3A_1155] : memref<14x128xi32, #tpu.memory_space<vmem>> -> memref<1x128xi32, #tpu.memory_space<vmem>>
        %dma_wait3A_1157 = tpu.memref_squeeze %dma_wait3A_1156 : memref<1x128xi32, #tpu.memory_space<vmem>> -> memref<128xi32, #tpu.memory_space<vmem>>
        %dma_wait3A_1158 = arith.constant 0 : i32
        %dma_wait3A_1159 = arith.constant 0 : i32
        %dma_wait3A_1160 = tpu.memref_slice %arg22[%dma_wait3A_1158, %dma_wait3A_1159] : memref<50176x16xf32, #tpu.memory_space<vmem_shared>> -> memref<50176x16xf32, #tpu.memory_space<vmem_shared>>
        tpu.wait_indirect_dma semaphore(%arg21 : memref<!tpu.dma_semaphore, #tpu.memory_space<semaphore_mem>>) src(%dma_wait3A_1154 : memref<128x16xf32, #tpu.memory_space<vmem>>) dst(%dma_wait3A_1160 : memref<50176x16xf32, #tpu.memory_space<vmem_shared>>)
        %dma_wait3A_1161 = arith.constant 1 : i32
        %dma_wait3A_1162 = arith.constant 128 : i32
        %dma_wait3A_1163 = arith.constant 0 : i32
        %dma_wait3A_1164 = tpu.memref_slice %arg13[%dma_wait3A_1162, %dma_wait3A_1163] : memref<1792x16xf32, #tpu.memory_space<vmem>> -> memref<128x16xf32, #tpu.memory_space<vmem>>
        %dma_wait3A_1165 = arith.constant 0 : i32
        %dma_wait3A_1166 = tpu.memref_slice %arg11[%dma_wait3A_1161, %dma_wait3A_1165] : memref<14x128xi32, #tpu.memory_space<vmem>> -> memref<1x128xi32, #tpu.memory_space<vmem>>
        %dma_wait3A_1167 = tpu.memref_squeeze %dma_wait3A_1166 : memref<1x128xi32, #tpu.memory_space<vmem>> -> memref<128xi32, #tpu.memory_space<vmem>>
        %dma_wait3A_1168 = arith.constant 0 : i32
        %dma_wait3A_1169 = arith.constant 0 : i32
        %dma_wait3A_1170 = tpu.memref_slice %arg22[%dma_wait3A_1168, %dma_wait3A_1169] : memref<50176x16xf32, #tpu.memory_space<vmem_shared>> -> memref<50176x16xf32, #tpu.memory_space<vmem_shared>>
        tpu.wait_indirect_dma semaphore(%arg21 : memref<!tpu.dma_semaphore, #tpu.memory_space<semaphore_mem>>) src(%dma_wait3A_1164 : memref<128x16xf32, #tpu.memory_space<vmem>>) dst(%dma_wait3A_1170 : memref<50176x16xf32, #tpu.memory_space<vmem_shared>>)
        %dma_wait3A_1171 = arith.constant 2 : i32
        %dma_wait3A_1172 = arith.constant 256 : i32
        %dma_wait3A_1173 = arith.constant 0 : i32
        %dma_wait3A_1174 = tpu.memref_slice %arg13[%dma_wait3A_1172, %dma_wait3A_1173] : memref<1792x16xf32, #tpu.memory_space<vmem>> -> memref<128x16xf32, #tpu.memory_space<vmem>>
        %dma_wait3A_1175 = arith.constant 0 : i32
        %dma_wait3A_1176 = tpu.memref_slice %arg11[%dma_wait3A_1171, %dma_wait3A_1175] : memref<14x128xi32, #tpu.memory_space<vmem>> -> memref<1x128xi32, #tpu.memory_space<vmem>>
        %dma_wait3A_1177 = tpu.memref_squeeze %dma_wait3A_1176 : memref<1x128xi32, #tpu.memory_space<vmem>> -> memref<128xi32, #tpu.memory_space<vmem>>
        %dma_wait3A_1178 = arith.constant 0 : i32
        %dma_wait3A_1179 = arith.constant 0 : i32
        %dma_wait3A_1180 = tpu.memref_slice %arg22[%dma_wait3A_1178, %dma_wait3A_1179] : memref<50176x16xf32, #tpu.memory_space<vmem_shared>> -> memref<50176x16xf32, #tpu.memory_space<vmem_shared>>
        tpu.wait_indirect_dma semaphore(%arg21 : memref<!tpu.dma_semaphore, #tpu.memory_space<semaphore_mem>>) src(%dma_wait3A_1174 : memref<128x16xf32, #tpu.memory_space<vmem>>) dst(%dma_wait3A_1180 : memref<50176x16xf32, #tpu.memory_space<vmem_shared>>)
        %dma_wait3A_1181 = arith.constant 3 : i32
        %dma_wait3A_1182 = arith.constant 384 : i32
        %dma_wait3A_1183 = arith.constant 0 : i32
        %dma_wait3A_1184 = tpu.memref_slice %arg13[%dma_wait3A_1182, %dma_wait3A_1183] : memref<1792x16xf32, #tpu.memory_space<vmem>> -> memref<128x16xf32, #tpu.memory_space<vmem>>
        %dma_wait3A_1185 = arith.constant 0 : i32
        %dma_wait3A_1186 = tpu.memref_slice %arg11[%dma_wait3A_1181, %dma_wait3A_1185] : memref<14x128xi32, #tpu.memory_space<vmem>> -> memref<1x128xi32, #tpu.memory_space<vmem>>
        %dma_wait3A_1187 = tpu.memref_squeeze %dma_wait3A_1186 : memref<1x128xi32, #tpu.memory_space<vmem>> -> memref<128xi32, #tpu.memory_space<vmem>>
        %dma_wait3A_1188 = arith.constant 0 : i32
        %dma_wait3A_1189 = arith.constant 0 : i32
        %dma_wait3A_1190 = tpu.memref_slice %arg22[%dma_wait3A_1188, %dma_wait3A_1189] : memref<50176x16xf32, #tpu.memory_space<vmem_shared>> -> memref<50176x16xf32, #tpu.memory_space<vmem_shared>>
        tpu.wait_indirect_dma semaphore(%arg21 : memref<!tpu.dma_semaphore, #tpu.memory_space<semaphore_mem>>) src(%dma_wait3A_1184 : memref<128x16xf32, #tpu.memory_space<vmem>>) dst(%dma_wait3A_1190 : memref<50176x16xf32, #tpu.memory_space<vmem_shared>>)
        %dma_wait3A_1191 = arith.constant 4 : i32
        %dma_wait3A_1192 = arith.constant 512 : i32
        %dma_wait3A_1193 = arith.constant 0 : i32
        %dma_wait3A_1194 = tpu.memref_slice %arg13[%dma_wait3A_1192, %dma_wait3A_1193] : memref<1792x16xf32, #tpu.memory_space<vmem>> -> memref<128x16xf32, #tpu.memory_space<vmem>>
        %dma_wait3A_1195 = arith.constant 0 : i32
        %dma_wait3A_1196 = tpu.memref_slice %arg11[%dma_wait3A_1191, %dma_wait3A_1195] : memref<14x128xi32, #tpu.memory_space<vmem>> -> memref<1x128xi32, #tpu.memory_space<vmem>>
        %dma_wait3A_1197 = tpu.memref_squeeze %dma_wait3A_1196 : memref<1x128xi32, #tpu.memory_space<vmem>> -> memref<128xi32, #tpu.memory_space<vmem>>
        %dma_wait3A_1198 = arith.constant 0 : i32
        %dma_wait3A_1199 = arith.constant 0 : i32
        %dma_wait3A_1200 = tpu.memref_slice %arg22[%dma_wait3A_1198, %dma_wait3A_1199] : memref<50176x16xf32, #tpu.memory_space<vmem_shared>> -> memref<50176x16xf32, #tpu.memory_space<vmem_shared>>
        tpu.wait_indirect_dma semaphore(%arg21 : memref<!tpu.dma_semaphore, #tpu.memory_space<semaphore_mem>>) src(%dma_wait3A_1194 : memref<128x16xf32, #tpu.memory_space<vmem>>) dst(%dma_wait3A_1200 : memref<50176x16xf32, #tpu.memory_space<vmem_shared>>)
        %dma_wait3A_1201 = arith.constant 5 : i32
        %dma_wait3A_1202 = arith.constant 640 : i32
        %dma_wait3A_1203 = arith.constant 0 : i32
        %dma_wait3A_1204 = tpu.memref_slice %arg13[%dma_wait3A_1202, %dma_wait3A_1203] : memref<1792x16xf32, #tpu.memory_space<vmem>> -> memref<128x16xf32, #tpu.memory_space<vmem>>
        %dma_wait3A_1205 = arith.constant 0 : i32
        %dma_wait3A_1206 = tpu.memref_slice %arg11[%dma_wait3A_1201, %dma_wait3A_1205] : memref<14x128xi32, #tpu.memory_space<vmem>> -> memref<1x128xi32, #tpu.memory_space<vmem>>
        %dma_wait3A_1207 = tpu.memref_squeeze %dma_wait3A_1206 : memref<1x128xi32, #tpu.memory_space<vmem>> -> memref<128xi32, #tpu.memory_space<vmem>>
        %dma_wait3A_1208 = arith.constant 0 : i32
        %dma_wait3A_1209 = arith.constant 0 : i32
        %dma_wait3A_1210 = tpu.memref_slice %arg22[%dma_wait3A_1208, %dma_wait3A_1209] : memref<50176x16xf32, #tpu.memory_space<vmem_shared>> -> memref<50176x16xf32, #tpu.memory_space<vmem_shared>>
        tpu.wait_indirect_dma semaphore(%arg21 : memref<!tpu.dma_semaphore, #tpu.memory_space<semaphore_mem>>) src(%dma_wait3A_1204 : memref<128x16xf32, #tpu.memory_space<vmem>>) dst(%dma_wait3A_1210 : memref<50176x16xf32, #tpu.memory_space<vmem_shared>>)
        %dma_wait3A_1211 = arith.constant 6 : i32
        %dma_wait3A_1212 = arith.constant 768 : i32
        %dma_wait3A_1213 = arith.constant 0 : i32
        %dma_wait3A_1214 = tpu.memref_slice %arg13[%dma_wait3A_1212, %dma_wait3A_1213] : memref<1792x16xf32, #tpu.memory_space<vmem>> -> memref<128x16xf32, #tpu.memory_space<vmem>>
        %dma_wait3A_1215 = arith.constant 0 : i32
        %dma_wait3A_1216 = tpu.memref_slice %arg11[%dma_wait3A_1211, %dma_wait3A_1215] : memref<14x128xi32, #tpu.memory_space<vmem>> -> memref<1x128xi32, #tpu.memory_space<vmem>>
        %dma_wait3A_1217 = tpu.memref_squeeze %dma_wait3A_1216 : memref<1x128xi32, #tpu.memory_space<vmem>> -> memref<128xi32, #tpu.memory_space<vmem>>
        %dma_wait3A_1218 = arith.constant 0 : i32
        %dma_wait3A_1219 = arith.constant 0 : i32
        %dma_wait3A_1220 = tpu.memref_slice %arg22[%dma_wait3A_1218, %dma_wait3A_1219] : memref<50176x16xf32, #tpu.memory_space<vmem_shared>> -> memref<50176x16xf32, #tpu.memory_space<vmem_shared>>
        tpu.wait_indirect_dma semaphore(%arg21 : memref<!tpu.dma_semaphore, #tpu.memory_space<semaphore_mem>>) src(%dma_wait3A_1214 : memref<128x16xf32, #tpu.memory_space<vmem>>) dst(%dma_wait3A_1220 : memref<50176x16xf32, #tpu.memory_space<vmem_shared>>)
        %dma_wait3A_1221 = arith.constant 7 : i32
        %dma_wait3A_1222 = arith.constant 896 : i32
        %dma_wait3A_1223 = arith.constant 0 : i32
        %dma_wait3A_1224 = tpu.memref_slice %arg13[%dma_wait3A_1222, %dma_wait3A_1223] : memref<1792x16xf32, #tpu.memory_space<vmem>> -> memref<128x16xf32, #tpu.memory_space<vmem>>
        %dma_wait3A_1225 = arith.constant 0 : i32
        %dma_wait3A_1226 = tpu.memref_slice %arg11[%dma_wait3A_1221, %dma_wait3A_1225] : memref<14x128xi32, #tpu.memory_space<vmem>> -> memref<1x128xi32, #tpu.memory_space<vmem>>
        %dma_wait3A_1227 = tpu.memref_squeeze %dma_wait3A_1226 : memref<1x128xi32, #tpu.memory_space<vmem>> -> memref<128xi32, #tpu.memory_space<vmem>>
        %dma_wait3A_1228 = arith.constant 0 : i32
        %dma_wait3A_1229 = arith.constant 0 : i32
        %dma_wait3A_1230 = tpu.memref_slice %arg22[%dma_wait3A_1228, %dma_wait3A_1229] : memref<50176x16xf32, #tpu.memory_space<vmem_shared>> -> memref<50176x16xf32, #tpu.memory_space<vmem_shared>>
        tpu.wait_indirect_dma semaphore(%arg21 : memref<!tpu.dma_semaphore, #tpu.memory_space<semaphore_mem>>) src(%dma_wait3A_1224 : memref<128x16xf32, #tpu.memory_space<vmem>>) dst(%dma_wait3A_1230 : memref<50176x16xf32, #tpu.memory_space<vmem_shared>>)
        %dma_wait3A_1231 = arith.constant 8 : i32
        %dma_wait3A_1232 = arith.constant 1024 : i32
        %dma_wait3A_1233 = arith.constant 0 : i32
        %dma_wait3A_1234 = tpu.memref_slice %arg13[%dma_wait3A_1232, %dma_wait3A_1233] : memref<1792x16xf32, #tpu.memory_space<vmem>> -> memref<128x16xf32, #tpu.memory_space<vmem>>
        %dma_wait3A_1235 = arith.constant 0 : i32
        %dma_wait3A_1236 = tpu.memref_slice %arg11[%dma_wait3A_1231, %dma_wait3A_1235] : memref<14x128xi32, #tpu.memory_space<vmem>> -> memref<1x128xi32, #tpu.memory_space<vmem>>
        %dma_wait3A_1237 = tpu.memref_squeeze %dma_wait3A_1236 : memref<1x128xi32, #tpu.memory_space<vmem>> -> memref<128xi32, #tpu.memory_space<vmem>>
        %dma_wait3A_1238 = arith.constant 0 : i32
        %dma_wait3A_1239 = arith.constant 0 : i32
        %dma_wait3A_1240 = tpu.memref_slice %arg22[%dma_wait3A_1238, %dma_wait3A_1239] : memref<50176x16xf32, #tpu.memory_space<vmem_shared>> -> memref<50176x16xf32, #tpu.memory_space<vmem_shared>>
        tpu.wait_indirect_dma semaphore(%arg21 : memref<!tpu.dma_semaphore, #tpu.memory_space<semaphore_mem>>) src(%dma_wait3A_1234 : memref<128x16xf32, #tpu.memory_space<vmem>>) dst(%dma_wait3A_1240 : memref<50176x16xf32, #tpu.memory_space<vmem_shared>>)
        %dma_wait3A_1241 = arith.constant 9 : i32
        %dma_wait3A_1242 = arith.constant 1152 : i32
        %dma_wait3A_1243 = arith.constant 0 : i32
        %dma_wait3A_1244 = tpu.memref_slice %arg13[%dma_wait3A_1242, %dma_wait3A_1243] : memref<1792x16xf32, #tpu.memory_space<vmem>> -> memref<128x16xf32, #tpu.memory_space<vmem>>
        %dma_wait3A_1245 = arith.constant 0 : i32
        %dma_wait3A_1246 = tpu.memref_slice %arg11[%dma_wait3A_1241, %dma_wait3A_1245] : memref<14x128xi32, #tpu.memory_space<vmem>> -> memref<1x128xi32, #tpu.memory_space<vmem>>
        %dma_wait3A_1247 = tpu.memref_squeeze %dma_wait3A_1246 : memref<1x128xi32, #tpu.memory_space<vmem>> -> memref<128xi32, #tpu.memory_space<vmem>>
        %dma_wait3A_1248 = arith.constant 0 : i32
        %dma_wait3A_1249 = arith.constant 0 : i32
        %dma_wait3A_1250 = tpu.memref_slice %arg22[%dma_wait3A_1248, %dma_wait3A_1249] : memref<50176x16xf32, #tpu.memory_space<vmem_shared>> -> memref<50176x16xf32, #tpu.memory_space<vmem_shared>>
        tpu.wait_indirect_dma semaphore(%arg21 : memref<!tpu.dma_semaphore, #tpu.memory_space<semaphore_mem>>) src(%dma_wait3A_1244 : memref<128x16xf32, #tpu.memory_space<vmem>>) dst(%dma_wait3A_1250 : memref<50176x16xf32, #tpu.memory_space<vmem_shared>>)
        %dma_wait3A_1251 = arith.constant 10 : i32
        %dma_wait3A_1252 = arith.constant 1280 : i32
        %dma_wait3A_1253 = arith.constant 0 : i32
        %dma_wait3A_1254 = tpu.memref_slice %arg13[%dma_wait3A_1252, %dma_wait3A_1253] : memref<1792x16xf32, #tpu.memory_space<vmem>> -> memref<128x16xf32, #tpu.memory_space<vmem>>
        %dma_wait3A_1255 = arith.constant 0 : i32
        %dma_wait3A_1256 = tpu.memref_slice %arg11[%dma_wait3A_1251, %dma_wait3A_1255] : memref<14x128xi32, #tpu.memory_space<vmem>> -> memref<1x128xi32, #tpu.memory_space<vmem>>
        %dma_wait3A_1257 = tpu.memref_squeeze %dma_wait3A_1256 : memref<1x128xi32, #tpu.memory_space<vmem>> -> memref<128xi32, #tpu.memory_space<vmem>>
        %dma_wait3A_1258 = arith.constant 0 : i32
        %dma_wait3A_1259 = arith.constant 0 : i32
        %dma_wait3A_1260 = tpu.memref_slice %arg22[%dma_wait3A_1258, %dma_wait3A_1259] : memref<50176x16xf32, #tpu.memory_space<vmem_shared>> -> memref<50176x16xf32, #tpu.memory_space<vmem_shared>>
        tpu.wait_indirect_dma semaphore(%arg21 : memref<!tpu.dma_semaphore, #tpu.memory_space<semaphore_mem>>) src(%dma_wait3A_1254 : memref<128x16xf32, #tpu.memory_space<vmem>>) dst(%dma_wait3A_1260 : memref<50176x16xf32, #tpu.memory_space<vmem_shared>>)
        %dma_wait3A_1261 = arith.constant 11 : i32
        %dma_wait3A_1262 = arith.constant 1408 : i32
        %dma_wait3A_1263 = arith.constant 0 : i32
        %dma_wait3A_1264 = tpu.memref_slice %arg13[%dma_wait3A_1262, %dma_wait3A_1263] : memref<1792x16xf32, #tpu.memory_space<vmem>> -> memref<128x16xf32, #tpu.memory_space<vmem>>
        %dma_wait3A_1265 = arith.constant 0 : i32
        %dma_wait3A_1266 = tpu.memref_slice %arg11[%dma_wait3A_1261, %dma_wait3A_1265] : memref<14x128xi32, #tpu.memory_space<vmem>> -> memref<1x128xi32, #tpu.memory_space<vmem>>
        %dma_wait3A_1267 = tpu.memref_squeeze %dma_wait3A_1266 : memref<1x128xi32, #tpu.memory_space<vmem>> -> memref<128xi32, #tpu.memory_space<vmem>>
        %dma_wait3A_1268 = arith.constant 0 : i32
        %dma_wait3A_1269 = arith.constant 0 : i32
        %dma_wait3A_1270 = tpu.memref_slice %arg22[%dma_wait3A_1268, %dma_wait3A_1269] : memref<50176x16xf32, #tpu.memory_space<vmem_shared>> -> memref<50176x16xf32, #tpu.memory_space<vmem_shared>>
        tpu.wait_indirect_dma semaphore(%arg21 : memref<!tpu.dma_semaphore, #tpu.memory_space<semaphore_mem>>) src(%dma_wait3A_1264 : memref<128x16xf32, #tpu.memory_space<vmem>>) dst(%dma_wait3A_1270 : memref<50176x16xf32, #tpu.memory_space<vmem_shared>>)
        %dma_wait3A_1271 = arith.constant 12 : i32
        %dma_wait3A_1272 = arith.constant 1536 : i32
        %dma_wait3A_1273 = arith.constant 0 : i32
        %dma_wait3A_1274 = tpu.memref_slice %arg13[%dma_wait3A_1272, %dma_wait3A_1273] : memref<1792x16xf32, #tpu.memory_space<vmem>> -> memref<128x16xf32, #tpu.memory_space<vmem>>
        %dma_wait3A_1275 = arith.constant 0 : i32
        %dma_wait3A_1276 = tpu.memref_slice %arg11[%dma_wait3A_1271, %dma_wait3A_1275] : memref<14x128xi32, #tpu.memory_space<vmem>> -> memref<1x128xi32, #tpu.memory_space<vmem>>
        %dma_wait3A_1277 = tpu.memref_squeeze %dma_wait3A_1276 : memref<1x128xi32, #tpu.memory_space<vmem>> -> memref<128xi32, #tpu.memory_space<vmem>>
        %dma_wait3A_1278 = arith.constant 0 : i32
        %dma_wait3A_1279 = arith.constant 0 : i32
        %dma_wait3A_1280 = tpu.memref_slice %arg22[%dma_wait3A_1278, %dma_wait3A_1279] : memref<50176x16xf32, #tpu.memory_space<vmem_shared>> -> memref<50176x16xf32, #tpu.memory_space<vmem_shared>>
        tpu.wait_indirect_dma semaphore(%arg21 : memref<!tpu.dma_semaphore, #tpu.memory_space<semaphore_mem>>) src(%dma_wait3A_1274 : memref<128x16xf32, #tpu.memory_space<vmem>>) dst(%dma_wait3A_1280 : memref<50176x16xf32, #tpu.memory_space<vmem_shared>>)
        %dma_wait3A_1281 = arith.constant 13 : i32
        %dma_wait3A_1282 = arith.constant 1664 : i32
        %dma_wait3A_1283 = arith.constant 0 : i32
        %dma_wait3A_1284 = tpu.memref_slice %arg13[%dma_wait3A_1282, %dma_wait3A_1283] : memref<1792x16xf32, #tpu.memory_space<vmem>> -> memref<128x16xf32, #tpu.memory_space<vmem>>
        %dma_wait3A_1285 = arith.constant 0 : i32
        %dma_wait3A_1286 = tpu.memref_slice %arg11[%dma_wait3A_1281, %dma_wait3A_1285] : memref<14x128xi32, #tpu.memory_space<vmem>> -> memref<1x128xi32, #tpu.memory_space<vmem>>
        %dma_wait3A_1287 = tpu.memref_squeeze %dma_wait3A_1286 : memref<1x128xi32, #tpu.memory_space<vmem>> -> memref<128xi32, #tpu.memory_space<vmem>>
        %dma_wait3A_1288 = arith.constant 0 : i32
        %dma_wait3A_1289 = arith.constant 0 : i32
        %dma_wait3A_1290 = tpu.memref_slice %arg22[%dma_wait3A_1288, %dma_wait3A_1289] : memref<50176x16xf32, #tpu.memory_space<vmem_shared>> -> memref<50176x16xf32, #tpu.memory_space<vmem_shared>>
        tpu.wait_indirect_dma semaphore(%arg21 : memref<!tpu.dma_semaphore, #tpu.memory_space<semaphore_mem>>) src(%dma_wait3A_1284 : memref<128x16xf32, #tpu.memory_space<vmem>>) dst(%dma_wait3A_1290 : memref<50176x16xf32, #tpu.memory_space<vmem_shared>>)
        %dma_wait3A_1291 = arith.constant 0 : i32
        %dma_wait3A_1292 = arith.constant 0 : i32
        %dma_wait3A_1293 = arith.constant 0 : i32
        %dma_wait3A_1294 = tpu.memref_slice %arg14[%dma_wait3A_1292, %dma_wait3A_1293] : memref<1792x16xf32, #tpu.memory_space<vmem>> -> memref<128x16xf32, #tpu.memory_space<vmem>>
        %dma_wait3A_1295 = arith.constant 0 : i32
        %dma_wait3A_1296 = tpu.memref_slice %arg10[%dma_wait3A_1291, %dma_wait3A_1295] : memref<14x128xi32, #tpu.memory_space<vmem>> -> memref<1x128xi32, #tpu.memory_space<vmem>>
        %dma_wait3A_1297 = tpu.memref_squeeze %dma_wait3A_1296 : memref<1x128xi32, #tpu.memory_space<vmem>> -> memref<128xi32, #tpu.memory_space<vmem>>
        %dma_wait3A_1298 = arith.constant 0 : i32
        %dma_wait3A_1299 = arith.constant 0 : i32
        %dma_wait3A_1300 = tpu.memref_slice %arg7[%add3A_206, %dma_wait3A_1298, %dma_wait3A_1299] : memref<4x50176x16xf32, #tpu.memory_space<hbm>> -> memref<1x50176x16xf32, #tpu.memory_space<hbm>>
        %dma_wait3A_1301 = tpu.memref_squeeze %dma_wait3A_1300 : memref<1x50176x16xf32, #tpu.memory_space<hbm>> -> memref<50176x16xf32, #tpu.memory_space<hbm>>
        %dma_wait3A_1302 = arith.constant 0 : i32
        %dma_wait3A_1303 = arith.constant 0 : i32
        %dma_wait3A_1304 = tpu.memref_slice %dma_wait3A_1301[%dma_wait3A_1302, %dma_wait3A_1303] : memref<50176x16xf32, #tpu.memory_space<hbm>> -> memref<50176x16xf32, #tpu.memory_space<hbm>>
        tpu.wait_indirect_dma semaphore(%arg20 : memref<!tpu.dma_semaphore, #tpu.memory_space<semaphore_mem>>) src(%dma_wait3A_1304 : memref<50176x16xf32, #tpu.memory_space<hbm>>) dst(%dma_wait3A_1294 : memref<128x16xf32, #tpu.memory_space<vmem>>)
        %dma_wait3A_1305 = arith.constant 1 : i32
        %dma_wait3A_1306 = arith.constant 128 : i32
        %dma_wait3A_1307 = arith.constant 0 : i32
        %dma_wait3A_1308 = tpu.memref_slice %arg14[%dma_wait3A_1306, %dma_wait3A_1307] : memref<1792x16xf32, #tpu.memory_space<vmem>> -> memref<128x16xf32, #tpu.memory_space<vmem>>
        %dma_wait3A_1309 = arith.constant 0 : i32
        %dma_wait3A_1310 = tpu.memref_slice %arg10[%dma_wait3A_1305, %dma_wait3A_1309] : memref<14x128xi32, #tpu.memory_space<vmem>> -> memref<1x128xi32, #tpu.memory_space<vmem>>
        %dma_wait3A_1311 = tpu.memref_squeeze %dma_wait3A_1310 : memref<1x128xi32, #tpu.memory_space<vmem>> -> memref<128xi32, #tpu.memory_space<vmem>>
        %dma_wait3A_1312 = arith.constant 0 : i32
        %dma_wait3A_1313 = arith.constant 0 : i32
        %dma_wait3A_1314 = tpu.memref_slice %arg7[%add3A_206, %dma_wait3A_1312, %dma_wait3A_1313] : memref<4x50176x16xf32, #tpu.memory_space<hbm>> -> memref<1x50176x16xf32, #tpu.memory_space<hbm>>
        %dma_wait3A_1315 = tpu.memref_squeeze %dma_wait3A_1314 : memref<1x50176x16xf32, #tpu.memory_space<hbm>> -> memref<50176x16xf32, #tpu.memory_space<hbm>>
        %dma_wait3A_1316 = arith.constant 0 : i32
        %dma_wait3A_1317 = arith.constant 0 : i32
        %dma_wait3A_1318 = tpu.memref_slice %dma_wait3A_1315[%dma_wait3A_1316, %dma_wait3A_1317] : memref<50176x16xf32, #tpu.memory_space<hbm>> -> memref<50176x16xf32, #tpu.memory_space<hbm>>
        tpu.wait_indirect_dma semaphore(%arg20 : memref<!tpu.dma_semaphore, #tpu.memory_space<semaphore_mem>>) src(%dma_wait3A_1318 : memref<50176x16xf32, #tpu.memory_space<hbm>>) dst(%dma_wait3A_1308 : memref<128x16xf32, #tpu.memory_space<vmem>>)
        %dma_wait3A_1319 = arith.constant 2 : i32
        %dma_wait3A_1320 = arith.constant 256 : i32
        %dma_wait3A_1321 = arith.constant 0 : i32
        %dma_wait3A_1322 = tpu.memref_slice %arg14[%dma_wait3A_1320, %dma_wait3A_1321] : memref<1792x16xf32, #tpu.memory_space<vmem>> -> memref<128x16xf32, #tpu.memory_space<vmem>>
        %dma_wait3A_1323 = arith.constant 0 : i32
        %dma_wait3A_1324 = tpu.memref_slice %arg10[%dma_wait3A_1319, %dma_wait3A_1323] : memref<14x128xi32, #tpu.memory_space<vmem>> -> memref<1x128xi32, #tpu.memory_space<vmem>>
        %dma_wait3A_1325 = tpu.memref_squeeze %dma_wait3A_1324 : memref<1x128xi32, #tpu.memory_space<vmem>> -> memref<128xi32, #tpu.memory_space<vmem>>
        %dma_wait3A_1326 = arith.constant 0 : i32
        %dma_wait3A_1327 = arith.constant 0 : i32
        %dma_wait3A_1328 = tpu.memref_slice %arg7[%add3A_206, %dma_wait3A_1326, %dma_wait3A_1327] : memref<4x50176x16xf32, #tpu.memory_space<hbm>> -> memref<1x50176x16xf32, #tpu.memory_space<hbm>>
        %dma_wait3A_1329 = tpu.memref_squeeze %dma_wait3A_1328 : memref<1x50176x16xf32, #tpu.memory_space<hbm>> -> memref<50176x16xf32, #tpu.memory_space<hbm>>
        %dma_wait3A_1330 = arith.constant 0 : i32
        %dma_wait3A_1331 = arith.constant 0 : i32
        %dma_wait3A_1332 = tpu.memref_slice %dma_wait3A_1329[%dma_wait3A_1330, %dma_wait3A_1331] : memref<50176x16xf32, #tpu.memory_space<hbm>> -> memref<50176x16xf32, #tpu.memory_space<hbm>>
        tpu.wait_indirect_dma semaphore(%arg20 : memref<!tpu.dma_semaphore, #tpu.memory_space<semaphore_mem>>) src(%dma_wait3A_1332 : memref<50176x16xf32, #tpu.memory_space<hbm>>) dst(%dma_wait3A_1322 : memref<128x16xf32, #tpu.memory_space<vmem>>)
        %dma_wait3A_1333 = arith.constant 3 : i32
        %dma_wait3A_1334 = arith.constant 384 : i32
        %dma_wait3A_1335 = arith.constant 0 : i32
        %dma_wait3A_1336 = tpu.memref_slice %arg14[%dma_wait3A_1334, %dma_wait3A_1335] : memref<1792x16xf32, #tpu.memory_space<vmem>> -> memref<128x16xf32, #tpu.memory_space<vmem>>
        %dma_wait3A_1337 = arith.constant 0 : i32
        %dma_wait3A_1338 = tpu.memref_slice %arg10[%dma_wait3A_1333, %dma_wait3A_1337] : memref<14x128xi32, #tpu.memory_space<vmem>> -> memref<1x128xi32, #tpu.memory_space<vmem>>
        %dma_wait3A_1339 = tpu.memref_squeeze %dma_wait3A_1338 : memref<1x128xi32, #tpu.memory_space<vmem>> -> memref<128xi32, #tpu.memory_space<vmem>>
        %dma_wait3A_1340 = arith.constant 0 : i32
        %dma_wait3A_1341 = arith.constant 0 : i32
        %dma_wait3A_1342 = tpu.memref_slice %arg7[%add3A_206, %dma_wait3A_1340, %dma_wait3A_1341] : memref<4x50176x16xf32, #tpu.memory_space<hbm>> -> memref<1x50176x16xf32, #tpu.memory_space<hbm>>
        %dma_wait3A_1343 = tpu.memref_squeeze %dma_wait3A_1342 : memref<1x50176x16xf32, #tpu.memory_space<hbm>> -> memref<50176x16xf32, #tpu.memory_space<hbm>>
        %dma_wait3A_1344 = arith.constant 0 : i32
        %dma_wait3A_1345 = arith.constant 0 : i32
        %dma_wait3A_1346 = tpu.memref_slice %dma_wait3A_1343[%dma_wait3A_1344, %dma_wait3A_1345] : memref<50176x16xf32, #tpu.memory_space<hbm>> -> memref<50176x16xf32, #tpu.memory_space<hbm>>
        tpu.wait_indirect_dma semaphore(%arg20 : memref<!tpu.dma_semaphore, #tpu.memory_space<semaphore_mem>>) src(%dma_wait3A_1346 : memref<50176x16xf32, #tpu.memory_space<hbm>>) dst(%dma_wait3A_1336 : memref<128x16xf32, #tpu.memory_space<vmem>>)
        %dma_wait3A_1347 = arith.constant 4 : i32
        %dma_wait3A_1348 = arith.constant 512 : i32
        %dma_wait3A_1349 = arith.constant 0 : i32
        %dma_wait3A_1350 = tpu.memref_slice %arg14[%dma_wait3A_1348, %dma_wait3A_1349] : memref<1792x16xf32, #tpu.memory_space<vmem>> -> memref<128x16xf32, #tpu.memory_space<vmem>>
        %dma_wait3A_1351 = arith.constant 0 : i32
        %dma_wait3A_1352 = tpu.memref_slice %arg10[%dma_wait3A_1347, %dma_wait3A_1351] : memref<14x128xi32, #tpu.memory_space<vmem>> -> memref<1x128xi32, #tpu.memory_space<vmem>>
        %dma_wait3A_1353 = tpu.memref_squeeze %dma_wait3A_1352 : memref<1x128xi32, #tpu.memory_space<vmem>> -> memref<128xi32, #tpu.memory_space<vmem>>
        %dma_wait3A_1354 = arith.constant 0 : i32
        %dma_wait3A_1355 = arith.constant 0 : i32
        %dma_wait3A_1356 = tpu.memref_slice %arg7[%add3A_206, %dma_wait3A_1354, %dma_wait3A_1355] : memref<4x50176x16xf32, #tpu.memory_space<hbm>> -> memref<1x50176x16xf32, #tpu.memory_space<hbm>>
        %dma_wait3A_1357 = tpu.memref_squeeze %dma_wait3A_1356 : memref<1x50176x16xf32, #tpu.memory_space<hbm>> -> memref<50176x16xf32, #tpu.memory_space<hbm>>
        %dma_wait3A_1358 = arith.constant 0 : i32
        %dma_wait3A_1359 = arith.constant 0 : i32
        %dma_wait3A_1360 = tpu.memref_slice %dma_wait3A_1357[%dma_wait3A_1358, %dma_wait3A_1359] : memref<50176x16xf32, #tpu.memory_space<hbm>> -> memref<50176x16xf32, #tpu.memory_space<hbm>>
        tpu.wait_indirect_dma semaphore(%arg20 : memref<!tpu.dma_semaphore, #tpu.memory_space<semaphore_mem>>) src(%dma_wait3A_1360 : memref<50176x16xf32, #tpu.memory_space<hbm>>) dst(%dma_wait3A_1350 : memref<128x16xf32, #tpu.memory_space<vmem>>)
        %dma_wait3A_1361 = arith.constant 5 : i32
        %dma_wait3A_1362 = arith.constant 640 : i32
        %dma_wait3A_1363 = arith.constant 0 : i32
        %dma_wait3A_1364 = tpu.memref_slice %arg14[%dma_wait3A_1362, %dma_wait3A_1363] : memref<1792x16xf32, #tpu.memory_space<vmem>> -> memref<128x16xf32, #tpu.memory_space<vmem>>
        %dma_wait3A_1365 = arith.constant 0 : i32
        %dma_wait3A_1366 = tpu.memref_slice %arg10[%dma_wait3A_1361, %dma_wait3A_1365] : memref<14x128xi32, #tpu.memory_space<vmem>> -> memref<1x128xi32, #tpu.memory_space<vmem>>
        %dma_wait3A_1367 = tpu.memref_squeeze %dma_wait3A_1366 : memref<1x128xi32, #tpu.memory_space<vmem>> -> memref<128xi32, #tpu.memory_space<vmem>>
        %dma_wait3A_1368 = arith.constant 0 : i32
        %dma_wait3A_1369 = arith.constant 0 : i32
        %dma_wait3A_1370 = tpu.memref_slice %arg7[%add3A_206, %dma_wait3A_1368, %dma_wait3A_1369] : memref<4x50176x16xf32, #tpu.memory_space<hbm>> -> memref<1x50176x16xf32, #tpu.memory_space<hbm>>
        %dma_wait3A_1371 = tpu.memref_squeeze %dma_wait3A_1370 : memref<1x50176x16xf32, #tpu.memory_space<hbm>> -> memref<50176x16xf32, #tpu.memory_space<hbm>>
        %dma_wait3A_1372 = arith.constant 0 : i32
        %dma_wait3A_1373 = arith.constant 0 : i32
        %dma_wait3A_1374 = tpu.memref_slice %dma_wait3A_1371[%dma_wait3A_1372, %dma_wait3A_1373] : memref<50176x16xf32, #tpu.memory_space<hbm>> -> memref<50176x16xf32, #tpu.memory_space<hbm>>
        tpu.wait_indirect_dma semaphore(%arg20 : memref<!tpu.dma_semaphore, #tpu.memory_space<semaphore_mem>>) src(%dma_wait3A_1374 : memref<50176x16xf32, #tpu.memory_space<hbm>>) dst(%dma_wait3A_1364 : memref<128x16xf32, #tpu.memory_space<vmem>>)
        %dma_wait3A_1375 = arith.constant 6 : i32
        %dma_wait3A_1376 = arith.constant 768 : i32
        %dma_wait3A_1377 = arith.constant 0 : i32
        %dma_wait3A_1378 = tpu.memref_slice %arg14[%dma_wait3A_1376, %dma_wait3A_1377] : memref<1792x16xf32, #tpu.memory_space<vmem>> -> memref<128x16xf32, #tpu.memory_space<vmem>>
        %dma_wait3A_1379 = arith.constant 0 : i32
        %dma_wait3A_1380 = tpu.memref_slice %arg10[%dma_wait3A_1375, %dma_wait3A_1379] : memref<14x128xi32, #tpu.memory_space<vmem>> -> memref<1x128xi32, #tpu.memory_space<vmem>>
        %dma_wait3A_1381 = tpu.memref_squeeze %dma_wait3A_1380 : memref<1x128xi32, #tpu.memory_space<vmem>> -> memref<128xi32, #tpu.memory_space<vmem>>
        %dma_wait3A_1382 = arith.constant 0 : i32
        %dma_wait3A_1383 = arith.constant 0 : i32
        %dma_wait3A_1384 = tpu.memref_slice %arg7[%add3A_206, %dma_wait3A_1382, %dma_wait3A_1383] : memref<4x50176x16xf32, #tpu.memory_space<hbm>> -> memref<1x50176x16xf32, #tpu.memory_space<hbm>>
        %dma_wait3A_1385 = tpu.memref_squeeze %dma_wait3A_1384 : memref<1x50176x16xf32, #tpu.memory_space<hbm>> -> memref<50176x16xf32, #tpu.memory_space<hbm>>
        %dma_wait3A_1386 = arith.constant 0 : i32
        %dma_wait3A_1387 = arith.constant 0 : i32
        %dma_wait3A_1388 = tpu.memref_slice %dma_wait3A_1385[%dma_wait3A_1386, %dma_wait3A_1387] : memref<50176x16xf32, #tpu.memory_space<hbm>> -> memref<50176x16xf32, #tpu.memory_space<hbm>>
        tpu.wait_indirect_dma semaphore(%arg20 : memref<!tpu.dma_semaphore, #tpu.memory_space<semaphore_mem>>) src(%dma_wait3A_1388 : memref<50176x16xf32, #tpu.memory_space<hbm>>) dst(%dma_wait3A_1378 : memref<128x16xf32, #tpu.memory_space<vmem>>)
        %dma_wait3A_1389 = arith.constant 7 : i32
        %dma_wait3A_1390 = arith.constant 896 : i32
        %dma_wait3A_1391 = arith.constant 0 : i32
        %dma_wait3A_1392 = tpu.memref_slice %arg14[%dma_wait3A_1390, %dma_wait3A_1391] : memref<1792x16xf32, #tpu.memory_space<vmem>> -> memref<128x16xf32, #tpu.memory_space<vmem>>
        %dma_wait3A_1393 = arith.constant 0 : i32
        %dma_wait3A_1394 = tpu.memref_slice %arg10[%dma_wait3A_1389, %dma_wait3A_1393] : memref<14x128xi32, #tpu.memory_space<vmem>> -> memref<1x128xi32, #tpu.memory_space<vmem>>
        %dma_wait3A_1395 = tpu.memref_squeeze %dma_wait3A_1394 : memref<1x128xi32, #tpu.memory_space<vmem>> -> memref<128xi32, #tpu.memory_space<vmem>>
        %dma_wait3A_1396 = arith.constant 0 : i32
        %dma_wait3A_1397 = arith.constant 0 : i32
        %dma_wait3A_1398 = tpu.memref_slice %arg7[%add3A_206, %dma_wait3A_1396, %dma_wait3A_1397] : memref<4x50176x16xf32, #tpu.memory_space<hbm>> -> memref<1x50176x16xf32, #tpu.memory_space<hbm>>
        %dma_wait3A_1399 = tpu.memref_squeeze %dma_wait3A_1398 : memref<1x50176x16xf32, #tpu.memory_space<hbm>> -> memref<50176x16xf32, #tpu.memory_space<hbm>>
        %dma_wait3A_1400 = arith.constant 0 : i32
        %dma_wait3A_1401 = arith.constant 0 : i32
        %dma_wait3A_1402 = tpu.memref_slice %dma_wait3A_1399[%dma_wait3A_1400, %dma_wait3A_1401] : memref<50176x16xf32, #tpu.memory_space<hbm>> -> memref<50176x16xf32, #tpu.memory_space<hbm>>
        tpu.wait_indirect_dma semaphore(%arg20 : memref<!tpu.dma_semaphore, #tpu.memory_space<semaphore_mem>>) src(%dma_wait3A_1402 : memref<50176x16xf32, #tpu.memory_space<hbm>>) dst(%dma_wait3A_1392 : memref<128x16xf32, #tpu.memory_space<vmem>>)
        %dma_wait3A_1403 = arith.constant 8 : i32
        %dma_wait3A_1404 = arith.constant 1024 : i32
        %dma_wait3A_1405 = arith.constant 0 : i32
        %dma_wait3A_1406 = tpu.memref_slice %arg14[%dma_wait3A_1404, %dma_wait3A_1405] : memref<1792x16xf32, #tpu.memory_space<vmem>> -> memref<128x16xf32, #tpu.memory_space<vmem>>
        %dma_wait3A_1407 = arith.constant 0 : i32
        %dma_wait3A_1408 = tpu.memref_slice %arg10[%dma_wait3A_1403, %dma_wait3A_1407] : memref<14x128xi32, #tpu.memory_space<vmem>> -> memref<1x128xi32, #tpu.memory_space<vmem>>
        %dma_wait3A_1409 = tpu.memref_squeeze %dma_wait3A_1408 : memref<1x128xi32, #tpu.memory_space<vmem>> -> memref<128xi32, #tpu.memory_space<vmem>>
        %dma_wait3A_1410 = arith.constant 0 : i32
        %dma_wait3A_1411 = arith.constant 0 : i32
        %dma_wait3A_1412 = tpu.memref_slice %arg7[%add3A_206, %dma_wait3A_1410, %dma_wait3A_1411] : memref<4x50176x16xf32, #tpu.memory_space<hbm>> -> memref<1x50176x16xf32, #tpu.memory_space<hbm>>
        %dma_wait3A_1413 = tpu.memref_squeeze %dma_wait3A_1412 : memref<1x50176x16xf32, #tpu.memory_space<hbm>> -> memref<50176x16xf32, #tpu.memory_space<hbm>>
        %dma_wait3A_1414 = arith.constant 0 : i32
        %dma_wait3A_1415 = arith.constant 0 : i32
        %dma_wait3A_1416 = tpu.memref_slice %dma_wait3A_1413[%dma_wait3A_1414, %dma_wait3A_1415] : memref<50176x16xf32, #tpu.memory_space<hbm>> -> memref<50176x16xf32, #tpu.memory_space<hbm>>
        tpu.wait_indirect_dma semaphore(%arg20 : memref<!tpu.dma_semaphore, #tpu.memory_space<semaphore_mem>>) src(%dma_wait3A_1416 : memref<50176x16xf32, #tpu.memory_space<hbm>>) dst(%dma_wait3A_1406 : memref<128x16xf32, #tpu.memory_space<vmem>>)
        %dma_wait3A_1417 = arith.constant 9 : i32
        %dma_wait3A_1418 = arith.constant 1152 : i32
        %dma_wait3A_1419 = arith.constant 0 : i32
        %dma_wait3A_1420 = tpu.memref_slice %arg14[%dma_wait3A_1418, %dma_wait3A_1419] : memref<1792x16xf32, #tpu.memory_space<vmem>> -> memref<128x16xf32, #tpu.memory_space<vmem>>
        %dma_wait3A_1421 = arith.constant 0 : i32
        %dma_wait3A_1422 = tpu.memref_slice %arg10[%dma_wait3A_1417, %dma_wait3A_1421] : memref<14x128xi32, #tpu.memory_space<vmem>> -> memref<1x128xi32, #tpu.memory_space<vmem>>
        %dma_wait3A_1423 = tpu.memref_squeeze %dma_wait3A_1422 : memref<1x128xi32, #tpu.memory_space<vmem>> -> memref<128xi32, #tpu.memory_space<vmem>>
        %dma_wait3A_1424 = arith.constant 0 : i32
        %dma_wait3A_1425 = arith.constant 0 : i32
        %dma_wait3A_1426 = tpu.memref_slice %arg7[%add3A_206, %dma_wait3A_1424, %dma_wait3A_1425] : memref<4x50176x16xf32, #tpu.memory_space<hbm>> -> memref<1x50176x16xf32, #tpu.memory_space<hbm>>
        %dma_wait3A_1427 = tpu.memref_squeeze %dma_wait3A_1426 : memref<1x50176x16xf32, #tpu.memory_space<hbm>> -> memref<50176x16xf32, #tpu.memory_space<hbm>>
        %dma_wait3A_1428 = arith.constant 0 : i32
        %dma_wait3A_1429 = arith.constant 0 : i32
        %dma_wait3A_1430 = tpu.memref_slice %dma_wait3A_1427[%dma_wait3A_1428, %dma_wait3A_1429] : memref<50176x16xf32, #tpu.memory_space<hbm>> -> memref<50176x16xf32, #tpu.memory_space<hbm>>
        tpu.wait_indirect_dma semaphore(%arg20 : memref<!tpu.dma_semaphore, #tpu.memory_space<semaphore_mem>>) src(%dma_wait3A_1430 : memref<50176x16xf32, #tpu.memory_space<hbm>>) dst(%dma_wait3A_1420 : memref<128x16xf32, #tpu.memory_space<vmem>>)
        %dma_wait3A_1431 = arith.constant 10 : i32
        %dma_wait3A_1432 = arith.constant 1280 : i32
        %dma_wait3A_1433 = arith.constant 0 : i32
        %dma_wait3A_1434 = tpu.memref_slice %arg14[%dma_wait3A_1432, %dma_wait3A_1433] : memref<1792x16xf32, #tpu.memory_space<vmem>> -> memref<128x16xf32, #tpu.memory_space<vmem>>
        %dma_wait3A_1435 = arith.constant 0 : i32
        %dma_wait3A_1436 = tpu.memref_slice %arg10[%dma_wait3A_1431, %dma_wait3A_1435] : memref<14x128xi32, #tpu.memory_space<vmem>> -> memref<1x128xi32, #tpu.memory_space<vmem>>
        %dma_wait3A_1437 = tpu.memref_squeeze %dma_wait3A_1436 : memref<1x128xi32, #tpu.memory_space<vmem>> -> memref<128xi32, #tpu.memory_space<vmem>>
        %dma_wait3A_1438 = arith.constant 0 : i32
        %dma_wait3A_1439 = arith.constant 0 : i32
        %dma_wait3A_1440 = tpu.memref_slice %arg7[%add3A_206, %dma_wait3A_1438, %dma_wait3A_1439] : memref<4x50176x16xf32, #tpu.memory_space<hbm>> -> memref<1x50176x16xf32, #tpu.memory_space<hbm>>
        %dma_wait3A_1441 = tpu.memref_squeeze %dma_wait3A_1440 : memref<1x50176x16xf32, #tpu.memory_space<hbm>> -> memref<50176x16xf32, #tpu.memory_space<hbm>>
        %dma_wait3A_1442 = arith.constant 0 : i32
        %dma_wait3A_1443 = arith.constant 0 : i32
        %dma_wait3A_1444 = tpu.memref_slice %dma_wait3A_1441[%dma_wait3A_1442, %dma_wait3A_1443] : memref<50176x16xf32, #tpu.memory_space<hbm>> -> memref<50176x16xf32, #tpu.memory_space<hbm>>
        tpu.wait_indirect_dma semaphore(%arg20 : memref<!tpu.dma_semaphore, #tpu.memory_space<semaphore_mem>>) src(%dma_wait3A_1444 : memref<50176x16xf32, #tpu.memory_space<hbm>>) dst(%dma_wait3A_1434 : memref<128x16xf32, #tpu.memory_space<vmem>>)
        %dma_wait3A_1445 = arith.constant 11 : i32
        %dma_wait3A_1446 = arith.constant 1408 : i32
        %dma_wait3A_1447 = arith.constant 0 : i32
        %dma_wait3A_1448 = tpu.memref_slice %arg14[%dma_wait3A_1446, %dma_wait3A_1447] : memref<1792x16xf32, #tpu.memory_space<vmem>> -> memref<128x16xf32, #tpu.memory_space<vmem>>
        %dma_wait3A_1449 = arith.constant 0 : i32
        %dma_wait3A_1450 = tpu.memref_slice %arg10[%dma_wait3A_1445, %dma_wait3A_1449] : memref<14x128xi32, #tpu.memory_space<vmem>> -> memref<1x128xi32, #tpu.memory_space<vmem>>
        %dma_wait3A_1451 = tpu.memref_squeeze %dma_wait3A_1450 : memref<1x128xi32, #tpu.memory_space<vmem>> -> memref<128xi32, #tpu.memory_space<vmem>>
        %dma_wait3A_1452 = arith.constant 0 : i32
        %dma_wait3A_1453 = arith.constant 0 : i32
        %dma_wait3A_1454 = tpu.memref_slice %arg7[%add3A_206, %dma_wait3A_1452, %dma_wait3A_1453] : memref<4x50176x16xf32, #tpu.memory_space<hbm>> -> memref<1x50176x16xf32, #tpu.memory_space<hbm>>
        %dma_wait3A_1455 = tpu.memref_squeeze %dma_wait3A_1454 : memref<1x50176x16xf32, #tpu.memory_space<hbm>> -> memref<50176x16xf32, #tpu.memory_space<hbm>>
        %dma_wait3A_1456 = arith.constant 0 : i32
        %dma_wait3A_1457 = arith.constant 0 : i32
        %dma_wait3A_1458 = tpu.memref_slice %dma_wait3A_1455[%dma_wait3A_1456, %dma_wait3A_1457] : memref<50176x16xf32, #tpu.memory_space<hbm>> -> memref<50176x16xf32, #tpu.memory_space<hbm>>
        tpu.wait_indirect_dma semaphore(%arg20 : memref<!tpu.dma_semaphore, #tpu.memory_space<semaphore_mem>>) src(%dma_wait3A_1458 : memref<50176x16xf32, #tpu.memory_space<hbm>>) dst(%dma_wait3A_1448 : memref<128x16xf32, #tpu.memory_space<vmem>>)
        %dma_wait3A_1459 = arith.constant 12 : i32
        %dma_wait3A_1460 = arith.constant 1536 : i32
        %dma_wait3A_1461 = arith.constant 0 : i32
        %dma_wait3A_1462 = tpu.memref_slice %arg14[%dma_wait3A_1460, %dma_wait3A_1461] : memref<1792x16xf32, #tpu.memory_space<vmem>> -> memref<128x16xf32, #tpu.memory_space<vmem>>
        %dma_wait3A_1463 = arith.constant 0 : i32
        %dma_wait3A_1464 = tpu.memref_slice %arg10[%dma_wait3A_1459, %dma_wait3A_1463] : memref<14x128xi32, #tpu.memory_space<vmem>> -> memref<1x128xi32, #tpu.memory_space<vmem>>
        %dma_wait3A_1465 = tpu.memref_squeeze %dma_wait3A_1464 : memref<1x128xi32, #tpu.memory_space<vmem>> -> memref<128xi32, #tpu.memory_space<vmem>>
        %dma_wait3A_1466 = arith.constant 0 : i32
        %dma_wait3A_1467 = arith.constant 0 : i32
        %dma_wait3A_1468 = tpu.memref_slice %arg7[%add3A_206, %dma_wait3A_1466, %dma_wait3A_1467] : memref<4x50176x16xf32, #tpu.memory_space<hbm>> -> memref<1x50176x16xf32, #tpu.memory_space<hbm>>
        %dma_wait3A_1469 = tpu.memref_squeeze %dma_wait3A_1468 : memref<1x50176x16xf32, #tpu.memory_space<hbm>> -> memref<50176x16xf32, #tpu.memory_space<hbm>>
        %dma_wait3A_1470 = arith.constant 0 : i32
        %dma_wait3A_1471 = arith.constant 0 : i32
        %dma_wait3A_1472 = tpu.memref_slice %dma_wait3A_1469[%dma_wait3A_1470, %dma_wait3A_1471] : memref<50176x16xf32, #tpu.memory_space<hbm>> -> memref<50176x16xf32, #tpu.memory_space<hbm>>
        tpu.wait_indirect_dma semaphore(%arg20 : memref<!tpu.dma_semaphore, #tpu.memory_space<semaphore_mem>>) src(%dma_wait3A_1472 : memref<50176x16xf32, #tpu.memory_space<hbm>>) dst(%dma_wait3A_1462 : memref<128x16xf32, #tpu.memory_space<vmem>>)
        %dma_wait3A_1473 = arith.constant 13 : i32
        %dma_wait3A_1474 = arith.constant 1664 : i32
        %dma_wait3A_1475 = arith.constant 0 : i32
        %dma_wait3A_1476 = tpu.memref_slice %arg14[%dma_wait3A_1474, %dma_wait3A_1475] : memref<1792x16xf32, #tpu.memory_space<vmem>> -> memref<128x16xf32, #tpu.memory_space<vmem>>
        %dma_wait3A_1477 = arith.constant 0 : i32
        %dma_wait3A_1478 = tpu.memref_slice %arg10[%dma_wait3A_1473, %dma_wait3A_1477] : memref<14x128xi32, #tpu.memory_space<vmem>> -> memref<1x128xi32, #tpu.memory_space<vmem>>
        %dma_wait3A_1479 = tpu.memref_squeeze %dma_wait3A_1478 : memref<1x128xi32, #tpu.memory_space<vmem>> -> memref<128xi32, #tpu.memory_space<vmem>>
        %dma_wait3A_1480 = arith.constant 0 : i32
        %dma_wait3A_1481 = arith.constant 0 : i32
        %dma_wait3A_1482 = tpu.memref_slice %arg7[%add3A_206, %dma_wait3A_1480, %dma_wait3A_1481] : memref<4x50176x16xf32, #tpu.memory_space<hbm>> -> memref<1x50176x16xf32, #tpu.memory_space<hbm>>
        %dma_wait3A_1483 = tpu.memref_squeeze %dma_wait3A_1482 : memref<1x50176x16xf32, #tpu.memory_space<hbm>> -> memref<50176x16xf32, #tpu.memory_space<hbm>>
        %dma_wait3A_1484 = arith.constant 0 : i32
        %dma_wait3A_1485 = arith.constant 0 : i32
        %dma_wait3A_1486 = tpu.memref_slice %dma_wait3A_1483[%dma_wait3A_1484, %dma_wait3A_1485] : memref<50176x16xf32, #tpu.memory_space<hbm>> -> memref<50176x16xf32, #tpu.memory_space<hbm>>
        tpu.wait_indirect_dma semaphore(%arg20 : memref<!tpu.dma_semaphore, #tpu.memory_space<semaphore_mem>>) src(%dma_wait3A_1486 : memref<50176x16xf32, #tpu.memory_space<hbm>>) dst(%dma_wait3A_1476 : memref<128x16xf32, #tpu.memory_space<vmem>>)
        %dma_start3A_1487 = arith.constant 0 : i32
        %dma_start3A_1488 = arith.constant 0 : i32
        %dma_start3A_1489 = arith.constant 0 : i32
        %dma_start3A_1490 = tpu.memref_slice %arg14[%dma_start3A_1488, %dma_start3A_1489] : memref<1792x16xf32, #tpu.memory_space<vmem>> -> memref<128x16xf32, #tpu.memory_space<vmem>>
        %dma_start3A_1491 = arith.constant 0 : i32
        %dma_start3A_1492 = tpu.memref_slice %arg12[%dma_start3A_1487, %dma_start3A_1491] : memref<14x128xi32, #tpu.memory_space<vmem>> -> memref<1x128xi32, #tpu.memory_space<vmem>>
        %dma_start3A_1493 = tpu.memref_squeeze %dma_start3A_1492 : memref<1x128xi32, #tpu.memory_space<vmem>> -> memref<128xi32, #tpu.memory_space<vmem>>
        %dma_start3A_1494 = arith.constant 0 : i32
        %dma_start3A_1495 = arith.constant 0 : i32
        %dma_start3A_1496 = tpu.memref_slice %arg22[%dma_start3A_1494, %dma_start3A_1495] : memref<50176x16xf32, #tpu.memory_space<vmem_shared>> -> memref<50176x16xf32, #tpu.memory_space<vmem_shared>>
        tpu.enqueue_indirect_dma source(%dma_start3A_1490 : memref<128x16xf32, #tpu.memory_space<vmem>>) target(%dma_start3A_1496 : memref<50176x16xf32, #tpu.memory_space<vmem_shared>>) offsets(%dma_start3A_1493 : memref<128xi32, #tpu.memory_space<vmem>>) semaphore(%arg21 : memref<!tpu.dma_semaphore, #tpu.memory_space<semaphore_mem>>) {add = true}
        %dma_start3A_1497 = arith.constant 1 : i32
        %dma_start3A_1498 = arith.constant 128 : i32
        %dma_start3A_1499 = arith.constant 0 : i32
        %dma_start3A_1500 = tpu.memref_slice %arg14[%dma_start3A_1498, %dma_start3A_1499] : memref<1792x16xf32, #tpu.memory_space<vmem>> -> memref<128x16xf32, #tpu.memory_space<vmem>>
        %dma_start3A_1501 = arith.constant 0 : i32
        %dma_start3A_1502 = tpu.memref_slice %arg12[%dma_start3A_1497, %dma_start3A_1501] : memref<14x128xi32, #tpu.memory_space<vmem>> -> memref<1x128xi32, #tpu.memory_space<vmem>>
        %dma_start3A_1503 = tpu.memref_squeeze %dma_start3A_1502 : memref<1x128xi32, #tpu.memory_space<vmem>> -> memref<128xi32, #tpu.memory_space<vmem>>
        %dma_start3A_1504 = arith.constant 0 : i32
        %dma_start3A_1505 = arith.constant 0 : i32
        %dma_start3A_1506 = tpu.memref_slice %arg22[%dma_start3A_1504, %dma_start3A_1505] : memref<50176x16xf32, #tpu.memory_space<vmem_shared>> -> memref<50176x16xf32, #tpu.memory_space<vmem_shared>>
        tpu.enqueue_indirect_dma source(%dma_start3A_1500 : memref<128x16xf32, #tpu.memory_space<vmem>>) target(%dma_start3A_1506 : memref<50176x16xf32, #tpu.memory_space<vmem_shared>>) offsets(%dma_start3A_1503 : memref<128xi32, #tpu.memory_space<vmem>>) semaphore(%arg21 : memref<!tpu.dma_semaphore, #tpu.memory_space<semaphore_mem>>) {add = true}
        %dma_start3A_1507 = arith.constant 2 : i32
        %dma_start3A_1508 = arith.constant 256 : i32
        %dma_start3A_1509 = arith.constant 0 : i32
        %dma_start3A_1510 = tpu.memref_slice %arg14[%dma_start3A_1508, %dma_start3A_1509] : memref<1792x16xf32, #tpu.memory_space<vmem>> -> memref<128x16xf32, #tpu.memory_space<vmem>>
        %dma_start3A_1511 = arith.constant 0 : i32
        %dma_start3A_1512 = tpu.memref_slice %arg12[%dma_start3A_1507, %dma_start3A_1511] : memref<14x128xi32, #tpu.memory_space<vmem>> -> memref<1x128xi32, #tpu.memory_space<vmem>>
        %dma_start3A_1513 = tpu.memref_squeeze %dma_start3A_1512 : memref<1x128xi32, #tpu.memory_space<vmem>> -> memref<128xi32, #tpu.memory_space<vmem>>
        %dma_start3A_1514 = arith.constant 0 : i32
        %dma_start3A_1515 = arith.constant 0 : i32
        %dma_start3A_1516 = tpu.memref_slice %arg22[%dma_start3A_1514, %dma_start3A_1515] : memref<50176x16xf32, #tpu.memory_space<vmem_shared>> -> memref<50176x16xf32, #tpu.memory_space<vmem_shared>>
        tpu.enqueue_indirect_dma source(%dma_start3A_1510 : memref<128x16xf32, #tpu.memory_space<vmem>>) target(%dma_start3A_1516 : memref<50176x16xf32, #tpu.memory_space<vmem_shared>>) offsets(%dma_start3A_1513 : memref<128xi32, #tpu.memory_space<vmem>>) semaphore(%arg21 : memref<!tpu.dma_semaphore, #tpu.memory_space<semaphore_mem>>) {add = true}
        %dma_start3A_1517 = arith.constant 3 : i32
        %dma_start3A_1518 = arith.constant 384 : i32
        %dma_start3A_1519 = arith.constant 0 : i32
        %dma_start3A_1520 = tpu.memref_slice %arg14[%dma_start3A_1518, %dma_start3A_1519] : memref<1792x16xf32, #tpu.memory_space<vmem>> -> memref<128x16xf32, #tpu.memory_space<vmem>>
        %dma_start3A_1521 = arith.constant 0 : i32
        %dma_start3A_1522 = tpu.memref_slice %arg12[%dma_start3A_1517, %dma_start3A_1521] : memref<14x128xi32, #tpu.memory_space<vmem>> -> memref<1x128xi32, #tpu.memory_space<vmem>>
        %dma_start3A_1523 = tpu.memref_squeeze %dma_start3A_1522 : memref<1x128xi32, #tpu.memory_space<vmem>> -> memref<128xi32, #tpu.memory_space<vmem>>
        %dma_start3A_1524 = arith.constant 0 : i32
        %dma_start3A_1525 = arith.constant 0 : i32
        %dma_start3A_1526 = tpu.memref_slice %arg22[%dma_start3A_1524, %dma_start3A_1525] : memref<50176x16xf32, #tpu.memory_space<vmem_shared>> -> memref<50176x16xf32, #tpu.memory_space<vmem_shared>>
        tpu.enqueue_indirect_dma source(%dma_start3A_1520 : memref<128x16xf32, #tpu.memory_space<vmem>>) target(%dma_start3A_1526 : memref<50176x16xf32, #tpu.memory_space<vmem_shared>>) offsets(%dma_start3A_1523 : memref<128xi32, #tpu.memory_space<vmem>>) semaphore(%arg21 : memref<!tpu.dma_semaphore, #tpu.memory_space<semaphore_mem>>) {add = true}
        %dma_start3A_1527 = arith.constant 4 : i32
        %dma_start3A_1528 = arith.constant 512 : i32
        %dma_start3A_1529 = arith.constant 0 : i32
        %dma_start3A_1530 = tpu.memref_slice %arg14[%dma_start3A_1528, %dma_start3A_1529] : memref<1792x16xf32, #tpu.memory_space<vmem>> -> memref<128x16xf32, #tpu.memory_space<vmem>>
        %dma_start3A_1531 = arith.constant 0 : i32
        %dma_start3A_1532 = tpu.memref_slice %arg12[%dma_start3A_1527, %dma_start3A_1531] : memref<14x128xi32, #tpu.memory_space<vmem>> -> memref<1x128xi32, #tpu.memory_space<vmem>>
        %dma_start3A_1533 = tpu.memref_squeeze %dma_start3A_1532 : memref<1x128xi32, #tpu.memory_space<vmem>> -> memref<128xi32, #tpu.memory_space<vmem>>
        %dma_start3A_1534 = arith.constant 0 : i32
        %dma_start3A_1535 = arith.constant 0 : i32
        %dma_start3A_1536 = tpu.memref_slice %arg22[%dma_start3A_1534, %dma_start3A_1535] : memref<50176x16xf32, #tpu.memory_space<vmem_shared>> -> memref<50176x16xf32, #tpu.memory_space<vmem_shared>>
        tpu.enqueue_indirect_dma source(%dma_start3A_1530 : memref<128x16xf32, #tpu.memory_space<vmem>>) target(%dma_start3A_1536 : memref<50176x16xf32, #tpu.memory_space<vmem_shared>>) offsets(%dma_start3A_1533 : memref<128xi32, #tpu.memory_space<vmem>>) semaphore(%arg21 : memref<!tpu.dma_semaphore, #tpu.memory_space<semaphore_mem>>) {add = true}
        %dma_start3A_1537 = arith.constant 5 : i32
        %dma_start3A_1538 = arith.constant 640 : i32
        %dma_start3A_1539 = arith.constant 0 : i32
        %dma_start3A_1540 = tpu.memref_slice %arg14[%dma_start3A_1538, %dma_start3A_1539] : memref<1792x16xf32, #tpu.memory_space<vmem>> -> memref<128x16xf32, #tpu.memory_space<vmem>>
        %dma_start3A_1541 = arith.constant 0 : i32
        %dma_start3A_1542 = tpu.memref_slice %arg12[%dma_start3A_1537, %dma_start3A_1541] : memref<14x128xi32, #tpu.memory_space<vmem>> -> memref<1x128xi32, #tpu.memory_space<vmem>>
        %dma_start3A_1543 = tpu.memref_squeeze %dma_start3A_1542 : memref<1x128xi32, #tpu.memory_space<vmem>> -> memref<128xi32, #tpu.memory_space<vmem>>
        %dma_start3A_1544 = arith.constant 0 : i32
        %dma_start3A_1545 = arith.constant 0 : i32
        %dma_start3A_1546 = tpu.memref_slice %arg22[%dma_start3A_1544, %dma_start3A_1545] : memref<50176x16xf32, #tpu.memory_space<vmem_shared>> -> memref<50176x16xf32, #tpu.memory_space<vmem_shared>>
        tpu.enqueue_indirect_dma source(%dma_start3A_1540 : memref<128x16xf32, #tpu.memory_space<vmem>>) target(%dma_start3A_1546 : memref<50176x16xf32, #tpu.memory_space<vmem_shared>>) offsets(%dma_start3A_1543 : memref<128xi32, #tpu.memory_space<vmem>>) semaphore(%arg21 : memref<!tpu.dma_semaphore, #tpu.memory_space<semaphore_mem>>) {add = true}
        %dma_start3A_1547 = arith.constant 6 : i32
        %dma_start3A_1548 = arith.constant 768 : i32
        %dma_start3A_1549 = arith.constant 0 : i32
        %dma_start3A_1550 = tpu.memref_slice %arg14[%dma_start3A_1548, %dma_start3A_1549] : memref<1792x16xf32, #tpu.memory_space<vmem>> -> memref<128x16xf32, #tpu.memory_space<vmem>>
        %dma_start3A_1551 = arith.constant 0 : i32
        %dma_start3A_1552 = tpu.memref_slice %arg12[%dma_start3A_1547, %dma_start3A_1551] : memref<14x128xi32, #tpu.memory_space<vmem>> -> memref<1x128xi32, #tpu.memory_space<vmem>>
        %dma_start3A_1553 = tpu.memref_squeeze %dma_start3A_1552 : memref<1x128xi32, #tpu.memory_space<vmem>> -> memref<128xi32, #tpu.memory_space<vmem>>
        %dma_start3A_1554 = arith.constant 0 : i32
        %dma_start3A_1555 = arith.constant 0 : i32
        %dma_start3A_1556 = tpu.memref_slice %arg22[%dma_start3A_1554, %dma_start3A_1555] : memref<50176x16xf32, #tpu.memory_space<vmem_shared>> -> memref<50176x16xf32, #tpu.memory_space<vmem_shared>>
        tpu.enqueue_indirect_dma source(%dma_start3A_1550 : memref<128x16xf32, #tpu.memory_space<vmem>>) target(%dma_start3A_1556 : memref<50176x16xf32, #tpu.memory_space<vmem_shared>>) offsets(%dma_start3A_1553 : memref<128xi32, #tpu.memory_space<vmem>>) semaphore(%arg21 : memref<!tpu.dma_semaphore, #tpu.memory_space<semaphore_mem>>) {add = true}
        %dma_start3A_1557 = arith.constant 7 : i32
        %dma_start3A_1558 = arith.constant 896 : i32
        %dma_start3A_1559 = arith.constant 0 : i32
        %dma_start3A_1560 = tpu.memref_slice %arg14[%dma_start3A_1558, %dma_start3A_1559] : memref<1792x16xf32, #tpu.memory_space<vmem>> -> memref<128x16xf32, #tpu.memory_space<vmem>>
        %dma_start3A_1561 = arith.constant 0 : i32
        %dma_start3A_1562 = tpu.memref_slice %arg12[%dma_start3A_1557, %dma_start3A_1561] : memref<14x128xi32, #tpu.memory_space<vmem>> -> memref<1x128xi32, #tpu.memory_space<vmem>>
        %dma_start3A_1563 = tpu.memref_squeeze %dma_start3A_1562 : memref<1x128xi32, #tpu.memory_space<vmem>> -> memref<128xi32, #tpu.memory_space<vmem>>
        %dma_start3A_1564 = arith.constant 0 : i32
        %dma_start3A_1565 = arith.constant 0 : i32
        %dma_start3A_1566 = tpu.memref_slice %arg22[%dma_start3A_1564, %dma_start3A_1565] : memref<50176x16xf32, #tpu.memory_space<vmem_shared>> -> memref<50176x16xf32, #tpu.memory_space<vmem_shared>>
        tpu.enqueue_indirect_dma source(%dma_start3A_1560 : memref<128x16xf32, #tpu.memory_space<vmem>>) target(%dma_start3A_1566 : memref<50176x16xf32, #tpu.memory_space<vmem_shared>>) offsets(%dma_start3A_1563 : memref<128xi32, #tpu.memory_space<vmem>>) semaphore(%arg21 : memref<!tpu.dma_semaphore, #tpu.memory_space<semaphore_mem>>) {add = true}
        %dma_start3A_1567 = arith.constant 8 : i32
        %dma_start3A_1568 = arith.constant 1024 : i32
        %dma_start3A_1569 = arith.constant 0 : i32
        %dma_start3A_1570 = tpu.memref_slice %arg14[%dma_start3A_1568, %dma_start3A_1569] : memref<1792x16xf32, #tpu.memory_space<vmem>> -> memref<128x16xf32, #tpu.memory_space<vmem>>
        %dma_start3A_1571 = arith.constant 0 : i32
        %dma_start3A_1572 = tpu.memref_slice %arg12[%dma_start3A_1567, %dma_start3A_1571] : memref<14x128xi32, #tpu.memory_space<vmem>> -> memref<1x128xi32, #tpu.memory_space<vmem>>
        %dma_start3A_1573 = tpu.memref_squeeze %dma_start3A_1572 : memref<1x128xi32, #tpu.memory_space<vmem>> -> memref<128xi32, #tpu.memory_space<vmem>>
        %dma_start3A_1574 = arith.constant 0 : i32
        %dma_start3A_1575 = arith.constant 0 : i32
        %dma_start3A_1576 = tpu.memref_slice %arg22[%dma_start3A_1574, %dma_start3A_1575] : memref<50176x16xf32, #tpu.memory_space<vmem_shared>> -> memref<50176x16xf32, #tpu.memory_space<vmem_shared>>
        tpu.enqueue_indirect_dma source(%dma_start3A_1570 : memref<128x16xf32, #tpu.memory_space<vmem>>) target(%dma_start3A_1576 : memref<50176x16xf32, #tpu.memory_space<vmem_shared>>) offsets(%dma_start3A_1573 : memref<128xi32, #tpu.memory_space<vmem>>) semaphore(%arg21 : memref<!tpu.dma_semaphore, #tpu.memory_space<semaphore_mem>>) {add = true}
        %dma_start3A_1577 = arith.constant 9 : i32
        %dma_start3A_1578 = arith.constant 1152 : i32
        %dma_start3A_1579 = arith.constant 0 : i32
        %dma_start3A_1580 = tpu.memref_slice %arg14[%dma_start3A_1578, %dma_start3A_1579] : memref<1792x16xf32, #tpu.memory_space<vmem>> -> memref<128x16xf32, #tpu.memory_space<vmem>>
        %dma_start3A_1581 = arith.constant 0 : i32
        %dma_start3A_1582 = tpu.memref_slice %arg12[%dma_start3A_1577, %dma_start3A_1581] : memref<14x128xi32, #tpu.memory_space<vmem>> -> memref<1x128xi32, #tpu.memory_space<vmem>>
        %dma_start3A_1583 = tpu.memref_squeeze %dma_start3A_1582 : memref<1x128xi32, #tpu.memory_space<vmem>> -> memref<128xi32, #tpu.memory_space<vmem>>
        %dma_start3A_1584 = arith.constant 0 : i32
        %dma_start3A_1585 = arith.constant 0 : i32
        %dma_start3A_1586 = tpu.memref_slice %arg22[%dma_start3A_1584, %dma_start3A_1585] : memref<50176x16xf32, #tpu.memory_space<vmem_shared>> -> memref<50176x16xf32, #tpu.memory_space<vmem_shared>>
        tpu.enqueue_indirect_dma source(%dma_start3A_1580 : memref<128x16xf32, #tpu.memory_space<vmem>>) target(%dma_start3A_1586 : memref<50176x16xf32, #tpu.memory_space<vmem_shared>>) offsets(%dma_start3A_1583 : memref<128xi32, #tpu.memory_space<vmem>>) semaphore(%arg21 : memref<!tpu.dma_semaphore, #tpu.memory_space<semaphore_mem>>) {add = true}
        %dma_start3A_1587 = arith.constant 10 : i32
        %dma_start3A_1588 = arith.constant 1280 : i32
        %dma_start3A_1589 = arith.constant 0 : i32
        %dma_start3A_1590 = tpu.memref_slice %arg14[%dma_start3A_1588, %dma_start3A_1589] : memref<1792x16xf32, #tpu.memory_space<vmem>> -> memref<128x16xf32, #tpu.memory_space<vmem>>
        %dma_start3A_1591 = arith.constant 0 : i32
        %dma_start3A_1592 = tpu.memref_slice %arg12[%dma_start3A_1587, %dma_start3A_1591] : memref<14x128xi32, #tpu.memory_space<vmem>> -> memref<1x128xi32, #tpu.memory_space<vmem>>
        %dma_start3A_1593 = tpu.memref_squeeze %dma_start3A_1592 : memref<1x128xi32, #tpu.memory_space<vmem>> -> memref<128xi32, #tpu.memory_space<vmem>>
        %dma_start3A_1594 = arith.constant 0 : i32
        %dma_start3A_1595 = arith.constant 0 : i32
        %dma_start3A_1596 = tpu.memref_slice %arg22[%dma_start3A_1594, %dma_start3A_1595] : memref<50176x16xf32, #tpu.memory_space<vmem_shared>> -> memref<50176x16xf32, #tpu.memory_space<vmem_shared>>
        tpu.enqueue_indirect_dma source(%dma_start3A_1590 : memref<128x16xf32, #tpu.memory_space<vmem>>) target(%dma_start3A_1596 : memref<50176x16xf32, #tpu.memory_space<vmem_shared>>) offsets(%dma_start3A_1593 : memref<128xi32, #tpu.memory_space<vmem>>) semaphore(%arg21 : memref<!tpu.dma_semaphore, #tpu.memory_space<semaphore_mem>>) {add = true}
        %dma_start3A_1597 = arith.constant 11 : i32
        %dma_start3A_1598 = arith.constant 1408 : i32
        %dma_start3A_1599 = arith.constant 0 : i32
        %dma_start3A_1600 = tpu.memref_slice %arg14[%dma_start3A_1598, %dma_start3A_1599] : memref<1792x16xf32, #tpu.memory_space<vmem>> -> memref<128x16xf32, #tpu.memory_space<vmem>>
        %dma_start3A_1601 = arith.constant 0 : i32
        %dma_start3A_1602 = tpu.memref_slice %arg12[%dma_start3A_1597, %dma_start3A_1601] : memref<14x128xi32, #tpu.memory_space<vmem>> -> memref<1x128xi32, #tpu.memory_space<vmem>>
        %dma_start3A_1603 = tpu.memref_squeeze %dma_start3A_1602 : memref<1x128xi32, #tpu.memory_space<vmem>> -> memref<128xi32, #tpu.memory_space<vmem>>
        %dma_start3A_1604 = arith.constant 0 : i32
        %dma_start3A_1605 = arith.constant 0 : i32
        %dma_start3A_1606 = tpu.memref_slice %arg22[%dma_start3A_1604, %dma_start3A_1605] : memref<50176x16xf32, #tpu.memory_space<vmem_shared>> -> memref<50176x16xf32, #tpu.memory_space<vmem_shared>>
        tpu.enqueue_indirect_dma source(%dma_start3A_1600 : memref<128x16xf32, #tpu.memory_space<vmem>>) target(%dma_start3A_1606 : memref<50176x16xf32, #tpu.memory_space<vmem_shared>>) offsets(%dma_start3A_1603 : memref<128xi32, #tpu.memory_space<vmem>>) semaphore(%arg21 : memref<!tpu.dma_semaphore, #tpu.memory_space<semaphore_mem>>) {add = true}
        %dma_start3A_1607 = arith.constant 12 : i32
        %dma_start3A_1608 = arith.constant 1536 : i32
        %dma_start3A_1609 = arith.constant 0 : i32
        %dma_start3A_1610 = tpu.memref_slice %arg14[%dma_start3A_1608, %dma_start3A_1609] : memref<1792x16xf32, #tpu.memory_space<vmem>> -> memref<128x16xf32, #tpu.memory_space<vmem>>
        %dma_start3A_1611 = arith.constant 0 : i32
        %dma_start3A_1612 = tpu.memref_slice %arg12[%dma_start3A_1607, %dma_start3A_1611] : memref<14x128xi32, #tpu.memory_space<vmem>> -> memref<1x128xi32, #tpu.memory_space<vmem>>
        %dma_start3A_1613 = tpu.memref_squeeze %dma_start3A_1612 : memref<1x128xi32, #tpu.memory_space<vmem>> -> memref<128xi32, #tpu.memory_space<vmem>>
        %dma_start3A_1614 = arith.constant 0 : i32
        %dma_start3A_1615 = arith.constant 0 : i32
        %dma_start3A_1616 = tpu.memref_slice %arg22[%dma_start3A_1614, %dma_start3A_1615] : memref<50176x16xf32, #tpu.memory_space<vmem_shared>> -> memref<50176x16xf32, #tpu.memory_space<vmem_shared>>
        tpu.enqueue_indirect_dma source(%dma_start3A_1610 : memref<128x16xf32, #tpu.memory_space<vmem>>) target(%dma_start3A_1616 : memref<50176x16xf32, #tpu.memory_space<vmem_shared>>) offsets(%dma_start3A_1613 : memref<128xi32, #tpu.memory_space<vmem>>) semaphore(%arg21 : memref<!tpu.dma_semaphore, #tpu.memory_space<semaphore_mem>>) {add = true}
        %dma_start3A_1617 = arith.constant 13 : i32
        %dma_start3A_1618 = arith.constant 1664 : i32
        %dma_start3A_1619 = arith.constant 0 : i32
        %dma_start3A_1620 = tpu.memref_slice %arg14[%dma_start3A_1618, %dma_start3A_1619] : memref<1792x16xf32, #tpu.memory_space<vmem>> -> memref<128x16xf32, #tpu.memory_space<vmem>>
        %dma_start3A_1621 = arith.constant 0 : i32
        %dma_start3A_1622 = tpu.memref_slice %arg12[%dma_start3A_1617, %dma_start3A_1621] : memref<14x128xi32, #tpu.memory_space<vmem>> -> memref<1x128xi32, #tpu.memory_space<vmem>>
        %dma_start3A_1623 = tpu.memref_squeeze %dma_start3A_1622 : memref<1x128xi32, #tpu.memory_space<vmem>> -> memref<128xi32, #tpu.memory_space<vmem>>
        %dma_start3A_1624 = arith.constant 0 : i32
        %dma_start3A_1625 = arith.constant 0 : i32
        %dma_start3A_1626 = tpu.memref_slice %arg22[%dma_start3A_1624, %dma_start3A_1625] : memref<50176x16xf32, #tpu.memory_space<vmem_shared>> -> memref<50176x16xf32, #tpu.memory_space<vmem_shared>>
        tpu.enqueue_indirect_dma source(%dma_start3A_1620 : memref<128x16xf32, #tpu.memory_space<vmem>>) target(%dma_start3A_1626 : memref<50176x16xf32, #tpu.memory_space<vmem_shared>>) offsets(%dma_start3A_1623 : memref<128xi32, #tpu.memory_space<vmem>>) semaphore(%arg21 : memref<!tpu.dma_semaphore, #tpu.memory_space<semaphore_mem>>) {add = true}
        %dma_wait3A_1627 = arith.constant 0 : i32
        %dma_wait3A_1628 = arith.constant 0 : i32
        %dma_wait3A_1629 = arith.constant 0 : i32
        %dma_wait3A_1630 = tpu.memref_slice %arg14[%dma_wait3A_1628, %dma_wait3A_1629] : memref<1792x16xf32, #tpu.memory_space<vmem>> -> memref<128x16xf32, #tpu.memory_space<vmem>>
        %dma_wait3A_1631 = arith.constant 0 : i32
        %dma_wait3A_1632 = tpu.memref_slice %arg12[%dma_wait3A_1627, %dma_wait3A_1631] : memref<14x128xi32, #tpu.memory_space<vmem>> -> memref<1x128xi32, #tpu.memory_space<vmem>>
        %dma_wait3A_1633 = tpu.memref_squeeze %dma_wait3A_1632 : memref<1x128xi32, #tpu.memory_space<vmem>> -> memref<128xi32, #tpu.memory_space<vmem>>
        %dma_wait3A_1634 = arith.constant 0 : i32
        %dma_wait3A_1635 = arith.constant 0 : i32
        %dma_wait3A_1636 = tpu.memref_slice %arg22[%dma_wait3A_1634, %dma_wait3A_1635] : memref<50176x16xf32, #tpu.memory_space<vmem_shared>> -> memref<50176x16xf32, #tpu.memory_space<vmem_shared>>
        tpu.wait_indirect_dma semaphore(%arg21 : memref<!tpu.dma_semaphore, #tpu.memory_space<semaphore_mem>>) src(%dma_wait3A_1630 : memref<128x16xf32, #tpu.memory_space<vmem>>) dst(%dma_wait3A_1636 : memref<50176x16xf32, #tpu.memory_space<vmem_shared>>)
        %dma_wait3A_1637 = arith.constant 1 : i32
        %dma_wait3A_1638 = arith.constant 128 : i32
        %dma_wait3A_1639 = arith.constant 0 : i32
        %dma_wait3A_1640 = tpu.memref_slice %arg14[%dma_wait3A_1638, %dma_wait3A_1639] : memref<1792x16xf32, #tpu.memory_space<vmem>> -> memref<128x16xf32, #tpu.memory_space<vmem>>
        %dma_wait3A_1641 = arith.constant 0 : i32
        %dma_wait3A_1642 = tpu.memref_slice %arg12[%dma_wait3A_1637, %dma_wait3A_1641] : memref<14x128xi32, #tpu.memory_space<vmem>> -> memref<1x128xi32, #tpu.memory_space<vmem>>
        %dma_wait3A_1643 = tpu.memref_squeeze %dma_wait3A_1642 : memref<1x128xi32, #tpu.memory_space<vmem>> -> memref<128xi32, #tpu.memory_space<vmem>>
        %dma_wait3A_1644 = arith.constant 0 : i32
        %dma_wait3A_1645 = arith.constant 0 : i32
        %dma_wait3A_1646 = tpu.memref_slice %arg22[%dma_wait3A_1644, %dma_wait3A_1645] : memref<50176x16xf32, #tpu.memory_space<vmem_shared>> -> memref<50176x16xf32, #tpu.memory_space<vmem_shared>>
        tpu.wait_indirect_dma semaphore(%arg21 : memref<!tpu.dma_semaphore, #tpu.memory_space<semaphore_mem>>) src(%dma_wait3A_1640 : memref<128x16xf32, #tpu.memory_space<vmem>>) dst(%dma_wait3A_1646 : memref<50176x16xf32, #tpu.memory_space<vmem_shared>>)
        %dma_wait3A_1647 = arith.constant 2 : i32
        %dma_wait3A_1648 = arith.constant 256 : i32
        %dma_wait3A_1649 = arith.constant 0 : i32
        %dma_wait3A_1650 = tpu.memref_slice %arg14[%dma_wait3A_1648, %dma_wait3A_1649] : memref<1792x16xf32, #tpu.memory_space<vmem>> -> memref<128x16xf32, #tpu.memory_space<vmem>>
        %dma_wait3A_1651 = arith.constant 0 : i32
        %dma_wait3A_1652 = tpu.memref_slice %arg12[%dma_wait3A_1647, %dma_wait3A_1651] : memref<14x128xi32, #tpu.memory_space<vmem>> -> memref<1x128xi32, #tpu.memory_space<vmem>>
        %dma_wait3A_1653 = tpu.memref_squeeze %dma_wait3A_1652 : memref<1x128xi32, #tpu.memory_space<vmem>> -> memref<128xi32, #tpu.memory_space<vmem>>
        %dma_wait3A_1654 = arith.constant 0 : i32
        %dma_wait3A_1655 = arith.constant 0 : i32
        %dma_wait3A_1656 = tpu.memref_slice %arg22[%dma_wait3A_1654, %dma_wait3A_1655] : memref<50176x16xf32, #tpu.memory_space<vmem_shared>> -> memref<50176x16xf32, #tpu.memory_space<vmem_shared>>
        tpu.wait_indirect_dma semaphore(%arg21 : memref<!tpu.dma_semaphore, #tpu.memory_space<semaphore_mem>>) src(%dma_wait3A_1650 : memref<128x16xf32, #tpu.memory_space<vmem>>) dst(%dma_wait3A_1656 : memref<50176x16xf32, #tpu.memory_space<vmem_shared>>)
        %dma_wait3A_1657 = arith.constant 3 : i32
        %dma_wait3A_1658 = arith.constant 384 : i32
        %dma_wait3A_1659 = arith.constant 0 : i32
        %dma_wait3A_1660 = tpu.memref_slice %arg14[%dma_wait3A_1658, %dma_wait3A_1659] : memref<1792x16xf32, #tpu.memory_space<vmem>> -> memref<128x16xf32, #tpu.memory_space<vmem>>
        %dma_wait3A_1661 = arith.constant 0 : i32
        %dma_wait3A_1662 = tpu.memref_slice %arg12[%dma_wait3A_1657, %dma_wait3A_1661] : memref<14x128xi32, #tpu.memory_space<vmem>> -> memref<1x128xi32, #tpu.memory_space<vmem>>
        %dma_wait3A_1663 = tpu.memref_squeeze %dma_wait3A_1662 : memref<1x128xi32, #tpu.memory_space<vmem>> -> memref<128xi32, #tpu.memory_space<vmem>>
        %dma_wait3A_1664 = arith.constant 0 : i32
        %dma_wait3A_1665 = arith.constant 0 : i32
        %dma_wait3A_1666 = tpu.memref_slice %arg22[%dma_wait3A_1664, %dma_wait3A_1665] : memref<50176x16xf32, #tpu.memory_space<vmem_shared>> -> memref<50176x16xf32, #tpu.memory_space<vmem_shared>>
        tpu.wait_indirect_dma semaphore(%arg21 : memref<!tpu.dma_semaphore, #tpu.memory_space<semaphore_mem>>) src(%dma_wait3A_1660 : memref<128x16xf32, #tpu.memory_space<vmem>>) dst(%dma_wait3A_1666 : memref<50176x16xf32, #tpu.memory_space<vmem_shared>>)
        %dma_wait3A_1667 = arith.constant 4 : i32
        %dma_wait3A_1668 = arith.constant 512 : i32
        %dma_wait3A_1669 = arith.constant 0 : i32
        %dma_wait3A_1670 = tpu.memref_slice %arg14[%dma_wait3A_1668, %dma_wait3A_1669] : memref<1792x16xf32, #tpu.memory_space<vmem>> -> memref<128x16xf32, #tpu.memory_space<vmem>>
        %dma_wait3A_1671 = arith.constant 0 : i32
        %dma_wait3A_1672 = tpu.memref_slice %arg12[%dma_wait3A_1667, %dma_wait3A_1671] : memref<14x128xi32, #tpu.memory_space<vmem>> -> memref<1x128xi32, #tpu.memory_space<vmem>>
        %dma_wait3A_1673 = tpu.memref_squeeze %dma_wait3A_1672 : memref<1x128xi32, #tpu.memory_space<vmem>> -> memref<128xi32, #tpu.memory_space<vmem>>
        %dma_wait3A_1674 = arith.constant 0 : i32
        %dma_wait3A_1675 = arith.constant 0 : i32
        %dma_wait3A_1676 = tpu.memref_slice %arg22[%dma_wait3A_1674, %dma_wait3A_1675] : memref<50176x16xf32, #tpu.memory_space<vmem_shared>> -> memref<50176x16xf32, #tpu.memory_space<vmem_shared>>
        tpu.wait_indirect_dma semaphore(%arg21 : memref<!tpu.dma_semaphore, #tpu.memory_space<semaphore_mem>>) src(%dma_wait3A_1670 : memref<128x16xf32, #tpu.memory_space<vmem>>) dst(%dma_wait3A_1676 : memref<50176x16xf32, #tpu.memory_space<vmem_shared>>)
        %dma_wait3A_1677 = arith.constant 5 : i32
        %dma_wait3A_1678 = arith.constant 640 : i32
        %dma_wait3A_1679 = arith.constant 0 : i32
        %dma_wait3A_1680 = tpu.memref_slice %arg14[%dma_wait3A_1678, %dma_wait3A_1679] : memref<1792x16xf32, #tpu.memory_space<vmem>> -> memref<128x16xf32, #tpu.memory_space<vmem>>
        %dma_wait3A_1681 = arith.constant 0 : i32
        %dma_wait3A_1682 = tpu.memref_slice %arg12[%dma_wait3A_1677, %dma_wait3A_1681] : memref<14x128xi32, #tpu.memory_space<vmem>> -> memref<1x128xi32, #tpu.memory_space<vmem>>
        %dma_wait3A_1683 = tpu.memref_squeeze %dma_wait3A_1682 : memref<1x128xi32, #tpu.memory_space<vmem>> -> memref<128xi32, #tpu.memory_space<vmem>>
        %dma_wait3A_1684 = arith.constant 0 : i32
        %dma_wait3A_1685 = arith.constant 0 : i32
        %dma_wait3A_1686 = tpu.memref_slice %arg22[%dma_wait3A_1684, %dma_wait3A_1685] : memref<50176x16xf32, #tpu.memory_space<vmem_shared>> -> memref<50176x16xf32, #tpu.memory_space<vmem_shared>>
        tpu.wait_indirect_dma semaphore(%arg21 : memref<!tpu.dma_semaphore, #tpu.memory_space<semaphore_mem>>) src(%dma_wait3A_1680 : memref<128x16xf32, #tpu.memory_space<vmem>>) dst(%dma_wait3A_1686 : memref<50176x16xf32, #tpu.memory_space<vmem_shared>>)
        %dma_wait3A_1687 = arith.constant 6 : i32
        %dma_wait3A_1688 = arith.constant 768 : i32
        %dma_wait3A_1689 = arith.constant 0 : i32
        %dma_wait3A_1690 = tpu.memref_slice %arg14[%dma_wait3A_1688, %dma_wait3A_1689] : memref<1792x16xf32, #tpu.memory_space<vmem>> -> memref<128x16xf32, #tpu.memory_space<vmem>>
        %dma_wait3A_1691 = arith.constant 0 : i32
        %dma_wait3A_1692 = tpu.memref_slice %arg12[%dma_wait3A_1687, %dma_wait3A_1691] : memref<14x128xi32, #tpu.memory_space<vmem>> -> memref<1x128xi32, #tpu.memory_space<vmem>>
        %dma_wait3A_1693 = tpu.memref_squeeze %dma_wait3A_1692 : memref<1x128xi32, #tpu.memory_space<vmem>> -> memref<128xi32, #tpu.memory_space<vmem>>
        %dma_wait3A_1694 = arith.constant 0 : i32
        %dma_wait3A_1695 = arith.constant 0 : i32
        %dma_wait3A_1696 = tpu.memref_slice %arg22[%dma_wait3A_1694, %dma_wait3A_1695] : memref<50176x16xf32, #tpu.memory_space<vmem_shared>> -> memref<50176x16xf32, #tpu.memory_space<vmem_shared>>
        tpu.wait_indirect_dma semaphore(%arg21 : memref<!tpu.dma_semaphore, #tpu.memory_space<semaphore_mem>>) src(%dma_wait3A_1690 : memref<128x16xf32, #tpu.memory_space<vmem>>) dst(%dma_wait3A_1696 : memref<50176x16xf32, #tpu.memory_space<vmem_shared>>)
        %dma_wait3A_1697 = arith.constant 7 : i32
        %dma_wait3A_1698 = arith.constant 896 : i32
        %dma_wait3A_1699 = arith.constant 0 : i32
        %dma_wait3A_1700 = tpu.memref_slice %arg14[%dma_wait3A_1698, %dma_wait3A_1699] : memref<1792x16xf32, #tpu.memory_space<vmem>> -> memref<128x16xf32, #tpu.memory_space<vmem>>
        %dma_wait3A_1701 = arith.constant 0 : i32
        %dma_wait3A_1702 = tpu.memref_slice %arg12[%dma_wait3A_1697, %dma_wait3A_1701] : memref<14x128xi32, #tpu.memory_space<vmem>> -> memref<1x128xi32, #tpu.memory_space<vmem>>
        %dma_wait3A_1703 = tpu.memref_squeeze %dma_wait3A_1702 : memref<1x128xi32, #tpu.memory_space<vmem>> -> memref<128xi32, #tpu.memory_space<vmem>>
        %dma_wait3A_1704 = arith.constant 0 : i32
        %dma_wait3A_1705 = arith.constant 0 : i32
        %dma_wait3A_1706 = tpu.memref_slice %arg22[%dma_wait3A_1704, %dma_wait3A_1705] : memref<50176x16xf32, #tpu.memory_space<vmem_shared>> -> memref<50176x16xf32, #tpu.memory_space<vmem_shared>>
        tpu.wait_indirect_dma semaphore(%arg21 : memref<!tpu.dma_semaphore, #tpu.memory_space<semaphore_mem>>) src(%dma_wait3A_1700 : memref<128x16xf32, #tpu.memory_space<vmem>>) dst(%dma_wait3A_1706 : memref<50176x16xf32, #tpu.memory_space<vmem_shared>>)
        %dma_wait3A_1707 = arith.constant 8 : i32
        %dma_wait3A_1708 = arith.constant 1024 : i32
        %dma_wait3A_1709 = arith.constant 0 : i32
        %dma_wait3A_1710 = tpu.memref_slice %arg14[%dma_wait3A_1708, %dma_wait3A_1709] : memref<1792x16xf32, #tpu.memory_space<vmem>> -> memref<128x16xf32, #tpu.memory_space<vmem>>
        %dma_wait3A_1711 = arith.constant 0 : i32
        %dma_wait3A_1712 = tpu.memref_slice %arg12[%dma_wait3A_1707, %dma_wait3A_1711] : memref<14x128xi32, #tpu.memory_space<vmem>> -> memref<1x128xi32, #tpu.memory_space<vmem>>
        %dma_wait3A_1713 = tpu.memref_squeeze %dma_wait3A_1712 : memref<1x128xi32, #tpu.memory_space<vmem>> -> memref<128xi32, #tpu.memory_space<vmem>>
        %dma_wait3A_1714 = arith.constant 0 : i32
        %dma_wait3A_1715 = arith.constant 0 : i32
        %dma_wait3A_1716 = tpu.memref_slice %arg22[%dma_wait3A_1714, %dma_wait3A_1715] : memref<50176x16xf32, #tpu.memory_space<vmem_shared>> -> memref<50176x16xf32, #tpu.memory_space<vmem_shared>>
        tpu.wait_indirect_dma semaphore(%arg21 : memref<!tpu.dma_semaphore, #tpu.memory_space<semaphore_mem>>) src(%dma_wait3A_1710 : memref<128x16xf32, #tpu.memory_space<vmem>>) dst(%dma_wait3A_1716 : memref<50176x16xf32, #tpu.memory_space<vmem_shared>>)
        %dma_wait3A_1717 = arith.constant 9 : i32
        %dma_wait3A_1718 = arith.constant 1152 : i32
        %dma_wait3A_1719 = arith.constant 0 : i32
        %dma_wait3A_1720 = tpu.memref_slice %arg14[%dma_wait3A_1718, %dma_wait3A_1719] : memref<1792x16xf32, #tpu.memory_space<vmem>> -> memref<128x16xf32, #tpu.memory_space<vmem>>
        %dma_wait3A_1721 = arith.constant 0 : i32
        %dma_wait3A_1722 = tpu.memref_slice %arg12[%dma_wait3A_1717, %dma_wait3A_1721] : memref<14x128xi32, #tpu.memory_space<vmem>> -> memref<1x128xi32, #tpu.memory_space<vmem>>
        %dma_wait3A_1723 = tpu.memref_squeeze %dma_wait3A_1722 : memref<1x128xi32, #tpu.memory_space<vmem>> -> memref<128xi32, #tpu.memory_space<vmem>>
        %dma_wait3A_1724 = arith.constant 0 : i32
        %dma_wait3A_1725 = arith.constant 0 : i32
        %dma_wait3A_1726 = tpu.memref_slice %arg22[%dma_wait3A_1724, %dma_wait3A_1725] : memref<50176x16xf32, #tpu.memory_space<vmem_shared>> -> memref<50176x16xf32, #tpu.memory_space<vmem_shared>>
        tpu.wait_indirect_dma semaphore(%arg21 : memref<!tpu.dma_semaphore, #tpu.memory_space<semaphore_mem>>) src(%dma_wait3A_1720 : memref<128x16xf32, #tpu.memory_space<vmem>>) dst(%dma_wait3A_1726 : memref<50176x16xf32, #tpu.memory_space<vmem_shared>>)
        %dma_wait3A_1727 = arith.constant 10 : i32
        %dma_wait3A_1728 = arith.constant 1280 : i32
        %dma_wait3A_1729 = arith.constant 0 : i32
        %dma_wait3A_1730 = tpu.memref_slice %arg14[%dma_wait3A_1728, %dma_wait3A_1729] : memref<1792x16xf32, #tpu.memory_space<vmem>> -> memref<128x16xf32, #tpu.memory_space<vmem>>
        %dma_wait3A_1731 = arith.constant 0 : i32
        %dma_wait3A_1732 = tpu.memref_slice %arg12[%dma_wait3A_1727, %dma_wait3A_1731] : memref<14x128xi32, #tpu.memory_space<vmem>> -> memref<1x128xi32, #tpu.memory_space<vmem>>
        %dma_wait3A_1733 = tpu.memref_squeeze %dma_wait3A_1732 : memref<1x128xi32, #tpu.memory_space<vmem>> -> memref<128xi32, #tpu.memory_space<vmem>>
        %dma_wait3A_1734 = arith.constant 0 : i32
        %dma_wait3A_1735 = arith.constant 0 : i32
        %dma_wait3A_1736 = tpu.memref_slice %arg22[%dma_wait3A_1734, %dma_wait3A_1735] : memref<50176x16xf32, #tpu.memory_space<vmem_shared>> -> memref<50176x16xf32, #tpu.memory_space<vmem_shared>>
        tpu.wait_indirect_dma semaphore(%arg21 : memref<!tpu.dma_semaphore, #tpu.memory_space<semaphore_mem>>) src(%dma_wait3A_1730 : memref<128x16xf32, #tpu.memory_space<vmem>>) dst(%dma_wait3A_1736 : memref<50176x16xf32, #tpu.memory_space<vmem_shared>>)
        %dma_wait3A_1737 = arith.constant 11 : i32
        %dma_wait3A_1738 = arith.constant 1408 : i32
        %dma_wait3A_1739 = arith.constant 0 : i32
        %dma_wait3A_1740 = tpu.memref_slice %arg14[%dma_wait3A_1738, %dma_wait3A_1739] : memref<1792x16xf32, #tpu.memory_space<vmem>> -> memref<128x16xf32, #tpu.memory_space<vmem>>
        %dma_wait3A_1741 = arith.constant 0 : i32
        %dma_wait3A_1742 = tpu.memref_slice %arg12[%dma_wait3A_1737, %dma_wait3A_1741] : memref<14x128xi32, #tpu.memory_space<vmem>> -> memref<1x128xi32, #tpu.memory_space<vmem>>
        %dma_wait3A_1743 = tpu.memref_squeeze %dma_wait3A_1742 : memref<1x128xi32, #tpu.memory_space<vmem>> -> memref<128xi32, #tpu.memory_space<vmem>>
        %dma_wait3A_1744 = arith.constant 0 : i32
        %dma_wait3A_1745 = arith.constant 0 : i32
        %dma_wait3A_1746 = tpu.memref_slice %arg22[%dma_wait3A_1744, %dma_wait3A_1745] : memref<50176x16xf32, #tpu.memory_space<vmem_shared>> -> memref<50176x16xf32, #tpu.memory_space<vmem_shared>>
        tpu.wait_indirect_dma semaphore(%arg21 : memref<!tpu.dma_semaphore, #tpu.memory_space<semaphore_mem>>) src(%dma_wait3A_1740 : memref<128x16xf32, #tpu.memory_space<vmem>>) dst(%dma_wait3A_1746 : memref<50176x16xf32, #tpu.memory_space<vmem_shared>>)
        %dma_wait3A_1747 = arith.constant 12 : i32
        %dma_wait3A_1748 = arith.constant 1536 : i32
        %dma_wait3A_1749 = arith.constant 0 : i32
        %dma_wait3A_1750 = tpu.memref_slice %arg14[%dma_wait3A_1748, %dma_wait3A_1749] : memref<1792x16xf32, #tpu.memory_space<vmem>> -> memref<128x16xf32, #tpu.memory_space<vmem>>
        %dma_wait3A_1751 = arith.constant 0 : i32
        %dma_wait3A_1752 = tpu.memref_slice %arg12[%dma_wait3A_1747, %dma_wait3A_1751] : memref<14x128xi32, #tpu.memory_space<vmem>> -> memref<1x128xi32, #tpu.memory_space<vmem>>
        %dma_wait3A_1753 = tpu.memref_squeeze %dma_wait3A_1752 : memref<1x128xi32, #tpu.memory_space<vmem>> -> memref<128xi32, #tpu.memory_space<vmem>>
        %dma_wait3A_1754 = arith.constant 0 : i32
        %dma_wait3A_1755 = arith.constant 0 : i32
        %dma_wait3A_1756 = tpu.memref_slice %arg22[%dma_wait3A_1754, %dma_wait3A_1755] : memref<50176x16xf32, #tpu.memory_space<vmem_shared>> -> memref<50176x16xf32, #tpu.memory_space<vmem_shared>>
        tpu.wait_indirect_dma semaphore(%arg21 : memref<!tpu.dma_semaphore, #tpu.memory_space<semaphore_mem>>) src(%dma_wait3A_1750 : memref<128x16xf32, #tpu.memory_space<vmem>>) dst(%dma_wait3A_1756 : memref<50176x16xf32, #tpu.memory_space<vmem_shared>>)
        %dma_wait3A_1757 = arith.constant 13 : i32
        %dma_wait3A_1758 = arith.constant 1664 : i32
        %dma_wait3A_1759 = arith.constant 0 : i32
        %dma_wait3A_1760 = tpu.memref_slice %arg14[%dma_wait3A_1758, %dma_wait3A_1759] : memref<1792x16xf32, #tpu.memory_space<vmem>> -> memref<128x16xf32, #tpu.memory_space<vmem>>
        %dma_wait3A_1761 = arith.constant 0 : i32
        %dma_wait3A_1762 = tpu.memref_slice %arg12[%dma_wait3A_1757, %dma_wait3A_1761] : memref<14x128xi32, #tpu.memory_space<vmem>> -> memref<1x128xi32, #tpu.memory_space<vmem>>
        %dma_wait3A_1763 = tpu.memref_squeeze %dma_wait3A_1762 : memref<1x128xi32, #tpu.memory_space<vmem>> -> memref<128xi32, #tpu.memory_space<vmem>>
        %dma_wait3A_1764 = arith.constant 0 : i32
        %dma_wait3A_1765 = arith.constant 0 : i32
        %dma_wait3A_1766 = tpu.memref_slice %arg22[%dma_wait3A_1764, %dma_wait3A_1765] : memref<50176x16xf32, #tpu.memory_space<vmem_shared>> -> memref<50176x16xf32, #tpu.memory_space<vmem_shared>>
        tpu.wait_indirect_dma semaphore(%arg21 : memref<!tpu.dma_semaphore, #tpu.memory_space<semaphore_mem>>) src(%dma_wait3A_1760 : memref<128x16xf32, #tpu.memory_space<vmem>>) dst(%dma_wait3A_1766 : memref<50176x16xf32, #tpu.memory_space<vmem_shared>>)
      }
      %scan3A_400 = arith.constant 14 : i32
      %barrier3A_401 = arith.constant 0 : index
      tpu.barrier barrier_id(%barrier3A_401)
      %scan3A_402 = arith.constant 0 : i32
      %scan3A_403 = arith.constant 0 : i32
      %scan3A_404 = arith.constant 16 : i32
      %scan3A_405 = arith.addi %scan3A_403, %scan3A_404 : i32
      %scan3A_406 = arith.constant 1 : i32
      scf.for %scan3A_408 = %scan3A_403 to %scan3A_405 step %scan3A_406  : i32 {
        %mul3A_409 = arith.constant 196 : i32
        %mul3A_410 = arith.muli %scan3A_408, %mul3A_409 : i32
        %add3A_411 = arith.addi %mul3A_0, %mul3A_410 : i32
        "tpu.region"() ({
          %run_scoped3A = tpu.sem_alloc : memref<!tpu.dma_semaphore, #tpu.memory_space<semaphore_mem>>
          %dma_start3A_418 = arith.constant 0 : i32
          %dma_start3A_419 = tpu.memref_slice %arg22[%add3A_411, %dma_start3A_418] : memref<50176x16xf32, #tpu.memory_space<vmem_shared>> -> memref<196x16xf32, #tpu.memory_space<vmem_shared>>
          %dma_start3A_420 = arith.constant 0 : i32
          %dma_start3A_421 = tpu.memref_slice %arg22[%add3A_411, %dma_start3A_420] : memref<50176x16xf32, #tpu.memory_space<vmem_shared>> -> memref<196x16xf32, #tpu.memory_space<vmem_shared>>
          tpu.enqueue_dma source(%dma_start3A_421 : memref<196x16xf32, #tpu.memory_space<vmem_shared>>) target(%arg18 : memref<196x16xf32, #tpu.memory_space<vmem>>) target_semaphore(%run_scoped3A : memref<!tpu.dma_semaphore, #tpu.memory_space<semaphore_mem>>)
          %dma_wait3A_422 = arith.constant 0 : i32
          %dma_wait3A_423 = tpu.memref_slice %arg22[%add3A_411, %dma_wait3A_422] : memref<50176x16xf32, #tpu.memory_space<vmem_shared>> -> memref<196x16xf32, #tpu.memory_space<vmem_shared>>
          %dma_wait3A_424 = arith.constant 0 : i32
          %dma_wait3A_425 = tpu.memref_slice %arg22[%add3A_411, %dma_wait3A_424] : memref<50176x16xf32, #tpu.memory_space<vmem_shared>> -> memref<196x16xf32, #tpu.memory_space<vmem_shared>>
          tpu.wait_dma2 semaphore(%run_scoped3A : memref<!tpu.dma_semaphore, #tpu.memory_space<semaphore_mem>>) src(%dma_wait3A_425 : memref<196x16xf32, #tpu.memory_space<vmem_shared>>) dst(%arg18 : memref<196x16xf32, #tpu.memory_space<vmem>>)
          tpu.yield
        }) : () -> ()
        %add3A_412 = arith.addi %mul3A_0, %mul3A_410 : i32
        "tpu.region"() ({
          %run_scoped3A = tpu.sem_alloc : memref<!tpu.dma_semaphore, #tpu.memory_space<semaphore_mem>>
          %dma_start3A_418 = arith.constant 0 : i32
          %dma_start3A_419 = tpu.memref_slice %arg6[%add3A_233, %add3A_412, %dma_start3A_418] : memref<12x50176x16xf32, #tpu.memory_space<hbm>> -> memref<1x196x16xf32, #tpu.memory_space<hbm>>
          %dma_start3A_420 = tpu.memref_squeeze %dma_start3A_419 : memref<1x196x16xf32, #tpu.memory_space<hbm>> -> memref<196x16xf32, #tpu.memory_space<hbm>>
          %dma_start3A_421 = arith.constant 0 : i32
          %dma_start3A_422 = tpu.memref_slice %arg6[%add3A_233, %add3A_412, %dma_start3A_421] : memref<12x50176x16xf32, #tpu.memory_space<hbm>> -> memref<1x196x16xf32, #tpu.memory_space<hbm>>
          %dma_start3A_423 = tpu.memref_squeeze %dma_start3A_422 : memref<1x196x16xf32, #tpu.memory_space<hbm>> -> memref<196x16xf32, #tpu.memory_space<hbm>>
          tpu.enqueue_dma source(%arg18 : memref<196x16xf32, #tpu.memory_space<vmem>>) target(%dma_start3A_423 : memref<196x16xf32, #tpu.memory_space<hbm>>) target_semaphore(%run_scoped3A : memref<!tpu.dma_semaphore, #tpu.memory_space<semaphore_mem>>)
          %dma_wait3A_424 = arith.constant 0 : i32
          %dma_wait3A_425 = tpu.memref_slice %arg6[%add3A_233, %add3A_412, %dma_wait3A_424] : memref<12x50176x16xf32, #tpu.memory_space<hbm>> -> memref<1x196x16xf32, #tpu.memory_space<hbm>>
          %dma_wait3A_426 = tpu.memref_squeeze %dma_wait3A_425 : memref<1x196x16xf32, #tpu.memory_space<hbm>> -> memref<196x16xf32, #tpu.memory_space<hbm>>
          %dma_wait3A_427 = arith.constant 0 : i32
          %dma_wait3A_428 = tpu.memref_slice %arg6[%add3A_233, %add3A_412, %dma_wait3A_427] : memref<12x50176x16xf32, #tpu.memory_space<hbm>> -> memref<1x196x16xf32, #tpu.memory_space<hbm>>
          %dma_wait3A_429 = tpu.memref_squeeze %dma_wait3A_428 : memref<1x196x16xf32, #tpu.memory_space<hbm>> -> memref<196x16xf32, #tpu.memory_space<hbm>>
          tpu.wait_dma2 semaphore(%run_scoped3A : memref<!tpu.dma_semaphore, #tpu.memory_space<semaphore_mem>>) src(%arg18 : memref<196x16xf32, #tpu.memory_space<vmem>>) dst(%dma_wait3A_429 : memref<196x16xf32, #tpu.memory_space<hbm>>)
          tpu.yield
        }) : () -> ()
        %lt3A_413 = arith.constant 4 : i32
        %lt3A_414 = arith.cmpi slt, %scan3A_193, %lt3A_413 : i32
        %convert_element_type3A_415 = arith.extui %lt3A_414 : i1 to i32
        %cond3A_416 = arith.constant 0 : i32
        %cond3A_417 = arith.cmpi ne, %convert_element_type3A_415, %cond3A_416 : i32
        scf.if %cond3A_417 {
          %add3A_418 = arith.addi %mul3A_0, %mul3A_410 : i32
          "tpu.region"() ({
            %run_scoped3A = tpu.sem_alloc : memref<!tpu.dma_semaphore, #tpu.memory_space<semaphore_mem>>
            %dma_start3A_426 = arith.constant 0 : i32
            %dma_start3A_427 = tpu.memref_slice %arg8[%arg0, %add3A_418, %dma_start3A_426] : memref<2x50176x16xf32, #tpu.memory_space<hbm>> -> memref<1x196x16xf32, #tpu.memory_space<hbm>>
            %dma_start3A_428 = tpu.memref_squeeze %dma_start3A_427 : memref<1x196x16xf32, #tpu.memory_space<hbm>> -> memref<196x16xf32, #tpu.memory_space<hbm>>
            %dma_start3A_429 = arith.constant 0 : i32
            %dma_start3A_430 = tpu.memref_slice %arg8[%arg0, %add3A_418, %dma_start3A_429] : memref<2x50176x16xf32, #tpu.memory_space<hbm>> -> memref<1x196x16xf32, #tpu.memory_space<hbm>>
            %dma_start3A_431 = tpu.memref_squeeze %dma_start3A_430 : memref<1x196x16xf32, #tpu.memory_space<hbm>> -> memref<196x16xf32, #tpu.memory_space<hbm>>
            tpu.enqueue_dma source(%dma_start3A_431 : memref<196x16xf32, #tpu.memory_space<hbm>>) target(%arg19 : memref<196x16xf32, #tpu.memory_space<vmem>>) target_semaphore(%run_scoped3A : memref<!tpu.dma_semaphore, #tpu.memory_space<semaphore_mem>>)
            %dma_wait3A_432 = arith.constant 0 : i32
            %dma_wait3A_433 = tpu.memref_slice %arg8[%arg0, %add3A_418, %dma_wait3A_432] : memref<2x50176x16xf32, #tpu.memory_space<hbm>> -> memref<1x196x16xf32, #tpu.memory_space<hbm>>
            %dma_wait3A_434 = tpu.memref_squeeze %dma_wait3A_433 : memref<1x196x16xf32, #tpu.memory_space<hbm>> -> memref<196x16xf32, #tpu.memory_space<hbm>>
            %dma_wait3A_435 = arith.constant 0 : i32
            %dma_wait3A_436 = tpu.memref_slice %arg8[%arg0, %add3A_418, %dma_wait3A_435] : memref<2x50176x16xf32, #tpu.memory_space<hbm>> -> memref<1x196x16xf32, #tpu.memory_space<hbm>>
            %dma_wait3A_437 = tpu.memref_squeeze %dma_wait3A_436 : memref<1x196x16xf32, #tpu.memory_space<hbm>> -> memref<196x16xf32, #tpu.memory_space<hbm>>
            tpu.wait_dma2 semaphore(%run_scoped3A : memref<!tpu.dma_semaphore, #tpu.memory_space<semaphore_mem>>) src(%dma_wait3A_437 : memref<196x16xf32, #tpu.memory_space<hbm>>) dst(%arg19 : memref<196x16xf32, #tpu.memory_space<vmem>>)
            tpu.yield
          }) : () -> ()
          %scan3A_419 = arith.constant 0 : i32
          %scan3A_420 = arith.constant 0 : i32
          %scan3A_421 = arith.constant 196 : i32
          %scan3A_422 = arith.addi %scan3A_420, %scan3A_421 : i32
          %scan3A_423 = arith.constant 1 : i32
          scf.for %scan3A_426 = %scan3A_420 to %scan3A_422 step %scan3A_423  : i32 {
            %get3A = arith.index_cast %scan3A_426 : i32 to index
            %get3A_427 = arith.constant 0 : index
            %get3A_428 = tpu.vector_load %arg19[%get3A, %get3A_427] {strides = array<i32>} : memref<196x16xf32, #tpu.memory_space<vmem>>, vector<1x16xf32>,
            %get3A_429 = vector.shape_cast %get3A_428 : vector<1x16xf32> to vector<16xf32>
            %get3A_430 = arith.index_cast %scan3A_426 : i32 to index
            %get3A_431 = arith.constant 0 : index
            %get3A_432 = tpu.vector_load %arg18[%get3A_430, %get3A_431] {strides = array<i32>} : memref<196x16xf32, #tpu.memory_space<vmem>>, vector<1x16xf32>,
            %get3A_433 = vector.shape_cast %get3A_432 : vector<1x16xf32> to vector<16xf32>
            %mul3A_434 = arith.mulf %get3A_429, %get3A_433 : vector<16xf32>
            %swap3A = arith.index_cast %scan3A_426 : i32 to index
            %swap3A_435 = arith.constant 0 : index
            %swap3A_436 = tpu.vector_load %arg18[%swap3A, %swap3A_435] {strides = array<i32>} : memref<196x16xf32, #tpu.memory_space<vmem>>, vector<1x16xf32>,
            %swap3A_437 = vector.shape_cast %swap3A_436 : vector<1x16xf32> to vector<16xf32>
            %swap3A_438 = vector.shape_cast %mul3A_434 : vector<16xf32> to vector<1x16xf32>
            tpu.vector_store %arg18[%swap3A, %swap3A_435], %swap3A_438 {strides = array<i32>} : memref<196x16xf32, #tpu.memory_space<vmem>>, vector<1x16xf32>,
          }
          %scan3A_424 = arith.constant 196 : i32
          %add3A_425 = arith.addi %mul3A_0, %mul3A_410 : i32
          "tpu.region"() ({
            %run_scoped3A = tpu.sem_alloc : memref<!tpu.dma_semaphore, #tpu.memory_space<semaphore_mem>>
            %dma_start3A_426 = arith.constant 0 : i32
            %dma_start3A_427 = tpu.memref_slice %arg7[%add3A_206, %add3A_425, %dma_start3A_426] : memref<4x50176x16xf32, #tpu.memory_space<hbm>> -> memref<1x196x16xf32, #tpu.memory_space<hbm>>
            %dma_start3A_428 = tpu.memref_squeeze %dma_start3A_427 : memref<1x196x16xf32, #tpu.memory_space<hbm>> -> memref<196x16xf32, #tpu.memory_space<hbm>>
            %dma_start3A_429 = arith.constant 0 : i32
            %dma_start3A_430 = tpu.memref_slice %arg7[%add3A_206, %add3A_425, %dma_start3A_429] : memref<4x50176x16xf32, #tpu.memory_space<hbm>> -> memref<1x196x16xf32, #tpu.memory_space<hbm>>
            %dma_start3A_431 = tpu.memref_squeeze %dma_start3A_430 : memref<1x196x16xf32, #tpu.memory_space<hbm>> -> memref<196x16xf32, #tpu.memory_space<hbm>>
            tpu.enqueue_dma source(%arg18 : memref<196x16xf32, #tpu.memory_space<vmem>>) target(%dma_start3A_431 : memref<196x16xf32, #tpu.memory_space<hbm>>) target_semaphore(%run_scoped3A : memref<!tpu.dma_semaphore, #tpu.memory_space<semaphore_mem>>)
            %dma_wait3A_432 = arith.constant 0 : i32
            %dma_wait3A_433 = tpu.memref_slice %arg7[%add3A_206, %add3A_425, %dma_wait3A_432] : memref<4x50176x16xf32, #tpu.memory_space<hbm>> -> memref<1x196x16xf32, #tpu.memory_space<hbm>>
            %dma_wait3A_434 = tpu.memref_squeeze %dma_wait3A_433 : memref<1x196x16xf32, #tpu.memory_space<hbm>> -> memref<196x16xf32, #tpu.memory_space<hbm>>
            %dma_wait3A_435 = arith.constant 0 : i32
            %dma_wait3A_436 = tpu.memref_slice %arg7[%add3A_206, %add3A_425, %dma_wait3A_435] : memref<4x50176x16xf32, #tpu.memory_space<hbm>> -> memref<1x196x16xf32, #tpu.memory_space<hbm>>
            %dma_wait3A_437 = tpu.memref_squeeze %dma_wait3A_436 : memref<1x196x16xf32, #tpu.memory_space<hbm>> -> memref<196x16xf32, #tpu.memory_space<hbm>>
            tpu.wait_dma2 semaphore(%run_scoped3A : memref<!tpu.dma_semaphore, #tpu.memory_space<semaphore_mem>>) src(%arg18 : memref<196x16xf32, #tpu.memory_space<vmem>>) dst(%dma_wait3A_437 : memref<196x16xf32, #tpu.memory_space<hbm>>)
            tpu.yield
          }) : () -> ()
        } else {
        }
      }
      %scan3A_407 = arith.constant 16 : i32
    }
    %scan3A_192 = arith.constant 6 : i32
    return
  }
}

module attributes {stable_mosaic.version = 14 : i64} {
  func.func @_prep_body(%arg0: i32, %arg1: memref<1024x128xf32, #tpu.memory_space<vmem>>, %arg2: memref<128x64xf32, #tpu.memory_space<vmem>>, %arg3: memref<1x64xf32, #tpu.memory_space<vmem>>, %arg4: memref<4x1024x16xf32, #tpu.memory_space<vmem>>, %arg5: memref<1024x64xf32, #tpu.memory_space<vmem>>) attributes {dimension_semantics = [#tpu.dimension_semantics<arbitrary>], iteration_bounds = array<i64: 49>, scalar_prefetch = 0 : i64, scratch_operands = 0 : i64, tpu.core_type = #tpu.core_type<tc>, window_params = [{transform_indices = @transform_0, window_bounds = array<i64: 1024, 128>}, {pipeline_mode = #tpu.pipeline_mode<synchronous>, transform_indices = @transform_1, window_bounds = array<i64: 128, 64>}, {pipeline_mode = #tpu.pipeline_mode<synchronous>, transform_indices = @transform_2, window_bounds = array<i64: 1, 64>}, {transform_indices = @transform_3, window_bounds = array<i64: 4, 1024, 16>}, {transform_indices = @transform_4, window_bounds = array<i64: 1024, 64>}]} {
    %get3A = arith.constant 0 : index
    %get3A_0 = arith.constant 0 : index
    %get3A_1 = vector.load %arg1[%get3A, %get3A_0] : memref<1024x128xf32, #tpu.memory_space<vmem>>, vector<1024x128xf32>
    %get3A_2 = arith.constant 0 : index
    %get3A_3 = arith.constant 0 : index
    %get3A_4 = vector.load %arg2[%get3A_2, %get3A_3] : memref<128x64xf32, #tpu.memory_space<vmem>>, vector<128x64xf32>
    %dot_general3A = arith.constant dense<0.000000e+00> : vector<1024x64xf32>
    %dot_general3A_5 = tpu.matmul %get3A_1, %get3A_4, %dot_general3A {dimension_numbers = #tpu.dot_dimension_numbers<[1], [0], [0], [1], [0, 0, 1, 1], [], []>, transpose_lhs_hint = false} : vector<1024x128xf32>, vector<128x64xf32>, vector<1024x64xf32> -> vector<1024x64xf32>
    %get3A_6 = arith.constant 0 : index
    %get3A_7 = arith.constant 0 : index
    %get3A_8 = vector.load %arg3[%get3A_6, %get3A_7] : memref<1x64xf32, #tpu.memory_space<vmem>>, vector<1x64xf32>
    %add3A = vector.broadcast %get3A_8 : vector<1x64xf32> to vector<1024x64xf32>
    %add3A_9 = arith.addf %dot_general3A_5, %add3A : vector<1024x64xf32>
    %mul3A = arith.constant 2.500000e-01 : f32
    %mul3A_10 = vector.broadcast %mul3A : f32 to vector<1024x64xf32>
    %mul3A_11 = arith.mulf %mul3A_10, %add3A_9 : vector<1024x64xf32>
    %swap3A = arith.constant 0 : index
    %swap3A_12 = arith.constant 0 : index
    %swap3A_13 = vector.load %arg5[%swap3A, %swap3A_12] : memref<1024x64xf32, #tpu.memory_space<vmem>>, vector<1024x64xf32>
    tpu.vector_store %arg5[%swap3A, %swap3A_12], %mul3A_11 {strides = array<i32>} : memref<1024x64xf32, #tpu.memory_space<vmem>>, vector<1024x64xf32>,
    %slice3A = vector.extract_strided_slice %add3A_9 {offsets = [0, 0], sizes = [1024, 16], strides = [1, 1]} : vector<1024x64xf32> to vector<1024x16xf32>
    %swap3A_14 = arith.constant 0 : index
    %swap3A_15 = arith.constant 0 : index
    %swap3A_16 = arith.constant 0 : index
    %swap3A_17 = vector.load %arg4[%swap3A_14, %swap3A_15, %swap3A_16] : memref<4x1024x16xf32, #tpu.memory_space<vmem>>, vector<1x1024x16xf32>
    %swap3A_18 = vector.shape_cast %swap3A_17 : vector<1x1024x16xf32> to vector<1024x16xf32>
    %swap3A_19 = vector.shape_cast %slice3A : vector<1024x16xf32> to vector<1x1024x16xf32>
    tpu.vector_store %arg4[%swap3A_14, %swap3A_15, %swap3A_16], %swap3A_19 {strides = array<i32>} : memref<4x1024x16xf32, #tpu.memory_space<vmem>>, vector<1x1024x16xf32>,
    %slice3A_20 = vector.extract_strided_slice %add3A_9 {offsets = [0, 16], sizes = [1024, 16], strides = [1, 1]} : vector<1024x64xf32> to vector<1024x16xf32>
    %swap3A_21 = arith.constant 1 : index
    %swap3A_22 = arith.constant 0 : index
    %swap3A_23 = arith.constant 0 : index
    %swap3A_24 = vector.load %arg4[%swap3A_21, %swap3A_22, %swap3A_23] : memref<4x1024x16xf32, #tpu.memory_space<vmem>>, vector<1x1024x16xf32>
    %swap3A_25 = vector.shape_cast %swap3A_24 : vector<1x1024x16xf32> to vector<1024x16xf32>
    %swap3A_26 = vector.shape_cast %slice3A_20 : vector<1024x16xf32> to vector<1x1024x16xf32>
    tpu.vector_store %arg4[%swap3A_21, %swap3A_22, %swap3A_23], %swap3A_26 {strides = array<i32>} : memref<4x1024x16xf32, #tpu.memory_space<vmem>>, vector<1x1024x16xf32>,
    %slice3A_27 = vector.extract_strided_slice %add3A_9 {offsets = [0, 32], sizes = [1024, 16], strides = [1, 1]} : vector<1024x64xf32> to vector<1024x16xf32>
    %swap3A_28 = arith.constant 2 : index
    %swap3A_29 = arith.constant 0 : index
    %swap3A_30 = arith.constant 0 : index
    %swap3A_31 = vector.load %arg4[%swap3A_28, %swap3A_29, %swap3A_30] : memref<4x1024x16xf32, #tpu.memory_space<vmem>>, vector<1x1024x16xf32>
    %swap3A_32 = vector.shape_cast %swap3A_31 : vector<1x1024x16xf32> to vector<1024x16xf32>
    %swap3A_33 = vector.shape_cast %slice3A_27 : vector<1024x16xf32> to vector<1x1024x16xf32>
    tpu.vector_store %arg4[%swap3A_28, %swap3A_29, %swap3A_30], %swap3A_33 {strides = array<i32>} : memref<4x1024x16xf32, #tpu.memory_space<vmem>>, vector<1x1024x16xf32>,
    %slice3A_34 = vector.extract_strided_slice %add3A_9 {offsets = [0, 48], sizes = [1024, 16], strides = [1, 1]} : vector<1024x64xf32> to vector<1024x16xf32>
    %swap3A_35 = arith.constant 3 : index
    %swap3A_36 = arith.constant 0 : index
    %swap3A_37 = arith.constant 0 : index
    %swap3A_38 = vector.load %arg4[%swap3A_35, %swap3A_36, %swap3A_37] : memref<4x1024x16xf32, #tpu.memory_space<vmem>>, vector<1x1024x16xf32>
    %swap3A_39 = vector.shape_cast %swap3A_38 : vector<1x1024x16xf32> to vector<1024x16xf32>
    %swap3A_40 = vector.shape_cast %slice3A_34 : vector<1024x16xf32> to vector<1x1024x16xf32>
    tpu.vector_store %arg4[%swap3A_35, %swap3A_36, %swap3A_37], %swap3A_40 {strides = array<i32>} : memref<4x1024x16xf32, #tpu.memory_space<vmem>>, vector<1x1024x16xf32>,
    return
  }
  func.func @transform_0(%arg0: i32) -> (i32, i32) {
    %c0_i32 = arith.constant 0 : i32
    %c0_i32_0 = arith.constant 0 : i32
    return %arg0, %c0_i32 : i32, i32
  }
  func.func @transform_1(%arg0: i32) -> (i32, i32) {
    %c0_i32 = arith.constant 0 : i32
    %c0_i32_0 = arith.constant 0 : i32
    %c0_i32_1 = arith.constant 0 : i32
    return %c0_i32, %c0_i32_0 : i32, i32
  }
  func.func @transform_2(%arg0: i32) -> (i32, i32) {
    %c0_i32 = arith.constant 0 : i32
    %c0_i32_0 = arith.constant 0 : i32
    %c0_i32_1 = arith.constant 0 : i32
    return %c0_i32, %c0_i32_0 : i32, i32
  }
  func.func @transform_3(%arg0: i32) -> (i32, i32, i32) {
    %c0_i32 = arith.constant 0 : i32
    %c0_i32_0 = arith.constant 0 : i32
    %c0_i32_1 = arith.constant 0 : i32
    return %c0_i32, %arg0, %c0_i32_0 : i32, i32, i32
  }
  func.func @transform_4(%arg0: i32) -> (i32, i32) {
    %c0_i32 = arith.constant 0 : i32
    %c0_i32_0 = arith.constant 0 : i32
    return %arg0, %c0_i32 : i32, i32
  }
}

module attributes {stable_mosaic.version = 14 : i64} {
  func.func @_post_body(%arg0: i32, %arg1: memref<1024x64xf32, #tpu.memory_space<vmem>>, %arg2: memref<1024x16xf32, #tpu.memory_space<vmem>>, %arg3: memref<12x1024x16xf32, #tpu.memory_space<vmem>>, %arg4: memref<1024x64xf32, #tpu.memory_space<vmem>>) attributes {dimension_semantics = [#tpu.dimension_semantics<arbitrary>], iteration_bounds = array<i64: 49>, scalar_prefetch = 0 : i64, scratch_operands = 0 : i64, tpu.core_type = #tpu.core_type<tc>, window_params = [{transform_indices = @transform_0, window_bounds = array<i64: 1024, 64>}, {transform_indices = @transform_1, window_bounds = array<i64: 1024, 16>}, {transform_indices = @transform_2, window_bounds = array<i64: 12, 1024, 16>}, {transform_indices = @transform_3, window_bounds = array<i64: 1024, 64>}]} {
    %get3A = arith.constant 0 : index
    %get3A_0 = arith.constant 0 : index
    %get3A_1 = vector.load %arg2[%get3A, %get3A_0] : memref<1024x16xf32, #tpu.memory_space<vmem>>, vector<1024x1xf32>
    %gt3A = arith.constant 0.000000e+00 : f32
    %gt3A_2 = vector.broadcast %gt3A : f32 to vector<1024x1xf32>
    %gt3A_3 = arith.cmpf ogt, %get3A_1, %gt3A_2 : vector<1024x1xf32>
    %max3A = arith.constant 9.99999996E-13 : f32
    %max3A_4 = vector.broadcast %max3A : f32 to vector<1024x1xf32>
    %max3A_5 = arith.maximumf %get3A_1, %max3A_4 : vector<1024x1xf32>
    %rsqrt3A = math.rsqrt %max3A_5 : vector<1024x1xf32>
    %jit3A = arith.constant 0.000000e+00 : f32
    %broadcast_in_dim3A = vector.broadcast %jit3A : f32 to vector<1024x1xf32>
    %select_n3A = arith.select %gt3A_3, %rsqrt3A, %broadcast_in_dim3A : vector<1024x1xi1>, vector<1024x1xf32>
    %get3A_6 = arith.constant 0 : index
    %get3A_7 = arith.constant 0 : index
    %get3A_8 = arith.constant 0 : index
    %get3A_9 = vector.load %arg3[%get3A_6, %get3A_7, %get3A_8] : memref<12x1024x16xf32, #tpu.memory_space<vmem>>, vector<1x1024x16xf32>
    %get3A_10 = vector.shape_cast %get3A_9 : vector<1x1024x16xf32> to vector<1024x16xf32>
    %get3A_11 = arith.constant 4 : index
    %get3A_12 = arith.constant 0 : index
    %get3A_13 = arith.constant 0 : index
    %get3A_14 = vector.load %arg3[%get3A_11, %get3A_12, %get3A_13] : memref<12x1024x16xf32, #tpu.memory_space<vmem>>, vector<1x1024x16xf32>
    %get3A_15 = vector.shape_cast %get3A_14 : vector<1x1024x16xf32> to vector<1024x16xf32>
    %add3A = arith.addf %get3A_10, %get3A_15 : vector<1024x16xf32>
    %get3A_16 = arith.constant 8 : index
    %get3A_17 = arith.constant 0 : index
    %get3A_18 = arith.constant 0 : index
    %get3A_19 = vector.load %arg3[%get3A_16, %get3A_17, %get3A_18] : memref<12x1024x16xf32, #tpu.memory_space<vmem>>, vector<1x1024x16xf32>
    %get3A_20 = vector.shape_cast %get3A_19 : vector<1x1024x16xf32> to vector<1024x16xf32>
    %add3A_21 = arith.addf %add3A, %get3A_20 : vector<1024x16xf32>
    %mul3A = arith.constant 2.500000e-01 : f32
    %mul3A_22 = vector.broadcast %mul3A : f32 to vector<1024x1xf32>
    %mul3A_23 = arith.mulf %mul3A_22, %select_n3A : vector<1024x1xf32>
    %mul3A_24 = vector.broadcast %mul3A_23 : vector<1024x1xf32> to vector<1024x16xf32>
    %mul3A_25 = arith.mulf %mul3A_24, %add3A_21 : vector<1024x16xf32>
    %get3A_26 = arith.constant 1 : index
    %get3A_27 = arith.constant 0 : index
    %get3A_28 = arith.constant 0 : index
    %get3A_29 = vector.load %arg3[%get3A_26, %get3A_27, %get3A_28] : memref<12x1024x16xf32, #tpu.memory_space<vmem>>, vector<1x1024x16xf32>
    %get3A_30 = vector.shape_cast %get3A_29 : vector<1x1024x16xf32> to vector<1024x16xf32>
    %get3A_31 = arith.constant 5 : index
    %get3A_32 = arith.constant 0 : index
    %get3A_33 = arith.constant 0 : index
    %get3A_34 = vector.load %arg3[%get3A_31, %get3A_32, %get3A_33] : memref<12x1024x16xf32, #tpu.memory_space<vmem>>, vector<1x1024x16xf32>
    %get3A_35 = vector.shape_cast %get3A_34 : vector<1x1024x16xf32> to vector<1024x16xf32>
    %add3A_36 = arith.addf %get3A_30, %get3A_35 : vector<1024x16xf32>
    %get3A_37 = arith.constant 9 : index
    %get3A_38 = arith.constant 0 : index
    %get3A_39 = arith.constant 0 : index
    %get3A_40 = vector.load %arg3[%get3A_37, %get3A_38, %get3A_39] : memref<12x1024x16xf32, #tpu.memory_space<vmem>>, vector<1x1024x16xf32>
    %get3A_41 = vector.shape_cast %get3A_40 : vector<1x1024x16xf32> to vector<1024x16xf32>
    %add3A_42 = arith.addf %add3A_36, %get3A_41 : vector<1024x16xf32>
    %mul3A_43 = arith.constant 2.500000e-01 : f32
    %mul3A_44 = vector.broadcast %mul3A_43 : f32 to vector<1024x1xf32>
    %mul3A_45 = arith.mulf %mul3A_44, %select_n3A : vector<1024x1xf32>
    %mul3A_46 = vector.broadcast %mul3A_45 : vector<1024x1xf32> to vector<1024x16xf32>
    %mul3A_47 = arith.mulf %mul3A_46, %add3A_42 : vector<1024x16xf32>
    %get3A_48 = arith.constant 2 : index
    %get3A_49 = arith.constant 0 : index
    %get3A_50 = arith.constant 0 : index
    %get3A_51 = vector.load %arg3[%get3A_48, %get3A_49, %get3A_50] : memref<12x1024x16xf32, #tpu.memory_space<vmem>>, vector<1x1024x16xf32>
    %get3A_52 = vector.shape_cast %get3A_51 : vector<1x1024x16xf32> to vector<1024x16xf32>
    %get3A_53 = arith.constant 6 : index
    %get3A_54 = arith.constant 0 : index
    %get3A_55 = arith.constant 0 : index
    %get3A_56 = vector.load %arg3[%get3A_53, %get3A_54, %get3A_55] : memref<12x1024x16xf32, #tpu.memory_space<vmem>>, vector<1x1024x16xf32>
    %get3A_57 = vector.shape_cast %get3A_56 : vector<1x1024x16xf32> to vector<1024x16xf32>
    %add3A_58 = arith.addf %get3A_52, %get3A_57 : vector<1024x16xf32>
    %get3A_59 = arith.constant 10 : index
    %get3A_60 = arith.constant 0 : index
    %get3A_61 = arith.constant 0 : index
    %get3A_62 = vector.load %arg3[%get3A_59, %get3A_60, %get3A_61] : memref<12x1024x16xf32, #tpu.memory_space<vmem>>, vector<1x1024x16xf32>
    %get3A_63 = vector.shape_cast %get3A_62 : vector<1x1024x16xf32> to vector<1024x16xf32>
    %add3A_64 = arith.addf %add3A_58, %get3A_63 : vector<1024x16xf32>
    %mul3A_65 = arith.constant 2.500000e-01 : f32
    %mul3A_66 = vector.broadcast %mul3A_65 : f32 to vector<1024x1xf32>
    %mul3A_67 = arith.mulf %mul3A_66, %select_n3A : vector<1024x1xf32>
    %mul3A_68 = vector.broadcast %mul3A_67 : vector<1024x1xf32> to vector<1024x16xf32>
    %mul3A_69 = arith.mulf %mul3A_68, %add3A_64 : vector<1024x16xf32>
    %get3A_70 = arith.constant 3 : index
    %get3A_71 = arith.constant 0 : index
    %get3A_72 = arith.constant 0 : index
    %get3A_73 = vector.load %arg3[%get3A_70, %get3A_71, %get3A_72] : memref<12x1024x16xf32, #tpu.memory_space<vmem>>, vector<1x1024x16xf32>
    %get3A_74 = vector.shape_cast %get3A_73 : vector<1x1024x16xf32> to vector<1024x16xf32>
    %get3A_75 = arith.constant 7 : index
    %get3A_76 = arith.constant 0 : index
    %get3A_77 = arith.constant 0 : index
    %get3A_78 = vector.load %arg3[%get3A_75, %get3A_76, %get3A_77] : memref<12x1024x16xf32, #tpu.memory_space<vmem>>, vector<1x1024x16xf32>
    %get3A_79 = vector.shape_cast %get3A_78 : vector<1x1024x16xf32> to vector<1024x16xf32>
    %add3A_80 = arith.addf %get3A_74, %get3A_79 : vector<1024x16xf32>
    %get3A_81 = arith.constant 11 : index
    %get3A_82 = arith.constant 0 : index
    %get3A_83 = arith.constant 0 : index
    %get3A_84 = vector.load %arg3[%get3A_81, %get3A_82, %get3A_83] : memref<12x1024x16xf32, #tpu.memory_space<vmem>>, vector<1x1024x16xf32>
    %get3A_85 = vector.shape_cast %get3A_84 : vector<1x1024x16xf32> to vector<1024x16xf32>
    %add3A_86 = arith.addf %add3A_80, %get3A_85 : vector<1024x16xf32>
    %mul3A_87 = arith.constant 2.500000e-01 : f32
    %mul3A_88 = vector.broadcast %mul3A_87 : f32 to vector<1024x1xf32>
    %mul3A_89 = arith.mulf %mul3A_88, %select_n3A : vector<1024x1xf32>
    %mul3A_90 = vector.broadcast %mul3A_89 : vector<1024x1xf32> to vector<1024x16xf32>
    %mul3A_91 = arith.mulf %mul3A_90, %add3A_86 : vector<1024x16xf32>
    %get3A_92 = arith.constant 0 : index
    %get3A_93 = arith.constant 0 : index
    %get3A_94 = vector.load %arg1[%get3A_92, %get3A_93] : memref<1024x64xf32, #tpu.memory_space<vmem>>, vector<1024x64xf32>
    %concatenate3A = tpu.concatenate %mul3A_25, %mul3A_47, %mul3A_69, %mul3A_91 in 1 : vector<1024x16xf32>, vector<1024x16xf32>, vector<1024x16xf32>, vector<1024x16xf32> -> vector<1024x64xf32>
    %add3A_95 = arith.addf %get3A_94, %concatenate3A : vector<1024x64xf32>
    %swap3A = arith.constant 0 : index
    %swap3A_96 = arith.constant 0 : index
    %swap3A_97 = vector.load %arg4[%swap3A, %swap3A_96] : memref<1024x64xf32, #tpu.memory_space<vmem>>, vector<1024x64xf32>
    tpu.vector_store %arg4[%swap3A, %swap3A_96], %add3A_95 {strides = array<i32>} : memref<1024x64xf32, #tpu.memory_space<vmem>>, vector<1024x64xf32>,
    return
  }
  func.func @transform_0(%arg0: i32) -> (i32, i32) {
    %c0_i32 = arith.constant 0 : i32
    %c0_i32_0 = arith.constant 0 : i32
    return %arg0, %c0_i32 : i32, i32
  }
  func.func @transform_1(%arg0: i32) -> (i32, i32) {
    %c0_i32 = arith.constant 0 : i32
    %c0_i32_0 = arith.constant 0 : i32
    return %arg0, %c0_i32 : i32, i32
  }
  func.func @transform_2(%arg0: i32) -> (i32, i32, i32) {
    %c0_i32 = arith.constant 0 : i32
    %c0_i32_0 = arith.constant 0 : i32
    %c0_i32_1 = arith.constant 0 : i32
    return %c0_i32, %arg0, %c0_i32_0 : i32, i32, i32
  }
  func.func @transform_3(%arg0: i32) -> (i32, i32) {
    %c0_i32 = arith.constant 0 : i32
    %c0_i32_0 = arith.constant 0 : i32
    return %arg0, %c0_i32 : i32, i32
  }
}

</mosaic_0001>

<sc_bundles>
// kernel: kernel.6.cloned.1.call-start
scs
__scs_entry_jumppad:
0x0: {  	(pc) =	sbr.rel $0x88, $3  }
0x1: {  	(tag) =	ssettag $0x0;
	lr =	simm.s32 $0x1  }
0x2: {  	[smem:$0x3F9D] =	sst lr;
	_ =	strace $0xD0000000  }
0x3: {  	_ = 	snop  }
0x4: {  	_ = 	snop  }
0x5: {  	_ = 	snop  }
0x6: {  	_ = 	snop  }
0x7: {  	_ = 	snop  }
__scs_overlays_trampoline_lowered:
0x8: {  	[smem:$0x3FAC] =	sst s0  }
0x9: {  	[smem:$0x3FAD] =	sst s1  }
0xa: {  	[smem:$0x3FAE] =	sst s2  }
0xb: {  	[smem:$0x3FAF] =	sst s3  }
0xc: {  	[smem:$0x3FB0] =	sst s4  }
0xd: {  	[smem:$0x3FB1] =	sst s5  }
0xe: {  	[smem:$0x3FB2] =	sst s6  }
0xf: {  	[smem:$0x3FB3] =	sst s7  }
0x10: {  	[smem:$0x3FB4] =	sst s8  }
0x11: {  	[smem:$0x3FB5] =	sst s9;
	s0 =	simm.s32 @!p0 $0x0  }
0x12: {  	s1 =	sld [smem:$0x3F9B];
	s0 =	simm.s32 @p0 $0x1  }
0x13: {  	[smem:$0x3FB6] =	sst s0;
	s0 =	simm.s32 @!p1 $0x0  }
0x14: {  	s2 =	sld [smem:$0x3F9A];
	s0 =	simm.s32 @p1 $0x1  }
0x15: {  	[smem:$0x3FB7] =	sst s0;
	s0 =	simm.s32 @!p2 $0x0  }
0x16: {  	s3 =	sld [smem:$0x3FDB];
	s0 =	simm.s32 @p2 $0x1  }
0x17: {  	s4 =	simm.s32 $0x1BF5;
	[smem:$0x3FB9] =	sst s0  }
0x18: {  	s0 =	sld [smem:$0x3F9C];
	_ =	swait.ge [sflag:s4], $0x0  }
0x19: {  	s7 =	sld [smem:$0x3F9D]  }
0x1a: {  	s8 =	sadd.s32 $0xFFFFE003, lr  }
0x1b: {  	s9 =	sadd.s32 $0xFFFFFEF7, lr;
	s5 =	simm.s32 $0xFFFFFFFF;
	p2 =	slt.u32 s8, $0xFFFFF086  }
0x1c: {  	p1 =	slt.u32 s9, $0xF7A;
	s5 =	simm.s32 @!p2 $0x0  }
0x1d: {  	s5 =	simm.s32 @p1 $0x1;
	p0 =	seq.s32 s7, s2  }
0x1e: {  	s7 =	smul.u32 @!p0 $0xF7A, s2;
	p2 =	seq.s32 @!p0 s5, $0x0  }
0x1f: {  	s9 =	smul.u32 $0xF7A, s1;
	s8 =	simm.s32 @!p0 $0x1BF5;
	p2 =	por !p2, p0  }
0x20: {  	[sflag:s8] =	ssyncset.s32 @!p0 $0xFFFFF086;
	s6 =	sadd.s32 @!p0 s3, s7;
	s7 =	simm.s32 @!p0 $0x108  }
0x21: {  	s3 =	sadd.s32 s3, s9;
	s6 =	sadd.s32 @!p0 $0x88, s6;
	s7 =	simm.s32 @p2 $0x1082  }
0x22: {  	[simem:s7], [sflag:s8] =	dma.local @!p0 [hbm:s6], $0xF7A  }
0x23: {  	s9 =	sor.u32 $0xD0000000, s2;
	s6 =	simm.s32 $0x108;
	_ =	swait.ge @!p0 [sflag:s8], $0x0  }
0x24: {  	s3 =	sadd.s32 $0x88, s3;
	s6 =	simm.s32 @!p1 $0x1082;
	[sflag:s4] =	ssyncset.s32 $0xFFFFF086  }
0x25: {  	[simem:s6], [sflag:s4] =	dma.local [hbm:s3], $0xF7A  }
0x26: {  	[smem:$0x3F9D] =	sst s1;
	(tag) =	ssettag s2;
	_ =	strace s9  }
0x27: {  	s1 =	sld [smem:$0x3FAD]  }
0x28: {  	s2 =	sld [smem:$0x3FAE]  }
0x29: {  	s4 =	sld [smem:$0x3FB0]  }
0x2a: {  	p0 =	seq.s32 s5, $0x0;
	s5 =	sld [smem:$0x3FB1]  }
0x2b: {  	s6 =	sld [smem:$0x3FB2]  }
0x2c: {  	s7 =	sld [smem:$0x3FB3]  }
0x2d: {  	s3 =	simm.s32 $0x108;
	s8 =	sld [smem:$0x3FB4]  }
0x2e: {  	s3 =	simm.s32 @!p0 $0x1082;
	s9 =	sld [smem:$0x3FB5]  }
0x2f: {  	lr =	sadd.s32 s0, s3;
	s0 =	sld [smem:$0x3FAC]  }
0x30: {  	s3 =	sld [smem:$0x3FAF]  }
0x31: {  	[smem:$0x3FB8] =	sst s10  }
0x32: {  	s10 =	sld [smem:$0x3FB6];
	_ =	sdelay $0x3  }
0x33: {  	p0 =	seq.s32 s10, $0x1;
	s10 =	sld [smem:$0x3FB8];
	_ =	sdelay $0x3  }
0x34: {  	[smem:$0x3FB8] =	sst s10  }
0x35: {  	s10 =	sld [smem:$0x3FB7];
	_ =	sdelay $0x3  }
0x36: {  	p1 =	seq.s32 s10, $0x1;
	s10 =	sld [smem:$0x3FB8];
	_ =	sdelay $0x3  }
0x37: {  	[smem:$0x3FB8] =	sst s10  }
0x38: {  	s10 =	sld [smem:$0x3FB9]  }
0x39: {  	_ = 	snop;
	(pc) =	sbr.ind lr, $3  }
0x3a: {  	_ = 	snop  }
0x3b: {  	_ = 	snop  }
0x3c: {  	p2 =	seq.s32 s10, $0x1;
	s10 =	sld [smem:$0x3FB8]  }
0x3d: {  	_ =	shalt  }
0x3e: {  	_ =	shalt  }
0x3f: {  	_ =	shalt  }
0x40: {  	_ =	shalt  }
0x41: {  	_ =	shalt  }
0x42: {  	_ =	shalt  }
0x43: {  	_ =	shalt  }
0x44: {  	_ =	shalt  }
0x45: {  	_ =	shalt  }
0x46: {  	_ =	shalt  }
0x47: {  	_ =	shalt  }
0x48: {  	_ =	shalt  }
0x49: {  	_ =	shalt  }
0x4a: {  	_ =	shalt  }
0x4b: {  	_ =	shalt  }
0x4c: {  	_ =	shalt  }
0x4d: {  	_ =	shalt  }
0x4e: {  	_ =	shalt  }
0x4f: {  	_ =	shalt  }
0x50: {  	_ =	shalt  }
0x51: {  	_ =	shalt  }
0x52: {  	_ =	shalt  }
0x53: {  	_ =	shalt  }
0x54: {  	_ =	shalt  }
0x55: {  	_ =	shalt  }
0x56: {  	_ =	shalt  }
0x57: {  	_ =	shalt  }
0x58: {  	_ =	shalt  }
0x59: {  	_ =	shalt  }
0x5a: {  	_ =	shalt  }
0x5b: {  	_ =	shalt  }
0x5c: {  	_ =	shalt  }
0x5d: {  	_ =	shalt  }
0x5e: {  	_ =	shalt  }
0x5f: {  	_ =	shalt  }
0x60: {  	_ =	shalt  }
0x61: {  	_ =	shalt  }
0x62: {  	_ =	shalt  }
0x63: {  	_ =	shalt  }
0x64: {  	_ =	shalt  }
0x65: {  	_ =	shalt  }
0x66: {  	_ =	shalt  }
0x67: {  	_ =	shalt  }
0x68: {  	_ =	shalt  }
0x69: {  	_ =	shalt  }
0x6a: {  	_ =	shalt  }
0x6b: {  	_ =	shalt  }
0x6c: {  	_ =	shalt  }
0x6d: {  	_ =	shalt  }
0x6e: {  	_ =	shalt  }
0x6f: {  	_ =	shalt  }
0x70: {  	_ =	shalt  }
0x71: {  	_ =	shalt  }
0x72: {  	_ =	shalt  }
0x73: {  	_ =	shalt  }
0x74: {  	_ =	shalt  }
0x75: {  	_ =	shalt  }
0x76: {  	_ =	shalt  }
0x77: {  	_ =	shalt  }
0x78: {  	_ =	shalt  }
0x79: {  	_ =	shalt  }
0x7a: {  	_ =	shalt  }
0x7b: {  	_ =	shalt  }
0x7c: {  	_ =	shalt  }
0x7d: {  	_ =	shalt  }
0x7e: {  	_ =	shalt  }
0x7f: {  	_ =	shalt  }
0x80: {  	_ =	shalt  }
0x81: {  	_ =	shalt  }
0x82: {  	_ =	shalt  }
0x83: {  	_ =	shalt  }
0x84: {  	_ =	shalt  }
0x85: {  	_ =	shalt  }
0x86: {  	_ =	shalt  }
0x87: {  	_ =	shalt  }
.Lfunc_end0:
.L_simem_size_0:
called_computation_lowered:
.L_overlay_start_0:
0x88: {  	s2 =	sld [smem:$0x3FD9]  }
0x89: {  	s3 =	sld [smem:$0x3FFE];
	_ =	sdelay $0x1  }
0x8a: {  	s1 =	srdreg.scid  }
0x8b: {  	s0 =	sand.u32 $0x1, s1  }
0x8c: {  	s17 =	sshll.u32 s0, $0xA;
	s2 =	sadd.s32 s3, s2  }
0x8d: {  	s2 =	sadd.s32 s2, s17  }
0x8e: {  	[smem:$0x3FC4] =	sst s2  }
0x8f: {  	_ = 	snop  }
0x90: {  	s2 =	sld [smem:$0x3FD0];
	(tm) =	ssettm $0x1  }
0x91: {  	s18 =	sld [smem:$0x3FFB];
	_ =	sdelay $0x3  }
0x92: {  	_ =	strace s18  }
0x93: {  	s3 =	sld [smem:$0x3FFC];
	_ =	sdelay $0x3  }
0x94: {  	_ =	strace s3  }
0x95: {  	s3 =	sld [smem:$0x3FFD];
	_ =	sdelay $0x3  }
0x96: {  	_ =	strace s3  }
0x97: {  	_ =	strace $0x8FFFFFFF  }
0x98: {  	s19 =	sld [smem:$0x3FDB];
	_ =	sdelay $0x1  }
0x99: {  	s4 =	simm.s32 $_scs_section_size  }
0x9a: {  	s5 =	simm.s32 $_size__tile_overlayer_lowered;
	s6 =	simm.s32 $_tile_overlayer_lowered  }
0x9b: {  	s22 =	simm.s32 $0x1BFF;
	s21 =	sshll.u32 s6, $0x1;
	s3 =	sadd.s32 s4, s19  }
0x9c: {  	s7 =	simm.s32 $0x0;
	s20 =	sshll.u32 s5, $0x1;
	s5 =	sadd.s32 s21, s3  }
0x9d: {  	[timem:s7], [sflag:s22] =	dma.local [hbm:s5], s20  }
0x9e: {  	_ =	swait.ge [sflag:s22], s20  }
0x9f: {  	s4 =	ssub.s32 $0x0, s20;
	[sflag:s22] =	ssyncset.done $0x0  }
0xa0: {  	[sflag:s22] =	ssyncadd.s32 s4;
	_ =	sdelay $0x1  }
0xa1: {  	s23 =	simm.s32 $0x1B8B  }
0xa2: {  	_ =	swait.ge [sflag:s23], $0x1  }
0xa3: {  	[sflag:s23] =	ssyncset.done $0x0  }
0xa4: {  	s25 =	simm.s32 $0x1B8E;
	s24 =	sld [smem:$0x3FFE];
	[sflag:s23] =	ssyncadd.s32 $0xFFFFFFFF  }
0xa5: {  	s26 =	simm.s32 $execute0_lowered;
	[smem:$0x3FD2] =	sst s25  }
0xa6: {  	s5 =	sshll.u32 s26, $0x1;
	_ =	strace $0x80000046;
	[dreg:$0x1] =	wrdreg $0xFFFFFFFF  }
0xa7: {  	s28 =	simm.s32 $_size_execute0_lowered;
	s3 =	sadd.s32 s3, s5;
	[dreg:$0x0] =	wrdreg $0x0  }
0xa8: {  	s5 =	sshll.u32 s28, $0x1;
	[dreg:$0x2] =	wrdreg s3  }
0xa9: {  	[dreg:$0x3] =	wrdreg s5  }
0xaa: {  	[dreg:$0x4] =	wrdreg $0xC0  }
0xab: {  	_ =	task [dreg:s7], $0x5FFFF  }
0xac: {  	[dreg:$0x1] =	wrdreg $0xFFFFFFFF  }
0xad: {  	[dreg:$0x0] =	wrdreg $0x60  }
0xae: {  	[dreg:$0x2] =	wrdreg s24  }
0xaf: {  	[dreg:$0x3] =	wrdreg s2  }
0xb0: {  	[dreg:$0x4] =	wrdreg $0x135000  }
0xb1: {  	[dreg:$0x5] =	wrdreg $0x9  }
0xb2: {  	_ =	task.clear_ibuf [dreg:s7], $0x6FFFF;
	_ =	strace $0x90000046  }
0xb3: {  	s29 =	simm.s32 $0x9;
	_ =	strace $0x80000048  }
0xb4: {  	_ =	swait.ge [sflag:s29], $0x1  }
0xb5: {  	[sflag:s29] =	ssyncadd.s32 $0xFFFFFFFF  }
0xb6: {  	_ =	strace $0x90000048  }
0xb7: {  	_ =	sfence  }
0xb8: {  	s30 =	sld [smem:$0x0];
	_ =	sdelay $0x2  }
0xb9: {  	s31 =	sshll.u32 s1, $0xD;
	s1 =	sshrl.u32 s1, $0x2  }
0xba: {  	s3 =	sand.u32 $0x4000, s31;
	s1 =	sadd.s32 s1, s30  }
0xbb: {  	s0 =	sor.u32 s3, s0;
	s1 =	sshll.u32 s1, $0x11  }
0xbc: {  	s0 =	sor.u32 s1, s0  }
0xbd: {  	s0 =	sadd.s32 $0x8F2B, s0  }
0xbe: {  	[sflag:s0] =	ssyncadd.remote.s32 $0x1  }
0xbf: {  	_ =	sfence.sel $0xFFFF  }
0xc0: {  	[dreg:$0x0] =	wrdreg $0xFFFFFFFF;
	(pc) =	sbr.abs _section_cstart, $3  }
0xc1: {  	[dreg:$0x1] =	wrdreg $0xFFFFFFFF  }
0xc2: {  	_ =	task.clear_ibuf [dreg:s7], $0x2FFFF;
	_ =	strace $0x9FFFFFFF  }
0xc3: {  	(tm) =	ssettm $0x7FFFFFFF  }
tec
execute0_lowered:
.L_overlay_start_1:
0x0: {  	(tag) =	ssettag $0x1  }
0x1: {  	s2 =	rddreg [dreg:$0x0]  }
0x2: {  	s3 =	rddreg [dreg:$0x2];
	s4 =	simm.s32 $0x0  }
0x3: {  	s9 =	simm.s32 $0x100;
	[smem:$0x7FF] =	sst s4  }
0x4: {  	s10 =	simm.s32 $0x180;
	_ =	strace $0x80000047;
	[dreg:$0x5] =	wrdreg s9  }
0x5: {  	s11 =	simm.s32 $0x200;
	[dreg:$0x6] =	wrdreg s10  }
0x6: {  	s12 =	simm.s32 $0x280;
	[dreg:$0x7] =	wrdreg s11  }
0x7: {  	s13 =	simm.s32 $0x300;
	[dreg:$0x8] =	wrdreg s12  }
0x8: {  	s14 =	simm.s32 $0x380;
	[dreg:$0x9] =	wrdreg s13  }
0x9: {  	s15 =	simm.s32 $0x400;
	[dreg:$0xa] =	wrdreg s14  }
0xa: {  	s16 =	simm.s32 $0x480;
	[dreg:$0xb] =	wrdreg s15  }
0xb: {  	s17 =	simm.s32 $0x500;
	[dreg:$0xc] =	wrdreg s16  }
0xc: {  	s18 =	simm.s32 $0x580;
	[dreg:$0xd] =	wrdreg s17  }
0xd: {  	s19 =	simm.s32 $0x600;
	[dreg:$0xe] =	wrdreg s18  }
0xe: {  	s20 =	simm.s32 $0x680;
	[dreg:$0xf] =	wrdreg s19  }
0xf: {  	s6 =	sadd.s32 $0x31A00, s2;
	[dreg:$0x10] =	wrdreg s20  }
0x10: {  	s21 =	simm.s32 $0x780;
	[smem:$0x7DA] =	sst s6  }
0x11: {  	s22 =	simm.s32 $0x800;
	[dreg:$0x11] =	wrdreg s21  }
0x12: {  	s7 =	simm.s32 $0x880;
	[dreg:$0x12] =	wrdreg s22  }
0x13: {  	s24 =	simm.s32 $0x900;
	[dreg:$0x13] =	wrdreg s7  }
0x14: {  	s25 =	simm.s32 $0x980;
	[dreg:$0x14] =	wrdreg s24  }
0x15: {  	s26 =	simm.s32 $0xA00;
	[dreg:$0x15] =	wrdreg s25  }
0x16: {  	s29 =	simm.s32 $0xA80;
	[dreg:$0x16] =	wrdreg s26  }
0x17: {  	s31 =	simm.s32 $0xB00;
	[dreg:$0x17] =	wrdreg s29  }
0x18: {  	[dreg:$0x18] =	wrdreg s31;
	s7 =	simm.s32 $0xB80  }
0x19: {  	s12 =	simm.s32 $0xC00;
	[dreg:$0x19] =	wrdreg s7  }
0x1a: {  	s13 =	simm.s32 $0xC80;
	[dreg:$0x1a] =	wrdreg s12  }
0x1b: {  	s15 =	simm.s32 $0xD00;
	[dreg:$0x1b] =	wrdreg s13  }
0x1c: {  	s16 =	simm.s32 $0xD80;
	[dreg:$0x1c] =	wrdreg s15  }
0x1d: {  	s18 =	simm.s32 $0x1580;
	[dreg:$0x1d] =	wrdreg s16  }
0x1e: {  	s19 =	simm.s32 $0x1600;
	[dreg:$0x1e] =	wrdreg s18  }
0x1f: {  	s21 =	simm.s32 $0x1680;
	[dreg:$0x1f] =	wrdreg s19  }
0x20: {  	s28 =	srdreg.scid;
	s25 =	simm.s32 $0x1780;
	[smem:$0x7DF] =	sst s21  }
0x21: {  	s9 =	sand.u32 $0x1, s28;
	s28 =	simm.s32 $0x1800;
	[smem:$0x7E3] =	sst s25  }
0x22: {  	s8 =	stileid.u32;
	s31 =	simm.s32 $0x1880;
	[smem:$0x7E5] =	sst s28  }
0x23: {  	s5 =	smul.u32 $0xC400, s8;
	[smem:$0x7E7] =	sst s31  }
0x24: {  	s11 =	sadd.s32 $0x1B9A00, s2;
	[smem:$0x7FA] =	sst s9  }
0x25: {  	s23 =	sshrl.u32 s5, $0x3;
	s5 =	sadd.s32 s5, s3;
	[smem:$0x7FC] =	sst s11  }
0x26: {  	s0 =	smul.u32 $0x1880, s8;
	s12 =	simm.s32 $0x1900;
	[smem:$0x7DC] =	sst s5  }
0x27: {  	s14 =	smul.u32 $0x31000, s8;
	s16 =	simm.s32 $0x1A00;
	[smem:$0x7E9] =	sst s12  }
0x28: {  	s0 =	sadd.s32 s0, s2;
	s18 =	simm.s32 $0x1A80;
	[smem:$0x7ED] =	sst s16  }
0x29: {  	s31 =	smul.u32 $0xC4000, s9;
	s1 =	sadd.s32 $0x93A00, s0;
	[smem:$0x7EF] =	sst s18  }
0x2a: {  	s17 =	sshrl.u32 s14, $0x2;
	s14 =	simm.s32 $0x1980;
	[dreg:$0x4] =	wrdreg s1  }
0x2b: {  	[smem:$0x7EB] =	sst s14  }
0x2c: {  	s7 =	sadd.s32 $0xA00, s0;
	[smem:$0x7FB] =	sst s31  }
0x2d: {  	s1 =	sadd.s32 s23, s2;
	s2 =	sadd.s32 $0xAC200, s2;
	[smem:$0x7FD] =	sst s7  }
0x2e: {  	s5 =	sadd.s32 s17, s3;
	s23 =	simm.s32 $0x1700;
	[smem:$0x7DB] =	sst s2  }
0x2f: {  	s20 =	sadd.s32 $0xC40, s5;
	[smem:$0x7E1] =	sst s23  }
0x30: {  	s30 =	simm.s32 $0x11040;
	s22 =	sadd.s32 $0x1880, s5;
	[smem:$0x7DD] =	sst s20  }
0x31: {  	s6 =	ssub.s32 $0x2, s9;
	s24 =	sadd.s32 $0x24C0, s5;
	[smem:$0x7DE] =	sst s22  }
0x32: {  	p0 =	sne.s32 s9, $0x0;
	s26 =	sadd.s32 $0x3100, s5;
	[smem:$0x7E0] =	sst s24  }
0x33: {  	s10 =	sshrl.u32 s6, $0x1;
	s29 =	sadd.s32 $0x3D40, s5;
	[smem:$0x7E2] =	sst s26  }
0x34: {  	s6 =	ssub.s32 s6, s10;
	s10 =	sadd.s32 $0x4980, s5;
	[smem:$0x7E4] =	sst s29  }
0x35: {  	s9 =	simm.s32 $0x1380;
	s13 =	sadd.s32 $0x55C0, s5;
	[smem:$0x7E6] =	sst s10  }
0x36: {  	s0 =	simm.s32 $0xE00;
	s15 =	sadd.s32 $0x6200, s5;
	[smem:$0x7E8] =	sst s13  }
0x37: {  	s16 =	simm.s32 $0xF80;
	s17 =	sadd.s32 $0x6E40, s5;
	[smem:$0x7EA] =	sst s15  }
0x38: {  	s18 =	simm.s32 $0x1080;
	s19 =	sadd.s32 $0x7A80, s5;
	[smem:$0x7EC] =	sst s17  }
0x39: {  	s14 =	simm.s32 $0xF00;
	s21 =	sadd.s32 $0x86C0, s5;
	[smem:$0x7EE] =	sst s19  }
0x3a: {  	s23 =	sadd.s32 $0x9300, s5;
	s25 =	sadd.s32 $0xAB80, s5;
	[smem:$0x7F0] =	sst s21  }
0x3b: {  	s1 =	sadd.s32 $0xDD200, s1;
	s28 =	smax.u32 s6, $0x1;
	[smem:$0x7F3] =	sst s23  }
0x3c: {  	s2 =	simm.s32 $0x1400;
	s6 =	simm.s32 $0x2400;
	[smem:$0x7F5] =	sst s25  }
0x3d: {  	s20 =	simm.s32 $0x1B00;
	s22 =	simm.s32 $0x1B80;
	[smem:$0x7F7] =	sst s1  }
0x3e: {  	s24 =	sadd.s32 $0x9F40, s5;
	s26 =	sadd.s32 $0xB7C0, s5;
	[smem:$0x7F8] =	sst s28  }
0x3f: {  	s29 =	smul.u32 $0xC40, s8;
	s1 =	simm.s32 $0x1;
	s25 =	simm.s32 $0x3  }
0x40: {  	s13 =	simm.s32 $0xFC00;
	s15 =	simm.s32 $0xE80;
	s17 =	simm.s32 $0x1000  }
.Ltmp0:
0x41: {  	s19 =	simm.s32 $0x1100;
	[smem:$0x7F1] =	sst s20;
	(pc) =	sbr.rel .LBB2_1-.Ltmp0, $4  }
0x42: {  	s21 =	simm.s32 $0x1200;
	s23 =	simm.s32 $0x1300;
	[smem:$0x7F2] =	sst s22  }
0x43: {  	s5 =	simm.s32 $0x1480;
	s10 =	simm.s32 $0x0;
	[smem:$0x7F4] =	sst s24  }
0x44: {  	[smem:$0x7F6] =	sst s26;
	s26 =	simm.s32 $0x80;
	s20 =	simm.s32 $0x1180  }
0x45: {  	v0 =	vimm.f32 $1.000000000e+00;
	v1 =	vimm.f32 $0.0e+00;
	s22 =	simm.s32 $0x1280;
	s24 =	simm.s32 $0x2;
	[smem:$0x7F9] =	sst s29  }
.LBB2_22:
0x46: {  	s10 =	sld [smem:$0x7D9]  }
0x47: {  	s8 =	sld [smem:$0x7F8];
	_ =	sdelay $0x1  }
0x48: {  	s10 =	sadd.s32 $0x1, s10  }
0x49: {  	p1 =	sne.s32 s10, s8  }
.Ltmp1:
0x4a: {  	_ = 	snop;
	(pc) =	sbr.rel @!p1 .LBB2_23-.Ltmp1, $2  }
0x4b: {  	_ =	sdelay $0x2  }
0x4c: {  	s13 =	simm.s32 $0xFC00;
	s14 =	simm.s32 $0xF00;
	s15 =	simm.s32 $0xE80  }
.LBB2_1:
0x4d: {  	[smem:$0x7D9] =	sst s10;
	s8 =	simm.s32 $0x0  }
.LBB2_2:
0x4e: {  	p1 =	sne.s32 s8, $0x1FC0  }
.Ltmp2:
0x4f: {  	_ = 	snop;
	(pc) =	sbr.rel @p1 .LBB2_2-.Ltmp2, $3  }
0x50: {  	_ =	sdelay $0x1  }
0x51: {  	s10 =	sshra.s32 s8, $0x2  }
0x52: {  	s8 =	sadd.s32 $0x40, s8;
	[tilespmem:s10+$0xFC00] =	vst v0  }
0x53: {  	s8 =	simm.s32 $0x40;
	s10 =	simm.s32 $0x0  }
.LBB2_4:
0x54: {  	p1 =	sne.s32 s8, $0x30C0;
	[tilespmem:s10+$0x10400] =	vst v1;
	s10 =	smov.u32 s8;
	s8 =	sadd.s32 $0x40, s8  }
.Ltmp3:
0x55: {  	(pc) =	sbr.rel @p1 .LBB2_4-.Ltmp3, $2  }
0x56: {  	_ =	sdelay $0x2  }
0x57: {  	s10 =	sshra.s32 s10, $0x2  }
0x58: {  	s8 =	sld [smem:$0x7DC];
	_ =	sdelay $0x1  }
0x59: {  	[tilespmem:s10+$0x10400] =	vst v1;
	s10 =	simm.s32 $0x10400;
	s31 =	sld [smem:$0x7DD]  }
0x5a: {  	[spmem:s8] =	stream.linear.scatter [tilespmem:s10], [sflag:$0x1], $0xC40, $0x38;
	[tilespmem:$0x1F900] =	vst v63  }
0x5b: {  	s11 =	sld [smem:$0x7DE]  }
0x5c: {  	[spmem:s31] =	stream.linear.scatter [tilespmem:s10], [sflag:$0x1], $0xC40, $0x38;
	[tilespmem:$0x1F900] =	vst v63  }
0x5d: {  	s12 =	sld [smem:$0x7E0]  }
0x5e: {  	[spmem:s11] =	stream.linear.scatter [tilespmem:s10], [sflag:$0x1], $0xC40, $0x38;
	[tilespmem:$0x1F900] =	vst v63  }
0x5f: {  	s28 =	sld [smem:$0x7E2]  }
0x60: {  	[spmem:s12] =	stream.linear.scatter [tilespmem:s10], [sflag:$0x1], $0xC40, $0x38;
	[tilespmem:$0x1F900] =	vst v63  }
0x61: {  	s29 =	sld [smem:$0x7E4]  }
0x62: {  	[spmem:s28] =	stream.linear.scatter [tilespmem:s10], [sflag:$0x1], $0xC40, $0x38;
	[tilespmem:$0x1F900] =	vst v63  }
0x63: {  	s31 =	sld [smem:$0x7E6]  }
0x64: {  	[spmem:s29] =	stream.linear.scatter [tilespmem:s10], [sflag:$0x1], $0xC40, $0x38;
	[tilespmem:$0x1F900] =	vst v63  }
0x65: {  	s11 =	sld [smem:$0x7E8]  }
0x66: {  	[spmem:s31] =	stream.linear.scatter [tilespmem:s10], [sflag:$0x1], $0xC40, $0x38;
	[tilespmem:$0x1F900] =	vst v63  }
0x67: {  	s12 =	sld [smem:$0x7EA]  }
0x68: {  	[spmem:s11] =	stream.linear.scatter [tilespmem:s10], [sflag:$0x1], $0xC40, $0x38;
	[tilespmem:$0x1F900] =	vst v63  }
0x69: {  	s28 =	sld [smem:$0x7EC]  }
0x6a: {  	[spmem:s12] =	stream.linear.scatter [tilespmem:s10], [sflag:$0x1], $0xC40, $0x38;
	[tilespmem:$0x1F900] =	vst v63  }
0x6b: {  	s29 =	sld [smem:$0x7EE]  }
0x6c: {  	[spmem:s28] =	stream.linear.scatter [tilespmem:s10], [sflag:$0x1], $0xC40, $0x38;
	[tilespmem:$0x1F900] =	vst v63  }
0x6d: {  	s31 =	sld [smem:$0x7F0]  }
0x6e: {  	[spmem:s29] =	stream.linear.scatter [tilespmem:s10], [sflag:$0x1], $0xC40, $0x38;
	[tilespmem:$0x1F900] =	vst v63  }
0x6f: {  	s11 =	sld [smem:$0x7F3]  }
0x70: {  	[spmem:s31] =	stream.linear.scatter [tilespmem:s10], [sflag:$0x1], $0xC40, $0x38;
	[tilespmem:$0x1F900] =	vst v63  }
0x71: {  	s12 =	sld [smem:$0x7F4]  }
0x72: {  	[spmem:s11] =	stream.linear.scatter [tilespmem:s10], [sflag:$0x1], $0xC40, $0x38;
	[tilespmem:$0x1F900] =	vst v63  }
0x73: {  	s28 =	sld [smem:$0x7F5]  }
0x74: {  	[spmem:s12] =	stream.linear.scatter [tilespmem:s10], [sflag:$0x1], $0xC40, $0x38;
	[tilespmem:$0x1F900] =	vst v63  }
0x75: {  	s29 =	sld [smem:$0x7F6]  }
0x76: {  	[spmem:s28] =	stream.linear.scatter [tilespmem:s10], [sflag:$0x1], $0xC40, $0x38;
	[tilespmem:$0x1F900] =	vst v63  }
0x77: {  	_ = 	snop  }
0x78: {  	[spmem:s29] =	stream.linear.scatter [tilespmem:s10], [sflag:$0x1], $0xC40, $0x38;
	[tilespmem:$0x1F900] =	vst v63  }
0x79: {  	_ =	swait.ge [sflag:s1], $0xC40  }
0x7a: {  	[sflag:s1] =	ssyncset.done $0x0  }
0x7b: {  	[sflag:s1] =	ssyncadd.s32 $0xFFFFF3C0  }
0x7c: {  	_ =	swait.ge [sflag:s1], $0xC40  }
0x7d: {  	[sflag:s1] =	ssyncset.done $0x0  }
0x7e: {  	[sflag:s1] =	ssyncadd.s32 $0xFFFFF3C0  }
0x7f: {  	_ =	swait.ge [sflag:s1], $0xC40  }
0x80: {  	[sflag:s1] =	ssyncset.done $0x0  }
0x81: {  	[sflag:s1] =	ssyncadd.s32 $0xFFFFF3C0  }
0x82: {  	_ =	swait.ge [sflag:s1], $0xC40  }
0x83: {  	[sflag:s1] =	ssyncset.done $0x0  }
0x84: {  	[sflag:s1] =	ssyncadd.s32 $0xFFFFF3C0  }
0x85: {  	_ =	swait.ge [sflag:s1], $0xC40  }
0x86: {  	[sflag:s1] =	ssyncset.done $0x0  }
0x87: {  	[sflag:s1] =	ssyncadd.s32 $0xFFFFF3C0  }
0x88: {  	_ =	swait.ge [sflag:s1], $0xC40  }
0x89: {  	[sflag:s1] =	ssyncset.done $0x0  }
0x8a: {  	[sflag:s1] =	ssyncadd.s32 $0xFFFFF3C0  }
0x8b: {  	_ =	swait.ge [sflag:s1], $0xC40  }
0x8c: {  	[sflag:s1] =	ssyncset.done $0x0  }
0x8d: {  	[sflag:s1] =	ssyncadd.s32 $0xFFFFF3C0  }
0x8e: {  	_ =	swait.ge [sflag:s1], $0xC40  }
0x8f: {  	[sflag:s1] =	ssyncset.done $0x0  }
0x90: {  	[sflag:s1] =	ssyncadd.s32 $0xFFFFF3C0  }
0x91: {  	_ =	swait.ge [sflag:s1], $0xC40  }
0x92: {  	[sflag:s1] =	ssyncset.done $0x0  }
0x93: {  	[sflag:s1] =	ssyncadd.s32 $0xFFFFF3C0  }
0x94: {  	_ =	swait.ge [sflag:s1], $0xC40  }
0x95: {  	[sflag:s1] =	ssyncset.done $0x0  }
0x96: {  	[sflag:s1] =	ssyncadd.s32 $0xFFFFF3C0  }
0x97: {  	_ =	swait.ge [sflag:s1], $0xC40  }
0x98: {  	[sflag:s1] =	ssyncset.done $0x0  }
0x99: {  	[sflag:s1] =	ssyncadd.s32 $0xFFFFF3C0  }
0x9a: {  	_ =	swait.ge [sflag:s1], $0xC40  }
0x9b: {  	[sflag:s1] =	ssyncset.done $0x0  }
0x9c: {  	[sflag:s1] =	ssyncadd.s32 $0xFFFFF3C0  }
0x9d: {  	_ =	swait.ge [sflag:s1], $0xC40  }
0x9e: {  	[sflag:s1] =	ssyncset.done $0x0  }
0x9f: {  	[sflag:s1] =	ssyncadd.s32 $0xFFFFF3C0  }
0xa0: {  	_ =	swait.ge [sflag:s1], $0xC40  }
0xa1: {  	[sflag:s1] =	ssyncset.done $0x0  }
0xa2: {  	[sflag:s1] =	ssyncadd.s32 $0xFFFFF3C0  }
0xa3: {  	_ =	swait.ge [sflag:s1], $0xC40  }
0xa4: {  	[sflag:s1] =	ssyncset.done $0x0  }
0xa5: {  	[sflag:s1] =	ssyncadd.s32 $0xFFFFF3C0  }
0xa6: {  	_ =	swait.ge [sflag:s1], $0xC40  }
0xa7: {  	[sflag:s1] =	ssyncset.done $0x0  }
0xa8: {  	[sflag:s1] =	ssyncadd.s32 $0xFFFFF3C0  }
0xa9: {  	s31 =	sadd.s32 $0x0, s7;
	[bflag:$0x0] =	sbarrier.arrive $0xFFFF  }
0xaa: {  	[tilespmem:s0], [sflag:$0x3] =	stream.linear.gather [hbm4b:s31+s4], $0x700, $0x38;
	[tilespmem:$0x1F900] =	vst v63  }
0xab: {  	_ =	swait.ge [sflag:s25], $0x700  }
0xac: {  	[sflag:s25] =	ssyncset.done $0x0  }
0xad: {  	[sflag:s25] =	ssyncadd.s32 $0xFFFFF900  }
0xae: {  	[spmem:s3] =	stream.indirect.scatter.add.f32 [tilespmem:s13], [sflag:$0x2], $0x10, s0, s26, $0xb8;
	[tilespmem:$0x1F900] =	vst v63  }
0xaf: {  	_ = 	snop  }
0xb0: {  	[spmem:s3] =	stream.indirect.scatter.add.f32 [tilespmem:s13], [sflag:$0x2], $0x10, s15, s26, $0xb8;
	[tilespmem:$0x1F900] =	vst v63  }
0xb1: {  	_ = 	snop  }
0xb2: {  	[spmem:s3] =	stream.indirect.scatter.add.f32 [tilespmem:s13], [sflag:$0x2], $0x10, s14, s26, $0xb8;
	[tilespmem:$0x1F900] =	vst v63  }
0xb3: {  	_ = 	snop  }
0xb4: {  	[spmem:s3] =	stream.indirect.scatter.add.f32 [tilespmem:s13], [sflag:$0x2], $0x10, s16, s26, $0xb8;
	[tilespmem:$0x1F900] =	vst v63  }
0xb5: {  	_ = 	snop  }
0xb6: {  	[spmem:s3] =	stream.indirect.scatter.add.f32 [tilespmem:s13], [sflag:$0x2], $0x10, s17, s26, $0xb8;
	[tilespmem:$0x1F900] =	vst v63  }
0xb7: {  	_ = 	snop  }
0xb8: {  	[spmem:s3] =	stream.indirect.scatter.add.f32 [tilespmem:s13], [sflag:$0x2], $0x10, s18, s26, $0xb8;
	[tilespmem:$0x1F900] =	vst v63  }
0xb9: {  	_ = 	snop  }
0xba: {  	[spmem:s3] =	stream.indirect.scatter.add.f32 [tilespmem:s13], [sflag:$0x2], $0x10, s19, s26, $0xb8;
	[tilespmem:$0x1F900] =	vst v63  }
0xbb: {  	_ = 	snop  }
0xbc: {  	[spmem:s3] =	stream.indirect.scatter.add.f32 [tilespmem:s13], [sflag:$0x2], $0x10, s20, s26, $0xb8;
	[tilespmem:$0x1F900] =	vst v63  }
0xbd: {  	_ = 	snop  }
0xbe: {  	[spmem:s3] =	stream.indirect.scatter.add.f32 [tilespmem:s13], [sflag:$0x2], $0x10, s21, s26, $0xb8;
	[tilespmem:$0x1F900] =	vst v63  }
0xbf: {  	_ = 	snop  }
0xc0: {  	[spmem:s3] =	stream.indirect.scatter.add.f32 [tilespmem:s13], [sflag:$0x2], $0x10, s22, s26, $0xb8;
	[tilespmem:$0x1F900] =	vst v63  }
0xc1: {  	_ = 	snop  }
0xc2: {  	[spmem:s3] =	stream.indirect.scatter.add.f32 [tilespmem:s13], [sflag:$0x2], $0x10, s23, s26, $0xb8;
	[tilespmem:$0x1F900] =	vst v63  }
0xc3: {  	_ = 	snop  }
0xc4: {  	[spmem:s3] =	stream.indirect.scatter.add.f32 [tilespmem:s13], [sflag:$0x2], $0x10, s9, s26, $0xb8;
	[tilespmem:$0x1F900] =	vst v63  }
0xc5: {  	_ = 	snop  }
0xc6: {  	[spmem:s3] =	stream.indirect.scatter.add.f32 [tilespmem:s13], [sflag:$0x2], $0x10, s2, s26, $0xb8;
	[tilespmem:$0x1F900] =	vst v63  }
0xc7: {  	_ = 	snop  }
0xc8: {  	[spmem:s3] =	stream.indirect.scatter.add.f32 [tilespmem:s13], [sflag:$0x2], $0x10, s5, s26, $0xb8;
	[tilespmem:$0x1F900] =	vst v63  }
0xc9: {  	_ =	swait.ge [sflag:s24], $0x800  }
0xca: {  	[sflag:s24] =	ssyncset.done $0x0  }
0xcb: {  	[sflag:s24] =	ssyncadd.s32 $0xFFFFF800  }
0xcc: {  	_ =	swait.ge [sflag:s24], $0x800  }
0xcd: {  	[sflag:s24] =	ssyncset.done $0x0  }
0xce: {  	[sflag:s24] =	ssyncadd.s32 $0xFFFFF800  }
0xcf: {  	_ =	swait.ge [sflag:s24], $0x800  }
0xd0: {  	[sflag:s24] =	ssyncset.done $0x0  }
0xd1: {  	[sflag:s24] =	ssyncadd.s32 $0xFFFFF800  }
0xd2: {  	_ =	swait.ge [sflag:s24], $0x800  }
0xd3: {  	[sflag:s24] =	ssyncset.done $0x0  }
0xd4: {  	[sflag:s24] =	ssyncadd.s32 $0xFFFFF800  }
0xd5: {  	_ =	swait.ge [sflag:s24], $0x800  }
0xd6: {  	[sflag:s24] =	ssyncset.done $0x0  }
0xd7: {  	[sflag:s24] =	ssyncadd.s32 $0xFFFFF800  }
0xd8: {  	_ =	swait.ge [sflag:s24], $0x800  }
0xd9: {  	[sflag:s24] =	ssyncset.done $0x0  }
0xda: {  	[sflag:s24] =	ssyncadd.s32 $0xFFFFF800  }
0xdb: {  	_ =	swait.ge [sflag:s24], $0x800  }
0xdc: {  	[sflag:s24] =	ssyncset.done $0x0  }
0xdd: {  	[sflag:s24] =	ssyncadd.s32 $0xFFFFF800  }
0xde: {  	_ =	swait.ge [sflag:s24], $0x800  }
0xdf: {  	[sflag:s24] =	ssyncset.done $0x0  }
0xe0: {  	[sflag:s24] =	ssyncadd.s32 $0xFFFFF800  }
0xe1: {  	_ =	swait.ge [sflag:s24], $0x800  }
0xe2: {  	[sflag:s24] =	ssyncset.done $0x0  }
0xe3: {  	[sflag:s24] =	ssyncadd.s32 $0xFFFFF800  }
0xe4: {  	_ =	swait.ge [sflag:s24], $0x800  }
0xe5: {  	[sflag:s24] =	ssyncset.done $0x0  }
0xe6: {  	[sflag:s24] =	ssyncadd.s32 $0xFFFFF800  }
0xe7: {  	_ =	swait.ge [sflag:s24], $0x800  }
0xe8: {  	[sflag:s24] =	ssyncset.done $0x0  }
0xe9: {  	[sflag:s24] =	ssyncadd.s32 $0xFFFFF800  }
0xea: {  	_ =	swait.ge [sflag:s24], $0x800  }
0xeb: {  	[sflag:s24] =	ssyncset.done $0x0  }
0xec: {  	[sflag:s24] =	ssyncadd.s32 $0xFFFFF800  }
0xed: {  	_ =	swait.ge [sflag:s24], $0x800  }
0xee: {  	[sflag:s24] =	ssyncset.done $0x0  }
0xef: {  	[sflag:s24] =	ssyncadd.s32 $0xFFFFF800  }
0xf0: {  	_ =	swait.ge [sflag:s24], $0x800  }
0xf1: {  	s8 =	simm.s32 $0xE0;
	s11 =	simm.s32 $0x1C0;
	[sflag:s24] =	ssyncset.done $0x0  }
.LBB2_6:
0xf2: {  	s12 =	sadd.s32 s8, s7  }
0xf3: {  	[sflag:s24] =	ssyncadd.s32 $0xFFFFF800;
	s8 =	smov.u32 s11;
	s10 =	sadd.s32 $0xE0, s11  }
0xf4: {  	[tilespmem:s0], [sflag:$0x3] =	stream.linear.gather [hbm4b:s12+s4], $0x700, $0x38;
	[tilespmem:$0x1F900] =	vst v63  }
0xf5: {  	p1 =	sne.s32 s11, $0x17A0;
	_ =	swait.ge [sflag:s25], $0x700  }
0xf6: {  	[sflag:s25] =	ssyncset.done $0x0  }
0xf7: {  	[sflag:s25] =	ssyncadd.s32 $0xFFFFF900  }
0xf8: {  	[spmem:s3] =	stream.indirect.scatter.add.f32 [tilespmem:s13], [sflag:$0x2], $0x10, s0, s26, $0xb8;
	[tilespmem:$0x1F900] =	vst v63  }
0xf9: {  	_ = 	snop  }
0xfa: {  	[spmem:s3] =	stream.indirect.scatter.add.f32 [tilespmem:s13], [sflag:$0x2], $0x10, s15, s26, $0xb8;
	[tilespmem:$0x1F900] =	vst v63  }
0xfb: {  	_ = 	snop  }
0xfc: {  	[spmem:s3] =	stream.indirect.scatter.add.f32 [tilespmem:s13], [sflag:$0x2], $0x10, s14, s26, $0xb8;
	[tilespmem:$0x1F900] =	vst v63  }
0xfd: {  	_ = 	snop  }
0xfe: {  	[spmem:s3] =	stream.indirect.scatter.add.f32 [tilespmem:s13], [sflag:$0x2], $0x10, s16, s26, $0xb8;
	[tilespmem:$0x1F900] =	vst v63  }
0xff: {  	_ = 	snop  }
0x100: {  	[spmem:s3] =	stream.indirect.scatter.add.f32 [tilespmem:s13], [sflag:$0x2], $0x10, s17, s26, $0xb8;
	[tilespmem:$0x1F900] =	vst v63  }
0x101: {  	_ = 	snop  }
0x102: {  	[spmem:s3] =	stream.indirect.scatter.add.f32 [tilespmem:s13], [sflag:$0x2], $0x10, s18, s26, $0xb8;
	[tilespmem:$0x1F900] =	vst v63  }
0x103: {  	_ = 	snop  }
0x104: {  	[spmem:s3] =	stream.indirect.scatter.add.f32 [tilespmem:s13], [sflag:$0x2], $0x10, s19, s26, $0xb8;
	[tilespmem:$0x1F900] =	vst v63  }
0x105: {  	_ = 	snop  }
0x106: {  	[spmem:s3] =	stream.indirect.scatter.add.f32 [tilespmem:s13], [sflag:$0x2], $0x10, s20, s26, $0xb8;
	[tilespmem:$0x1F900] =	vst v63  }
0x107: {  	_ = 	snop  }
0x108: {  	[spmem:s3] =	stream.indirect.scatter.add.f32 [tilespmem:s13], [sflag:$0x2], $0x10, s21, s26, $0xb8;
	[tilespmem:$0x1F900] =	vst v63  }
0x109: {  	_ = 	snop  }
0x10a: {  	[spmem:s3] =	stream.indirect.scatter.add.f32 [tilespmem:s13], [sflag:$0x2], $0x10, s22, s26, $0xb8;
	[tilespmem:$0x1F900] =	vst v63  }
0x10b: {  	_ = 	snop  }
0x10c: {  	[spmem:s3] =	stream.indirect.scatter.add.f32 [tilespmem:s13], [sflag:$0x2], $0x10, s23, s26, $0xb8;
	[tilespmem:$0x1F900] =	vst v63  }
0x10d: {  	_ = 	snop  }
0x10e: {  	[spmem:s3] =	stream.indirect.scatter.add.f32 [tilespmem:s13], [sflag:$0x2], $0x10, s9, s26, $0xb8;
	[tilespmem:$0x1F900] =	vst v63  }
0x10f: {  	_ = 	snop  }
0x110: {  	[spmem:s3] =	stream.indirect.scatter.add.f32 [tilespmem:s13], [sflag:$0x2], $0x10, s2, s26, $0xb8;
	[tilespmem:$0x1F900] =	vst v63  }
0x111: {  	_ = 	snop  }
0x112: {  	[spmem:s3] =	stream.indirect.scatter.add.f32 [tilespmem:s13], [sflag:$0x2], $0x10, s5, s26, $0xb8;
	[tilespmem:$0x1F900] =	vst v63  }
0x113: {  	_ =	swait.ge [sflag:s24], $0x800  }
0x114: {  	[sflag:s24] =	ssyncset.done $0x0  }
0x115: {  	[sflag:s24] =	ssyncadd.s32 $0xFFFFF800  }
0x116: {  	_ =	swait.ge [sflag:s24], $0x800  }
0x117: {  	[sflag:s24] =	ssyncset.done $0x0  }
0x118: {  	[sflag:s24] =	ssyncadd.s32 $0xFFFFF800  }
0x119: {  	_ =	swait.ge [sflag:s24], $0x800  }
0x11a: {  	[sflag:s24] =	ssyncset.done $0x0  }
0x11b: {  	[sflag:s24] =	ssyncadd.s32 $0xFFFFF800  }
0x11c: {  	_ =	swait.ge [sflag:s24], $0x800  }
0x11d: {  	[sflag:s24] =	ssyncset.done $0x0  }
0x11e: {  	[sflag:s24] =	ssyncadd.s32 $0xFFFFF800  }
0x11f: {  	_ =	swait.ge [sflag:s24], $0x800  }
0x120: {  	[sflag:s24] =	ssyncset.done $0x0  }
0x121: {  	[sflag:s24] =	ssyncadd.s32 $0xFFFFF800  }
0x122: {  	_ =	swait.ge [sflag:s24], $0x800  }
0x123: {  	[sflag:s24] =	ssyncset.done $0x0  }
0x124: {  	[sflag:s24] =	ssyncadd.s32 $0xFFFFF800  }
0x125: {  	_ =	swait.ge [sflag:s24], $0x800  }
0x126: {  	[sflag:s24] =	ssyncset.done $0x0  }
0x127: {  	[sflag:s24] =	ssyncadd.s32 $0xFFFFF800  }
0x128: {  	_ =	swait.ge [sflag:s24], $0x800  }
0x129: {  	[sflag:s24] =	ssyncset.done $0x0  }
0x12a: {  	[sflag:s24] =	ssyncadd.s32 $0xFFFFF800  }
0x12b: {  	_ =	swait.ge [sflag:s24], $0x800  }
0x12c: {  	[sflag:s24] =	ssyncset.done $0x0  }
0x12d: {  	[sflag:s24] =	ssyncadd.s32 $0xFFFFF800  }
0x12e: {  	_ =	swait.ge [sflag:s24], $0x800  }
0x12f: {  	[sflag:s24] =	ssyncset.done $0x0  }
0x130: {  	[sflag:s24] =	ssyncadd.s32 $0xFFFFF800  }
0x131: {  	_ =	swait.ge [sflag:s24], $0x800  }
0x132: {  	[sflag:s24] =	ssyncset.done $0x0  }
0x133: {  	[sflag:s24] =	ssyncadd.s32 $0xFFFFF800  }
0x134: {  	_ =	swait.ge [sflag:s24], $0x800  }
0x135: {  	[sflag:s24] =	ssyncset.done $0x0  }
0x136: {  	[sflag:s24] =	ssyncadd.s32 $0xFFFFF800  }
.Ltmp4:
0x137: {  	_ =	swait.ge [sflag:s24], $0x800;
	(pc) =	sbr.rel @p1 .LBB2_6-.Ltmp4, $4  }
0x138: {  	[sflag:s24] =	ssyncset.done $0x0  }
0x139: {  	[sflag:s24] =	ssyncadd.s32 $0xFFFFF800  }
0x13a: {  	_ =	swait.ge [sflag:s24], $0x800  }
0x13b: {  	s11 =	smov.u32 s10;
	[sflag:s24] =	ssyncset.done $0x0  }
0x13c: {  	s8 =	sadd.s32 s8, s7;
	[sflag:s24] =	ssyncadd.s32 $0xFFFFF800  }
0x13d: {  	[tilespmem:s0], [sflag:$0x3] =	stream.linear.gather [hbm4b:s8+s4], $0x700, $0x38;
	[tilespmem:$0x1F900] =	vst v63  }
0x13e: {  	_ =	swait.ge [sflag:s25], $0x700  }
0x13f: {  	[sflag:s25] =	ssyncset.done $0x0  }
0x140: {  	[sflag:s25] =	ssyncadd.s32 $0xFFFFF900  }
0x141: {  	[spmem:s3] =	stream.indirect.scatter.add.f32 [tilespmem:s13], [sflag:$0x2], $0x10, s0, s26, $0xb8;
	[tilespmem:$0x1F900] =	vst v63  }
0x142: {  	_ = 	snop  }
0x143: {  	[spmem:s3] =	stream.indirect.scatter.add.f32 [tilespmem:s13], [sflag:$0x2], $0x10, s15, s26, $0xb8;
	[tilespmem:$0x1F900] =	vst v63  }
0x144: {  	_ = 	snop  }
0x145: {  	[spmem:s3] =	stream.indirect.scatter.add.f32 [tilespmem:s13], [sflag:$0x2], $0x10, s14, s26, $0xb8;
	[tilespmem:$0x1F900] =	vst v63  }
0x146: {  	_ = 	snop  }
0x147: {  	[spmem:s3] =	stream.indirect.scatter.add.f32 [tilespmem:s13], [sflag:$0x2], $0x10, s16, s26, $0xb8;
	[tilespmem:$0x1F900] =	vst v63  }
0x148: {  	_ = 	snop  }
0x149: {  	[spmem:s3] =	stream.indirect.scatter.add.f32 [tilespmem:s13], [sflag:$0x2], $0x10, s17, s26, $0xb8;
	[tilespmem:$0x1F900] =	vst v63  }
0x14a: {  	_ = 	snop  }
0x14b: {  	[spmem:s3] =	stream.indirect.scatter.add.f32 [tilespmem:s13], [sflag:$0x2], $0x10, s18, s26, $0xb8;
	[tilespmem:$0x1F900] =	vst v63  }
0x14c: {  	_ = 	snop  }
0x14d: {  	[spmem:s3] =	stream.indirect.scatter.add.f32 [tilespmem:s13], [sflag:$0x2], $0x10, s19, s26, $0xb8;
	[tilespmem:$0x1F900] =	vst v63  }
0x14e: {  	_ = 	snop  }
0x14f: {  	[spmem:s3] =	stream.indirect.scatter.add.f32 [tilespmem:s13], [sflag:$0x2], $0x10, s20, s26, $0xb8;
	[tilespmem:$0x1F900] =	vst v63  }
0x150: {  	_ = 	snop  }
0x151: {  	[spmem:s3] =	stream.indirect.scatter.add.f32 [tilespmem:s13], [sflag:$0x2], $0x10, s21, s26, $0xb8;
	[tilespmem:$0x1F900] =	vst v63  }
0x152: {  	_ = 	snop  }
0x153: {  	[spmem:s3] =	stream.indirect.scatter.add.f32 [tilespmem:s13], [sflag:$0x2], $0x10, s22, s26, $0xb8;
	[tilespmem:$0x1F900] =	vst v63  }
0x154: {  	_ = 	snop  }
0x155: {  	[spmem:s3] =	stream.indirect.scatter.add.f32 [tilespmem:s13], [sflag:$0x2], $0x10, s23, s26, $0xb8;
	[tilespmem:$0x1F900] =	vst v63  }
0x156: {  	_ = 	snop  }
0x157: {  	[spmem:s3] =	stream.indirect.scatter.add.f32 [tilespmem:s13], [sflag:$0x2], $0x10, s9, s26, $0xb8;
	[tilespmem:$0x1F900] =	vst v63  }
0x158: {  	_ = 	snop  }
0x159: {  	[spmem:s3] =	stream.indirect.scatter.add.f32 [tilespmem:s13], [sflag:$0x2], $0x10, s2, s26, $0xb8;
	[tilespmem:$0x1F900] =	vst v63  }
0x15a: {  	_ = 	snop  }
0x15b: {  	[spmem:s3] =	stream.indirect.scatter.add.f32 [tilespmem:s13], [sflag:$0x2], $0x10, s5, s26, $0xb8;
	[tilespmem:$0x1F900] =	vst v63  }
0x15c: {  	_ =	swait.ge [sflag:s24], $0x800  }
0x15d: {  	[sflag:s24] =	ssyncset.done $0x0  }
0x15e: {  	[sflag:s24] =	ssyncadd.s32 $0xFFFFF800  }
0x15f: {  	_ =	swait.ge [sflag:s24], $0x800  }
0x160: {  	[sflag:s24] =	ssyncset.done $0x0  }
0x161: {  	[sflag:s24] =	ssyncadd.s32 $0xFFFFF800  }
0x162: {  	_ =	swait.ge [sflag:s24], $0x800  }
0x163: {  	[sflag:s24] =	ssyncset.done $0x0  }
0x164: {  	[sflag:s24] =	ssyncadd.s32 $0xFFFFF800  }
0x165: {  	_ =	swait.ge [sflag:s24], $0x800  }
0x166: {  	[sflag:s24] =	ssyncset.done $0x0  }
0x167: {  	[sflag:s24] =	ssyncadd.s32 $0xFFFFF800  }
0x168: {  	_ =	swait.ge [sflag:s24], $0x800  }
0x169: {  	[sflag:s24] =	ssyncset.done $0x0  }
0x16a: {  	[sflag:s24] =	ssyncadd.s32 $0xFFFFF800  }
0x16b: {  	_ =	swait.ge [sflag:s24], $0x800  }
0x16c: {  	[sflag:s24] =	ssyncset.done $0x0  }
0x16d: {  	[sflag:s24] =	ssyncadd.s32 $0xFFFFF800  }
0x16e: {  	_ =	swait.ge [sflag:s24], $0x800  }
0x16f: {  	[sflag:s24] =	ssyncset.done $0x0  }
0x170: {  	[sflag:s24] =	ssyncadd.s32 $0xFFFFF800  }
0x171: {  	_ =	swait.ge [sflag:s24], $0x800  }
0x172: {  	[sflag:s24] =	ssyncset.done $0x0  }
0x173: {  	[sflag:s24] =	ssyncadd.s32 $0xFFFFF800  }
0x174: {  	_ =	swait.ge [sflag:s24], $0x800  }
0x175: {  	[sflag:s24] =	ssyncset.done $0x0  }
0x176: {  	[sflag:s24] =	ssyncadd.s32 $0xFFFFF800  }
0x177: {  	_ =	swait.ge [sflag:s24], $0x800  }
0x178: {  	[sflag:s24] =	ssyncset.done $0x0  }
0x179: {  	[sflag:s24] =	ssyncadd.s32 $0xFFFFF800  }
0x17a: {  	_ =	swait.ge [sflag:s24], $0x800  }
0x17b: {  	[sflag:s24] =	ssyncset.done $0x0  }
0x17c: {  	[sflag:s24] =	ssyncadd.s32 $0xFFFFF800  }
0x17d: {  	_ =	swait.ge [sflag:s24], $0x800  }
0x17e: {  	[sflag:s24] =	ssyncset.done $0x0  }
0x17f: {  	[sflag:s24] =	ssyncadd.s32 $0xFFFFF800  }
0x180: {  	_ =	swait.ge [sflag:s24], $0x800  }
0x181: {  	[sflag:s24] =	ssyncset.done $0x0  }
0x182: {  	[sflag:s24] =	ssyncadd.s32 $0xFFFFF800  }
0x183: {  	_ =	swait.ge [sflag:s24], $0x800  }
0x184: {  	[sflag:s24] =	ssyncset.done $0x0  }
0x185: {  	[sflag:s24] =	ssyncadd.s32 $0xFFFFF800  }
0x186: {  	[bflag:$0x0] =	sbarrier.arrive $0xFFFF  }
0x187: {  	s10 =	sld [smem:$0x7DC]  }
0x188: {  	s8 =	stileid.u32;
	s11 =	sld [smem:$0x7F7]  }
0x189: {  	s8 =	sshll.u32 @!p0 s8, $0x6  }
0x18a: {  	s8 =	sor.u32 @!p0 $0x1C03, s8;
	s10 =	sshrl.u32 @!p0 s10, $0x3  }
0x18b: {  	[hbm:s11], [sflag:s8] =	dma.local @!p0 [spmem:s10], $0x1880  }
0x18c: {  	s8 =	simm.s32 @!p0 $0x3  }
0x18d: {  	_ =	swait.ge @!p0 [sflag:s8], $0x1880  }
0x18e: {  	[sflag:s8] =	ssyncset.done @!p0 $0x0  }
0x18f: {  	p2 =	por $0x1, $0x1;
	[sflag:s8] =	ssyncadd.s32 @!p0 $0xFFFFE780;
	s8 =	simm.s32 $0x0  }
.LBB2_8:
0x190: {  	s10 =	sld [smem:$0x7FA];
	_ =	sdelay $0x2  }
0x191: {  	p1 =	por p2, p2;
	s8 =	sor.u32 s10, s8  }
0x192: {  	s2 =	simm.s32 $0x11C80;
	s10 =	simm.s32 $0x0;
	s5 =	smul.u32 $0xC4000, s8  }
.LBB2_9:
0x193: {  	s11 =	sld [smem:$0x7F9]  }
0x194: {  	s8 =	smul.u32 $0xC4, s10;
	_ =	sdelay $0x1  }
0x195: {  	s8 =	sadd.s32 s11, s8  }
0x196: {  	s8 =	sshll.u32 s8, $0x4  }
0x197: {  	s23 =	sadd.s32 s8, s3  }
0x198: {  	[tilespmem:s30], [sflag:$0x3] =	stream.linear.gather [spmem:s23], $0xC40, $0x38;
	[tilespmem:$0x1F900] =	vst v63  }
0x199: {  	_ =	swait.ge [sflag:s25], $0xC40  }
0x19a: {  	s31 =	sld [smem:$0x7DA]  }
0x19b: {  	s28 =	sadd.s32 s5, s8  }
0x19c: {  	s9 =	sshrl.u32 s28, $0x3;
	[sflag:s25] =	ssyncset.done $0x0  }
0x19d: {  	s12 =	simm.s32 $0x0;
	[sflag:s25] =	ssyncadd.s32 $0xFFFFF3C0;
	s11 =	sadd.s32 s31, s9  }
0x19e: {  	[tilespmem:s2], [sflag:$0x3] =	stream.linear.gather [hbm4b:s11+s12], $0xC40, $0x38;
	[tilespmem:$0x1F900] =	vst v63  }
0x19f: {  	_ =	swait.ge [sflag:s25], $0xC40  }
0x1a0: {  	[sflag:s25] =	ssyncset.done $0x0  }
0x1a1: {  	s13 =	simm.s32 $0x0;
	[sflag:s25] =	ssyncadd.s32 $0xFFFFF3C0  }
0x1a2: {  	v15 =	vld [tilespmem:s13+$0x11040];
	_ =	sdelay $0x4  }
0x1a3: {  	v2 =	vmax.f32 v15, $1.000000000e+00  }
0x1a4: {  	v3 =	vshrl.u32 v2, $0x1;
	v5 =	vmul.f32 $5.000000000e-01, v2  }
0x1a5: {  	s11 =	simm.s32 $0x10;
	v2 =	vsub.s32 $0x5F3759DF, v3  }
0x1a6: {  	v3 =	vld [tilespmem:s11+$0x11040];
	v4 =	vmul.f32 v2, v5;
	_ =	sdelay $0x1  }
0x1a7: {  	v4 =	vmul.f32 v2, v4;
	_ =	sdelay $0x1  }
0x1a8: {  	v4 =	vsub.f32 $1.500000000e+00, v4  }
0x1a9: {  	v6 =	vmax.f32 v3, $1.000000000e+00  }
0x1aa: {  	s29 =	simm.s32 $0x20;
	v8 =	vshrl.u32 v6, $0x1;
	v7 =	vmul.f32 $5.000000000e-01, v6;
	v4 =	vmul.f32 v2, v4  }
0x1ab: {  	v8 =	vsub.s32 $0x5F3759DF, v8;
	v2 =	vld [tilespmem:s29+$0x11040]  }
0x1ac: {  	v6 =	vmul.f32 v8, v7;
	v9 =	vmul.f32 v4, v5;
	_ =	sdelay $0x1  }
0x1ad: {  	v6 =	vmul.f32 v8, v6;
	v9 =	vmul.f32 v9, v4;
	_ =	sdelay $0x1  }
0x1ae: {  	v10 =	vsub.f32 $1.500000000e+00, v6;
	v6 =	vmax.f32 v2, $1.000000000e+00;
	v9 =	vsub.f32 $1.500000000e+00, v9  }
0x1af: {  	v11 =	vshrl.u32 v6, $0x1;
	v6 =	vmul.f32 $5.000000000e-01, v6  }
0x1b0: {  	s12 =	simm.s32 $0x30;
	v13 =	vmul.f32 v8, v10;
	v10 =	vsub.s32 $0x5F3759DF, v11;
	v14 =	vmul.f32 v9, v4  }
0x1b1: {  	v4 =	vld [tilespmem:s12+$0x11040];
	v8 =	vmul.f32 v10, v6  }
0x1b2: {  	v9 =	vmul.f32 v13, v7;
	v5 =	vmul.f32 v14, v5  }
0x1b3: {  	v8 =	vmul.f32 v10, v8  }
0x1b4: {  	v9 =	vmul.f32 v9, v13;
	v5 =	vmul.f32 v5, v14  }
0x1b5: {  	v11 =	vsub.f32 $1.500000000e+00, v8  }
0x1b6: {  	v12 =	vld [tilespmem:s13+$0x11C80];
	v8 =	vmax.f32 v4, $1.000000000e+00;
	v9 =	vsub.f32 $1.500000000e+00, v9;
	v5 =	vsub.f32 $1.500000000e+00, v5  }
0x1b7: {  	v16 =	vshrl.u32 v8, $0x1;
	v8 =	vmul.f32 $5.000000000e-01, v8;
	v10 =	vmul.f32 v10, v11  }
0x1b8: {  	s14 =	simm.s32 $0x40;
	v11 =	vsub.s32 $0x5F3759DF, v16;
	v9 =	vmul.f32 v9, v13;
	v13 =	vmul.f32 v5, v14  }
0x1b9: {  	s15 =	simm.s32 $0x140;
	vm0 =	vgt.f32 v15, $0.0e+00;
	v5 =	vld [tilespmem:s14+$0x11040];
	v14 =	vmul.f32 v11, v8  }
.LBB2_10:
0x1ba: {  	p2 =	sne.s32 s15, $0x30C0;
	v15 =	vmul.f32 v10, v6;
	v16 =	vmul.f32 v9, v7;
	v13 =	vnsel vm0, $0x0, v13;
	v7 =	vmovc v6;
	v6 =	vmovc v8  }
0x1bb: {  	v17 =	vmov v4;
	v8 =	vmul.f32 v11, v14;
	v12 =	vmul.f32 v13, v12  }
0x1bc: {  	v18 =	vmul.f32 v15, v10;
	v14 =	vmul.f32 v16, v9  }
.Ltmp5:
0x1bd: {  	v13 =	vmul.f32 v13, v13;
	v15 =	vsub.f32 $1.500000000e+00, v8;
	[tilespmem:s13+$0x11C80] =	vst v12;
	(pc) =	sbr.rel @p2 .LBB2_10-.Ltmp5, $4  }
0x1be: {  	v8 =	vmax.f32 v5, $1.000000000e+00;
	v16 =	vsub.f32 $1.500000000e+00, v18;
	v14 =	vsub.f32 $1.500000000e+00, v14;
	v12 =	vld [tilespmem:s11+$0x11C80];
	v4 =	vmovc v5  }
0x1bf: {  	v5 =	vshrl.u32 v8, $0x1;
	v8 =	vmul.f32 $5.000000000e-01, v8;
	v15 =	vmul.f32 v11, v15;
	[tilespmem:s13+$0x128C0] =	vst v13;
	s13 =	smov.u32 s11;
	s11 =	smov.u32 s29;
	s29 =	smov.u32 s12  }
0x1c0: {  	s12 =	smov.u32 s14;
	s14 =	sshra.s32 s15, $0x2;
	v11 =	vsub.s32 $0x5F3759DF, v5;
	v13 =	vmul.f32 v14, v9;
	v9 =	vmul.f32 v16, v10  }
0x1c1: {  	vm0 =	vgt.f32 v3, $0.0e+00;
	v3 =	vmovc v2;
	v2 =	vmovc v17;
	s15 =	sadd.s32 $0x40, s15;
	v5 =	vld [tilespmem:s14+$0x11040];
	v14 =	vmul.f32 v11, v8;
	v10 =	vmov v15  }
0x1c2: {  	v15 =	vmul.f32 v10, v6;
	v7 =	vmul.f32 v9, v7;
	v13 =	vnsel vm0, $0x0, v13  }
0x1c3: {  	v14 =	vmul.f32 v11, v14;
	v12 =	vmul.f32 v13, v12  }
0x1c4: {  	v15 =	vmul.f32 v15, v10;
	v7 =	vmul.f32 v7, v9  }
0x1c5: {  	v14 =	vsub.f32 $1.500000000e+00, v14;
	[tilespmem:s13+$0x11C80] =	vst v12  }
0x1c6: {  	v44 =	vmax.f32 v5, $1.000000000e+00;
	v15 =	vsub.f32 $1.500000000e+00, v15;
	v7 =	vsub.f32 $1.500000000e+00, v7;
	v16 =	vld [tilespmem:s11+$0x11C80]  }
0x1c7: {  	v17 =	vshrl.u32 v44, $0x1;
	v12 =	vmul.f32 $5.000000000e-01, v44;
	v45 =	vmul.f32 v11, v14  }
0x1c8: {  	v46 =	vsub.s32 $0x5F3759DF, v17;
	v47 =	vmul.f32 v15, v10;
	v7 =	vmul.f32 v7, v9  }
0x1c9: {  	vm12 =	vgt.f32 v3, $0.0e+00;
	v48 =	vmul.f32 v13, v13;
	v49 =	vmul.f32 v46, v12  }
0x1ca: {  	v3 =	vmul.f32 v45, v8;
	v50 =	vmul.f32 v47, v6;
	v7 =	vnsel vm12, $0x0, v7  }
0x1cb: {  	v13 =	vmul.f32 v46, v49;
	v51 =	vmul.f32 v7, v16  }
0x1cc: {  	[tilespmem:s13+$0x128C0] =	vst v48;
	v3 =	vmul.f32 v3, v45;
	v6 =	vmul.f32 v50, v47  }
0x1cd: {  	v52 =	vsub.f32 $1.500000000e+00, v13;
	[tilespmem:s11+$0x11C80] =	vst v51  }
0x1ce: {  	v3 =	vsub.f32 $1.500000000e+00, v3;
	v6 =	vsub.f32 $1.500000000e+00, v6;
	v53 =	vld [tilespmem:s29+$0x11C80]  }
0x1cf: {  	v9 =	vmul.f32 v46, v52  }
0x1d0: {  	v3 =	vmul.f32 v3, v45;
	v6 =	vmul.f32 v6, v47  }
0x1d1: {  	vm13 =	vgt.f32 v2, $0.0e+00;
	v7 =	vmul.f32 v7, v7  }
0x1d2: {  	v2 =	vmul.f32 v9, v12;
	v54 =	vmul.f32 v3, v8;
	v6 =	vnsel vm13, $0x0, v6  }
0x1d3: {  	v55 =	vmul.f32 v6, v53  }
0x1d4: {  	[tilespmem:s11+$0x128C0] =	vst v7;
	v2 =	vmul.f32 v2, v9;
	v56 =	vmul.f32 v54, v3  }
0x1d5: {  	[tilespmem:s29+$0x11C80] =	vst v55  }
0x1d6: {  	v2 =	vsub.f32 $1.500000000e+00, v2;
	v7 =	vsub.f32 $1.500000000e+00, v56;
	v57 =	vld [tilespmem:s12+$0x11C80];
	_ =	sdelay $0x1  }
0x1d7: {  	v2 =	vmul.f32 v2, v9;
	v3 =	vmul.f32 v7, v3  }
0x1d8: {  	vm14 =	vgt.f32 v4, $0.0e+00  }
0x1d9: {  	v58 =	vmul.f32 v6, v6;
	v59 =	vmul.f32 v2, v12;
	v3 =	vnsel vm14, $0x0, v3  }
0x1da: {  	v60 =	vmul.f32 v3, v57  }
0x1db: {  	[tilespmem:s29+$0x128C0] =	vst v58;
	v61 =	vmul.f32 v59, v2  }
0x1dc: {  	[tilespmem:s12+$0x11C80] =	vst v60  }
0x1dd: {  	v4 =	vsub.f32 $1.500000000e+00, v61;
	v62 =	vld [tilespmem:s14+$0x11C80];
	_ =	sdelay $0x1  }
0x1de: {  	s11 =	sld [smem:$0x7FB];
	v2 =	vmul.f32 v4, v2  }
0x1df: {  	vm15 =	vgt.f32 v5, $0.0e+00  }
0x1e0: {  	v3 =	vmul.f32 v3, v3;
	v2 =	vnsel vm15, $0x0, v2  }
0x1e1: {  	s8 =	sadd.s32 @p1 s11, s8;
	s11 =	sld [smem:$0x7DB];
	v63 =	vmul.f32 v2, v62  }
0x1e2: {  	[tilespmem:s12+$0x128C0] =	vst v3;
	v2 =	vmul.f32 v2, v2  }
0x1e3: {  	s8 =	sshrl.u32 @p1 s8, $0x3;
	[tilespmem:s14+$0x11C80] =	vst v63  }
0x1e4: {  	s8 =	sadd.s32 @p1 s11, s8;
	s11 =	simm.s32 @p1 $0x0;
	s12 =	simm.s32 @p1 $0x128C0;
	[tilespmem:s14+$0x128C0] =	vst v2  }
0x1e5: {  	[hbm4b:s8+s11] =	stream.linear.scatter @p1 [tilespmem:s12], [sflag:$0x3], $0xC40, $0x38;
	[tilespmem:$0x1F900] =	vst v63  }
0x1e6: {  	s8 =	simm.s32 @p1 $0x3  }
0x1e7: {  	_ =	swait.ge @p1 [sflag:s8], $0xC40  }
0x1e8: {  	[sflag:s8] =	ssyncset.done @p1 $0x0  }
0x1e9: {  	s10 =	sadd.s32 $0x1, s10;
	[sflag:s8] =	ssyncadd.s32 @p1 $0xFFFFF3C0  }
0x1ea: {  	p2 =	sne.s32 s10, $0x10;
	s8 =	rddreg [dreg:$0x1]  }
.Ltmp6:
0x1eb: {  	s8 =	sadd.s32 s8, s9;
	(pc) =	sbr.rel @p2 .LBB2_9-.Ltmp6, $4  }
0x1ec: {  	[hbm4b:s8+s4] =	stream.linear.scatter [tilespmem:s2], [sflag:$0x3], $0xC40, $0x38;
	[tilespmem:$0x1F900] =	vst v63  }
0x1ed: {  	_ =	swait.ge [sflag:s25], $0xC40  }
0x1ee: {  	[sflag:s25] =	ssyncset.done $0x0  }
0x1ef: {  	[sflag:s25] =	ssyncadd.s32 $0xFFFFF3C0  }
.Ltmp7:
0x1f0: {  	(pc) =	sbr.rel @p1 .LBB2_8-.Ltmp7, $4  }
.Ltmp8:
0x1f1: {  	(pc) =	sbr.rel @!p1 .LBB2_13-.Ltmp8, $4  }
0x1f2: {  	_ = 	snop  }
0x1f3: {  	_ = 	snop  }
0x1f4: {  	s28 =	simm.s32 $0x0;
	s8 =	simm.s32 $0x2;
	p2 =	por $0x0, $0x0  }
0x1f5: {  	_ = 	snop  }
.LBB2_21:
0x1f6: {  	s28 =	sadd.s32 $0x1, s28  }
0x1f7: {  	p1 =	sne.s32 s28, $0x6  }
.Ltmp9:
0x1f8: {  	_ = 	snop;
	(pc) =	sbr.rel @!p1 .LBB2_22-.Ltmp9, $3  }
0x1f9: {  	_ = 	snop  }
0x1fa: {  	s7 =	sld [smem:$0x7FD];
	_ =	sdelay $0x1  }
0x1fb: {  	s6 =	simm.s32 $0x2400  }
.LBB2_13:
0x1fc: {  	s8 =	sld [smem:$0x7DC];
	_ =	sdelay $0x1  }
0x1fd: {  	s10 =	simm.s32 $0x10400;
	s5 =	sld [smem:$0x7DD]  }
0x1fe: {  	[spmem:s8] =	stream.linear.scatter [tilespmem:s10], [sflag:$0x1], $0xC40, $0x38;
	[tilespmem:$0x1F900] =	vst v63  }
0x1ff: {  	s9 =	sld [smem:$0x7DE]  }
0x200: {  	[spmem:s5] =	stream.linear.scatter [tilespmem:s10], [sflag:$0x1], $0xC40, $0x38;
	[tilespmem:$0x1F900] =	vst v63  }
0x201: {  	s11 =	sld [smem:$0x7E0]  }
0x202: {  	[spmem:s9] =	stream.linear.scatter [tilespmem:s10], [sflag:$0x1], $0xC40, $0x38;
	[tilespmem:$0x1F900] =	vst v63  }
0x203: {  	s12 =	sld [smem:$0x7E2]  }
0x204: {  	[spmem:s11] =	stream.linear.scatter [tilespmem:s10], [sflag:$0x1], $0xC40, $0x38;
	[tilespmem:$0x1F900] =	vst v63  }
0x205: {  	s13 =	sld [smem:$0x7E4]  }
0x206: {  	[spmem:s12] =	stream.linear.scatter [tilespmem:s10], [sflag:$0x1], $0xC40, $0x38;
	[tilespmem:$0x1F900] =	vst v63  }
0x207: {  	s14 =	sld [smem:$0x7E6]  }
0x208: {  	[spmem:s13] =	stream.linear.scatter [tilespmem:s10], [sflag:$0x1], $0xC40, $0x38;
	[tilespmem:$0x1F900] =	vst v63  }
0x209: {  	s15 =	sld [smem:$0x7E8]  }
0x20a: {  	[spmem:s14] =	stream.linear.scatter [tilespmem:s10], [sflag:$0x1], $0xC40, $0x38;
	[tilespmem:$0x1F900] =	vst v63  }
0x20b: {  	s16 =	sld [smem:$0x7EA]  }
0x20c: {  	[spmem:s15] =	stream.linear.scatter [tilespmem:s10], [sflag:$0x1], $0xC40, $0x38;
	[tilespmem:$0x1F900] =	vst v63  }
0x20d: {  	s17 =	sld [smem:$0x7EC]  }
0x20e: {  	[spmem:s16] =	stream.linear.scatter [tilespmem:s10], [sflag:$0x1], $0xC40, $0x38;
	[tilespmem:$0x1F900] =	vst v63  }
0x20f: {  	s18 =	sld [smem:$0x7EE]  }
0x210: {  	[spmem:s17] =	stream.linear.scatter [tilespmem:s10], [sflag:$0x1], $0xC40, $0x38;
	[tilespmem:$0x1F900] =	vst v63  }
0x211: {  	s19 =	sld [smem:$0x7F0]  }
0x212: {  	[spmem:s18] =	stream.linear.scatter [tilespmem:s10], [sflag:$0x1], $0xC40, $0x38;
	[tilespmem:$0x1F900] =	vst v63  }
0x213: {  	s20 =	sld [smem:$0x7F3]  }
0x214: {  	[spmem:s19] =	stream.linear.scatter [tilespmem:s10], [sflag:$0x1], $0xC40, $0x38;
	[tilespmem:$0x1F900] =	vst v63  }
0x215: {  	s21 =	sld [smem:$0x7F4]  }
0x216: {  	[spmem:s20] =	stream.linear.scatter [tilespmem:s10], [sflag:$0x1], $0xC40, $0x38;
	[tilespmem:$0x1F900] =	vst v63  }
0x217: {  	s22 =	sld [smem:$0x7F5]  }
0x218: {  	[spmem:s21] =	stream.linear.scatter [tilespmem:s10], [sflag:$0x1], $0xC40, $0x38;
	[tilespmem:$0x1F900] =	vst v63  }
0x219: {  	s23 =	sld [smem:$0x7F6]  }
0x21a: {  	[spmem:s22] =	stream.linear.scatter [tilespmem:s10], [sflag:$0x1], $0xC40, $0x38;
	[tilespmem:$0x1F900] =	vst v63  }
0x21b: {  	_ = 	snop  }
0x21c: {  	[spmem:s23] =	stream.linear.scatter [tilespmem:s10], [sflag:$0x1], $0xC40, $0x38;
	[tilespmem:$0x1F900] =	vst v63  }
0x21d: {  	_ =	swait.ge [sflag:s1], $0xC40  }
0x21e: {  	[sflag:s1] =	ssyncset.done $0x0  }
0x21f: {  	[sflag:s1] =	ssyncadd.s32 $0xFFFFF3C0  }
0x220: {  	_ =	swait.ge [sflag:s1], $0xC40  }
0x221: {  	[sflag:s1] =	ssyncset.done $0x0  }
0x222: {  	[sflag:s1] =	ssyncadd.s32 $0xFFFFF3C0  }
0x223: {  	_ =	swait.ge [sflag:s1], $0xC40  }
0x224: {  	[sflag:s1] =	ssyncset.done $0x0  }
0x225: {  	[sflag:s1] =	ssyncadd.s32 $0xFFFFF3C0  }
0x226: {  	_ =	swait.ge [sflag:s1], $0xC40  }
0x227: {  	[sflag:s1] =	ssyncset.done $0x0  }
0x228: {  	[sflag:s1] =	ssyncadd.s32 $0xFFFFF3C0  }
0x229: {  	_ =	swait.ge [sflag:s1], $0xC40  }
0x22a: {  	[sflag:s1] =	ssyncset.done $0x0  }
0x22b: {  	[sflag:s1] =	ssyncadd.s32 $0xFFFFF3C0  }
0x22c: {  	_ =	swait.ge [sflag:s1], $0xC40  }
0x22d: {  	[sflag:s1] =	ssyncset.done $0x0  }
0x22e: {  	[sflag:s1] =	ssyncadd.s32 $0xFFFFF3C0  }
0x22f: {  	_ =	swait.ge [sflag:s1], $0xC40  }
0x230: {  	[sflag:s1] =	ssyncset.done $0x0  }
0x231: {  	[sflag:s1] =	ssyncadd.s32 $0xFFFFF3C0  }
0x232: {  	_ =	swait.ge [sflag:s1], $0xC40  }
0x233: {  	[sflag:s1] =	ssyncset.done $0x0  }
0x234: {  	[sflag:s1] =	ssyncadd.s32 $0xFFFFF3C0  }
0x235: {  	_ =	swait.ge [sflag:s1], $0xC40  }
0x236: {  	[sflag:s1] =	ssyncset.done $0x0  }
0x237: {  	[sflag:s1] =	ssyncadd.s32 $0xFFFFF3C0  }
0x238: {  	_ =	swait.ge [sflag:s1], $0xC40  }
0x239: {  	[sflag:s1] =	ssyncset.done $0x0  }
0x23a: {  	[sflag:s1] =	ssyncadd.s32 $0xFFFFF3C0  }
0x23b: {  	_ =	swait.ge [sflag:s1], $0xC40  }
0x23c: {  	[sflag:s1] =	ssyncset.done $0x0  }
0x23d: {  	[sflag:s1] =	ssyncadd.s32 $0xFFFFF3C0  }
0x23e: {  	_ =	swait.ge [sflag:s1], $0xC40  }
0x23f: {  	[sflag:s1] =	ssyncset.done $0x0  }
0x240: {  	[sflag:s1] =	ssyncadd.s32 $0xFFFFF3C0  }
0x241: {  	_ =	swait.ge [sflag:s1], $0xC40  }
0x242: {  	[sflag:s1] =	ssyncset.done $0x0  }
0x243: {  	[sflag:s1] =	ssyncadd.s32 $0xFFFFF3C0  }
0x244: {  	_ =	swait.ge [sflag:s1], $0xC40  }
0x245: {  	[sflag:s1] =	ssyncset.done $0x0  }
0x246: {  	[sflag:s1] =	ssyncadd.s32 $0xFFFFF3C0  }
0x247: {  	_ =	swait.ge [sflag:s1], $0xC40  }
0x248: {  	[sflag:s1] =	ssyncset.done $0x0  }
0x249: {  	[sflag:s1] =	ssyncadd.s32 $0xFFFFF3C0  }
0x24a: {  	_ =	swait.ge [sflag:s1], $0xC40  }
0x24b: {  	[sflag:s1] =	ssyncset.done $0x0  }
0x24c: {  	[sflag:s1] =	ssyncadd.s32 $0xFFFFF3C0  }
0x24d: {  	[bflag:$0x0] =	sbarrier.arrive $0xFFFF  }
0x24e: {  	s30 =	rddreg [dreg:$0x4]  }
0x24f: {  	[smem:$0x7D6] =	sst s28;
	s8 =	sadd.s32 $0x0, s30  }
0x250: {  	[tilespmem:s4], [sflag:$0x3] =	stream.linear.gather [hbm4b:s8+s4], $0x700, $0x38;
	[tilespmem:$0x1F900] =	vst v63  }
0x251: {  	_ =	swait.ge [sflag:s25], $0x700  }
0x252: {  	s2 =	sshll.u32 s28, $0x1;
	[sflag:s25] =	ssyncset.done $0x0;
	s11 =	sld [smem:$0x7FA]  }
0x253: {  	s31 =	sand.u32 $0x2, s2;
	s10 =	sadd.s32 $0x0, s7;
	[sflag:s25] =	ssyncadd.s32 $0xFFFFF900  }
0x254: {  	[tilespmem:s0], [sflag:$0x3] =	stream.linear.gather [hbm4b:s10+s4], $0x700, $0x38;
	[tilespmem:$0x1F900] =	vst v63  }
0x255: {  	[smem:$0x7D7] =	sst s2;
	s2 =	sor.u32 s11, s31  }
0x256: {  	[smem:$0x7D8] =	sst s2  }
0x257: {  	_ =	swait.ge [sflag:s25], $0x700  }
0x258: {  	s11 =	smul.u32 $0x18800, s2;
	[sflag:s25] =	ssyncset.done $0x0  }
0x259: {  	s12 =	rddreg [dreg:$0x1]  }
0x25a: {  	s14 =	simm.s32 $0x1C00;
	[sflag:s25] =	ssyncadd.s32 $0xFFFFF900;
	s29 =	sadd.s32 s12, s11  }
0x25b: {  	[tilespmem:s14], [sflag:$0x1] =	stream.indirect.gather [hbm4b:s29+s26], $0x10, s4, s26, $0xb8;
	[tilespmem:$0x1F900] =	vst v63  }
0x25c: {  	_ = 	snop  }
0x25d: {  	[tilespmem:s6], [sflag:$0x1] =	stream.indirect.gather [hbm4b:s29+s26], $0x10, s26, s26, $0xb8;
	[tilespmem:$0x1F900] =	vst v63  }
0x25e: {  	s13 =	simm.s32 $0x2C00;
	s2 =	rddreg [dreg:$0x5]  }
0x25f: {  	[tilespmem:s13], [sflag:$0x1] =	stream.indirect.gather [hbm4b:s29+s26], $0x10, s2, s26, $0xb8;
	[tilespmem:$0x1F900] =	vst v63  }
0x260: {  	s16 =	simm.s32 $0x3400;
	s9 =	rddreg [dreg:$0x6]  }
0x261: {  	[tilespmem:s16], [sflag:$0x1] =	stream.indirect.gather [hbm4b:s29+s26], $0x10, s9, s26, $0xb8;
	[tilespmem:$0x1F900] =	vst v63  }
0x262: {  	s18 =	simm.s32 $0x3C00;
	s15 =	rddreg [dreg:$0x7]  }
0x263: {  	[tilespmem:s18], [sflag:$0x1] =	stream.indirect.gather [hbm4b:s29+s26], $0x10, s15, s26, $0xb8;
	[tilespmem:$0x1F900] =	vst v63  }
0x264: {  	s20 =	simm.s32 $0x4400;
	s17 =	rddreg [dreg:$0x8]  }
0x265: {  	[tilespmem:s20], [sflag:$0x1] =	stream.indirect.gather [hbm4b:s29+s26], $0x10, s17, s26, $0xb8;
	[tilespmem:$0x1F900] =	vst v63  }
0x266: {  	s22 =	simm.s32 $0x4C00;
	s19 =	rddreg [dreg:$0x9]  }
0x267: {  	[tilespmem:s22], [sflag:$0x1] =	stream.indirect.gather [hbm4b:s29+s26], $0x10, s19, s26, $0xb8;
	[tilespmem:$0x1F900] =	vst v63  }
0x268: {  	s30 =	simm.s32 $0x5400;
	s21 =	rddreg [dreg:$0xa]  }
0x269: {  	[tilespmem:s30], [sflag:$0x1] =	stream.indirect.gather [hbm4b:s29+s26], $0x10, s21, s26, $0xb8;
	[tilespmem:$0x1F900] =	vst v63  }
0x26a: {  	s28 =	simm.s32 $0x5C00;
	s23 =	rddreg [dreg:$0xb]  }
0x26b: {  	[tilespmem:s28], [sflag:$0x1] =	stream.indirect.gather [hbm4b:s29+s26], $0x10, s23, s26, $0xb8;
	[tilespmem:$0x1F900] =	vst v63  }
0x26c: {  	s31 =	rddreg [dreg:$0xc];
	s23 =	simm.s32 $0x6400  }
0x26d: {  	[tilespmem:s23], [sflag:$0x1] =	stream.indirect.gather [hbm4b:s29+s26], $0x10, s31, s26, $0xb8;
	[tilespmem:$0x1F900] =	vst v63  }
0x26e: {  	s2 =	rddreg [dreg:$0xd];
	s22 =	simm.s32 $0x6C00  }
0x26f: {  	[tilespmem:s22], [sflag:$0x1] =	stream.indirect.gather [hbm4b:s29+s26], $0x10, s2, s26, $0xb8;
	[tilespmem:$0x1F900] =	vst v63  }
0x270: {  	s0 =	smov.u32 s7;
	s7 =	rddreg [dreg:$0xe];
	s20 =	simm.s32 $0x7400  }
0x271: {  	[tilespmem:s20], [sflag:$0x1] =	stream.indirect.gather [hbm4b:s29+s26], $0x10, s7, s26, $0xb8;
	[tilespmem:$0x1F900] =	vst v63  }
0x272: {  	s9 =	rddreg [dreg:$0xf];
	s21 =	simm.s32 $0x7C00  }
0x273: {  	[tilespmem:s21], [sflag:$0x1] =	stream.indirect.gather [hbm4b:s29+s26], $0x10, s9, s26, $0xb8;
	[tilespmem:$0x1F900] =	vst v63  }
0x274: {  	s13 =	rddreg [dreg:$0x10];
	s19 =	simm.s32 $0x8400  }
0x275: {  	[tilespmem:s19], [sflag:$0x1] =	stream.indirect.gather [hbm4b:s29+s26], $0x10, s13, s26, $0xb8;
	[tilespmem:$0x1F900] =	vst v63  }
0x276: {  	s8 =	sadd.s32 $0xE0, s8;
	s18 =	simm.s32 $0x700  }
0x277: {  	[tilespmem:s18], [sflag:$0x3] =	stream.linear.gather [hbm4b:s8+s4], $0x700, $0x38;
	[tilespmem:$0x1F900] =	vst v63  }
0x278: {  	_ =	swait.ge [sflag:s25], $0x700  }
0x279: {  	[sflag:s25] =	ssyncset.done $0x0  }
0x27a: {  	s16 =	simm.s32 $0x1500;
	s15 =	sadd.s32 $0xE0, s10;
	[sflag:s25] =	ssyncadd.s32 $0xFFFFF900  }
0x27b: {  	[tilespmem:s16], [sflag:$0x3] =	stream.linear.gather [hbm4b:s15+s4], $0x700, $0x38;
	[tilespmem:$0x1F900] =	vst v63  }
0x27c: {  	_ =	swait.ge [sflag:s25], $0x700  }
0x27d: {  	[sflag:s25] =	ssyncset.done $0x0  }
0x27e: {  	[sflag:s25] =	ssyncadd.s32 $0xFFFFF900  }
0x27f: {  	_ =	swait.ge [sflag:s1], $0x800  }
0x280: {  	[sflag:s1] =	ssyncset.done $0x0  }
0x281: {  	[sflag:s1] =	ssyncadd.s32 $0xFFFFF800  }
0x282: {  	_ =	swait.ge [sflag:s1], $0x800  }
0x283: {  	[sflag:s1] =	ssyncset.done $0x0  }
0x284: {  	[sflag:s1] =	ssyncadd.s32 $0xFFFFF800  }
0x285: {  	_ =	swait.ge [sflag:s1], $0x800  }
0x286: {  	[sflag:s1] =	ssyncset.done $0x0  }
0x287: {  	[sflag:s1] =	ssyncadd.s32 $0xFFFFF800  }
0x288: {  	_ =	swait.ge [sflag:s1], $0x800  }
0x289: {  	[sflag:s1] =	ssyncset.done $0x0  }
0x28a: {  	[sflag:s1] =	ssyncadd.s32 $0xFFFFF800  }
0x28b: {  	_ =	swait.ge [sflag:s1], $0x800  }
0x28c: {  	[sflag:s1] =	ssyncset.done $0x0  }
0x28d: {  	[sflag:s1] =	ssyncadd.s32 $0xFFFFF800  }
0x28e: {  	_ =	swait.ge [sflag:s1], $0x800  }
0x28f: {  	[sflag:s1] =	ssyncset.done $0x0  }
0x290: {  	[sflag:s1] =	ssyncadd.s32 $0xFFFFF800  }
0x291: {  	_ =	swait.ge [sflag:s1], $0x800  }
0x292: {  	[sflag:s1] =	ssyncset.done $0x0  }
0x293: {  	[sflag:s1] =	ssyncadd.s32 $0xFFFFF800  }
0x294: {  	_ =	swait.ge [sflag:s1], $0x800  }
0x295: {  	[sflag:s1] =	ssyncset.done $0x0  }
0x296: {  	[sflag:s1] =	ssyncadd.s32 $0xFFFFF800  }
0x297: {  	_ =	swait.ge [sflag:s1], $0x800  }
0x298: {  	[sflag:s1] =	ssyncset.done $0x0  }
0x299: {  	[sflag:s1] =	ssyncadd.s32 $0xFFFFF800  }
0x29a: {  	_ =	swait.ge [sflag:s1], $0x800  }
0x29b: {  	[sflag:s1] =	ssyncset.done $0x0  }
0x29c: {  	[sflag:s1] =	ssyncadd.s32 $0xFFFFF800  }
0x29d: {  	_ =	swait.ge [sflag:s1], $0x800  }
0x29e: {  	[sflag:s1] =	ssyncset.done $0x0  }
0x29f: {  	[sflag:s1] =	ssyncadd.s32 $0xFFFFF800  }
0x2a0: {  	_ =	swait.ge [sflag:s1], $0x800  }
0x2a1: {  	[sflag:s1] =	ssyncset.done $0x0  }
0x2a2: {  	[sflag:s1] =	ssyncadd.s32 $0xFFFFF800  }
0x2a3: {  	_ =	swait.ge [sflag:s1], $0x800  }
0x2a4: {  	[sflag:s1] =	ssyncset.done $0x0  }
0x2a5: {  	[sflag:s1] =	ssyncadd.s32 $0xFFFFF800  }
0x2a6: {  	_ =	swait.ge [sflag:s1], $0x800  }
0x2a7: {  	[sflag:s1] =	ssyncset.done $0x0  }
0x2a8: {  	s6 =	simm.s32 $0xE00;
	[sflag:s1] =	ssyncadd.s32 $0xFFFFF800  }
0x2a9: {  	[spmem:s3] =	stream.indirect.scatter.add.f32 [tilespmem:s14], [sflag:$0x2], $0x10, s6, s26, $0xb8;
	[tilespmem:$0x1F900] =	vst v63  }
0x2aa: {  	s5 =	simm.s32 $0x2400;
	s17 =	simm.s32 $0xE80  }
0x2ab: {  	[spmem:s3] =	stream.indirect.scatter.add.f32 [tilespmem:s5], [sflag:$0x2], $0x10, s17, s26, $0xb8;
	[tilespmem:$0x1F900] =	vst v63  }
0x2ac: {  	s31 =	simm.s32 $0x2C00;
	s2 =	simm.s32 $0xF00  }
0x2ad: {  	[spmem:s3] =	stream.indirect.scatter.add.f32 [tilespmem:s31], [sflag:$0x2], $0x10, s2, s26, $0xb8;
	[tilespmem:$0x1F900] =	vst v63  }
0x2ae: {  	s5 =	simm.s32 $0xF80;
	s31 =	simm.s32 $0x3400  }
0x2af: {  	[spmem:s3] =	stream.indirect.scatter.add.f32 [tilespmem:s31], [sflag:$0x2], $0x10, s5, s26, $0xb8;
	[tilespmem:$0x1F900] =	vst v63  }
0x2b0: {  	s7 =	simm.s32 $0x1000;
	s5 =	simm.s32 $0x3C00  }
0x2b1: {  	[spmem:s3] =	stream.indirect.scatter.add.f32 [tilespmem:s5], [sflag:$0x2], $0x10, s7, s26, $0xb8;
	[tilespmem:$0x1F900] =	vst v63  }
0x2b2: {  	s8 =	simm.s32 $0x1080;
	s7 =	simm.s32 $0x4400  }
0x2b3: {  	[spmem:s3] =	stream.indirect.scatter.add.f32 [tilespmem:s7], [sflag:$0x2], $0x10, s8, s26, $0xb8;
	[tilespmem:$0x1F900] =	vst v63  }
0x2b4: {  	s9 =	simm.s32 $0x1100;
	s8 =	simm.s32 $0x4C00  }
0x2b5: {  	[spmem:s3] =	stream.indirect.scatter.add.f32 [tilespmem:s8], [sflag:$0x2], $0x10, s9, s26, $0xb8;
	[tilespmem:$0x1F900] =	vst v63  }
0x2b6: {  	s10 =	simm.s32 $0x1180  }
0x2b7: {  	[spmem:s3] =	stream.indirect.scatter.add.f32 [tilespmem:s30], [sflag:$0x2], $0x10, s10, s26, $0xb8;
	[tilespmem:$0x1F900] =	vst v63  }
0x2b8: {  	s11 =	simm.s32 $0x1200  }
0x2b9: {  	[spmem:s3] =	stream.indirect.scatter.add.f32 [tilespmem:s28], [sflag:$0x2], $0x10, s11, s26, $0xb8;
	[tilespmem:$0x1F900] =	vst v63  }
0x2ba: {  	s12 =	simm.s32 $0x1280  }
0x2bb: {  	[spmem:s3] =	stream.indirect.scatter.add.f32 [tilespmem:s23], [sflag:$0x2], $0x10, s12, s26, $0xb8;
	[tilespmem:$0x1F900] =	vst v63  }
0x2bc: {  	s13 =	simm.s32 $0x1300  }
0x2bd: {  	[spmem:s3] =	stream.indirect.scatter.add.f32 [tilespmem:s22], [sflag:$0x2], $0x10, s13, s26, $0xb8;
	[tilespmem:$0x1F900] =	vst v63  }
0x2be: {  	s17 =	simm.s32 $0x1380  }
0x2bf: {  	[spmem:s3] =	stream.indirect.scatter.add.f32 [tilespmem:s20], [sflag:$0x2], $0x10, s17, s26, $0xb8;
	[tilespmem:$0x1F900] =	vst v63  }
0x2c0: {  	s15 =	simm.s32 $0x1400  }
0x2c1: {  	[spmem:s3] =	stream.indirect.scatter.add.f32 [tilespmem:s21], [sflag:$0x2], $0x10, s15, s26, $0xb8;
	[tilespmem:$0x1F900] =	vst v63  }
0x2c2: {  	s16 =	simm.s32 $0x1480  }
0x2c3: {  	[spmem:s3] =	stream.indirect.scatter.add.f32 [tilespmem:s19], [sflag:$0x2], $0x10, s16, s26, $0xb8;
	[tilespmem:$0x1F900] =	vst v63  }
0x2c4: {  	s21 =	simm.s32 $0x8C00  }
0x2c5: {  	[tilespmem:s21], [sflag:$0x1] =	stream.indirect.gather [hbm4b:s29+s26], $0x10, s18, s26, $0xb8;
	[tilespmem:$0x1F900] =	vst v63  }
0x2c6: {  	s28 =	rddreg [dreg:$0x11];
	s20 =	simm.s32 $0x9400  }
0x2c7: {  	[tilespmem:s20], [sflag:$0x1] =	stream.indirect.gather [hbm4b:s29+s26], $0x10, s28, s26, $0xb8;
	[tilespmem:$0x1F900] =	vst v63  }
0x2c8: {  	s30 =	rddreg [dreg:$0x12];
	s19 =	simm.s32 $0x9C00  }
0x2c9: {  	[tilespmem:s19], [sflag:$0x1] =	stream.indirect.gather [hbm4b:s29+s26], $0x10, s30, s26, $0xb8;
	[tilespmem:$0x1F900] =	vst v63  }
0x2ca: {  	s31 =	rddreg [dreg:$0x13];
	s18 =	simm.s32 $0xA400  }
0x2cb: {  	[tilespmem:s18], [sflag:$0x1] =	stream.indirect.gather [hbm4b:s29+s26], $0x10, s31, s26, $0xb8;
	[tilespmem:$0x1F900] =	vst v63  }
0x2cc: {  	s2 =	rddreg [dreg:$0x14];
	s17 =	simm.s32 $0xAC00  }
0x2cd: {  	[tilespmem:s17], [sflag:$0x1] =	stream.indirect.gather [hbm4b:s29+s26], $0x10, s2, s26, $0xb8;
	[tilespmem:$0x1F900] =	vst v63  }
0x2ce: {  	s5 =	rddreg [dreg:$0x15];
	s16 =	simm.s32 $0xB400  }
0x2cf: {  	[tilespmem:s16], [sflag:$0x1] =	stream.indirect.gather [hbm4b:s29+s26], $0x10, s5, s26, $0xb8;
	[tilespmem:$0x1F900] =	vst v63  }
0x2d0: {  	s7 =	rddreg [dreg:$0x16];
	s15 =	simm.s32 $0xBC00  }
0x2d1: {  	[tilespmem:s15], [sflag:$0x1] =	stream.indirect.gather [hbm4b:s29+s26], $0x10, s7, s26, $0xb8;
	[tilespmem:$0x1F900] =	vst v63  }
0x2d2: {  	s9 =	rddreg [dreg:$0x17];
	s13 =	simm.s32 $0xC400  }
0x2d3: {  	[tilespmem:s13], [sflag:$0x1] =	stream.indirect.gather [hbm4b:s29+s26], $0x10, s9, s26, $0xb8;
	[tilespmem:$0x1F900] =	vst v63  }
0x2d4: {  	s11 =	rddreg [dreg:$0x18];
	s12 =	simm.s32 $0xCC00  }
0x2d5: {  	[tilespmem:s12], [sflag:$0x1] =	stream.indirect.gather [hbm4b:s29+s26], $0x10, s11, s26, $0xb8;
	[tilespmem:$0x1F900] =	vst v63  }
0x2d6: {  	s22 =	rddreg [dreg:$0x19];
	s11 =	simm.s32 $0xD400  }
0x2d7: {  	[tilespmem:s11], [sflag:$0x1] =	stream.indirect.gather [hbm4b:s29+s26], $0x10, s22, s26, $0xb8;
	[tilespmem:$0x1F900] =	vst v63  }
0x2d8: {  	s23 =	rddreg [dreg:$0x1a];
	s9 =	simm.s32 $0xDC00  }
0x2d9: {  	[tilespmem:s9], [sflag:$0x1] =	stream.indirect.gather [hbm4b:s29+s26], $0x10, s23, s26, $0xb8;
	[tilespmem:$0x1F900] =	vst v63  }
0x2da: {  	s28 =	rddreg [dreg:$0x1b];
	s7 =	simm.s32 $0xE400  }
0x2db: {  	[tilespmem:s7], [sflag:$0x1] =	stream.indirect.gather [hbm4b:s29+s26], $0x10, s28, s26, $0xb8;
	[tilespmem:$0x1F900] =	vst v63  }
0x2dc: {  	s30 =	rddreg [dreg:$0x1c];
	s5 =	simm.s32 $0xEC00  }
0x2dd: {  	[tilespmem:s5], [sflag:$0x1] =	stream.indirect.gather [hbm4b:s29+s26], $0x10, s30, s26, $0xb8;
	[tilespmem:$0x1F900] =	vst v63  }
0x2de: {  	s31 =	rddreg [dreg:$0x1d];
	s2 =	simm.s32 $0xF400  }
0x2df: {  	[tilespmem:s2], [sflag:$0x1] =	stream.indirect.gather [hbm4b:s29+s26], $0x10, s31, s26, $0xb8;
	[tilespmem:$0x1F900] =	vst v63  }
0x2e0: {  	_ =	swait.ge [sflag:s24], $0x800  }
0x2e1: {  	[sflag:s24] =	ssyncset.done $0x0  }
0x2e2: {  	[sflag:s24] =	ssyncadd.s32 $0xFFFFF800  }
0x2e3: {  	_ =	swait.ge [sflag:s24], $0x800  }
0x2e4: {  	[sflag:s24] =	ssyncset.done $0x0  }
0x2e5: {  	[sflag:s24] =	ssyncadd.s32 $0xFFFFF800  }
0x2e6: {  	_ =	swait.ge [sflag:s24], $0x800  }
0x2e7: {  	[sflag:s24] =	ssyncset.done $0x0  }
0x2e8: {  	[sflag:s24] =	ssyncadd.s32 $0xFFFFF800  }
0x2e9: {  	_ =	swait.ge [sflag:s24], $0x800  }
0x2ea: {  	[sflag:s24] =	ssyncset.done $0x0  }
0x2eb: {  	[sflag:s24] =	ssyncadd.s32 $0xFFFFF800  }
0x2ec: {  	_ =	swait.ge [sflag:s24], $0x800  }
0x2ed: {  	[sflag:s24] =	ssyncset.done $0x0  }
0x2ee: {  	[sflag:s24] =	ssyncadd.s32 $0xFFFFF800  }
0x2ef: {  	_ =	swait.ge [sflag:s24], $0x800  }
0x2f0: {  	[sflag:s24] =	ssyncset.done $0x0  }
0x2f1: {  	[sflag:s24] =	ssyncadd.s32 $0xFFFFF800  }
0x2f2: {  	_ =	swait.ge [sflag:s24], $0x800  }
0x2f3: {  	[sflag:s24] =	ssyncset.done $0x0  }
0x2f4: {  	[sflag:s24] =	ssyncadd.s32 $0xFFFFF800  }
0x2f5: {  	_ =	swait.ge [sflag:s24], $0x800  }
0x2f6: {  	[sflag:s24] =	ssyncset.done $0x0  }
0x2f7: {  	[sflag:s24] =	ssyncadd.s32 $0xFFFFF800  }
0x2f8: {  	_ =	swait.ge [sflag:s24], $0x800  }
0x2f9: {  	[sflag:s24] =	ssyncset.done $0x0  }
0x2fa: {  	[sflag:s24] =	ssyncadd.s32 $0xFFFFF800  }
0x2fb: {  	_ =	swait.ge [sflag:s24], $0x800  }
0x2fc: {  	[sflag:s24] =	ssyncset.done $0x0  }
0x2fd: {  	[sflag:s24] =	ssyncadd.s32 $0xFFFFF800  }
0x2fe: {  	_ =	swait.ge [sflag:s24], $0x800  }
0x2ff: {  	[sflag:s24] =	ssyncset.done $0x0  }
0x300: {  	[sflag:s24] =	ssyncadd.s32 $0xFFFFF800  }
0x301: {  	_ =	swait.ge [sflag:s24], $0x800  }
0x302: {  	[sflag:s24] =	ssyncset.done $0x0  }
0x303: {  	[sflag:s24] =	ssyncadd.s32 $0xFFFFF800  }
0x304: {  	_ =	swait.ge [sflag:s24], $0x800  }
0x305: {  	[sflag:s24] =	ssyncset.done $0x0  }
0x306: {  	[sflag:s24] =	ssyncadd.s32 $0xFFFFF800  }
0x307: {  	_ =	swait.ge [sflag:s24], $0x800  }
0x308: {  	[sflag:s24] =	ssyncset.done $0x0  }
0x309: {  	[sflag:s24] =	ssyncadd.s32 $0xFFFFF800  }
0x30a: {  	_ =	swait.ge [sflag:s1], $0x800  }
0x30b: {  	[sflag:s1] =	ssyncset.done $0x0  }
0x30c: {  	[sflag:s1] =	ssyncadd.s32 $0xFFFFF800  }
0x30d: {  	_ =	swait.ge [sflag:s1], $0x800  }
0x30e: {  	[sflag:s1] =	ssyncset.done $0x0  }
0x30f: {  	[sflag:s1] =	ssyncadd.s32 $0xFFFFF800  }
0x310: {  	_ =	swait.ge [sflag:s1], $0x800  }
0x311: {  	[sflag:s1] =	ssyncset.done $0x0  }
0x312: {  	[sflag:s1] =	ssyncadd.s32 $0xFFFFF800  }
0x313: {  	_ =	swait.ge [sflag:s1], $0x800  }
0x314: {  	[sflag:s1] =	ssyncset.done $0x0  }
0x315: {  	[sflag:s1] =	ssyncadd.s32 $0xFFFFF800  }
0x316: {  	_ =	swait.ge [sflag:s1], $0x800  }
0x317: {  	[sflag:s1] =	ssyncset.done $0x0  }
0x318: {  	[sflag:s1] =	ssyncadd.s32 $0xFFFFF800  }
0x319: {  	_ =	swait.ge [sflag:s1], $0x800  }
0x31a: {  	[sflag:s1] =	ssyncset.done $0x0  }
0x31b: {  	[sflag:s1] =	ssyncadd.s32 $0xFFFFF800  }
0x31c: {  	_ =	swait.ge [sflag:s1], $0x800  }
0x31d: {  	[sflag:s1] =	ssyncset.done $0x0  }
0x31e: {  	[sflag:s1] =	ssyncadd.s32 $0xFFFFF800  }
0x31f: {  	_ =	swait.ge [sflag:s1], $0x800  }
0x320: {  	[sflag:s1] =	ssyncset.done $0x0  }
0x321: {  	[sflag:s1] =	ssyncadd.s32 $0xFFFFF800  }
0x322: {  	_ =	swait.ge [sflag:s1], $0x800  }
0x323: {  	[sflag:s1] =	ssyncset.done $0x0  }
0x324: {  	[sflag:s1] =	ssyncadd.s32 $0xFFFFF800  }
0x325: {  	_ =	swait.ge [sflag:s1], $0x800  }
0x326: {  	[sflag:s1] =	ssyncset.done $0x0  }
0x327: {  	[sflag:s1] =	ssyncadd.s32 $0xFFFFF800  }
0x328: {  	_ =	swait.ge [sflag:s1], $0x800  }
0x329: {  	[sflag:s1] =	ssyncset.done $0x0  }
0x32a: {  	[sflag:s1] =	ssyncadd.s32 $0xFFFFF800  }
0x32b: {  	_ =	swait.ge [sflag:s1], $0x800  }
0x32c: {  	[sflag:s1] =	ssyncset.done $0x0  }
0x32d: {  	[sflag:s1] =	ssyncadd.s32 $0xFFFFF800  }
0x32e: {  	_ =	swait.ge [sflag:s1], $0x800  }
0x32f: {  	[sflag:s1] =	ssyncset.done $0x0  }
0x330: {  	[sflag:s1] =	ssyncadd.s32 $0xFFFFF800  }
0x331: {  	_ =	swait.ge [sflag:s1], $0x800  }
0x332: {  	[sflag:s1] =	ssyncset.done $0x0  }
0x333: {  	s23 =	simm.s32 $0x1500;
	s22 =	rddreg [dreg:$0x1e];
	[sflag:s1] =	ssyncadd.s32 $0xFFFFF800  }
0x334: {  	[spmem:s3] =	stream.indirect.scatter.add.f32 [tilespmem:s21], [sflag:$0x2], $0x10, s23, s26, $0xb8;
	[tilespmem:$0x1F900] =	vst v63  }
0x335: {  	s28 =	rddreg [dreg:$0x1f]  }
0x336: {  	[spmem:s3] =	stream.indirect.scatter.add.f32 [tilespmem:s20], [sflag:$0x2], $0x10, s22, s26, $0xb8;
	[tilespmem:$0x1F900] =	vst v63  }
0x337: {  	s30 =	sld [smem:$0x7DF]  }
0x338: {  	[spmem:s3] =	stream.indirect.scatter.add.f32 [tilespmem:s19], [sflag:$0x2], $0x10, s28, s26, $0xb8;
	[tilespmem:$0x1F900] =	vst v63  }
0x339: {  	s31 =	sld [smem:$0x7E1]  }
0x33a: {  	[spmem:s3] =	stream.indirect.scatter.add.f32 [tilespmem:s18], [sflag:$0x2], $0x10, s30, s26, $0xb8;
	[tilespmem:$0x1F900] =	vst v63  }
0x33b: {  	s18 =	sld [smem:$0x7E3]  }
0x33c: {  	[spmem:s3] =	stream.indirect.scatter.add.f32 [tilespmem:s17], [sflag:$0x2], $0x10, s31, s26, $0xb8;
	[tilespmem:$0x1F900] =	vst v63  }
0x33d: {  	s19 =	sld [smem:$0x7E5]  }
0x33e: {  	[spmem:s3] =	stream.indirect.scatter.add.f32 [tilespmem:s16], [sflag:$0x2], $0x10, s18, s26, $0xb8;
	[tilespmem:$0x1F900] =	vst v63  }
0x33f: {  	s20 =	sld [smem:$0x7E7]  }
0x340: {  	[spmem:s3] =	stream.indirect.scatter.add.f32 [tilespmem:s15], [sflag:$0x2], $0x10, s19, s26, $0xb8;
	[tilespmem:$0x1F900] =	vst v63  }
0x341: {  	s21 =	sld [smem:$0x7E9]  }
0x342: {  	[spmem:s3] =	stream.indirect.scatter.add.f32 [tilespmem:s13], [sflag:$0x2], $0x10, s20, s26, $0xb8;
	[tilespmem:$0x1F900] =	vst v63  }
0x343: {  	s22 =	sld [smem:$0x7EB]  }
0x344: {  	[spmem:s3] =	stream.indirect.scatter.add.f32 [tilespmem:s12], [sflag:$0x2], $0x10, s21, s26, $0xb8;
	[tilespmem:$0x1F900] =	vst v63  }
0x345: {  	s23 =	sld [smem:$0x7ED]  }
0x346: {  	[spmem:s3] =	stream.indirect.scatter.add.f32 [tilespmem:s11], [sflag:$0x2], $0x10, s22, s26, $0xb8;
	[tilespmem:$0x1F900] =	vst v63  }
0x347: {  	s28 =	sld [smem:$0x7EF]  }
0x348: {  	[spmem:s3] =	stream.indirect.scatter.add.f32 [tilespmem:s9], [sflag:$0x2], $0x10, s23, s26, $0xb8;
	[tilespmem:$0x1F900] =	vst v63  }
0x349: {  	s30 =	sld [smem:$0x7F1]  }
0x34a: {  	[spmem:s3] =	stream.indirect.scatter.add.f32 [tilespmem:s7], [sflag:$0x2], $0x10, s28, s26, $0xb8;
	[tilespmem:$0x1F900] =	vst v63  }
0x34b: {  	s31 =	sld [smem:$0x7F2]  }
0x34c: {  	[spmem:s3] =	stream.indirect.scatter.add.f32 [tilespmem:s5], [sflag:$0x2], $0x10, s30, s26, $0xb8;
	[tilespmem:$0x1F900] =	vst v63  }
0x34d: {  	_ = 	snop  }
0x34e: {  	[spmem:s3] =	stream.indirect.scatter.add.f32 [tilespmem:s2], [sflag:$0x2], $0x10, s31, s26, $0xb8;
	[tilespmem:$0x1F900] =	vst v63  }
0x34f: {  	_ =	swait.ge [sflag:s24], $0x800  }
0x350: {  	[sflag:s24] =	ssyncset.done $0x0  }
0x351: {  	[sflag:s24] =	ssyncadd.s32 $0xFFFFF800  }
0x352: {  	_ =	swait.ge [sflag:s24], $0x800  }
0x353: {  	[sflag:s24] =	ssyncset.done $0x0  }
0x354: {  	[sflag:s24] =	ssyncadd.s32 $0xFFFFF800  }
0x355: {  	_ =	swait.ge [sflag:s24], $0x800  }
0x356: {  	[sflag:s24] =	ssyncset.done $0x0  }
0x357: {  	[sflag:s24] =	ssyncadd.s32 $0xFFFFF800  }
0x358: {  	_ =	swait.ge [sflag:s24], $0x800  }
0x359: {  	[sflag:s24] =	ssyncset.done $0x0  }
0x35a: {  	[sflag:s24] =	ssyncadd.s32 $0xFFFFF800  }
0x35b: {  	_ =	swait.ge [sflag:s24], $0x800  }
0x35c: {  	[sflag:s24] =	ssyncset.done $0x0  }
0x35d: {  	[sflag:s24] =	ssyncadd.s32 $0xFFFFF800  }
0x35e: {  	_ =	swait.ge [sflag:s24], $0x800  }
0x35f: {  	[sflag:s24] =	ssyncset.done $0x0  }
0x360: {  	[sflag:s24] =	ssyncadd.s32 $0xFFFFF800  }
0x361: {  	_ =	swait.ge [sflag:s24], $0x800  }
0x362: {  	[sflag:s24] =	ssyncset.done $0x0  }
0x363: {  	[sflag:s24] =	ssyncadd.s32 $0xFFFFF800  }
0x364: {  	_ =	swait.ge [sflag:s24], $0x800  }
0x365: {  	[sflag:s24] =	ssyncset.done $0x0  }
0x366: {  	[sflag:s24] =	ssyncadd.s32 $0xFFFFF800  }
0x367: {  	_ =	swait.ge [sflag:s24], $0x800  }
0x368: {  	[sflag:s24] =	ssyncset.done $0x0  }
0x369: {  	[sflag:s24] =	ssyncadd.s32 $0xFFFFF800  }
0x36a: {  	_ =	swait.ge [sflag:s24], $0x800  }
0x36b: {  	[sflag:s24] =	ssyncset.done $0x0  }
0x36c: {  	[sflag:s24] =	ssyncadd.s32 $0xFFFFF800  }
0x36d: {  	_ =	swait.ge [sflag:s24], $0x800  }
0x36e: {  	[sflag:s24] =	ssyncset.done $0x0  }
0x36f: {  	[sflag:s24] =	ssyncadd.s32 $0xFFFFF800  }
0x370: {  	_ =	swait.ge [sflag:s24], $0x800  }
0x371: {  	[sflag:s24] =	ssyncset.done $0x0  }
0x372: {  	[sflag:s24] =	ssyncadd.s32 $0xFFFFF800  }
0x373: {  	_ =	swait.ge [sflag:s24], $0x800  }
0x374: {  	[sflag:s24] =	ssyncset.done $0x0  }
0x375: {  	[sflag:s24] =	ssyncadd.s32 $0xFFFFF800  }
0x376: {  	s6 =	simm.s32 $0x2400;
	s8 =	simm.s32 $0x1C0;
	_ =	swait.ge [sflag:s24], $0x800  }
0x377: {  	s10 =	simm.s32 $0x380;
	s11 =	rddreg [dreg:$0x4];
	[sflag:s24] =	ssyncset.done $0x0  }
.LBB2_14:
0x378: {  	[sflag:s24] =	ssyncadd.s32 $0xFFFFF800;
	s11 =	sadd.s32 s8, s11  }
0x379: {  	[tilespmem:s4], [sflag:$0x3] =	stream.linear.gather [hbm4b:s11+s4], $0x700, $0x38;
	[tilespmem:$0x1F900] =	vst v63  }
0x37a: {  	_ =	swait.ge [sflag:s25], $0x700  }
0x37b: {  	[sflag:s25] =	ssyncset.done $0x0  }
0x37c: {  	s12 =	sadd.s32 s8, s0;
	s7 =	simm.s32 $0xE00;
	[sflag:s25] =	ssyncadd.s32 $0xFFFFF900  }
0x37d: {  	[tilespmem:s7], [sflag:$0x3] =	stream.linear.gather [hbm4b:s12+s4], $0x700, $0x38;
	[tilespmem:$0x1F900] =	vst v63  }
0x37e: {  	_ =	swait.ge [sflag:s25], $0x700  }
0x37f: {  	[sflag:s25] =	ssyncset.done $0x0  }
0x380: {  	[sflag:s25] =	ssyncadd.s32 $0xFFFFF900  }
0x381: {  	[tilespmem:s14], [sflag:$0x1] =	stream.indirect.gather [hbm4b:s29+s26], $0x10, s4, s26, $0xb8;
	[tilespmem:$0x1F900] =	vst v63  }
0x382: {  	_ = 	snop  }
0x383: {  	[tilespmem:s6], [sflag:$0x1] =	stream.indirect.gather [hbm4b:s29+s26], $0x10, s26, s26, $0xb8;
	[tilespmem:$0x1F900] =	vst v63  }
0x384: {  	s2 =	simm.s32 $0x2C00;
	s14 =	rddreg [dreg:$0x5]  }
0x385: {  	[tilespmem:s2], [sflag:$0x1] =	stream.indirect.gather [hbm4b:s29+s26], $0x10, s14, s26, $0xb8;
	[tilespmem:$0x1F900] =	vst v63  }
0x386: {  	s5 =	simm.s32 $0x3400;
	s15 =	rddreg [dreg:$0x6]  }
0x387: {  	[tilespmem:s5], [sflag:$0x1] =	stream.indirect.gather [hbm4b:s29+s26], $0x10, s15, s26, $0xb8;
	[tilespmem:$0x1F900] =	vst v63  }
0x388: {  	s9 =	simm.s32 $0x3C00;
	s16 =	rddreg [dreg:$0x7]  }
0x389: {  	[tilespmem:s9], [sflag:$0x1] =	stream.indirect.gather [hbm4b:s29+s26], $0x10, s16, s26, $0xb8;
	[tilespmem:$0x1F900] =	vst v63  }
0x38a: {  	s17 =	rddreg [dreg:$0x8];
	s15 =	simm.s32 $0x4400  }
0x38b: {  	[tilespmem:s15], [sflag:$0x1] =	stream.indirect.gather [hbm4b:s29+s26], $0x10, s17, s26, $0xb8;
	[tilespmem:$0x1F900] =	vst v63  }
0x38c: {  	s18 =	rddreg [dreg:$0x9];
	s16 =	simm.s32 $0x4C00  }
0x38d: {  	[tilespmem:s16], [sflag:$0x1] =	stream.indirect.gather [hbm4b:s29+s26], $0x10, s18, s26, $0xb8;
	[tilespmem:$0x1F900] =	vst v63  }
0x38e: {  	s20 =	rddreg [dreg:$0xa];
	s17 =	simm.s32 $0x5400  }
0x38f: {  	[tilespmem:s17], [sflag:$0x1] =	stream.indirect.gather [hbm4b:s29+s26], $0x10, s20, s26, $0xb8;
	[tilespmem:$0x1F900] =	vst v63  }
0x390: {  	s21 =	rddreg [dreg:$0xb];
	s20 =	simm.s32 $0x5C00  }
0x391: {  	[tilespmem:s20], [sflag:$0x1] =	stream.indirect.gather [hbm4b:s29+s26], $0x10, s21, s26, $0xb8;
	[tilespmem:$0x1F900] =	vst v63  }
0x392: {  	s22 =	rddreg [dreg:$0xc];
	s21 =	simm.s32 $0x6400  }
0x393: {  	[tilespmem:s21], [sflag:$0x1] =	stream.indirect.gather [hbm4b:s29+s26], $0x10, s22, s26, $0xb8;
	[tilespmem:$0x1F900] =	vst v63  }
0x394: {  	s23 =	rddreg [dreg:$0xd];
	s22 =	simm.s32 $0x6C00  }
0x395: {  	[tilespmem:s22], [sflag:$0x1] =	stream.indirect.gather [hbm4b:s29+s26], $0x10, s23, s26, $0xb8;
	[tilespmem:$0x1F900] =	vst v63  }
0x396: {  	s28 =	rddreg [dreg:$0xe];
	s23 =	simm.s32 $0x7400  }
0x397: {  	[tilespmem:s23], [sflag:$0x1] =	stream.indirect.gather [hbm4b:s29+s26], $0x10, s28, s26, $0xb8;
	[tilespmem:$0x1F900] =	vst v63  }
0x398: {  	s19 =	simm.s32 $0x7C00;
	s30 =	rddreg [dreg:$0xf]  }
0x399: {  	[tilespmem:s19], [sflag:$0x1] =	stream.indirect.gather [hbm4b:s29+s26], $0x10, s30, s26, $0xb8;
	[tilespmem:$0x1F900] =	vst v63  }
0x39a: {  	s31 =	rddreg [dreg:$0x10];
	s19 =	simm.s32 $0x8400  }
0x39b: {  	[tilespmem:s19], [sflag:$0x1] =	stream.indirect.gather [hbm4b:s29+s26], $0x10, s31, s26, $0xb8;
	[tilespmem:$0x1F900] =	vst v63  }
0x39c: {  	s11 =	sadd.s32 $0xE0, s11;
	s28 =	simm.s32 $0x700  }
0x39d: {  	[tilespmem:s28], [sflag:$0x3] =	stream.linear.gather [hbm4b:s11+s4], $0x700, $0x38;
	[tilespmem:$0x1F900] =	vst v63  }
0x39e: {  	_ =	swait.ge [sflag:s25], $0x700  }
0x39f: {  	[sflag:s25] =	ssyncset.done $0x0  }
0x3a0: {  	s12 =	sadd.s32 $0xE0, s12;
	s18 =	simm.s32 $0x1500;
	[sflag:s25] =	ssyncadd.s32 $0xFFFFF900  }
0x3a1: {  	[tilespmem:s18], [sflag:$0x3] =	stream.linear.gather [hbm4b:s12+s4], $0x700, $0x38;
	[tilespmem:$0x1F900] =	vst v63  }
0x3a2: {  	_ =	swait.ge [sflag:s25], $0x700  }
0x3a3: {  	[sflag:s25] =	ssyncset.done $0x0  }
0x3a4: {  	[sflag:s25] =	ssyncadd.s32 $0xFFFFF900  }
0x3a5: {  	_ =	swait.ge [sflag:s1], $0x800  }
0x3a6: {  	[sflag:s1] =	ssyncset.done $0x0  }
0x3a7: {  	[sflag:s1] =	ssyncadd.s32 $0xFFFFF800  }
0x3a8: {  	_ =	swait.ge [sflag:s1], $0x800  }
0x3a9: {  	[sflag:s1] =	ssyncset.done $0x0  }
0x3aa: {  	[sflag:s1] =	ssyncadd.s32 $0xFFFFF800  }
0x3ab: {  	_ =	swait.ge [sflag:s1], $0x800  }
0x3ac: {  	[sflag:s1] =	ssyncset.done $0x0  }
0x3ad: {  	[sflag:s1] =	ssyncadd.s32 $0xFFFFF800  }
0x3ae: {  	_ =	swait.ge [sflag:s1], $0x800  }
0x3af: {  	[sflag:s1] =	ssyncset.done $0x0  }
0x3b0: {  	[sflag:s1] =	ssyncadd.s32 $0xFFFFF800  }
0x3b1: {  	_ =	swait.ge [sflag:s1], $0x800  }
0x3b2: {  	[sflag:s1] =	ssyncset.done $0x0  }
0x3b3: {  	[sflag:s1] =	ssyncadd.s32 $0xFFFFF800  }
0x3b4: {  	_ =	swait.ge [sflag:s1], $0x800  }
0x3b5: {  	[sflag:s1] =	ssyncset.done $0x0  }
0x3b6: {  	[sflag:s1] =	ssyncadd.s32 $0xFFFFF800  }
0x3b7: {  	_ =	swait.ge [sflag:s1], $0x800  }
0x3b8: {  	[sflag:s1] =	ssyncset.done $0x0  }
0x3b9: {  	[sflag:s1] =	ssyncadd.s32 $0xFFFFF800  }
0x3ba: {  	_ =	swait.ge [sflag:s1], $0x800  }
0x3bb: {  	[sflag:s1] =	ssyncset.done $0x0  }
0x3bc: {  	[sflag:s1] =	ssyncadd.s32 $0xFFFFF800  }
0x3bd: {  	_ =	swait.ge [sflag:s1], $0x800  }
0x3be: {  	[sflag:s1] =	ssyncset.done $0x0  }
0x3bf: {  	[sflag:s1] =	ssyncadd.s32 $0xFFFFF800  }
0x3c0: {  	_ =	swait.ge [sflag:s1], $0x800  }
0x3c1: {  	[sflag:s1] =	ssyncset.done $0x0  }
0x3c2: {  	[sflag:s1] =	ssyncadd.s32 $0xFFFFF800  }
0x3c3: {  	_ =	swait.ge [sflag:s1], $0x800  }
0x3c4: {  	[sflag:s1] =	ssyncset.done $0x0  }
0x3c5: {  	[sflag:s1] =	ssyncadd.s32 $0xFFFFF800  }
0x3c6: {  	_ =	swait.ge [sflag:s1], $0x800  }
0x3c7: {  	[sflag:s1] =	ssyncset.done $0x0  }
0x3c8: {  	[sflag:s1] =	ssyncadd.s32 $0xFFFFF800  }
0x3c9: {  	_ =	swait.ge [sflag:s1], $0x800  }
0x3ca: {  	[sflag:s1] =	ssyncset.done $0x0  }
0x3cb: {  	[sflag:s1] =	ssyncadd.s32 $0xFFFFF800  }
0x3cc: {  	_ =	swait.ge [sflag:s1], $0x800  }
0x3cd: {  	[sflag:s1] =	ssyncset.done $0x0  }
0x3ce: {  	s14 =	simm.s32 $0x1C00;
	[sflag:s1] =	ssyncadd.s32 $0xFFFFF800  }
0x3cf: {  	[spmem:s3] =	stream.indirect.scatter.add.f32 [tilespmem:s14], [sflag:$0x2], $0x10, s7, s26, $0xb8;
	[tilespmem:$0x1F900] =	vst v63  }
0x3d0: {  	s30 =	simm.s32 $0xE80  }
0x3d1: {  	[spmem:s3] =	stream.indirect.scatter.add.f32 [tilespmem:s6], [sflag:$0x2], $0x10, s30, s26, $0xb8;
	[tilespmem:$0x1F900] =	vst v63  }
0x3d2: {  	s31 =	simm.s32 $0xF00  }
0x3d3: {  	[spmem:s3] =	stream.indirect.scatter.add.f32 [tilespmem:s2], [sflag:$0x2], $0x10, s31, s26, $0xb8;
	[tilespmem:$0x1F900] =	vst v63  }
0x3d4: {  	s7 =	simm.s32 $0xF80  }
0x3d5: {  	[spmem:s3] =	stream.indirect.scatter.add.f32 [tilespmem:s5], [sflag:$0x2], $0x10, s7, s26, $0xb8;
	[tilespmem:$0x1F900] =	vst v63  }
0x3d6: {  	s11 =	simm.s32 $0x1000  }
0x3d7: {  	[spmem:s3] =	stream.indirect.scatter.add.f32 [tilespmem:s9], [sflag:$0x2], $0x10, s11, s26, $0xb8;
	[tilespmem:$0x1F900] =	vst v63  }
0x3d8: {  	s12 =	simm.s32 $0x1080  }
0x3d9: {  	[spmem:s3] =	stream.indirect.scatter.add.f32 [tilespmem:s15], [sflag:$0x2], $0x10, s12, s26, $0xb8;
	[tilespmem:$0x1F900] =	vst v63  }
0x3da: {  	s15 =	simm.s32 $0x1100  }
0x3db: {  	[spmem:s3] =	stream.indirect.scatter.add.f32 [tilespmem:s16], [sflag:$0x2], $0x10, s15, s26, $0xb8;
	[tilespmem:$0x1F900] =	vst v63  }
0x3dc: {  	s16 =	simm.s32 $0x1180  }
0x3dd: {  	[spmem:s3] =	stream.indirect.scatter.add.f32 [tilespmem:s17], [sflag:$0x2], $0x10, s16, s26, $0xb8;
	[tilespmem:$0x1F900] =	vst v63  }
0x3de: {  	s17 =	simm.s32 $0x1200  }
0x3df: {  	[spmem:s3] =	stream.indirect.scatter.add.f32 [tilespmem:s20], [sflag:$0x2], $0x10, s17, s26, $0xb8;
	[tilespmem:$0x1F900] =	vst v63  }
0x3e0: {  	s20 =	simm.s32 $0x1280  }
0x3e1: {  	[spmem:s3] =	stream.indirect.scatter.add.f32 [tilespmem:s21], [sflag:$0x2], $0x10, s20, s26, $0xb8;
	[tilespmem:$0x1F900] =	vst v63  }
0x3e2: {  	s21 =	simm.s32 $0x1300  }
0x3e3: {  	[spmem:s3] =	stream.indirect.scatter.add.f32 [tilespmem:s22], [sflag:$0x2], $0x10, s21, s26, $0xb8;
	[tilespmem:$0x1F900] =	vst v63  }
0x3e4: {  	s13 =	smov.u32 s10;
	s22 =	simm.s32 $0x1380  }
0x3e5: {  	[spmem:s3] =	stream.indirect.scatter.add.f32 [tilespmem:s23], [sflag:$0x2], $0x10, s22, s26, $0xb8;
	[tilespmem:$0x1F900] =	vst v63  }
0x3e6: {  	s8 =	smov.u32 s13;
	s13 =	simm.s32 $0x7C00;
	s30 =	simm.s32 $0x1400  }
0x3e7: {  	[spmem:s3] =	stream.indirect.scatter.add.f32 [tilespmem:s13], [sflag:$0x2], $0x10, s30, s26, $0xb8;
	[tilespmem:$0x1F900] =	vst v63  }
0x3e8: {  	s31 =	simm.s32 $0x1480  }
0x3e9: {  	[spmem:s3] =	stream.indirect.scatter.add.f32 [tilespmem:s19], [sflag:$0x2], $0x10, s31, s26, $0xb8;
	[tilespmem:$0x1F900] =	vst v63  }
0x3ea: {  	s20 =	simm.s32 $0x8C00  }
0x3eb: {  	[tilespmem:s20], [sflag:$0x1] =	stream.indirect.gather [hbm4b:s29+s26], $0x10, s28, s26, $0xb8;
	[tilespmem:$0x1F900] =	vst v63  }
0x3ec: {  	s2 =	rddreg [dreg:$0x11];
	s21 =	simm.s32 $0x9400  }
0x3ed: {  	[tilespmem:s21], [sflag:$0x1] =	stream.indirect.gather [hbm4b:s29+s26], $0x10, s2, s26, $0xb8;
	[tilespmem:$0x1F900] =	vst v63  }
0x3ee: {  	s5 =	rddreg [dreg:$0x12];
	s22 =	simm.s32 $0x9C00  }
0x3ef: {  	[tilespmem:s22], [sflag:$0x1] =	stream.indirect.gather [hbm4b:s29+s26], $0x10, s5, s26, $0xb8;
	[tilespmem:$0x1F900] =	vst v63  }
0x3f0: {  	s7 =	rddreg [dreg:$0x13];
	s23 =	simm.s32 $0xA400  }
0x3f1: {  	[tilespmem:s23], [sflag:$0x1] =	stream.indirect.gather [hbm4b:s29+s26], $0x10, s7, s26, $0xb8;
	[tilespmem:$0x1F900] =	vst v63  }
0x3f2: {  	s9 =	rddreg [dreg:$0x14];
	s31 =	simm.s32 $0xAC00  }
0x3f3: {  	[tilespmem:s31], [sflag:$0x1] =	stream.indirect.gather [hbm4b:s29+s26], $0x10, s9, s26, $0xb8;
	[tilespmem:$0x1F900] =	vst v63  }
0x3f4: {  	s15 =	rddreg [dreg:$0x15];
	s9 =	simm.s32 $0xB400  }
0x3f5: {  	[tilespmem:s9], [sflag:$0x1] =	stream.indirect.gather [hbm4b:s29+s26], $0x10, s15, s26, $0xb8;
	[tilespmem:$0x1F900] =	vst v63  }
0x3f6: {  	s16 =	rddreg [dreg:$0x16];
	s2 =	simm.s32 $0xBC00  }
0x3f7: {  	[tilespmem:s2], [sflag:$0x1] =	stream.indirect.gather [hbm4b:s29+s26], $0x10, s16, s26, $0xb8;
	[tilespmem:$0x1F900] =	vst v63  }
0x3f8: {  	s17 =	rddreg [dreg:$0x17];
	s28 =	simm.s32 $0xC400  }
0x3f9: {  	[tilespmem:s28], [sflag:$0x1] =	stream.indirect.gather [hbm4b:s29+s26], $0x10, s17, s26, $0xb8;
	[tilespmem:$0x1F900] =	vst v63  }
0x3fa: {  	s30 =	rddreg [dreg:$0x18];
	s5 =	simm.s32 $0xCC00  }
0x3fb: {  	[tilespmem:s5], [sflag:$0x1] =	stream.indirect.gather [hbm4b:s29+s26], $0x10, s30, s26, $0xb8;
	[tilespmem:$0x1F900] =	vst v63  }
0x3fc: {  	s7 =	rddreg [dreg:$0x19];
	s30 =	simm.s32 $0xD400  }
0x3fd: {  	[tilespmem:s30], [sflag:$0x1] =	stream.indirect.gather [hbm4b:s29+s26], $0x10, s7, s26, $0xb8;
	[tilespmem:$0x1F900] =	vst v63  }
0x3fe: {  	s15 =	rddreg [dreg:$0x1a];
	s7 =	simm.s32 $0xDC00  }
0x3ff: {  	[tilespmem:s7], [sflag:$0x1] =	stream.indirect.gather [hbm4b:s29+s26], $0x10, s15, s26, $0xb8;
	[tilespmem:$0x1F900] =	vst v63  }
0x400: {  	s16 =	rddreg [dreg:$0x1b];
	s17 =	simm.s32 $0xE400  }
0x401: {  	[tilespmem:s17], [sflag:$0x1] =	stream.indirect.gather [hbm4b:s29+s26], $0x10, s16, s26, $0xb8;
	[tilespmem:$0x1F900] =	vst v63  }
0x402: {  	s15 =	rddreg [dreg:$0x1c];
	s16 =	simm.s32 $0xEC00  }
0x403: {  	[tilespmem:s16], [sflag:$0x1] =	stream.indirect.gather [hbm4b:s29+s26], $0x10, s15, s26, $0xb8;
	[tilespmem:$0x1F900] =	vst v63  }
0x404: {  	s11 =	rddreg [dreg:$0x1d];
	s15 =	simm.s32 $0xF400  }
0x405: {  	[tilespmem:s15], [sflag:$0x1] =	stream.indirect.gather [hbm4b:s29+s26], $0x10, s11, s26, $0xb8;
	[tilespmem:$0x1F900] =	vst v63  }
0x406: {  	_ =	swait.ge [sflag:s24], $0x800  }
0x407: {  	[sflag:s24] =	ssyncset.done $0x0  }
0x408: {  	[sflag:s24] =	ssyncadd.s32 $0xFFFFF800  }
0x409: {  	_ =	swait.ge [sflag:s24], $0x800  }
0x40a: {  	[sflag:s24] =	ssyncset.done $0x0  }
0x40b: {  	[sflag:s24] =	ssyncadd.s32 $0xFFFFF800  }
0x40c: {  	_ =	swait.ge [sflag:s24], $0x800  }
0x40d: {  	[sflag:s24] =	ssyncset.done $0x0  }
0x40e: {  	[sflag:s24] =	ssyncadd.s32 $0xFFFFF800  }
0x40f: {  	_ =	swait.ge [sflag:s24], $0x800  }
0x410: {  	[sflag:s24] =	ssyncset.done $0x0  }
0x411: {  	[sflag:s24] =	ssyncadd.s32 $0xFFFFF800  }
0x412: {  	_ =	swait.ge [sflag:s24], $0x800  }
0x413: {  	[sflag:s24] =	ssyncset.done $0x0  }
0x414: {  	[sflag:s24] =	ssyncadd.s32 $0xFFFFF800  }
0x415: {  	_ =	swait.ge [sflag:s24], $0x800  }
0x416: {  	[sflag:s24] =	ssyncset.done $0x0  }
0x417: {  	[sflag:s24] =	ssyncadd.s32 $0xFFFFF800  }
0x418: {  	_ =	swait.ge [sflag:s24], $0x800  }
0x419: {  	[sflag:s24] =	ssyncset.done $0x0  }
0x41a: {  	[sflag:s24] =	ssyncadd.s32 $0xFFFFF800  }
0x41b: {  	_ =	swait.ge [sflag:s24], $0x800  }
0x41c: {  	[sflag:s24] =	ssyncset.done $0x0  }
0x41d: {  	[sflag:s24] =	ssyncadd.s32 $0xFFFFF800  }
0x41e: {  	_ =	swait.ge [sflag:s24], $0x800  }
0x41f: {  	[sflag:s24] =	ssyncset.done $0x0  }
0x420: {  	[sflag:s24] =	ssyncadd.s32 $0xFFFFF800  }
0x421: {  	_ =	swait.ge [sflag:s24], $0x800  }
0x422: {  	[sflag:s24] =	ssyncset.done $0x0  }
0x423: {  	[sflag:s24] =	ssyncadd.s32 $0xFFFFF800  }
0x424: {  	_ =	swait.ge [sflag:s24], $0x800  }
0x425: {  	[sflag:s24] =	ssyncset.done $0x0  }
0x426: {  	[sflag:s24] =	ssyncadd.s32 $0xFFFFF800  }
0x427: {  	_ =	swait.ge [sflag:s24], $0x800  }
0x428: {  	[sflag:s24] =	ssyncset.done $0x0  }
0x429: {  	[sflag:s24] =	ssyncadd.s32 $0xFFFFF800  }
0x42a: {  	_ =	swait.ge [sflag:s24], $0x800  }
0x42b: {  	[sflag:s24] =	ssyncset.done $0x0  }
0x42c: {  	[sflag:s24] =	ssyncadd.s32 $0xFFFFF800  }
0x42d: {  	_ =	swait.ge [sflag:s24], $0x800  }
0x42e: {  	[sflag:s24] =	ssyncset.done $0x0  }
0x42f: {  	[sflag:s24] =	ssyncadd.s32 $0xFFFFF800  }
0x430: {  	_ =	swait.ge [sflag:s1], $0x800  }
0x431: {  	[sflag:s1] =	ssyncset.done $0x0  }
0x432: {  	[sflag:s1] =	ssyncadd.s32 $0xFFFFF800  }
0x433: {  	_ =	swait.ge [sflag:s1], $0x800  }
0x434: {  	[sflag:s1] =	ssyncset.done $0x0  }
0x435: {  	[sflag:s1] =	ssyncadd.s32 $0xFFFFF800  }
0x436: {  	_ =	swait.ge [sflag:s1], $0x800  }
0x437: {  	[sflag:s1] =	ssyncset.done $0x0  }
0x438: {  	[sflag:s1] =	ssyncadd.s32 $0xFFFFF800  }
0x439: {  	_ =	swait.ge [sflag:s1], $0x800  }
0x43a: {  	[sflag:s1] =	ssyncset.done $0x0  }
0x43b: {  	[sflag:s1] =	ssyncadd.s32 $0xFFFFF800  }
0x43c: {  	_ =	swait.ge [sflag:s1], $0x800  }
0x43d: {  	[sflag:s1] =	ssyncset.done $0x0  }
0x43e: {  	[sflag:s1] =	ssyncadd.s32 $0xFFFFF800  }
0x43f: {  	_ =	swait.ge [sflag:s1], $0x800  }
0x440: {  	[sflag:s1] =	ssyncset.done $0x0  }
0x441: {  	[sflag:s1] =	ssyncadd.s32 $0xFFFFF800  }
0x442: {  	_ =	swait.ge [sflag:s1], $0x800  }
0x443: {  	[sflag:s1] =	ssyncset.done $0x0  }
0x444: {  	[sflag:s1] =	ssyncadd.s32 $0xFFFFF800  }
0x445: {  	_ =	swait.ge [sflag:s1], $0x800  }
0x446: {  	[sflag:s1] =	ssyncset.done $0x0  }
0x447: {  	[sflag:s1] =	ssyncadd.s32 $0xFFFFF800  }
0x448: {  	_ =	swait.ge [sflag:s1], $0x800  }
0x449: {  	[sflag:s1] =	ssyncset.done $0x0  }
0x44a: {  	[sflag:s1] =	ssyncadd.s32 $0xFFFFF800  }
0x44b: {  	_ =	swait.ge [sflag:s1], $0x800  }
0x44c: {  	[sflag:s1] =	ssyncset.done $0x0  }
0x44d: {  	[sflag:s1] =	ssyncadd.s32 $0xFFFFF800  }
0x44e: {  	_ =	swait.ge [sflag:s1], $0x800  }
0x44f: {  	[sflag:s1] =	ssyncset.done $0x0  }
0x450: {  	[sflag:s1] =	ssyncadd.s32 $0xFFFFF800  }
0x451: {  	_ =	swait.ge [sflag:s1], $0x800  }
0x452: {  	[sflag:s1] =	ssyncset.done $0x0  }
0x453: {  	[sflag:s1] =	ssyncadd.s32 $0xFFFFF800  }
0x454: {  	_ =	swait.ge [sflag:s1], $0x800  }
0x455: {  	[sflag:s1] =	ssyncset.done $0x0  }
0x456: {  	[sflag:s1] =	ssyncadd.s32 $0xFFFFF800  }
0x457: {  	_ =	swait.ge [sflag:s1], $0x800  }
0x458: {  	[sflag:s1] =	ssyncset.done $0x0  }
0x459: {  	s12 =	rddreg [dreg:$0x1e];
	[sflag:s1] =	ssyncadd.s32 $0xFFFFF800  }
0x45a: {  	[spmem:s3] =	stream.indirect.scatter.add.f32 [tilespmem:s20], [sflag:$0x2], $0x10, s18, s26, $0xb8;
	[tilespmem:$0x1F900] =	vst v63  }
0x45b: {  	s20 =	rddreg [dreg:$0x1f]  }
0x45c: {  	[spmem:s3] =	stream.indirect.scatter.add.f32 [tilespmem:s21], [sflag:$0x2], $0x10, s12, s26, $0xb8;
	[tilespmem:$0x1F900] =	vst v63  }
0x45d: {  	s21 =	sld [smem:$0x7DF]  }
0x45e: {  	[spmem:s3] =	stream.indirect.scatter.add.f32 [tilespmem:s22], [sflag:$0x2], $0x10, s20, s26, $0xb8;
	[tilespmem:$0x1F900] =	vst v63  }
0x45f: {  	s22 =	sld [smem:$0x7E1]  }
0x460: {  	[spmem:s3] =	stream.indirect.scatter.add.f32 [tilespmem:s23], [sflag:$0x2], $0x10, s21, s26, $0xb8;
	[tilespmem:$0x1F900] =	vst v63  }
0x461: {  	s23 =	sld [smem:$0x7E3]  }
0x462: {  	[spmem:s3] =	stream.indirect.scatter.add.f32 [tilespmem:s31], [sflag:$0x2], $0x10, s22, s26, $0xb8;
	[tilespmem:$0x1F900] =	vst v63  }
0x463: {  	s18 =	sld [smem:$0x7E5]  }
0x464: {  	[spmem:s3] =	stream.indirect.scatter.add.f32 [tilespmem:s9], [sflag:$0x2], $0x10, s23, s26, $0xb8;
	[tilespmem:$0x1F900] =	vst v63  }
0x465: {  	s20 =	sld [smem:$0x7E7]  }
0x466: {  	[spmem:s3] =	stream.indirect.scatter.add.f32 [tilespmem:s2], [sflag:$0x2], $0x10, s18, s26, $0xb8;
	[tilespmem:$0x1F900] =	vst v63  }
0x467: {  	s21 =	sld [smem:$0x7E9]  }
0x468: {  	[spmem:s3] =	stream.indirect.scatter.add.f32 [tilespmem:s28], [sflag:$0x2], $0x10, s20, s26, $0xb8;
	[tilespmem:$0x1F900] =	vst v63  }
0x469: {  	s22 =	sld [smem:$0x7EB]  }
0x46a: {  	[spmem:s3] =	stream.indirect.scatter.add.f32 [tilespmem:s5], [sflag:$0x2], $0x10, s21, s26, $0xb8;
	[tilespmem:$0x1F900] =	vst v63  }
0x46b: {  	s23 =	sld [smem:$0x7ED]  }
0x46c: {  	[spmem:s3] =	stream.indirect.scatter.add.f32 [tilespmem:s30], [sflag:$0x2], $0x10, s22, s26, $0xb8;
	[tilespmem:$0x1F900] =	vst v63  }
0x46d: {  	s28 =	sld [smem:$0x7EF]  }
0x46e: {  	[spmem:s3] =	stream.indirect.scatter.add.f32 [tilespmem:s7], [sflag:$0x2], $0x10, s23, s26, $0xb8;
	[tilespmem:$0x1F900] =	vst v63  }
0x46f: {  	s30 =	sld [smem:$0x7F1]  }
0x470: {  	[spmem:s3] =	stream.indirect.scatter.add.f32 [tilespmem:s17], [sflag:$0x2], $0x10, s28, s26, $0xb8;
	[tilespmem:$0x1F900] =	vst v63  }
0x471: {  	s31 =	sld [smem:$0x7F2]  }
0x472: {  	[spmem:s3] =	stream.indirect.scatter.add.f32 [tilespmem:s16], [sflag:$0x2], $0x10, s30, s26, $0xb8;
	[tilespmem:$0x1F900] =	vst v63  }
0x473: {  	_ = 	snop  }
0x474: {  	[spmem:s3] =	stream.indirect.scatter.add.f32 [tilespmem:s15], [sflag:$0x2], $0x10, s31, s26, $0xb8;
	[tilespmem:$0x1F900] =	vst v63  }
0x475: {  	_ =	swait.ge [sflag:s24], $0x800  }
0x476: {  	[sflag:s24] =	ssyncset.done $0x0  }
0x477: {  	[sflag:s24] =	ssyncadd.s32 $0xFFFFF800  }
0x478: {  	_ =	swait.ge [sflag:s24], $0x800  }
0x479: {  	[sflag:s24] =	ssyncset.done $0x0  }
0x47a: {  	[sflag:s24] =	ssyncadd.s32 $0xFFFFF800  }
0x47b: {  	_ =	swait.ge [sflag:s24], $0x800  }
0x47c: {  	[sflag:s24] =	ssyncset.done $0x0  }
0x47d: {  	[sflag:s24] =	ssyncadd.s32 $0xFFFFF800  }
0x47e: {  	_ =	swait.ge [sflag:s24], $0x800  }
0x47f: {  	[sflag:s24] =	ssyncset.done $0x0  }
0x480: {  	[sflag:s24] =	ssyncadd.s32 $0xFFFFF800  }
0x481: {  	_ =	swait.ge [sflag:s24], $0x800  }
0x482: {  	[sflag:s24] =	ssyncset.done $0x0  }
0x483: {  	[sflag:s24] =	ssyncadd.s32 $0xFFFFF800  }
0x484: {  	_ =	swait.ge [sflag:s24], $0x800  }
0x485: {  	[sflag:s24] =	ssyncset.done $0x0  }
0x486: {  	[sflag:s24] =	ssyncadd.s32 $0xFFFFF800  }
0x487: {  	_ =	swait.ge [sflag:s24], $0x800  }
0x488: {  	[sflag:s24] =	ssyncset.done $0x0  }
0x489: {  	[sflag:s24] =	ssyncadd.s32 $0xFFFFF800  }
0x48a: {  	_ =	swait.ge [sflag:s24], $0x800  }
0x48b: {  	[sflag:s24] =	ssyncset.done $0x0  }
0x48c: {  	[sflag:s24] =	ssyncadd.s32 $0xFFFFF800  }
0x48d: {  	_ =	swait.ge [sflag:s24], $0x800  }
0x48e: {  	[sflag:s24] =	ssyncset.done $0x0  }
0x48f: {  	[sflag:s24] =	ssyncadd.s32 $0xFFFFF800  }
0x490: {  	_ =	swait.ge [sflag:s24], $0x800  }
0x491: {  	[sflag:s24] =	ssyncset.done $0x0  }
0x492: {  	[sflag:s24] =	ssyncadd.s32 $0xFFFFF800  }
0x493: {  	_ =	swait.ge [sflag:s24], $0x800  }
0x494: {  	[sflag:s24] =	ssyncset.done $0x0  }
0x495: {  	[sflag:s24] =	ssyncadd.s32 $0xFFFFF800  }
0x496: {  	_ =	swait.ge [sflag:s24], $0x800  }
0x497: {  	[sflag:s24] =	ssyncset.done $0x0  }
0x498: {  	p1 =	sne.s32 s10, $0x16C0;
	[sflag:s24] =	ssyncadd.s32 $0xFFFFF800  }
.Ltmp10:
0x499: {  	_ =	swait.ge [sflag:s24], $0x800;
	(pc) =	sbr.rel @p1 .LBB2_14-.Ltmp10, $4  }
0x49a: {  	[sflag:s24] =	ssyncset.done $0x0  }
0x49b: {  	[sflag:s24] =	ssyncadd.s32 $0xFFFFF800  }
0x49c: {  	_ =	swait.ge [sflag:s24], $0x800  }
0x49d: {  	s10 =	sadd.s32 $0x1C0, s10;
	s11 =	rddreg [dreg:$0x4];
	[sflag:s24] =	ssyncset.done $0x0  }
0x49e: {  	[sflag:s24] =	ssyncadd.s32 $0xFFFFF800;
	s10 =	sadd.s32 s8, s11  }
0x49f: {  	[tilespmem:s4], [sflag:$0x3] =	stream.linear.gather [hbm4b:s10+s4], $0x700, $0x38;
	[tilespmem:$0x1F900] =	vst v63  }
0x4a0: {  	_ =	swait.ge [sflag:s25], $0x700  }
0x4a1: {  	[sflag:s25] =	ssyncset.done $0x0  }
0x4a2: {  	s8 =	sadd.s32 s8, s0;
	s5 =	simm.s32 $0xE00;
	[sflag:s25] =	ssyncadd.s32 $0xFFFFF900  }
0x4a3: {  	[tilespmem:s5], [sflag:$0x3] =	stream.linear.gather [hbm4b:s8+s4], $0x700, $0x38;
	[tilespmem:$0x1F900] =	vst v63  }
0x4a4: {  	_ =	swait.ge [sflag:s25], $0x700  }
0x4a5: {  	[sflag:s25] =	ssyncset.done $0x0  }
0x4a6: {  	[sflag:s25] =	ssyncadd.s32 $0xFFFFF900  }
0x4a7: {  	[tilespmem:s14], [sflag:$0x1] =	stream.indirect.gather [hbm4b:s29+s26], $0x10, s4, s26, $0xb8;
	[tilespmem:$0x1F900] =	vst v63  }
0x4a8: {  	_ = 	snop  }
0x4a9: {  	[tilespmem:s6], [sflag:$0x1] =	stream.indirect.gather [hbm4b:s29+s26], $0x10, s26, s26, $0xb8;
	[tilespmem:$0x1F900] =	vst v63  }
0x4aa: {  	s0 =	simm.s32 $0x2C00;
	s9 =	rddreg [dreg:$0x5]  }
0x4ab: {  	[tilespmem:s0], [sflag:$0x1] =	stream.indirect.gather [hbm4b:s29+s26], $0x10, s9, s26, $0xb8;
	[tilespmem:$0x1F900] =	vst v63  }
0x4ac: {  	s2 =	simm.s32 $0x3400;
	s12 =	rddreg [dreg:$0x6]  }
0x4ad: {  	[tilespmem:s2], [sflag:$0x1] =	stream.indirect.gather [hbm4b:s29+s26], $0x10, s12, s26, $0xb8;
	[tilespmem:$0x1F900] =	vst v63  }
0x4ae: {  	s7 =	simm.s32 $0x3C00;
	s15 =	rddreg [dreg:$0x7]  }
0x4af: {  	[tilespmem:s7], [sflag:$0x1] =	stream.indirect.gather [hbm4b:s29+s26], $0x10, s15, s26, $0xb8;
	[tilespmem:$0x1F900] =	vst v63  }
0x4b0: {  	s16 =	rddreg [dreg:$0x8];
	s9 =	simm.s32 $0x4400  }
0x4b1: {  	[tilespmem:s9], [sflag:$0x1] =	stream.indirect.gather [hbm4b:s29+s26], $0x10, s16, s26, $0xb8;
	[tilespmem:$0x1F900] =	vst v63  }
0x4b2: {  	s17 =	rddreg [dreg:$0x9];
	s15 =	simm.s32 $0x4C00  }
0x4b3: {  	[tilespmem:s15], [sflag:$0x1] =	stream.indirect.gather [hbm4b:s29+s26], $0x10, s17, s26, $0xb8;
	[tilespmem:$0x1F900] =	vst v63  }
0x4b4: {  	s18 =	rddreg [dreg:$0xa];
	s16 =	simm.s32 $0x5400  }
0x4b5: {  	[tilespmem:s16], [sflag:$0x1] =	stream.indirect.gather [hbm4b:s29+s26], $0x10, s18, s26, $0xb8;
	[tilespmem:$0x1F900] =	vst v63  }
0x4b6: {  	s20 =	rddreg [dreg:$0xb];
	s17 =	simm.s32 $0x5C00  }
0x4b7: {  	[tilespmem:s17], [sflag:$0x1] =	stream.indirect.gather [hbm4b:s29+s26], $0x10, s20, s26, $0xb8;
	[tilespmem:$0x1F900] =	vst v63  }
0x4b8: {  	s21 =	rddreg [dreg:$0xc];
	s20 =	simm.s32 $0x6400  }
0x4b9: {  	[tilespmem:s20], [sflag:$0x1] =	stream.indirect.gather [hbm4b:s29+s26], $0x10, s21, s26, $0xb8;
	[tilespmem:$0x1F900] =	vst v63  }
0x4ba: {  	s22 =	rddreg [dreg:$0xd];
	s21 =	simm.s32 $0x6C00  }
0x4bb: {  	[tilespmem:s21], [sflag:$0x1] =	stream.indirect.gather [hbm4b:s29+s26], $0x10, s22, s26, $0xb8;
	[tilespmem:$0x1F900] =	vst v63  }
0x4bc: {  	s23 =	rddreg [dreg:$0xe];
	s22 =	simm.s32 $0x7400  }
0x4bd: {  	[tilespmem:s22], [sflag:$0x1] =	stream.indirect.gather [hbm4b:s29+s26], $0x10, s23, s26, $0xb8;
	[tilespmem:$0x1F900] =	vst v63  }
0x4be: {  	s31 =	rddreg [dreg:$0xf]  }
0x4bf: {  	[tilespmem:s13], [sflag:$0x1] =	stream.indirect.gather [hbm4b:s29+s26], $0x10, s31, s26, $0xb8;
	[tilespmem:$0x1F900] =	vst v63  }
0x4c0: {  	s18 =	rddreg [dreg:$0x10]  }
0x4c1: {  	[tilespmem:s19], [sflag:$0x1] =	stream.indirect.gather [hbm4b:s29+s26], $0x10, s18, s26, $0xb8;
	[tilespmem:$0x1F900] =	vst v63  }
0x4c2: {  	s11 =	simm.s32 $0x700;
	s10 =	sadd.s32 $0xE0, s10  }
0x4c3: {  	[tilespmem:s11], [sflag:$0x3] =	stream.linear.gather [hbm4b:s10+s4], $0x700, $0x38;
	[tilespmem:$0x1F900] =	vst v63  }
0x4c4: {  	_ =	swait.ge [sflag:s25], $0x700  }
0x4c5: {  	[sflag:s25] =	ssyncset.done $0x0  }
0x4c6: {  	s8 =	sadd.s32 $0xE0, s8;
	s18 =	simm.s32 $0x1500;
	[sflag:s25] =	ssyncadd.s32 $0xFFFFF900  }
0x4c7: {  	[tilespmem:s18], [sflag:$0x3] =	stream.linear.gather [hbm4b:s8+s4], $0x700, $0x38;
	[tilespmem:$0x1F900] =	vst v63  }
0x4c8: {  	_ =	swait.ge [sflag:s25], $0x700  }
0x4c9: {  	[sflag:s25] =	ssyncset.done $0x0  }
0x4ca: {  	[sflag:s25] =	ssyncadd.s32 $0xFFFFF900  }
0x4cb: {  	_ =	swait.ge [sflag:s1], $0x800  }
0x4cc: {  	[sflag:s1] =	ssyncset.done $0x0  }
0x4cd: {  	[sflag:s1] =	ssyncadd.s32 $0xFFFFF800  }
0x4ce: {  	_ =	swait.ge [sflag:s1], $0x800  }
0x4cf: {  	[sflag:s1] =	ssyncset.done $0x0  }
0x4d0: {  	[sflag:s1] =	ssyncadd.s32 $0xFFFFF800  }
0x4d1: {  	_ =	swait.ge [sflag:s1], $0x800  }
0x4d2: {  	[sflag:s1] =	ssyncset.done $0x0  }
0x4d3: {  	[sflag:s1] =	ssyncadd.s32 $0xFFFFF800  }
0x4d4: {  	_ =	swait.ge [sflag:s1], $0x800  }
0x4d5: {  	[sflag:s1] =	ssyncset.done $0x0  }
0x4d6: {  	[sflag:s1] =	ssyncadd.s32 $0xFFFFF800  }
0x4d7: {  	_ =	swait.ge [sflag:s1], $0x800  }
0x4d8: {  	[sflag:s1] =	ssyncset.done $0x0  }
0x4d9: {  	[sflag:s1] =	ssyncadd.s32 $0xFFFFF800  }
0x4da: {  	_ =	swait.ge [sflag:s1], $0x800  }
0x4db: {  	[sflag:s1] =	ssyncset.done $0x0  }
0x4dc: {  	[sflag:s1] =	ssyncadd.s32 $0xFFFFF800  }
0x4dd: {  	_ =	swait.ge [sflag:s1], $0x800  }
0x4de: {  	[sflag:s1] =	ssyncset.done $0x0  }
0x4df: {  	[sflag:s1] =	ssyncadd.s32 $0xFFFFF800  }
0x4e0: {  	_ =	swait.ge [sflag:s1], $0x800  }
0x4e1: {  	[sflag:s1] =	ssyncset.done $0x0  }
0x4e2: {  	[sflag:s1] =	ssyncadd.s32 $0xFFFFF800  }
0x4e3: {  	_ =	swait.ge [sflag:s1], $0x800  }
0x4e4: {  	[sflag:s1] =	ssyncset.done $0x0  }
0x4e5: {  	[sflag:s1] =	ssyncadd.s32 $0xFFFFF800  }
0x4e6: {  	_ =	swait.ge [sflag:s1], $0x800  }
0x4e7: {  	[sflag:s1] =	ssyncset.done $0x0  }
0x4e8: {  	[sflag:s1] =	ssyncadd.s32 $0xFFFFF800  }
0x4e9: {  	_ =	swait.ge [sflag:s1], $0x800  }
0x4ea: {  	[sflag:s1] =	ssyncset.done $0x0  }
0x4eb: {  	[sflag:s1] =	ssyncadd.s32 $0xFFFFF800  }
0x4ec: {  	_ =	swait.ge [sflag:s1], $0x800  }
0x4ed: {  	[sflag:s1] =	ssyncset.done $0x0  }
0x4ee: {  	[sflag:s1] =	ssyncadd.s32 $0xFFFFF800  }
0x4ef: {  	_ =	swait.ge [sflag:s1], $0x800  }
0x4f0: {  	[sflag:s1] =	ssyncset.done $0x0  }
0x4f1: {  	[sflag:s1] =	ssyncadd.s32 $0xFFFFF800  }
0x4f2: {  	_ =	swait.ge [sflag:s1], $0x800  }
0x4f3: {  	[sflag:s1] =	ssyncset.done $0x0  }
0x4f4: {  	[sflag:s1] =	ssyncadd.s32 $0xFFFFF800  }
0x4f5: {  	[spmem:s3] =	stream.indirect.scatter.add.f32 [tilespmem:s14], [sflag:$0x2], $0x10, s5, s26, $0xb8;
	[tilespmem:$0x1F900] =	vst v63  }
0x4f6: {  	s23 =	simm.s32 $0xE80  }
0x4f7: {  	[spmem:s3] =	stream.indirect.scatter.add.f32 [tilespmem:s6], [sflag:$0x2], $0x10, s23, s26, $0xb8;
	[tilespmem:$0x1F900] =	vst v63  }
0x4f8: {  	s31 =	simm.s32 $0xF00  }
0x4f9: {  	[spmem:s3] =	stream.indirect.scatter.add.f32 [tilespmem:s0], [sflag:$0x2], $0x10, s31, s26, $0xb8;
	[tilespmem:$0x1F900] =	vst v63  }
0x4fa: {  	s5 =	simm.s32 $0xF80  }
0x4fb: {  	[spmem:s3] =	stream.indirect.scatter.add.f32 [tilespmem:s2], [sflag:$0x2], $0x10, s5, s26, $0xb8;
	[tilespmem:$0x1F900] =	vst v63  }
0x4fc: {  	s6 =	simm.s32 $0x1000  }
0x4fd: {  	[spmem:s3] =	stream.indirect.scatter.add.f32 [tilespmem:s7], [sflag:$0x2], $0x10, s6, s26, $0xb8;
	[tilespmem:$0x1F900] =	vst v63  }
0x4fe: {  	s8 =	simm.s32 $0x1080  }
0x4ff: {  	[spmem:s3] =	stream.indirect.scatter.add.f32 [tilespmem:s9], [sflag:$0x2], $0x10, s8, s26, $0xb8;
	[tilespmem:$0x1F900] =	vst v63  }
0x500: {  	s10 =	simm.s32 $0x1100  }
0x501: {  	[spmem:s3] =	stream.indirect.scatter.add.f32 [tilespmem:s15], [sflag:$0x2], $0x10, s10, s26, $0xb8;
	[tilespmem:$0x1F900] =	vst v63  }
0x502: {  	s12 =	simm.s32 $0x1180  }
0x503: {  	[spmem:s3] =	stream.indirect.scatter.add.f32 [tilespmem:s16], [sflag:$0x2], $0x10, s12, s26, $0xb8;
	[tilespmem:$0x1F900] =	vst v63  }
0x504: {  	s14 =	simm.s32 $0x1200  }
0x505: {  	[spmem:s3] =	stream.indirect.scatter.add.f32 [tilespmem:s17], [sflag:$0x2], $0x10, s14, s26, $0xb8;
	[tilespmem:$0x1F900] =	vst v63  }
0x506: {  	s15 =	simm.s32 $0x1280  }
0x507: {  	[spmem:s3] =	stream.indirect.scatter.add.f32 [tilespmem:s20], [sflag:$0x2], $0x10, s15, s26, $0xb8;
	[tilespmem:$0x1F900] =	vst v63  }
0x508: {  	s16 =	simm.s32 $0x1300  }
0x509: {  	[spmem:s3] =	stream.indirect.scatter.add.f32 [tilespmem:s21], [sflag:$0x2], $0x10, s16, s26, $0xb8;
	[tilespmem:$0x1F900] =	vst v63  }
0x50a: {  	s17 =	simm.s32 $0x1380  }
0x50b: {  	[spmem:s3] =	stream.indirect.scatter.add.f32 [tilespmem:s22], [sflag:$0x2], $0x10, s17, s26, $0xb8;
	[tilespmem:$0x1F900] =	vst v63  }
0x50c: {  	s20 =	simm.s32 $0x1400  }
0x50d: {  	[spmem:s3] =	stream.indirect.scatter.add.f32 [tilespmem:s13], [sflag:$0x2], $0x10, s20, s26, $0xb8;
	[tilespmem:$0x1F900] =	vst v63  }
0x50e: {  	s21 =	simm.s32 $0x1480  }
0x50f: {  	[spmem:s3] =	stream.indirect.scatter.add.f32 [tilespmem:s19], [sflag:$0x2], $0x10, s21, s26, $0xb8;
	[tilespmem:$0x1F900] =	vst v63  }
0x510: {  	s19 =	simm.s32 $0x8C00  }
0x511: {  	[tilespmem:s19], [sflag:$0x1] =	stream.indirect.gather [hbm4b:s29+s26], $0x10, s11, s26, $0xb8;
	[tilespmem:$0x1F900] =	vst v63  }
0x512: {  	s22 =	rddreg [dreg:$0x11];
	s17 =	simm.s32 $0x9400  }
0x513: {  	[tilespmem:s17], [sflag:$0x1] =	stream.indirect.gather [hbm4b:s29+s26], $0x10, s22, s26, $0xb8;
	[tilespmem:$0x1F900] =	vst v63  }
0x514: {  	s23 =	rddreg [dreg:$0x12];
	s16 =	simm.s32 $0x9C00  }
0x515: {  	[tilespmem:s16], [sflag:$0x1] =	stream.indirect.gather [hbm4b:s29+s26], $0x10, s23, s26, $0xb8;
	[tilespmem:$0x1F900] =	vst v63  }
0x516: {  	s31 =	rddreg [dreg:$0x13];
	s15 =	simm.s32 $0xA400  }
0x517: {  	[tilespmem:s15], [sflag:$0x1] =	stream.indirect.gather [hbm4b:s29+s26], $0x10, s31, s26, $0xb8;
	[tilespmem:$0x1F900] =	vst v63  }
0x518: {  	s0 =	rddreg [dreg:$0x14];
	s14 =	simm.s32 $0xAC00  }
0x519: {  	[tilespmem:s14], [sflag:$0x1] =	stream.indirect.gather [hbm4b:s29+s26], $0x10, s0, s26, $0xb8;
	[tilespmem:$0x1F900] =	vst v63  }
0x51a: {  	s2 =	rddreg [dreg:$0x15];
	s13 =	simm.s32 $0xB400  }
0x51b: {  	[tilespmem:s13], [sflag:$0x1] =	stream.indirect.gather [hbm4b:s29+s26], $0x10, s2, s26, $0xb8;
	[tilespmem:$0x1F900] =	vst v63  }
0x51c: {  	s5 =	rddreg [dreg:$0x16];
	s12 =	simm.s32 $0xBC00  }
0x51d: {  	[tilespmem:s12], [sflag:$0x1] =	stream.indirect.gather [hbm4b:s29+s26], $0x10, s5, s26, $0xb8;
	[tilespmem:$0x1F900] =	vst v63  }
0x51e: {  	s6 =	rddreg [dreg:$0x17];
	s11 =	simm.s32 $0xC400  }
0x51f: {  	[tilespmem:s11], [sflag:$0x1] =	stream.indirect.gather [hbm4b:s29+s26], $0x10, s6, s26, $0xb8;
	[tilespmem:$0x1F900] =	vst v63  }
0x520: {  	s7 =	rddreg [dreg:$0x18];
	s9 =	simm.s32 $0xCC00  }
0x521: {  	[tilespmem:s9], [sflag:$0x1] =	stream.indirect.gather [hbm4b:s29+s26], $0x10, s7, s26, $0xb8;
	[tilespmem:$0x1F900] =	vst v63  }
0x522: {  	s20 =	rddreg [dreg:$0x19];
	s7 =	simm.s32 $0xD400  }
0x523: {  	[tilespmem:s7], [sflag:$0x1] =	stream.indirect.gather [hbm4b:s29+s26], $0x10, s20, s26, $0xb8;
	[tilespmem:$0x1F900] =	vst v63  }
0x524: {  	s21 =	rddreg [dreg:$0x1a];
	s6 =	simm.s32 $0xDC00  }
0x525: {  	[tilespmem:s6], [sflag:$0x1] =	stream.indirect.gather [hbm4b:s29+s26], $0x10, s21, s26, $0xb8;
	[tilespmem:$0x1F900] =	vst v63  }
0x526: {  	s22 =	rddreg [dreg:$0x1b];
	s5 =	simm.s32 $0xE400  }
0x527: {  	[tilespmem:s5], [sflag:$0x1] =	stream.indirect.gather [hbm4b:s29+s26], $0x10, s22, s26, $0xb8;
	[tilespmem:$0x1F900] =	vst v63  }
0x528: {  	s23 =	rddreg [dreg:$0x1c];
	s2 =	simm.s32 $0xEC00  }
0x529: {  	[tilespmem:s2], [sflag:$0x1] =	stream.indirect.gather [hbm4b:s29+s26], $0x10, s23, s26, $0xb8;
	[tilespmem:$0x1F900] =	vst v63  }
0x52a: {  	s31 =	rddreg [dreg:$0x1d];
	s0 =	simm.s32 $0xF400  }
0x52b: {  	[tilespmem:s0], [sflag:$0x1] =	stream.indirect.gather [hbm4b:s29+s26], $0x10, s31, s26, $0xb8;
	[tilespmem:$0x1F900] =	vst v63  }
0x52c: {  	_ =	swait.ge [sflag:s24], $0x800  }
0x52d: {  	[sflag:s24] =	ssyncset.done $0x0  }
0x52e: {  	[sflag:s24] =	ssyncadd.s32 $0xFFFFF800  }
0x52f: {  	_ =	swait.ge [sflag:s24], $0x800  }
0x530: {  	[sflag:s24] =	ssyncset.done $0x0  }
0x531: {  	[sflag:s24] =	ssyncadd.s32 $0xFFFFF800  }
0x532: {  	_ =	swait.ge [sflag:s24], $0x800  }
0x533: {  	[sflag:s24] =	ssyncset.done $0x0  }
0x534: {  	[sflag:s24] =	ssyncadd.s32 $0xFFFFF800  }
0x535: {  	_ =	swait.ge [sflag:s24], $0x800  }
0x536: {  	[sflag:s24] =	ssyncset.done $0x0  }
0x537: {  	[sflag:s24] =	ssyncadd.s32 $0xFFFFF800  }
0x538: {  	_ =	swait.ge [sflag:s24], $0x800  }
0x539: {  	[sflag:s24] =	ssyncset.done $0x0  }
0x53a: {  	[sflag:s24] =	ssyncadd.s32 $0xFFFFF800  }
0x53b: {  	_ =	swait.ge [sflag:s24], $0x800  }
0x53c: {  	[sflag:s24] =	ssyncset.done $0x0  }
0x53d: {  	[sflag:s24] =	ssyncadd.s32 $0xFFFFF800  }
0x53e: {  	_ =	swait.ge [sflag:s24], $0x800  }
0x53f: {  	[sflag:s24] =	ssyncset.done $0x0  }
0x540: {  	[sflag:s24] =	ssyncadd.s32 $0xFFFFF800  }
0x541: {  	_ =	swait.ge [sflag:s24], $0x800  }
0x542: {  	[sflag:s24] =	ssyncset.done $0x0  }
0x543: {  	[sflag:s24] =	ssyncadd.s32 $0xFFFFF800  }
0x544: {  	_ =	swait.ge [sflag:s24], $0x800  }
0x545: {  	[sflag:s24] =	ssyncset.done $0x0  }
0x546: {  	[sflag:s24] =	ssyncadd.s32 $0xFFFFF800  }
0x547: {  	_ =	swait.ge [sflag:s24], $0x800  }
0x548: {  	[sflag:s24] =	ssyncset.done $0x0  }
0x549: {  	[sflag:s24] =	ssyncadd.s32 $0xFFFFF800  }
0x54a: {  	_ =	swait.ge [sflag:s24], $0x800  }
0x54b: {  	[sflag:s24] =	ssyncset.done $0x0  }
0x54c: {  	[sflag:s24] =	ssyncadd.s32 $0xFFFFF800  }
0x54d: {  	_ =	swait.ge [sflag:s24], $0x800  }
0x54e: {  	[sflag:s24] =	ssyncset.done $0x0  }
0x54f: {  	[sflag:s24] =	ssyncadd.s32 $0xFFFFF800  }
0x550: {  	_ =	swait.ge [sflag:s24], $0x800  }
0x551: {  	[sflag:s24] =	ssyncset.done $0x0  }
0x552: {  	[sflag:s24] =	ssyncadd.s32 $0xFFFFF800  }
0x553: {  	_ =	swait.ge [sflag:s24], $0x800  }
0x554: {  	[sflag:s24] =	ssyncset.done $0x0  }
0x555: {  	[sflag:s24] =	ssyncadd.s32 $0xFFFFF800  }
0x556: {  	_ =	swait.ge [sflag:s1], $0x800  }
0x557: {  	[sflag:s1] =	ssyncset.done $0x0  }
0x558: {  	[sflag:s1] =	ssyncadd.s32 $0xFFFFF800  }
0x559: {  	_ =	swait.ge [sflag:s1], $0x800  }
0x55a: {  	[sflag:s1] =	ssyncset.done $0x0  }
0x55b: {  	[sflag:s1] =	ssyncadd.s32 $0xFFFFF800  }
0x55c: {  	_ =	swait.ge [sflag:s1], $0x800  }
0x55d: {  	[sflag:s1] =	ssyncset.done $0x0  }
0x55e: {  	[sflag:s1] =	ssyncadd.s32 $0xFFFFF800  }
0x55f: {  	_ =	swait.ge [sflag:s1], $0x800  }
0x560: {  	[sflag:s1] =	ssyncset.done $0x0  }
0x561: {  	[sflag:s1] =	ssyncadd.s32 $0xFFFFF800  }
0x562: {  	_ =	swait.ge [sflag:s1], $0x800  }
0x563: {  	[sflag:s1] =	ssyncset.done $0x0  }
0x564: {  	[sflag:s1] =	ssyncadd.s32 $0xFFFFF800  }
0x565: {  	_ =	swait.ge [sflag:s1], $0x800  }
0x566: {  	[sflag:s1] =	ssyncset.done $0x0  }
0x567: {  	[sflag:s1] =	ssyncadd.s32 $0xFFFFF800  }
0x568: {  	_ =	swait.ge [sflag:s1], $0x800  }
0x569: {  	[sflag:s1] =	ssyncset.done $0x0  }
0x56a: {  	[sflag:s1] =	ssyncadd.s32 $0xFFFFF800  }
0x56b: {  	_ =	swait.ge [sflag:s1], $0x800  }
0x56c: {  	[sflag:s1] =	ssyncset.done $0x0  }
0x56d: {  	[sflag:s1] =	ssyncadd.s32 $0xFFFFF800  }
0x56e: {  	_ =	swait.ge [sflag:s1], $0x800  }
0x56f: {  	[sflag:s1] =	ssyncset.done $0x0  }
0x570: {  	[sflag:s1] =	ssyncadd.s32 $0xFFFFF800  }
0x571: {  	_ =	swait.ge [sflag:s1], $0x800  }
0x572: {  	[sflag:s1] =	ssyncset.done $0x0  }
0x573: {  	[sflag:s1] =	ssyncadd.s32 $0xFFFFF800  }
0x574: {  	_ =	swait.ge [sflag:s1], $0x800  }
0x575: {  	[sflag:s1] =	ssyncset.done $0x0  }
0x576: {  	[sflag:s1] =	ssyncadd.s32 $0xFFFFF800  }
0x577: {  	_ =	swait.ge [sflag:s1], $0x800  }
0x578: {  	[sflag:s1] =	ssyncset.done $0x0  }
0x579: {  	[sflag:s1] =	ssyncadd.s32 $0xFFFFF800  }
0x57a: {  	_ =	swait.ge [sflag:s1], $0x800  }
0x57b: {  	[sflag:s1] =	ssyncset.done $0x0  }
0x57c: {  	[sflag:s1] =	ssyncadd.s32 $0xFFFFF800  }
0x57d: {  	_ =	swait.ge [sflag:s1], $0x800  }
0x57e: {  	[sflag:s1] =	ssyncset.done $0x0  }
0x57f: {  	s20 =	rddreg [dreg:$0x1e];
	[sflag:s1] =	ssyncadd.s32 $0xFFFFF800  }
0x580: {  	[spmem:s3] =	stream.indirect.scatter.add.f32 [tilespmem:s19], [sflag:$0x2], $0x10, s18, s26, $0xb8;
	[tilespmem:$0x1F900] =	vst v63  }
0x581: {  	s21 =	rddreg [dreg:$0x1f]  }
0x582: {  	[spmem:s3] =	stream.indirect.scatter.add.f32 [tilespmem:s17], [sflag:$0x2], $0x10, s20, s26, $0xb8;
	[tilespmem:$0x1F900] =	vst v63  }
0x583: {  	s22 =	sld [smem:$0x7DF]  }
0x584: {  	[spmem:s3] =	stream.indirect.scatter.add.f32 [tilespmem:s16], [sflag:$0x2], $0x10, s21, s26, $0xb8;
	[tilespmem:$0x1F900] =	vst v63  }
0x585: {  	s23 =	sld [smem:$0x7E1]  }
0x586: {  	[spmem:s3] =	stream.indirect.scatter.add.f32 [tilespmem:s15], [sflag:$0x2], $0x10, s22, s26, $0xb8;
	[tilespmem:$0x1F900] =	vst v63  }
0x587: {  	s31 =	sld [smem:$0x7E3]  }
0x588: {  	[spmem:s3] =	stream.indirect.scatter.add.f32 [tilespmem:s14], [sflag:$0x2], $0x10, s23, s26, $0xb8;
	[tilespmem:$0x1F900] =	vst v63  }
0x589: {  	s14 =	sld [smem:$0x7E5]  }
0x58a: {  	[spmem:s3] =	stream.indirect.scatter.add.f32 [tilespmem:s13], [sflag:$0x2], $0x10, s31, s26, $0xb8;
	[tilespmem:$0x1F900] =	vst v63  }
0x58b: {  	s15 =	sld [smem:$0x7E7]  }
0x58c: {  	[spmem:s3] =	stream.indirect.scatter.add.f32 [tilespmem:s12], [sflag:$0x2], $0x10, s14, s26, $0xb8;
	[tilespmem:$0x1F900] =	vst v63  }
0x58d: {  	s16 =	sld [smem:$0x7E9]  }
0x58e: {  	[spmem:s3] =	stream.indirect.scatter.add.f32 [tilespmem:s11], [sflag:$0x2], $0x10, s15, s26, $0xb8;
	[tilespmem:$0x1F900] =	vst v63  }
0x58f: {  	s17 =	sld [smem:$0x7EB]  }
0x590: {  	[spmem:s3] =	stream.indirect.scatter.add.f32 [tilespmem:s9], [sflag:$0x2], $0x10, s16, s26, $0xb8;
	[tilespmem:$0x1F900] =	vst v63  }
0x591: {  	s18 =	sld [smem:$0x7ED]  }
0x592: {  	[spmem:s3] =	stream.indirect.scatter.add.f32 [tilespmem:s7], [sflag:$0x2], $0x10, s17, s26, $0xb8;
	[tilespmem:$0x1F900] =	vst v63  }
0x593: {  	s19 =	sld [smem:$0x7EF]  }
0x594: {  	[spmem:s3] =	stream.indirect.scatter.add.f32 [tilespmem:s6], [sflag:$0x2], $0x10, s18, s26, $0xb8;
	[tilespmem:$0x1F900] =	vst v63  }
0x595: {  	s20 =	sld [smem:$0x7F1]  }
0x596: {  	[spmem:s3] =	stream.indirect.scatter.add.f32 [tilespmem:s5], [sflag:$0x2], $0x10, s19, s26, $0xb8;
	[tilespmem:$0x1F900] =	vst v63  }
0x597: {  	s21 =	sld [smem:$0x7F2]  }
0x598: {  	[spmem:s3] =	stream.indirect.scatter.add.f32 [tilespmem:s2], [sflag:$0x2], $0x10, s20, s26, $0xb8;
	[tilespmem:$0x1F900] =	vst v63  }
0x599: {  	_ = 	snop  }
0x59a: {  	[spmem:s3] =	stream.indirect.scatter.add.f32 [tilespmem:s0], [sflag:$0x2], $0x10, s21, s26, $0xb8;
	[tilespmem:$0x1F900] =	vst v63  }
0x59b: {  	_ =	swait.ge [sflag:s24], $0x800  }
0x59c: {  	[sflag:s24] =	ssyncset.done $0x0  }
0x59d: {  	[sflag:s24] =	ssyncadd.s32 $0xFFFFF800  }
0x59e: {  	_ =	swait.ge [sflag:s24], $0x800  }
0x59f: {  	[sflag:s24] =	ssyncset.done $0x0  }
0x5a0: {  	[sflag:s24] =	ssyncadd.s32 $0xFFFFF800  }
0x5a1: {  	_ =	swait.ge [sflag:s24], $0x800  }
0x5a2: {  	[sflag:s24] =	ssyncset.done $0x0  }
0x5a3: {  	[sflag:s24] =	ssyncadd.s32 $0xFFFFF800  }
0x5a4: {  	_ =	swait.ge [sflag:s24], $0x800  }
0x5a5: {  	[sflag:s24] =	ssyncset.done $0x0  }
0x5a6: {  	[sflag:s24] =	ssyncadd.s32 $0xFFFFF800  }
0x5a7: {  	_ =	swait.ge [sflag:s24], $0x800  }
0x5a8: {  	[sflag:s24] =	ssyncset.done $0x0  }
0x5a9: {  	[sflag:s24] =	ssyncadd.s32 $0xFFFFF800  }
0x5aa: {  	_ =	swait.ge [sflag:s24], $0x800  }
0x5ab: {  	[sflag:s24] =	ssyncset.done $0x0  }
0x5ac: {  	[sflag:s24] =	ssyncadd.s32 $0xFFFFF800  }
0x5ad: {  	_ =	swait.ge [sflag:s24], $0x800  }
0x5ae: {  	[sflag:s24] =	ssyncset.done $0x0  }
0x5af: {  	[sflag:s24] =	ssyncadd.s32 $0xFFFFF800  }
0x5b0: {  	_ =	swait.ge [sflag:s24], $0x800  }
0x5b1: {  	[sflag:s24] =	ssyncset.done $0x0  }
0x5b2: {  	[sflag:s24] =	ssyncadd.s32 $0xFFFFF800  }
0x5b3: {  	_ =	swait.ge [sflag:s24], $0x800  }
0x5b4: {  	[sflag:s24] =	ssyncset.done $0x0  }
0x5b5: {  	[sflag:s24] =	ssyncadd.s32 $0xFFFFF800  }
0x5b6: {  	_ =	swait.ge [sflag:s24], $0x800  }
0x5b7: {  	[sflag:s24] =	ssyncset.done $0x0  }
0x5b8: {  	[sflag:s24] =	ssyncadd.s32 $0xFFFFF800  }
0x5b9: {  	_ =	swait.ge [sflag:s24], $0x800  }
0x5ba: {  	[sflag:s24] =	ssyncset.done $0x0  }
0x5bb: {  	[sflag:s24] =	ssyncadd.s32 $0xFFFFF800  }
0x5bc: {  	_ =	swait.ge [sflag:s24], $0x800  }
0x5bd: {  	[sflag:s24] =	ssyncset.done $0x0  }
0x5be: {  	[sflag:s24] =	ssyncadd.s32 $0xFFFFF800  }
0x5bf: {  	_ =	swait.ge [sflag:s24], $0x800  }
0x5c0: {  	s30 =	simm.s32 $0x11040;
	[sflag:s24] =	ssyncset.done $0x0  }
0x5c1: {  	s11 =	simm.s32 $0x0;
	s16 =	simm.s32 $0xF80;
	[sflag:s24] =	ssyncadd.s32 $0xFFFFF800  }
0x5c2: {  	s9 =	simm.s32 $0x1380;
	s17 =	simm.s32 $0x1000;
	_ =	swait.ge [sflag:s24], $0x800  }
0x5c3: {  	s7 =	simm.s32 $0x128C0;
	s18 =	simm.s32 $0x1080;
	[sflag:s24] =	ssyncset.done $0x0  }
0x5c4: {  	s6 =	simm.s32 $0x4;
	s22 =	sld [smem:$0x7FA];
	[sflag:s24] =	ssyncadd.s32 $0xFFFFF800  }
0x5c5: {  	s19 =	simm.s32 $0x1100;
	s23 =	sld [smem:$0x7D7];
	[bflag:$0x0] =	sbarrier.arrive $0xFFFF  }
.Ltmp11:
0x5c6: {  	s5 =	simm.s32 $0x1480;
	s31 =	sld [smem:$0x7D8];
	(pc) =	sbr.rel .LBB2_16-.Ltmp11, $4  }
0x5c7: {  	s20 =	simm.s32 $0x1180;
	s2 =	simm.s32 $0x1400;
	s28 =	sld [smem:$0x7D6]  }
0x5c8: {  	s21 =	simm.s32 $0x1200;
	s0 =	simm.s32 $0xE00;
	s8 =	sor.u32 s22, s23  }
0x5c9: {  	s29 =	sld [smem:$0x7FC];
	s22 =	simm.s32 $0x1280;
	s8 =	smul.u32 $0xC4000, s8  }
0x5ca: {  	s23 =	simm.s32 $0x1300;
	s10 =	smul.u32 $0xC4000, s31;
	p1 =	sgt.u32 s28, $0x3  }
.LBB2_19:
0x5cb: {  	v3 =	vld [tilespmem:s13+$0x11C80];
	_ =	sdelay $0x4  }
0x5cc: {  	s12 =	sadd.s32 s10, s12;
	v2 =	vmul.f32 v3, v2  }
0x5cd: {  	s15 =	rddreg [dreg:$0x1];
	s12 =	sshrl.u32 s12, $0x3  }
0x5ce: {  	s12 =	sadd.s32 s15, s12;
	[tilespmem:s13+$0x11C80] =	vst v2  }
0x5cf: {  	[hbm4b:s12+s4] =	stream.linear.scatter [tilespmem:s31], [sflag:$0x3], $0xC40, $0x38;
	[tilespmem:$0x1F900] =	vst v63  }
0x5d0: {  	_ =	swait.ge [sflag:s25], $0xC40  }
0x5d1: {  	[sflag:s25] =	ssyncset.done $0x0  }
0x5d2: {  	[sflag:s25] =	ssyncadd.s32 $0xFFFFF3C0  }
.LBB2_20:
0x5d3: {  	s11 =	sadd.s32 $0x1, s11  }
0x5d4: {  	p2 =	sne.s32 s11, $0x10  }
.Ltmp12:
0x5d5: {  	_ = 	snop;
	(pc) =	sbr.rel @!p2 .LBB2_21-.Ltmp12, $1  }
0x5d6: {  	_ =	sdelay $0x3  }
.LBB2_16:
0x5d7: {  	s13 =	sld [smem:$0x7F9]  }
0x5d8: {  	s12 =	smul.u32 $0xC4, s11;
	_ =	sdelay $0x1  }
0x5d9: {  	s12 =	sadd.s32 s13, s12  }
0x5da: {  	s12 =	sshll.u32 s12, $0x4  }
0x5db: {  	s14 =	simm.s32 $0x11C80;
	s15 =	sadd.s32 s12, s3  }
0x5dc: {  	[tilespmem:s14], [sflag:$0x4] =	stream.linear.gather [spmem:s15], $0xC40, $0x38;
	[tilespmem:$0x1F900] =	vst v63  }
0x5dd: {  	s15 =	sadd.s32 s8, s12;
	_ =	swait.ge [sflag:s6], $0xC40  }
0x5de: {  	s13 =	sshrl.u32 s15, $0x3;
	[sflag:s6] =	ssyncset.done $0x0  }
.Ltmp13:
0x5df: {  	s13 =	sadd.s32 s29, s13;
	[sflag:s6] =	ssyncadd.s32 $0xFFFFF3C0;
	(pc) =	sbr.rel @p1 .LBB2_20-.Ltmp13, $4  }
0x5e0: {  	[hbm4b:s13+s4] =	stream.linear.scatter [tilespmem:s14], [sflag:$0x4], $0xC40, $0x38;
	[tilespmem:$0x1F900] =	vst v63  }
0x5e1: {  	_ =	swait.ge [sflag:s6], $0xC40  }
0x5e2: {  	[sflag:s6] =	ssyncset.done $0x0  }
0x5e3: {  	s31 =	simm.s32 $0x11C80;
	[sflag:s6] =	ssyncadd.s32 $0xFFFFF3C0  }
0x5e4: {  	s13 =	sld [smem:$0x7FB];
	_ =	sdelay $0x1  }
0x5e5: {  	s14 =	sld [smem:$0x7DB]  }
0x5e6: {  	s13 =	sadd.s32 s13, s12  }
0x5e7: {  	s13 =	sshrl.u32 s13, $0x3  }
0x5e8: {  	s15 =	simm.s32 $0x0;
	s13 =	sadd.s32 s14, s13  }
0x5e9: {  	[tilespmem:s7], [sflag:$0x4] =	stream.linear.gather [hbm4b:s13+s15], $0xC40, $0x38;
	[tilespmem:$0x1F900] =	vst v63  }
0x5ea: {  	_ =	swait.ge [sflag:s6], $0xC40  }
0x5eb: {  	[sflag:s6] =	ssyncset.done $0x0  }
0x5ec: {  	s13 =	simm.s32 $0x0;
	[sflag:s6] =	ssyncadd.s32 $0xFFFFF3C0  }
0x5ed: {  	s14 =	simm.s32 $0x40;
	v2 =	vld [tilespmem:s13+$0x128C0]  }
.LBB2_18:
0x5ee: {  	p2 =	sne.s32 s14, $0x30C0;
	v3 =	vld [tilespmem:s13+$0x11C80];
	_ =	sdelay $0x2  }
.Ltmp14:
0x5ef: {  	(pc) =	sbr.rel @p2 .LBB2_18-.Ltmp14, $4  }
0x5f0: {  	_ = 	snop  }
0x5f1: {  	v3 =	vmul.f32 v3, v2  }
0x5f2: {  	s15 =	sshra.s32 s14, $0x2  }
0x5f3: {  	s14 =	sadd.s32 $0x40, s14;
	v2 =	vld [tilespmem:s15+$0x128C0];
	[tilespmem:s13+$0x11C80] =	vst v3;
	s13 =	smov.u32 s15  }
.Ltmp15:
0x5f4: {  	_ = 	snop;
	(pc) =	sbr.rel .LBB2_19-.Ltmp15, $1  }
0x5f5: {  	_ =	sdelay $0x3  }
.LBB2_23:
0x5f6: {  	_ =	sfence.sel $0x180000  }
0x5f7: {  	[bflag:$0x0] =	sbarrier.arrive $0xFFFF  }
0x5f8: {  	_ =	strace $0x90000047  }
0x5f9: {  	s0 =	stileid.u32;
	[bflag:$0x2] =	sbarrier.arrive $0xFFFF  }
0x5fa: {  	p0 =	sne.s32 s0, $0x0;
	s0 =	rddreg [dreg:$0x3]  }
0x5fb: {  	s0 =	sadd.s32 @!p0 $0x100000, s0  }
0x5fc: {  	[sflag:s0] =	ssyncadd.tile.s32 @!p0 $0x1;
	_ =	shalt  }
.Lfunc_end2:
_tile_overlayer_lowered:
.L_overlay_start_2:
0x5fd: {  	(tag) =	ssettag $0x2  }
0x5fe: {  	s0 =	rddreg [dreg:$0x0];
	s2 =	stileid.u32  }
0x5ff: {  	s1 =	rddreg [dreg:$0x1];
	p0 =	sne.s32 s2, $0x0  }
0x600: {  	s3 =	rddreg [dreg:$0x2];
	[bflag:$0x3] =	sbarrier.arrive $0xFFFF;
	s2 =	simm.s32 @!p0 $0x1C03  }
0x601: {  	[timem:s3], [sflag:s2] =	dma.local @!p0 [hbm:s0], s1  }
0x602: {  	s0 =	simm.s32 @!p0 $0x3  }
0x603: {  	_ =	swait.ge @!p0 [sflag:s0], s1  }
0x604: {  	s1 =	ssub.s32 @!p0 $0x0, s1;
	[sflag:s0] =	ssyncset.done @!p0 $0x0  }
0x605: {  	[sflag:s0] =	ssyncadd.s32 @!p0 s1  }
0x606: {  	[bflag:$0x3] =	sbarrier.arrive $0xFFFF  }
0x607: {  	_ =	shalt  }

// kernel: kernel.9.cloned.1.call-start
scs
__scs_entry_jumppad:
0x0: {  	(pc) =	sbr.rel $0x88, $3  }
0x1: {  	(tag) =	ssettag $0x0;
	lr =	simm.s32 $0x1  }
0x2: {  	[smem:$0x3F9D] =	sst lr;
	_ =	strace $0xD0000000  }
0x3: {  	_ = 	snop  }
0x4: {  	_ = 	snop  }
0x5: {  	_ = 	snop  }
0x6: {  	_ = 	snop  }
0x7: {  	_ = 	snop  }
__scs_overlays_trampoline_lowered:
0x8: {  	[smem:$0x3FAC] =	sst s0  }
0x9: {  	[smem:$0x3FAD] =	sst s1  }
0xa: {  	[smem:$0x3FAE] =	sst s2  }
0xb: {  	[smem:$0x3FAF] =	sst s3  }
0xc: {  	[smem:$0x3FB0] =	sst s4  }
0xd: {  	[smem:$0x3FB1] =	sst s5  }
0xe: {  	[smem:$0x3FB2] =	sst s6  }
0xf: {  	[smem:$0x3FB3] =	sst s7  }
0x10: {  	[smem:$0x3FB4] =	sst s8  }
0x11: {  	[smem:$0x3FB5] =	sst s9;
	s0 =	simm.s32 @!p0 $0x0  }
0x12: {  	s1 =	sld [smem:$0x3F9B];
	s0 =	simm.s32 @p0 $0x1  }
0x13: {  	[smem:$0x3FB6] =	sst s0;
	s0 =	simm.s32 @!p1 $0x0  }
0x14: {  	s2 =	sld [smem:$0x3F9A];
	s0 =	simm.s32 @p1 $0x1  }
0x15: {  	[smem:$0x3FB7] =	sst s0;
	s0 =	simm.s32 @!p2 $0x0  }
0x16: {  	s3 =	sld [smem:$0x3FDB];
	s0 =	simm.s32 @p2 $0x1  }
0x17: {  	s4 =	simm.s32 $0x1BF5;
	[smem:$0x3FB9] =	sst s0  }
0x18: {  	s0 =	sld [smem:$0x3F9C];
	_ =	swait.ge [sflag:s4], $0x0  }
0x19: {  	s7 =	sld [smem:$0x3F9D]  }
0x1a: {  	s8 =	sadd.s32 $0xFFFFE003, lr  }
0x1b: {  	s9 =	sadd.s32 $0xFFFFFEF7, lr;
	s5 =	simm.s32 $0xFFFFFFFF;
	p2 =	slt.u32 s8, $0xFFFFF086  }
0x1c: {  	p1 =	slt.u32 s9, $0xF7A;
	s5 =	simm.s32 @!p2 $0x0  }
0x1d: {  	s5 =	simm.s32 @p1 $0x1;
	p0 =	seq.s32 s7, s2  }
0x1e: {  	s7 =	smul.u32 @!p0 $0xF7A, s2;
	p2 =	seq.s32 @!p0 s5, $0x0  }
0x1f: {  	s9 =	smul.u32 $0xF7A, s1;
	s8 =	simm.s32 @!p0 $0x1BF5;
	p2 =	por !p2, p0  }
0x20: {  	[sflag:s8] =	ssyncset.s32 @!p0 $0xFFFFF086;
	s6 =	sadd.s32 @!p0 s3, s7;
	s7 =	simm.s32 @!p0 $0x108  }
0x21: {  	s3 =	sadd.s32 s3, s9;
	s6 =	sadd.s32 @!p0 $0x88, s6;
	s7 =	simm.s32 @p2 $0x1082  }
0x22: {  	[simem:s7], [sflag:s8] =	dma.local @!p0 [hbm:s6], $0xF7A  }
0x23: {  	s9 =	sor.u32 $0xD0000000, s2;
	s6 =	simm.s32 $0x108;
	_ =	swait.ge @!p0 [sflag:s8], $0x0  }
0x24: {  	s3 =	sadd.s32 $0x88, s3;
	s6 =	simm.s32 @!p1 $0x1082;
	[sflag:s4] =	ssyncset.s32 $0xFFFFF086  }
0x25: {  	[simem:s6], [sflag:s4] =	dma.local [hbm:s3], $0xF7A  }
0x26: {  	[smem:$0x3F9D] =	sst s1;
	(tag) =	ssettag s2;
	_ =	strace s9  }
0x27: {  	s1 =	sld [smem:$0x3FAD]  }
0x28: {  	s2 =	sld [smem:$0x3FAE]  }
0x29: {  	s4 =	sld [smem:$0x3FB0]  }
0x2a: {  	p0 =	seq.s32 s5, $0x0;
	s5 =	sld [smem:$0x3FB1]  }
0x2b: {  	s6 =	sld [smem:$0x3FB2]  }
0x2c: {  	s7 =	sld [smem:$0x3FB3]  }
0x2d: {  	s3 =	simm.s32 $0x108;
	s8 =	sld [smem:$0x3FB4]  }
0x2e: {  	s3 =	simm.s32 @!p0 $0x1082;
	s9 =	sld [smem:$0x3FB5]  }
0x2f: {  	lr =	sadd.s32 s0, s3;
	s0 =	sld [smem:$0x3FAC]  }
0x30: {  	s3 =	sld [smem:$0x3FAF]  }
0x31: {  	[smem:$0x3FB8] =	sst s10  }
0x32: {  	s10 =	sld [smem:$0x3FB6];
	_ =	sdelay $0x3  }
0x33: {  	p0 =	seq.s32 s10, $0x1;
	s10 =	sld [smem:$0x3FB8];
	_ =	sdelay $0x3  }
0x34: {  	[smem:$0x3FB8] =	sst s10  }
0x35: {  	s10 =	sld [smem:$0x3FB7];
	_ =	sdelay $0x3  }
0x36: {  	p1 =	seq.s32 s10, $0x1;
	s10 =	sld [smem:$0x3FB8];
	_ =	sdelay $0x3  }
0x37: {  	[smem:$0x3FB8] =	sst s10  }
0x38: {  	s10 =	sld [smem:$0x3FB9]  }
0x39: {  	_ = 	snop;
	(pc) =	sbr.ind lr, $3  }
0x3a: {  	_ = 	snop  }
0x3b: {  	_ = 	snop  }
0x3c: {  	p2 =	seq.s32 s10, $0x1;
	s10 =	sld [smem:$0x3FB8]  }
0x3d: {  	_ =	shalt  }
0x3e: {  	_ =	shalt  }
0x3f: {  	_ =	shalt  }
0x40: {  	_ =	shalt  }
0x41: {  	_ =	shalt  }
0x42: {  	_ =	shalt  }
0x43: {  	_ =	shalt  }
0x44: {  	_ =	shalt  }
0x45: {  	_ =	shalt  }
0x46: {  	_ =	shalt  }
0x47: {  	_ =	shalt  }
0x48: {  	_ =	shalt  }
0x49: {  	_ =	shalt  }
0x4a: {  	_ =	shalt  }
0x4b: {  	_ =	shalt  }
0x4c: {  	_ =	shalt  }
0x4d: {  	_ =	shalt  }
0x4e: {  	_ =	shalt  }
0x4f: {  	_ =	shalt  }
0x50: {  	_ =	shalt  }
0x51: {  	_ =	shalt  }
0x52: {  	_ =	shalt  }
0x53: {  	_ =	shalt  }
0x54: {  	_ =	shalt  }
0x55: {  	_ =	shalt  }
0x56: {  	_ =	shalt  }
0x57: {  	_ =	shalt  }
0x58: {  	_ =	shalt  }
0x59: {  	_ =	shalt  }
0x5a: {  	_ =	shalt  }
0x5b: {  	_ =	shalt  }
0x5c: {  	_ =	shalt  }
0x5d: {  	_ =	shalt  }
0x5e: {  	_ =	shalt  }
0x5f: {  	_ =	shalt  }
0x60: {  	_ =	shalt  }
0x61: {  	_ =	shalt  }
0x62: {  	_ =	shalt  }
0x63: {  	_ =	shalt  }
0x64: {  	_ =	shalt  }
0x65: {  	_ =	shalt  }
0x66: {  	_ =	shalt  }
0x67: {  	_ =	shalt  }
0x68: {  	_ =	shalt  }
0x69: {  	_ =	shalt  }
0x6a: {  	_ =	shalt  }
0x6b: {  	_ =	shalt  }
0x6c: {  	_ =	shalt  }
0x6d: {  	_ =	shalt  }
0x6e: {  	_ =	shalt  }
0x6f: {  	_ =	shalt  }
0x70: {  	_ =	shalt  }
0x71: {  	_ =	shalt  }
0x72: {  	_ =	shalt  }
0x73: {  	_ =	shalt  }
0x74: {  	_ =	shalt  }
0x75: {  	_ =	shalt  }
0x76: {  	_ =	shalt  }
0x77: {  	_ =	shalt  }
0x78: {  	_ =	shalt  }
0x79: {  	_ =	shalt  }
0x7a: {  	_ =	shalt  }
0x7b: {  	_ =	shalt  }
0x7c: {  	_ =	shalt  }
0x7d: {  	_ =	shalt  }
0x7e: {  	_ =	shalt  }
0x7f: {  	_ =	shalt  }
0x80: {  	_ =	shalt  }
0x81: {  	_ =	shalt  }
0x82: {  	_ =	shalt  }
0x83: {  	_ =	shalt  }
0x84: {  	_ =	shalt  }
0x85: {  	_ =	shalt  }
0x86: {  	_ =	shalt  }
0x87: {  	_ =	shalt  }
.Lfunc_end0:
.L_simem_size_0:
called_computation.1_lowered:
.L_overlay_start_0:
0x88: {  	s2 =	sld [smem:$0x3FD9]  }
0x89: {  	s3 =	sld [smem:$0x3FFE];
	_ =	sdelay $0x1  }
0x8a: {  	s1 =	srdreg.scid  }
0x8b: {  	s0 =	sand.u32 $0x1, s1  }
0x8c: {  	s17 =	sshll.u32 s0, $0xA;
	s2 =	sadd.s32 s3, s2  }
0x8d: {  	s2 =	sadd.s32 s2, s17  }
0x8e: {  	[smem:$0x3FC4] =	sst s2  }
0x8f: {  	_ = 	snop  }
0x90: {  	s2 =	sld [smem:$0x3FD0];
	(tm) =	ssettm $0x1  }
0x91: {  	s18 =	sld [smem:$0x3FFB];
	_ =	sdelay $0x3  }
0x92: {  	_ =	strace s18  }
0x93: {  	s3 =	sld [smem:$0x3FFC];
	_ =	sdelay $0x3  }
0x94: {  	_ =	strace s3  }
0x95: {  	s3 =	sld [smem:$0x3FFD];
	_ =	sdelay $0x3  }
0x96: {  	_ =	strace s3  }
0x97: {  	_ =	strace $0x8FFFFFFF  }
0x98: {  	s19 =	sld [smem:$0x3FDB];
	_ =	sdelay $0x1  }
0x99: {  	s4 =	simm.s32 $_scs_section_size  }
0x9a: {  	s5 =	simm.s32 $_size__tile_overlayer_lowered;
	s6 =	simm.s32 $_tile_overlayer_lowered  }
0x9b: {  	s22 =	simm.s32 $0x1BFF;
	s21 =	sshll.u32 s6, $0x1;
	s3 =	sadd.s32 s4, s19  }
0x9c: {  	s7 =	simm.s32 $0x0;
	s20 =	sshll.u32 s5, $0x1;
	s5 =	sadd.s32 s21, s3  }
0x9d: {  	[timem:s7], [sflag:s22] =	dma.local [hbm:s5], s20  }
0x9e: {  	_ =	swait.ge [sflag:s22], s20  }
0x9f: {  	s4 =	ssub.s32 $0x0, s20;
	[sflag:s22] =	ssyncset.done $0x0  }
0xa0: {  	[sflag:s22] =	ssyncadd.s32 s4;
	_ =	sdelay $0x1  }
0xa1: {  	s23 =	simm.s32 $0x1B8B  }
0xa2: {  	_ =	swait.ge [sflag:s23], $0x1  }
0xa3: {  	[sflag:s23] =	ssyncset.done $0x0  }
0xa4: {  	s25 =	simm.s32 $0x1B8E;
	s24 =	sld [smem:$0x3FFE];
	[sflag:s23] =	ssyncadd.s32 $0xFFFFFFFF  }
0xa5: {  	s26 =	simm.s32 $execute0_lowered;
	[smem:$0x3FD2] =	sst s25  }
0xa6: {  	s5 =	sshll.u32 s26, $0x1;
	_ =	strace $0x80000049;
	[dreg:$0x1] =	wrdreg $0xFFFFFFFF  }
0xa7: {  	s28 =	simm.s32 $_size_execute0_lowered;
	s3 =	sadd.s32 s3, s5;
	[dreg:$0x0] =	wrdreg $0x0  }
0xa8: {  	s5 =	sshll.u32 s28, $0x1;
	[dreg:$0x2] =	wrdreg s3  }
0xa9: {  	[dreg:$0x3] =	wrdreg s5  }
0xaa: {  	[dreg:$0x4] =	wrdreg $0xC0  }
0xab: {  	_ =	task [dreg:s7], $0x5FFFF  }
0xac: {  	[dreg:$0x1] =	wrdreg $0xFFFFFFFF  }
0xad: {  	[dreg:$0x0] =	wrdreg $0x60  }
0xae: {  	[dreg:$0x2] =	wrdreg s2  }
0xaf: {  	[dreg:$0x3] =	wrdreg s24  }
0xb0: {  	[dreg:$0x4] =	wrdreg $0x9  }
0xb1: {  	_ =	task.clear_ibuf [dreg:s7], $0x5FFFF;
	_ =	strace $0x90000049  }
0xb2: {  	s29 =	simm.s32 $0x9;
	_ =	strace $0x8000004B  }
0xb3: {  	_ =	swait.ge [sflag:s29], $0x1  }
0xb4: {  	[sflag:s29] =	ssyncadd.s32 $0xFFFFFFFF  }
0xb5: {  	_ =	strace $0x9000004B  }
0xb6: {  	_ =	sfence  }
0xb7: {  	s30 =	sld [smem:$0x0];
	_ =	sdelay $0x2  }
0xb8: {  	s31 =	sshll.u32 s1, $0xD;
	s1 =	sshrl.u32 s1, $0x2  }
0xb9: {  	s3 =	sand.u32 $0x4000, s31;
	s1 =	sadd.s32 s1, s30  }
0xba: {  	s0 =	sor.u32 s3, s0;
	s1 =	sshll.u32 s1, $0x11  }
0xbb: {  	s0 =	sor.u32 s1, s0  }
0xbc: {  	s0 =	sadd.s32 $0x8F2B, s0  }
0xbd: {  	[sflag:s0] =	ssyncadd.remote.s32 $0x1  }
0xbe: {  	_ =	sfence.sel $0xFFFF  }
0xbf: {  	[dreg:$0x0] =	wrdreg $0xFFFFFFFF;
	(pc) =	sbr.abs _section_cstart, $3  }
0xc0: {  	[dreg:$0x1] =	wrdreg $0xFFFFFFFF  }
0xc1: {  	_ =	task.clear_ibuf [dreg:s7], $0x2FFFF;
	_ =	strace $0x9FFFFFFF  }
0xc2: {  	(tm) =	ssettm $0x7FFFFFFF  }
0xc3: {  	_ =	shalt  }
tec
execute0_lowered:
.L_overlay_start_1:
0x0: {  	(tag) =	ssettag $0x1  }
0x1: {  	s2 =	rddreg [dreg:$0x0]  }
0x2: {  	s0 =	srdreg.scid;
	s6 =	rddreg [dreg:$0x1]  }
0x3: {  	s1 =	rddreg [dreg:$0x2];
	s3 =	simm.s32 $0x0;
	s11 =	simm.s32 $0x100  }
0x4: {  	s10 =	simm.s32 $0x400;
	s13 =	simm.s32 $0x180;
	s12 =	simm.s32 $0x4400  }
0x5: {  	s14 =	simm.s32 $0x8400;
	s15 =	simm.s32 $0x280;
	s16 =	simm.s32 $0xA400  }
0x6: {  	s17 =	simm.s32 $0x300;
	s18 =	simm.s32 $0xC400;
	s4 =	sand.u32 $0x1, s0  }
0x7: {  	s19 =	simm.s32 $0x380;
	s0 =	stileid.u32;
	s5 =	smul.u32 $0x62000, s4  }
0x8: {  	s20 =	simm.s32 $0xE400;
	s21 =	simm.s32 $0x1;
	s7 =	smul.u32 $0x6200, s0  }
0x9: {  	s22 =	simm.s32 $0x40;
	s23 =	simm.s32 $0x2;
	s8 =	smul.u32 $0x620000, s4  }
0xa: {  	s24 =	simm.s32 $0x0;
	[smem:$0x7FF] =	sst s3;
	s9 =	smul.u32 $0x62000, s0  }
0xb: {  	_ =	strace $0x8000004A;
	s4 =	ssub.s32 $0x2, s4;
	[dreg:$0x4] =	wrdreg s11  }
0xc: {  	s11 =	simm.s32 $0x2400;
	[dreg:$0x5] =	wrdreg s13;
	s13 =	simm.s32 $0x6400  }
0xd: {  	s30 =	sshrl.u32 s4, $0x1;
	s8 =	sadd.s32 s8, s6;
	s5 =	sadd.s32 s7, s5  }
0xe: {  	s4 =	ssub.s32 s4, s30;
	s7 =	simm.s32 $0x3;
	s8 =	sadd.s32 s9, s8  }
0xf: {  	s5 =	sshrl.u32 s5, $0x3;
	s4 =	smax.u32 s4, $0x1;
	s9 =	simm.s32 $0x80  }
0x10: {  	s31 =	sadd.s32 $0xAC200, s8;
	s6 =	sadd.s32 s5, s6;
	s8 =	simm.s32 $0x200  }
0x11: {  	[dreg:$0x3] =	wrdreg s31;
	s5 =	sadd.s32 $0x19200, s6;
	s6 =	sadd.s32 $0x93A00, s6  }
.LBB2_1:
0x12: {  	[tilespmem:s3], [sflag:$0x3] =	stream.linear.gather [hbm4b:s6+s3], $0x200, $0x38;
	[tilespmem:$0x10400] =	vst v63  }
0x13: {  	_ =	swait.ge [sflag:s7], $0x200  }
0x14: {  	[sflag:s7] =	ssyncset.done $0x0  }
0x15: {  	[sflag:s7] =	ssyncadd.s32 $0xFFFFFE00  }
0x16: {  	[tilespmem:s8], [sflag:$0x3] =	stream.linear.gather [hbm4b:s5+s3], $0x200, $0x38;
	[tilespmem:$0x10400] =	vst v63  }
0x17: {  	_ =	swait.ge [sflag:s7], $0x200  }
0x18: {  	[sflag:s7] =	ssyncset.done $0x0  }
0x19: {  	[sflag:s7] =	ssyncadd.s32 $0xFFFFFE00  }
0x1a: {  	[tilespmem:s10], [sflag:$0x1] =	stream.indirect.gather [hbm4b:s2+s9], $0x40, s3, s9, $0xb8;
	[tilespmem:$0x10400] =	vst v63  }
0x1b: {  	_ = 	snop  }
0x1c: {  	[tilespmem:s11], [sflag:$0x1] =	stream.indirect.gather [hbm4b:s2+s9], $0x40, s9, s9, $0xb8;
	[tilespmem:$0x10400] =	vst v63  }
0x1d: {  	s25 =	rddreg [dreg:$0x4]  }
0x1e: {  	[tilespmem:s12], [sflag:$0x1] =	stream.indirect.gather [hbm4b:s2+s9], $0x40, s25, s9, $0xb8;
	[tilespmem:$0x10400] =	vst v63  }
0x1f: {  	s26 =	rddreg [dreg:$0x5]  }
0x20: {  	[tilespmem:s13], [sflag:$0x1] =	stream.indirect.gather [hbm4b:s2+s9], $0x40, s26, s9, $0xb8;
	[tilespmem:$0x10400] =	vst v63  }
0x21: {  	_ = 	snop  }
0x22: {  	[tilespmem:s14], [sflag:$0x1] =	stream.indirect.gather [hbm4b:s2+s9], $0x40, s8, s9, $0xb8;
	[tilespmem:$0x10400] =	vst v63  }
0x23: {  	_ = 	snop  }
0x24: {  	[tilespmem:s16], [sflag:$0x1] =	stream.indirect.gather [hbm4b:s2+s9], $0x40, s15, s9, $0xb8;
	[tilespmem:$0x10400] =	vst v63  }
0x25: {  	_ = 	snop  }
0x26: {  	[tilespmem:s18], [sflag:$0x1] =	stream.indirect.gather [hbm4b:s2+s9], $0x40, s17, s9, $0xb8;
	[tilespmem:$0x10400] =	vst v63  }
0x27: {  	_ = 	snop  }
0x28: {  	[tilespmem:s20], [sflag:$0x1] =	stream.indirect.gather [hbm4b:s2+s9], $0x40, s19, s9, $0xb8;
	[tilespmem:$0x10400] =	vst v63  }
0x29: {  	_ =	swait.ge [sflag:s21], $0x2000  }
0x2a: {  	[sflag:s21] =	ssyncset.done $0x0  }
0x2b: {  	[sflag:s21] =	ssyncadd.s32 $0xFFFFE000  }
0x2c: {  	_ =	swait.ge [sflag:s21], $0x2000  }
0x2d: {  	[sflag:s21] =	ssyncset.done $0x0  }
0x2e: {  	[sflag:s21] =	ssyncadd.s32 $0xFFFFE000  }
0x2f: {  	_ =	swait.ge [sflag:s21], $0x2000  }
0x30: {  	[sflag:s21] =	ssyncset.done $0x0  }
0x31: {  	[sflag:s21] =	ssyncadd.s32 $0xFFFFE000  }
0x32: {  	_ =	swait.ge [sflag:s21], $0x2000  }
0x33: {  	[sflag:s21] =	ssyncset.done $0x0  }
0x34: {  	[sflag:s21] =	ssyncadd.s32 $0xFFFFE000  }
0x35: {  	_ =	swait.ge [sflag:s21], $0x2000  }
0x36: {  	[sflag:s21] =	ssyncset.done $0x0  }
0x37: {  	[sflag:s21] =	ssyncadd.s32 $0xFFFFE000  }
0x38: {  	_ =	swait.ge [sflag:s21], $0x2000  }
0x39: {  	[sflag:s21] =	ssyncset.done $0x0  }
0x3a: {  	[sflag:s21] =	ssyncadd.s32 $0xFFFFE000  }
0x3b: {  	_ =	swait.ge [sflag:s21], $0x2000  }
0x3c: {  	[sflag:s21] =	ssyncset.done $0x0  }
0x3d: {  	[sflag:s21] =	ssyncadd.s32 $0xFFFFE000  }
0x3e: {  	_ =	swait.ge [sflag:s21], $0x2000  }
0x3f: {  	s26 =	rddreg [dreg:$0x3];
	[sflag:s21] =	ssyncset.done $0x0  }
0x40: {  	[sflag:s21] =	ssyncadd.s32 $0xFFFFE000;
	s25 =	sadd.s32 $0x0, s26  }
0x41: {  	[hbm4b:s25+s22] =	stream.strided.scatter [tilespmem:s10], [sflag:$0x2], $0x2000, s9, s22, $0x38;
	[tilespmem:$0x10400] =	vst v63  }
0x42: {  	s29 =	sadd.s32 $0x800, s25  }
0x43: {  	[hbm4b:s29+s22] =	stream.strided.scatter [tilespmem:s11], [sflag:$0x2], $0x2000, s9, s22, $0x38;
	[tilespmem:$0x10400] =	vst v63  }
0x44: {  	s30 =	sadd.s32 $0x1000, s25  }
0x45: {  	[hbm4b:s30+s22] =	stream.strided.scatter [tilespmem:s12], [sflag:$0x2], $0x2000, s9, s22, $0x38;
	[tilespmem:$0x10400] =	vst v63  }
0x46: {  	s31 =	sadd.s32 $0x1800, s25  }
0x47: {  	[hbm4b:s31+s22] =	stream.strided.scatter [tilespmem:s13], [sflag:$0x2], $0x2000, s9, s22, $0x38;
	[tilespmem:$0x10400] =	vst v63  }
0x48: {  	s29 =	sadd.s32 $0x8, s25  }
0x49: {  	[hbm4b:s29+s22] =	stream.strided.scatter [tilespmem:s14], [sflag:$0x2], $0x2000, s9, s22, $0x38;
	[tilespmem:$0x10400] =	vst v63  }
0x4a: {  	s30 =	sadd.s32 $0x808, s25  }
0x4b: {  	[hbm4b:s30+s22] =	stream.strided.scatter [tilespmem:s16], [sflag:$0x2], $0x2000, s9, s22, $0x38;
	[tilespmem:$0x10400] =	vst v63  }
0x4c: {  	s31 =	sadd.s32 $0x1008, s25  }
0x4d: {  	[hbm4b:s31+s22] =	stream.strided.scatter [tilespmem:s18], [sflag:$0x2], $0x2000, s9, s22, $0x38;
	[tilespmem:$0x10400] =	vst v63  }
0x4e: {  	s25 =	sadd.s32 $0x1808, s25  }
0x4f: {  	[hbm4b:s25+s22] =	stream.strided.scatter [tilespmem:s20], [sflag:$0x2], $0x2000, s9, s22, $0x38;
	[tilespmem:$0x10400] =	vst v63  }
0x50: {  	_ =	swait.ge [sflag:s23], $0x2000  }
0x51: {  	[sflag:s23] =	ssyncset.done $0x0  }
0x52: {  	[sflag:s23] =	ssyncadd.s32 $0xFFFFE000  }
0x53: {  	_ =	swait.ge [sflag:s23], $0x2000  }
0x54: {  	[sflag:s23] =	ssyncset.done $0x0  }
0x55: {  	[sflag:s23] =	ssyncadd.s32 $0xFFFFE000  }
0x56: {  	_ =	swait.ge [sflag:s23], $0x2000  }
0x57: {  	[sflag:s23] =	ssyncset.done $0x0  }
0x58: {  	[sflag:s23] =	ssyncadd.s32 $0xFFFFE000  }
0x59: {  	_ =	swait.ge [sflag:s23], $0x2000  }
0x5a: {  	[sflag:s23] =	ssyncset.done $0x0  }
0x5b: {  	[sflag:s23] =	ssyncadd.s32 $0xFFFFE000  }
0x5c: {  	_ =	swait.ge [sflag:s23], $0x2000  }
0x5d: {  	[sflag:s23] =	ssyncset.done $0x0  }
0x5e: {  	[sflag:s23] =	ssyncadd.s32 $0xFFFFE000  }
0x5f: {  	_ =	swait.ge [sflag:s23], $0x2000  }
0x60: {  	[sflag:s23] =	ssyncset.done $0x0  }
0x61: {  	[sflag:s23] =	ssyncadd.s32 $0xFFFFE000  }
0x62: {  	_ =	swait.ge [sflag:s23], $0x2000  }
0x63: {  	[sflag:s23] =	ssyncset.done $0x0  }
0x64: {  	[sflag:s23] =	ssyncadd.s32 $0xFFFFE000  }
0x65: {  	s28 =	smov.u32 s6;
	_ =	swait.ge [sflag:s23], $0x2000  }
0x66: {  	s26 =	smov.u32 s5;
	s25 =	simm.s32 $0x2000;
	[sflag:s23] =	ssyncset.done $0x0  }
.LBB2_2:
0x67: {  	[sflag:s23] =	ssyncadd.s32 $0xFFFFE000;
	s28 =	sadd.s32 $0x40, s28  }
0x68: {  	[tilespmem:s3], [sflag:$0x3] =	stream.linear.gather [hbm4b:s28+s3], $0x200, $0x38;
	[tilespmem:$0x10400] =	vst v63  }
0x69: {  	_ =	swait.ge [sflag:s7], $0x200  }
0x6a: {  	[sflag:s7] =	ssyncset.done $0x0  }
0x6b: {  	s26 =	sadd.s32 $0x40, s26;
	[sflag:s7] =	ssyncadd.s32 $0xFFFFFE00  }
0x6c: {  	[tilespmem:s8], [sflag:$0x3] =	stream.linear.gather [hbm4b:s26+s3], $0x200, $0x38;
	[tilespmem:$0x10400] =	vst v63  }
0x6d: {  	_ =	swait.ge [sflag:s7], $0x200  }
0x6e: {  	[sflag:s7] =	ssyncset.done $0x0  }
0x6f: {  	[sflag:s7] =	ssyncadd.s32 $0xFFFFFE00  }
0x70: {  	[tilespmem:s10], [sflag:$0x1] =	stream.indirect.gather [hbm4b:s2+s9], $0x40, s3, s9, $0xb8;
	[tilespmem:$0x10400] =	vst v63  }
0x71: {  	_ = 	snop  }
0x72: {  	[tilespmem:s11], [sflag:$0x1] =	stream.indirect.gather [hbm4b:s2+s9], $0x40, s9, s9, $0xb8;
	[tilespmem:$0x10400] =	vst v63  }
0x73: {  	s30 =	rddreg [dreg:$0x4]  }
0x74: {  	[tilespmem:s12], [sflag:$0x1] =	stream.indirect.gather [hbm4b:s2+s9], $0x40, s30, s9, $0xb8;
	[tilespmem:$0x10400] =	vst v63  }
0x75: {  	s31 =	rddreg [dreg:$0x5]  }
0x76: {  	[tilespmem:s13], [sflag:$0x1] =	stream.indirect.gather [hbm4b:s2+s9], $0x40, s31, s9, $0xb8;
	[tilespmem:$0x10400] =	vst v63  }
0x77: {  	_ = 	snop  }
0x78: {  	[tilespmem:s14], [sflag:$0x1] =	stream.indirect.gather [hbm4b:s2+s9], $0x40, s8, s9, $0xb8;
	[tilespmem:$0x10400] =	vst v63  }
0x79: {  	_ = 	snop  }
0x7a: {  	[tilespmem:s16], [sflag:$0x1] =	stream.indirect.gather [hbm4b:s2+s9], $0x40, s15, s9, $0xb8;
	[tilespmem:$0x10400] =	vst v63  }
0x7b: {  	_ = 	snop  }
0x7c: {  	[tilespmem:s18], [sflag:$0x1] =	stream.indirect.gather [hbm4b:s2+s9], $0x40, s17, s9, $0xb8;
	[tilespmem:$0x10400] =	vst v63  }
0x7d: {  	_ = 	snop  }
0x7e: {  	[tilespmem:s20], [sflag:$0x1] =	stream.indirect.gather [hbm4b:s2+s9], $0x40, s19, s9, $0xb8;
	[tilespmem:$0x10400] =	vst v63  }
0x7f: {  	_ =	swait.ge [sflag:s21], $0x2000  }
0x80: {  	[sflag:s21] =	ssyncset.done $0x0  }
0x81: {  	[sflag:s21] =	ssyncadd.s32 $0xFFFFE000  }
0x82: {  	_ =	swait.ge [sflag:s21], $0x2000  }
0x83: {  	[sflag:s21] =	ssyncset.done $0x0  }
0x84: {  	[sflag:s21] =	ssyncadd.s32 $0xFFFFE000  }
0x85: {  	_ =	swait.ge [sflag:s21], $0x2000  }
0x86: {  	[sflag:s21] =	ssyncset.done $0x0  }
0x87: {  	[sflag:s21] =	ssyncadd.s32 $0xFFFFE000  }
0x88: {  	_ =	swait.ge [sflag:s21], $0x2000  }
0x89: {  	[sflag:s21] =	ssyncset.done $0x0  }
0x8a: {  	[sflag:s21] =	ssyncadd.s32 $0xFFFFE000  }
0x8b: {  	_ =	swait.ge [sflag:s21], $0x2000  }
0x8c: {  	[sflag:s21] =	ssyncset.done $0x0  }
0x8d: {  	[sflag:s21] =	ssyncadd.s32 $0xFFFFE000  }
0x8e: {  	_ =	swait.ge [sflag:s21], $0x2000  }
0x8f: {  	[sflag:s21] =	ssyncset.done $0x0  }
0x90: {  	[sflag:s21] =	ssyncadd.s32 $0xFFFFE000  }
0x91: {  	_ =	swait.ge [sflag:s21], $0x2000  }
0x92: {  	[sflag:s21] =	ssyncset.done $0x0  }
0x93: {  	[sflag:s21] =	ssyncadd.s32 $0xFFFFE000  }
0x94: {  	_ =	swait.ge [sflag:s21], $0x2000  }
0x95: {  	s29 =	smov.u32 s25;
	s31 =	rddreg [dreg:$0x3];
	[sflag:s21] =	ssyncset.done $0x0  }
0x96: {  	[sflag:s21] =	ssyncadd.s32 $0xFFFFE000;
	s29 =	sadd.s32 s29, s31  }
0x97: {  	[hbm4b:s29+s22] =	stream.strided.scatter [tilespmem:s10], [sflag:$0x2], $0x2000, s9, s22, $0x38;
	[tilespmem:$0x10400] =	vst v63  }
0x98: {  	s30 =	sadd.s32 $0x800, s29  }
0x99: {  	[hbm4b:s30+s22] =	stream.strided.scatter [tilespmem:s11], [sflag:$0x2], $0x2000, s9, s22, $0x38;
	[tilespmem:$0x10400] =	vst v63  }
0x9a: {  	s31 =	sadd.s32 $0x1000, s29  }
0x9b: {  	[hbm4b:s31+s22] =	stream.strided.scatter [tilespmem:s12], [sflag:$0x2], $0x2000, s9, s22, $0x38;
	[tilespmem:$0x10400] =	vst v63  }
0x9c: {  	s31 =	sadd.s32 $0x1800, s29  }
0x9d: {  	[hbm4b:s31+s22] =	stream.strided.scatter [tilespmem:s13], [sflag:$0x2], $0x2000, s9, s22, $0x38;
	[tilespmem:$0x10400] =	vst v63  }
0x9e: {  	s31 =	sadd.s32 $0x8, s29  }
0x9f: {  	[hbm4b:s31+s22] =	stream.strided.scatter [tilespmem:s14], [sflag:$0x2], $0x2000, s9, s22, $0x38;
	[tilespmem:$0x10400] =	vst v63  }
0xa0: {  	s31 =	sadd.s32 $0x808, s29  }
0xa1: {  	[hbm4b:s31+s22] =	stream.strided.scatter [tilespmem:s16], [sflag:$0x2], $0x2000, s9, s22, $0x38;
	[tilespmem:$0x10400] =	vst v63  }
0xa2: {  	s31 =	sadd.s32 $0x1008, s29  }
0xa3: {  	[hbm4b:s31+s22] =	stream.strided.scatter [tilespmem:s18], [sflag:$0x2], $0x2000, s9, s22, $0x38;
	[tilespmem:$0x10400] =	vst v63  }
0xa4: {  	s29 =	sadd.s32 $0x1808, s29  }
0xa5: {  	[hbm4b:s29+s22] =	stream.strided.scatter [tilespmem:s20], [sflag:$0x2], $0x2000, s9, s22, $0x38;
	[tilespmem:$0x10400] =	vst v63  }
0xa6: {  	_ =	swait.ge [sflag:s23], $0x2000  }
0xa7: {  	[sflag:s23] =	ssyncset.done $0x0  }
0xa8: {  	[sflag:s23] =	ssyncadd.s32 $0xFFFFE000  }
0xa9: {  	_ =	swait.ge [sflag:s23], $0x2000  }
0xaa: {  	[sflag:s23] =	ssyncset.done $0x0  }
0xab: {  	[sflag:s23] =	ssyncadd.s32 $0xFFFFE000  }
0xac: {  	_ =	swait.ge [sflag:s23], $0x2000  }
0xad: {  	[sflag:s23] =	ssyncset.done $0x0  }
0xae: {  	[sflag:s23] =	ssyncadd.s32 $0xFFFFE000  }
0xaf: {  	_ =	swait.ge [sflag:s23], $0x2000  }
0xb0: {  	[sflag:s23] =	ssyncset.done $0x0  }
0xb1: {  	[sflag:s23] =	ssyncadd.s32 $0xFFFFE000  }
0xb2: {  	_ =	swait.ge [sflag:s23], $0x2000  }
0xb3: {  	[sflag:s23] =	ssyncset.done $0x0  }
0xb4: {  	[sflag:s23] =	ssyncadd.s32 $0xFFFFE000  }
0xb5: {  	_ =	swait.ge [sflag:s23], $0x2000  }
0xb6: {  	[sflag:s23] =	ssyncset.done $0x0  }
0xb7: {  	p0 =	sne.s32 s25, $0x60000;
	[sflag:s23] =	ssyncadd.s32 $0xFFFFE000  }
.Ltmp0:
0xb8: {  	_ =	swait.ge [sflag:s23], $0x2000;
	(pc) =	sbr.rel @p0 .LBB2_2-.Ltmp0, $4  }
0xb9: {  	[sflag:s23] =	ssyncset.done $0x0  }
0xba: {  	[sflag:s23] =	ssyncadd.s32 $0xFFFFE000  }
0xbb: {  	_ =	swait.ge [sflag:s23], $0x2000  }
0xbc: {  	s25 =	sadd.s32 $0x2000, s25;
	[sflag:s23] =	ssyncset.done $0x0  }
0xbd: {  	s24 =	sadd.s32 $0x1, s24  }
0xbe: {  	p0 =	sne.s32 s24, s4  }
.Ltmp1:
0xbf: {  	_ = 	snop;
	(pc) =	sbr.rel @p0 .LBB2_1-.Ltmp1, $2  }
0xc0: {  	_ =	sdelay $0x2  }
0xc1: {  	[sflag:s23] =	ssyncadd.s32 $0xFFFFE000  }
0xc2: {  	_ =	sfence.sel $0x180000  }
0xc3: {  	[bflag:$0x0] =	sbarrier.arrive $0xFFFF  }
0xc4: {  	p0 =	sne.s32 s0, $0x0;
	_ =	strace $0x9000004A  }
0xc5: {  	s0 =	sadd.s32 @!p0 $0x100000, s1;
	[bflag:$0x2] =	sbarrier.arrive $0xFFFF  }
0xc6: {  	[sflag:s0] =	ssyncadd.tile.s32 @!p0 $0x1;
	_ =	shalt  }
.Lfunc_end2:
_tile_overlayer_lowered:
.L_overlay_start_2:
0xc7: {  	(tag) =	ssettag $0x2  }
0xc8: {  	s0 =	rddreg [dreg:$0x0];
	s2 =	stileid.u32  }
0xc9: {  	s1 =	rddreg [dreg:$0x1];
	p0 =	sne.s32 s2, $0x0  }
0xca: {  	s3 =	rddreg [dreg:$0x2];
	[bflag:$0x3] =	sbarrier.arrive $0xFFFF;
	s2 =	simm.s32 @!p0 $0x1C03  }
0xcb: {  	[timem:s3], [sflag:s2] =	dma.local @!p0 [hbm:s0], s1  }
0xcc: {  	s0 =	simm.s32 @!p0 $0x3  }
0xcd: {  	_ =	swait.ge @!p0 [sflag:s0], s1  }
0xce: {  	s1 =	ssub.s32 @!p0 $0x0, s1;
	[sflag:s0] =	ssyncset.done @!p0 $0x0  }
0xcf: {  	[sflag:s0] =	ssyncadd.s32 @!p0 s1  }
0xd0: {  	[bflag:$0x3] =	sbarrier.arrive $0xFFFF  }
0xd1: {  	_ =	shalt  }

</sc_bundles>
